<compile_context>
chip_gen: v7x
topology: tpu7x:2x2x1
jax: 0.10.2.dev20260603
libtpu: 0.0.44.dev20260713+nightly
codegen_flags: <defaults>
</compile_context>

<pallas_src>
import functools

import jax
import jax.numpy as jnp
from jax import lax
from jax.experimental import pallas as pl
from jax.experimental.pallas import tpu as pltpu
from jax.experimental.pallas import tpu_sc as plsc

NUM_ROWS = 1000000
DIM = 64
BATCH = 4096
SEQ = 50

_info = plsc.get_sparse_core_info()
NC, NS, NL = _info.num_cores, _info.num_subcores, _info.num_lanes
NW = NC * NS

CHUNK = 128
GROUPS = CHUNK // NL

_mesh = plsc.VectorSubcoreMesh(core_axis_name="c", subcore_axis_name="s")


@functools.partial(
    pl.kernel,
    out_type=jax.ShapeDtypeStruct((SEQ, DIM, BATCH), jnp.float32),
    mesh=_mesh,
    scratch_types=[
        pltpu.VMEM((SEQ, CHUNK), jnp.int32),
        pltpu.VMEM((2, CHUNK), jnp.int32),
        pltpu.VMEM((2, CHUNK), jnp.int32),
        pltpu.VMEM((2, CHUNK, CHUNK), jnp.float32),
        pltpu.VMEM((2, DIM, CHUNK), jnp.float32),
        pltpu.SemaphoreType.DMA((2,)),
        pltpu.SemaphoreType.DMA((2,)),
    ],
    compiler_params=pltpu.CompilerParams(needs_layout_passes=False),
)
def _emb_kernel(idx_hbm, table_hbm, out_hbm, idx_v, pair_v, colb_v, bufs, slabs,
                gsem, wsem):
    wid = lax.axis_index("s") * NC + lax.axis_index("c")
    b0 = wid * CHUNK
    pltpu.sync_copy(idx_hbm.at[:, pl.ds(b0, CHUNK)], idx_v)

    def prep(s, slot):
        for g in range(GROUPS):
            raw = idx_v[s, pl.ds(g * NL, NL)]
            pair_v[slot, pl.ds(g * NL, NL)] = lax.shift_right_logical(raw, 1)
            colb_v[slot, pl.ds(g * NL, NL)] = (raw & 1) * DIM

    def start_gather(slot):
        pltpu.async_copy(table_hbm.at[pair_v.at[slot]], bufs.at[slot],
                         gsem.at[slot])

    def wait_gather(slot):
        pltpu.make_async_copy(table_hbm.at[pair_v.at[slot]], bufs.at[slot],
                              gsem.at[slot]).wait()

    def start_write(s, slot):
        pltpu.async_copy(slabs.at[slot],
                         out_hbm.at[s, :, pl.ds(b0, CHUNK)], wsem.at[slot])

    def wait_write(s, slot):
        pltpu.make_async_copy(slabs.at[slot],
                              out_hbm.at[s, :, pl.ds(b0, CHUNK)],
                              wsem.at[slot]).wait()

    def transpose_select(slot):
        iota = jax.lax.broadcasted_iota(jnp.int32, (NL,), 0)
        rows_l = [iota + g * NL for g in range(GROUPS)]
        colb_l = [colb_v[slot, pl.ds(g * NL, NL)] for g in range(GROUPS)]

        @pl.loop(0, DIM, unroll=8)
        def _c(c):
            cperm = (iota + c) & (DIM - 1)
            for g in range(GROUPS):
                vals = plsc.load_gather(
                    bufs.at[slot], [rows_l[g], colb_l[g] + cperm]
                )
                plsc.store_scatter(
                    slabs.at[slot], [cperm, rows_l[g]], vals
                )

    prep(0, 0)
    start_gather(0)

    @pl.loop(0, SEQ, step=2)
    def _grp(s0):
        for inner in range(2):
            s = s0 + inner
            slot = inner
            nxt = 1 - inner

            @pl.when(s + 1 < SEQ)
            def _():
                prep(s + 1, nxt)
                start_gather(nxt)

            wait_gather(slot)

            @pl.when(s >= 2)
            def _():
                wait_write(s - 2, slot)

            transpose_select(slot)
            start_write(s, slot)

    wait_write(SEQ - 2, 0)
    wait_write(SEQ - 1, 1)


_RELAY_COLS = 1024
_RELAY_GRID = -(-NUM_ROWS // _RELAY_COLS)


def _relayout_body(wt_ref, out_ref):
    t = wt_ref[...].T
    t3 = t.reshape(_RELAY_COLS // 2, 2, DIM)
    out_ref[:, 0:DIM] = t3[:, 0, :]
    out_ref[:, DIM : 2 * DIM] = t3[:, 1, :]


def _pack_table(wt):
    return pl.pallas_call(
        _relayout_body,
        grid=(_RELAY_GRID,),
        in_specs=[pl.BlockSpec((DIM, _RELAY_COLS), lambda g: (0, g))],
        out_specs=pl.BlockSpec((_RELAY_COLS // 2, 2 * DIM), lambda g: (g, 0)),
        out_shape=jax.ShapeDtypeStruct((NUM_ROWS // 2, 2 * DIM), jnp.float32),
    )(wt)


def kernel(input, weight):
    idx_t = input.T
    table = _pack_table(weight.T)
    out = _emb_kernel(idx_t, table)
    return out.transpose(2, 0, 1)

# --- scband reference (transcript-rebuilt; emitter-appended) ---
"""Pipeline reference for scband-embedding-32195074851535 (READ-ONLY COPY).

The authoritative reference and input builder live on the scoring server;
editing this copy changes nothing except your own understanding.
"""

import jax, jax.numpy as jnp
import numpy as np
import math

NUM_EMBEDDINGS = 1000000
EMBEDDING_DIM = 64

def setup_inputs(seed: int = 0) -> dict:
    key = jax.random.key(seed)
    k_idx, k_w = jax.random.split(key)
    input = jax.random.randint(k_idx, (4096, 50), 0, NUM_EMBEDDINGS, dtype=jnp.int64 if jax.config.jax_enable_x64 else jnp.int32)
    weight = jax.random.normal(k_w, (NUM_EMBEDDINGS, EMBEDDING_DIM), dtype=jnp.float32) * (1.0 / math.sqrt(EMBEDDING_DIM))
    return {"input": input, "weight": weight}

def reference(input, weight):
    # Faithful translation of the custom embedding forward:
    # padding_idx=None, max_norm=None, so it's a plain gather.
    output = jnp.take(weight, input, axis=0)
    return output

if __name__ == "__main__":
    import jax
    _d = setup_inputs()
    print(jax.jit(kernel)(*tuple(_d.values())))

</pallas_src>

<mosaic_0001>
#map = affine_map<(d0, d1) -> (0, 0)>
#map1 = affine_map<(d0, d1) -> (0, 0, 0)>
module attributes {stable_mosaic.version = 14 : i64} {
  func.func @_emb_kernel(%arg0: i32, %arg1: i32, %arg2: memref<50x4096xi32, #tpu.memory_space<hbm>>, %arg3: memref<500000x128xf32, #tpu.memory_space<hbm>>, %arg4: memref<50x64x4096xf32, #tpu.memory_space<hbm>>, %arg5: memref<50x128xi32, #tpu.memory_space<vmem>>, %arg6: memref<2x128xi32, #tpu.memory_space<vmem>>, %arg7: memref<2x128xi32, #tpu.memory_space<vmem>>, %arg8: memref<2x128x128xf32, #tpu.memory_space<vmem>>, %arg9: memref<2x64x128xf32, #tpu.memory_space<vmem>>, %arg10: memref<2x!tpu.dma_semaphore, #tpu.memory_space<semaphore_mem>>, %arg11: memref<2x!tpu.dma_semaphore, #tpu.memory_space<semaphore_mem>>) attributes {dimension_semantics = [#tpu.dimension_semantics<core_parallel>, #tpu.dimension_semantics<subcore_parallel>], iteration_bounds = array<i64: 2, 16>, scalar_prefetch = 0 : i64, scratch_operands = 7 : i64, tpu.core_type = #tpu.core_type<sc_vector_subcore>, window_params = [{transform_indices = #map}, {transform_indices = #map}, {transform_indices = #map1}]} {
    %mul3A = arith.constant 2 : i32
    %mul3A_0 = arith.muli %arg1, %mul3A : i32
    %add3A = arith.addi %mul3A_0, %arg0 : i32
    %mul3A_1 = arith.constant 128 : i32
    %mul3A_2 = arith.muli %add3A, %mul3A_1 : i32
    "tpu.region"() ({
      %run_scoped3A = tpu.sem_alloc : memref<!tpu.dma_semaphore, #tpu.memory_space<semaphore_mem>>
      %dma_start3A_222 = arith.constant 0 : i32
      %dma_start3A_223 = tpu.memref_slice %arg2[%dma_start3A_222, %mul3A_2] : memref<50x4096xi32, #tpu.memory_space<hbm>> -> memref<50x128xi32, #tpu.memory_space<hbm>>
      %dma_start3A_224 = arith.constant 0 : i32
      %dma_start3A_225 = tpu.memref_slice %arg2[%dma_start3A_224, %mul3A_2] : memref<50x4096xi32, #tpu.memory_space<hbm>> -> memref<50x128xi32, #tpu.memory_space<hbm>>
      tpu.enqueue_dma source(%dma_start3A_225 : memref<50x128xi32, #tpu.memory_space<hbm>>) target(%arg5 : memref<50x128xi32, #tpu.memory_space<vmem>>) target_semaphore(%run_scoped3A : memref<!tpu.dma_semaphore, #tpu.memory_space<semaphore_mem>>)
      %dma_wait3A_226 = arith.constant 0 : i32
      %dma_wait3A_227 = tpu.memref_slice %arg2[%dma_wait3A_226, %mul3A_2] : memref<50x4096xi32, #tpu.memory_space<hbm>> -> memref<50x128xi32, #tpu.memory_space<hbm>>
      %dma_wait3A_228 = arith.constant 0 : i32
      %dma_wait3A_229 = tpu.memref_slice %arg2[%dma_wait3A_228, %mul3A_2] : memref<50x4096xi32, #tpu.memory_space<hbm>> -> memref<50x128xi32, #tpu.memory_space<hbm>>
      tpu.wait_dma2 semaphore(%run_scoped3A : memref<!tpu.dma_semaphore, #tpu.memory_space<semaphore_mem>>) src(%dma_wait3A_229 : memref<50x128xi32, #tpu.memory_space<hbm>>) dst(%arg5 : memref<50x128xi32, #tpu.memory_space<vmem>>)
      tpu.yield
    }) : () -> ()
    %get3A = arith.constant 0 : i32
    %get3A_3 = arith.index_cast %get3A : i32 to index
    %get3A_4 = arith.constant 0 : index
    %get3A_5 = tpu.vector_load %arg5[%get3A_3, %get3A_4] {strides = array<i32>} : memref<50x128xi32, #tpu.memory_space<vmem>>, vector<16xi32>,
    %shift_right_logical3A = arith.constant 1 : i32
    %shift_right_logical3A_6 = vector.broadcast %shift_right_logical3A : i32 to vector<16xi32>
    %shift_right_logical3A_7 = arith.shrui %get3A_5, %shift_right_logical3A_6 : vector<16xi32>
    %swap3A = arith.constant 0 : i32
    %swap3A_8 = arith.index_cast %swap3A : i32 to index
    %swap3A_9 = arith.constant 0 : index
    %swap3A_10 = tpu.vector_load %arg6[%swap3A_8, %swap3A_9] {strides = array<i32>} : memref<2x128xi32, #tpu.memory_space<vmem>>, vector<16xi32>,
    tpu.vector_store %arg6[%swap3A_8, %swap3A_9], %shift_right_logical3A_7 {strides = array<i32>} : memref<2x128xi32, #tpu.memory_space<vmem>>, vector<16xi32>,
    %and3A = arith.constant 1 : i32
    %and3A_11 = vector.broadcast %and3A : i32 to vector<16xi32>
    %and3A_12 = arith.andi %get3A_5, %and3A_11 : vector<16xi32>
    %mul3A_13 = arith.constant 64 : i32
    %mul3A_14 = vector.broadcast %mul3A_13 : i32 to vector<16xi32>
    %mul3A_15 = arith.muli %and3A_12, %mul3A_14 : vector<16xi32>
    %swap3A_16 = arith.constant 0 : i32
    %swap3A_17 = arith.index_cast %swap3A_16 : i32 to index
    %swap3A_18 = arith.constant 0 : index
    %swap3A_19 = tpu.vector_load %arg7[%swap3A_17, %swap3A_18] {strides = array<i32>} : memref<2x128xi32, #tpu.memory_space<vmem>>, vector<16xi32>,
    tpu.vector_store %arg7[%swap3A_17, %swap3A_18], %mul3A_15 {strides = array<i32>} : memref<2x128xi32, #tpu.memory_space<vmem>>, vector<16xi32>,
    %get3A_20 = arith.constant 0 : i32
    %get3A_21 = arith.index_cast %get3A_20 : i32 to index
    %get3A_22 = arith.constant 16 : index
    %get3A_23 = tpu.vector_load %arg5[%get3A_21, %get3A_22] {strides = array<i32>} : memref<50x128xi32, #tpu.memory_space<vmem>>, vector<16xi32>,
    %shift_right_logical3A_24 = arith.constant 1 : i32
    %shift_right_logical3A_25 = vector.broadcast %shift_right_logical3A_24 : i32 to vector<16xi32>
    %shift_right_logical3A_26 = arith.shrui %get3A_23, %shift_right_logical3A_25 : vector<16xi32>
    %swap3A_27 = arith.constant 0 : i32
    %swap3A_28 = arith.index_cast %swap3A_27 : i32 to index
    %swap3A_29 = arith.constant 16 : index
    %swap3A_30 = tpu.vector_load %arg6[%swap3A_28, %swap3A_29] {strides = array<i32>} : memref<2x128xi32, #tpu.memory_space<vmem>>, vector<16xi32>,
    tpu.vector_store %arg6[%swap3A_28, %swap3A_29], %shift_right_logical3A_26 {strides = array<i32>} : memref<2x128xi32, #tpu.memory_space<vmem>>, vector<16xi32>,
    %and3A_31 = arith.constant 1 : i32
    %and3A_32 = vector.broadcast %and3A_31 : i32 to vector<16xi32>
    %and3A_33 = arith.andi %get3A_23, %and3A_32 : vector<16xi32>
    %mul3A_34 = arith.constant 64 : i32
    %mul3A_35 = vector.broadcast %mul3A_34 : i32 to vector<16xi32>
    %mul3A_36 = arith.muli %and3A_33, %mul3A_35 : vector<16xi32>
    %swap3A_37 = arith.constant 0 : i32
    %swap3A_38 = arith.index_cast %swap3A_37 : i32 to index
    %swap3A_39 = arith.constant 16 : index
    %swap3A_40 = tpu.vector_load %arg7[%swap3A_38, %swap3A_39] {strides = array<i32>} : memref<2x128xi32, #tpu.memory_space<vmem>>, vector<16xi32>,
    tpu.vector_store %arg7[%swap3A_38, %swap3A_39], %mul3A_36 {strides = array<i32>} : memref<2x128xi32, #tpu.memory_space<vmem>>, vector<16xi32>,
    %get3A_41 = arith.constant 0 : i32
    %get3A_42 = arith.index_cast %get3A_41 : i32 to index
    %get3A_43 = arith.constant 32 : index
    %get3A_44 = tpu.vector_load %arg5[%get3A_42, %get3A_43] {strides = array<i32>} : memref<50x128xi32, #tpu.memory_space<vmem>>, vector<16xi32>,
    %shift_right_logical3A_45 = arith.constant 1 : i32
    %shift_right_logical3A_46 = vector.broadcast %shift_right_logical3A_45 : i32 to vector<16xi32>
    %shift_right_logical3A_47 = arith.shrui %get3A_44, %shift_right_logical3A_46 : vector<16xi32>
    %swap3A_48 = arith.constant 0 : i32
    %swap3A_49 = arith.index_cast %swap3A_48 : i32 to index
    %swap3A_50 = arith.constant 32 : index
    %swap3A_51 = tpu.vector_load %arg6[%swap3A_49, %swap3A_50] {strides = array<i32>} : memref<2x128xi32, #tpu.memory_space<vmem>>, vector<16xi32>,
    tpu.vector_store %arg6[%swap3A_49, %swap3A_50], %shift_right_logical3A_47 {strides = array<i32>} : memref<2x128xi32, #tpu.memory_space<vmem>>, vector<16xi32>,
    %and3A_52 = arith.constant 1 : i32
    %and3A_53 = vector.broadcast %and3A_52 : i32 to vector<16xi32>
    %and3A_54 = arith.andi %get3A_44, %and3A_53 : vector<16xi32>
    %mul3A_55 = arith.constant 64 : i32
    %mul3A_56 = vector.broadcast %mul3A_55 : i32 to vector<16xi32>
    %mul3A_57 = arith.muli %and3A_54, %mul3A_56 : vector<16xi32>
    %swap3A_58 = arith.constant 0 : i32
    %swap3A_59 = arith.index_cast %swap3A_58 : i32 to index
    %swap3A_60 = arith.constant 32 : index
    %swap3A_61 = tpu.vector_load %arg7[%swap3A_59, %swap3A_60] {strides = array<i32>} : memref<2x128xi32, #tpu.memory_space<vmem>>, vector<16xi32>,
    tpu.vector_store %arg7[%swap3A_59, %swap3A_60], %mul3A_57 {strides = array<i32>} : memref<2x128xi32, #tpu.memory_space<vmem>>, vector<16xi32>,
    %get3A_62 = arith.constant 0 : i32
    %get3A_63 = arith.index_cast %get3A_62 : i32 to index
    %get3A_64 = arith.constant 48 : index
    %get3A_65 = tpu.vector_load %arg5[%get3A_63, %get3A_64] {strides = array<i32>} : memref<50x128xi32, #tpu.memory_space<vmem>>, vector<16xi32>,
    %shift_right_logical3A_66 = arith.constant 1 : i32
    %shift_right_logical3A_67 = vector.broadcast %shift_right_logical3A_66 : i32 to vector<16xi32>
    %shift_right_logical3A_68 = arith.shrui %get3A_65, %shift_right_logical3A_67 : vector<16xi32>
    %swap3A_69 = arith.constant 0 : i32
    %swap3A_70 = arith.index_cast %swap3A_69 : i32 to index
    %swap3A_71 = arith.constant 48 : index
    %swap3A_72 = tpu.vector_load %arg6[%swap3A_70, %swap3A_71] {strides = array<i32>} : memref<2x128xi32, #tpu.memory_space<vmem>>, vector<16xi32>,
    tpu.vector_store %arg6[%swap3A_70, %swap3A_71], %shift_right_logical3A_68 {strides = array<i32>} : memref<2x128xi32, #tpu.memory_space<vmem>>, vector<16xi32>,
    %and3A_73 = arith.constant 1 : i32
    %and3A_74 = vector.broadcast %and3A_73 : i32 to vector<16xi32>
    %and3A_75 = arith.andi %get3A_65, %and3A_74 : vector<16xi32>
    %mul3A_76 = arith.constant 64 : i32
    %mul3A_77 = vector.broadcast %mul3A_76 : i32 to vector<16xi32>
    %mul3A_78 = arith.muli %and3A_75, %mul3A_77 : vector<16xi32>
    %swap3A_79 = arith.constant 0 : i32
    %swap3A_80 = arith.index_cast %swap3A_79 : i32 to index
    %swap3A_81 = arith.constant 48 : index
    %swap3A_82 = tpu.vector_load %arg7[%swap3A_80, %swap3A_81] {strides = array<i32>} : memref<2x128xi32, #tpu.memory_space<vmem>>, vector<16xi32>,
    tpu.vector_store %arg7[%swap3A_80, %swap3A_81], %mul3A_78 {strides = array<i32>} : memref<2x128xi32, #tpu.memory_space<vmem>>, vector<16xi32>,
    %get3A_83 = arith.constant 0 : i32
    %get3A_84 = arith.index_cast %get3A_83 : i32 to index
    %get3A_85 = arith.constant 64 : index
    %get3A_86 = tpu.vector_load %arg5[%get3A_84, %get3A_85] {strides = array<i32>} : memref<50x128xi32, #tpu.memory_space<vmem>>, vector<16xi32>,
    %shift_right_logical3A_87 = arith.constant 1 : i32
    %shift_right_logical3A_88 = vector.broadcast %shift_right_logical3A_87 : i32 to vector<16xi32>
    %shift_right_logical3A_89 = arith.shrui %get3A_86, %shift_right_logical3A_88 : vector<16xi32>
    %swap3A_90 = arith.constant 0 : i32
    %swap3A_91 = arith.index_cast %swap3A_90 : i32 to index
    %swap3A_92 = arith.constant 64 : index
    %swap3A_93 = tpu.vector_load %arg6[%swap3A_91, %swap3A_92] {strides = array<i32>} : memref<2x128xi32, #tpu.memory_space<vmem>>, vector<16xi32>,
    tpu.vector_store %arg6[%swap3A_91, %swap3A_92], %shift_right_logical3A_89 {strides = array<i32>} : memref<2x128xi32, #tpu.memory_space<vmem>>, vector<16xi32>,
    %and3A_94 = arith.constant 1 : i32
    %and3A_95 = vector.broadcast %and3A_94 : i32 to vector<16xi32>
    %and3A_96 = arith.andi %get3A_86, %and3A_95 : vector<16xi32>
    %mul3A_97 = arith.constant 64 : i32
    %mul3A_98 = vector.broadcast %mul3A_97 : i32 to vector<16xi32>
    %mul3A_99 = arith.muli %and3A_96, %mul3A_98 : vector<16xi32>
    %swap3A_100 = arith.constant 0 : i32
    %swap3A_101 = arith.index_cast %swap3A_100 : i32 to index
    %swap3A_102 = arith.constant 64 : index
    %swap3A_103 = tpu.vector_load %arg7[%swap3A_101, %swap3A_102] {strides = array<i32>} : memref<2x128xi32, #tpu.memory_space<vmem>>, vector<16xi32>,
    tpu.vector_store %arg7[%swap3A_101, %swap3A_102], %mul3A_99 {strides = array<i32>} : memref<2x128xi32, #tpu.memory_space<vmem>>, vector<16xi32>,
    %get3A_104 = arith.constant 0 : i32
    %get3A_105 = arith.index_cast %get3A_104 : i32 to index
    %get3A_106 = arith.constant 80 : index
    %get3A_107 = tpu.vector_load %arg5[%get3A_105, %get3A_106] {strides = array<i32>} : memref<50x128xi32, #tpu.memory_space<vmem>>, vector<16xi32>,
    %shift_right_logical3A_108 = arith.constant 1 : i32
    %shift_right_logical3A_109 = vector.broadcast %shift_right_logical3A_108 : i32 to vector<16xi32>
    %shift_right_logical3A_110 = arith.shrui %get3A_107, %shift_right_logical3A_109 : vector<16xi32>
    %swap3A_111 = arith.constant 0 : i32
    %swap3A_112 = arith.index_cast %swap3A_111 : i32 to index
    %swap3A_113 = arith.constant 80 : index
    %swap3A_114 = tpu.vector_load %arg6[%swap3A_112, %swap3A_113] {strides = array<i32>} : memref<2x128xi32, #tpu.memory_space<vmem>>, vector<16xi32>,
    tpu.vector_store %arg6[%swap3A_112, %swap3A_113], %shift_right_logical3A_110 {strides = array<i32>} : memref<2x128xi32, #tpu.memory_space<vmem>>, vector<16xi32>,
    %and3A_115 = arith.constant 1 : i32
    %and3A_116 = vector.broadcast %and3A_115 : i32 to vector<16xi32>
    %and3A_117 = arith.andi %get3A_107, %and3A_116 : vector<16xi32>
    %mul3A_118 = arith.constant 64 : i32
    %mul3A_119 = vector.broadcast %mul3A_118 : i32 to vector<16xi32>
    %mul3A_120 = arith.muli %and3A_117, %mul3A_119 : vector<16xi32>
    %swap3A_121 = arith.constant 0 : i32
    %swap3A_122 = arith.index_cast %swap3A_121 : i32 to index
    %swap3A_123 = arith.constant 80 : index
    %swap3A_124 = tpu.vector_load %arg7[%swap3A_122, %swap3A_123] {strides = array<i32>} : memref<2x128xi32, #tpu.memory_space<vmem>>, vector<16xi32>,
    tpu.vector_store %arg7[%swap3A_122, %swap3A_123], %mul3A_120 {strides = array<i32>} : memref<2x128xi32, #tpu.memory_space<vmem>>, vector<16xi32>,
    %get3A_125 = arith.constant 0 : i32
    %get3A_126 = arith.index_cast %get3A_125 : i32 to index
    %get3A_127 = arith.constant 96 : index
    %get3A_128 = tpu.vector_load %arg5[%get3A_126, %get3A_127] {strides = array<i32>} : memref<50x128xi32, #tpu.memory_space<vmem>>, vector<16xi32>,
    %shift_right_logical3A_129 = arith.constant 1 : i32
    %shift_right_logical3A_130 = vector.broadcast %shift_right_logical3A_129 : i32 to vector<16xi32>
    %shift_right_logical3A_131 = arith.shrui %get3A_128, %shift_right_logical3A_130 : vector<16xi32>
    %swap3A_132 = arith.constant 0 : i32
    %swap3A_133 = arith.index_cast %swap3A_132 : i32 to index
    %swap3A_134 = arith.constant 96 : index
    %swap3A_135 = tpu.vector_load %arg6[%swap3A_133, %swap3A_134] {strides = array<i32>} : memref<2x128xi32, #tpu.memory_space<vmem>>, vector<16xi32>,
    tpu.vector_store %arg6[%swap3A_133, %swap3A_134], %shift_right_logical3A_131 {strides = array<i32>} : memref<2x128xi32, #tpu.memory_space<vmem>>, vector<16xi32>,
    %and3A_136 = arith.constant 1 : i32
    %and3A_137 = vector.broadcast %and3A_136 : i32 to vector<16xi32>
    %and3A_138 = arith.andi %get3A_128, %and3A_137 : vector<16xi32>
    %mul3A_139 = arith.constant 64 : i32
    %mul3A_140 = vector.broadcast %mul3A_139 : i32 to vector<16xi32>
    %mul3A_141 = arith.muli %and3A_138, %mul3A_140 : vector<16xi32>
    %swap3A_142 = arith.constant 0 : i32
    %swap3A_143 = arith.index_cast %swap3A_142 : i32 to index
    %swap3A_144 = arith.constant 96 : index
    %swap3A_145 = tpu.vector_load %arg7[%swap3A_143, %swap3A_144] {strides = array<i32>} : memref<2x128xi32, #tpu.memory_space<vmem>>, vector<16xi32>,
    tpu.vector_store %arg7[%swap3A_143, %swap3A_144], %mul3A_141 {strides = array<i32>} : memref<2x128xi32, #tpu.memory_space<vmem>>, vector<16xi32>,
    %get3A_146 = arith.constant 0 : i32
    %get3A_147 = arith.index_cast %get3A_146 : i32 to index
    %get3A_148 = arith.constant 112 : index
    %get3A_149 = tpu.vector_load %arg5[%get3A_147, %get3A_148] {strides = array<i32>} : memref<50x128xi32, #tpu.memory_space<vmem>>, vector<16xi32>,
    %shift_right_logical3A_150 = arith.constant 1 : i32
    %shift_right_logical3A_151 = vector.broadcast %shift_right_logical3A_150 : i32 to vector<16xi32>
    %shift_right_logical3A_152 = arith.shrui %get3A_149, %shift_right_logical3A_151 : vector<16xi32>
    %swap3A_153 = arith.constant 0 : i32
    %swap3A_154 = arith.index_cast %swap3A_153 : i32 to index
    %swap3A_155 = arith.constant 112 : index
    %swap3A_156 = tpu.vector_load %arg6[%swap3A_154, %swap3A_155] {strides = array<i32>} : memref<2x128xi32, #tpu.memory_space<vmem>>, vector<16xi32>,
    tpu.vector_store %arg6[%swap3A_154, %swap3A_155], %shift_right_logical3A_152 {strides = array<i32>} : memref<2x128xi32, #tpu.memory_space<vmem>>, vector<16xi32>,
    %and3A_157 = arith.constant 1 : i32
    %and3A_158 = vector.broadcast %and3A_157 : i32 to vector<16xi32>
    %and3A_159 = arith.andi %get3A_149, %and3A_158 : vector<16xi32>
    %mul3A_160 = arith.constant 64 : i32
    %mul3A_161 = vector.broadcast %mul3A_160 : i32 to vector<16xi32>
    %mul3A_162 = arith.muli %and3A_159, %mul3A_161 : vector<16xi32>
    %swap3A_163 = arith.constant 0 : i32
    %swap3A_164 = arith.index_cast %swap3A_163 : i32 to index
    %swap3A_165 = arith.constant 112 : index
    %swap3A_166 = tpu.vector_load %arg7[%swap3A_164, %swap3A_165] {strides = array<i32>} : memref<2x128xi32, #tpu.memory_space<vmem>>, vector<16xi32>,
    tpu.vector_store %arg7[%swap3A_164, %swap3A_165], %mul3A_162 {strides = array<i32>} : memref<2x128xi32, #tpu.memory_space<vmem>>, vector<16xi32>,
    %dma_start3A = arith.constant 0 : i32
    %dma_start3A_167 = arith.constant 0 : i32
    %dma_start3A_168 = arith.constant 0 : i32
    %dma_start3A_169 = arith.constant 0 : i32
    %dma_start3A_170 = arith.constant 0 : i32
    %dma_start3A_171 = tpu.memref_slice %arg8[%dma_start3A_167, %dma_start3A_169, %dma_start3A_170] : memref<2x128x128xf32, #tpu.memory_space<vmem>> -> memref<1x128x128xf32, #tpu.memory_space<vmem>>
    %dma_start3A_172 = tpu.memref_squeeze %dma_start3A_171 : memref<1x128x128xf32, #tpu.memory_space<vmem>> -> memref<128x128xf32, #tpu.memory_space<vmem>>
    %dma_start3A_173 = arith.constant 0 : i32
    %dma_start3A_174 = tpu.memref_slice %arg6[%dma_start3A, %dma_start3A_173] : memref<2x128xi32, #tpu.memory_space<vmem>> -> memref<1x128xi32, #tpu.memory_space<vmem>>
    %dma_start3A_175 = tpu.memref_squeeze %dma_start3A_174 : memref<1x128xi32, #tpu.memory_space<vmem>> -> memref<128xi32, #tpu.memory_space<vmem>>
    %dma_start3A_176 = arith.constant 0 : i32
    %dma_start3A_177 = arith.constant 0 : i32
    %dma_start3A_178 = tpu.memref_slice %arg3[%dma_start3A_176, %dma_start3A_177] : memref<500000x128xf32, #tpu.memory_space<hbm>> -> memref<500000x128xf32, #tpu.memory_space<hbm>>
    %dma_start3A_179 = tpu.memref_slice %arg10[%dma_start3A_168] : memref<2x!tpu.dma_semaphore, #tpu.memory_space<semaphore_mem>> -> memref<1x!tpu.dma_semaphore, #tpu.memory_space<semaphore_mem>>
    %dma_start3A_180 = tpu.memref_squeeze %dma_start3A_179 : memref<1x!tpu.dma_semaphore, #tpu.memory_space<semaphore_mem>> -> memref<!tpu.dma_semaphore, #tpu.memory_space<semaphore_mem>>
    tpu.enqueue_indirect_dma source(%dma_start3A_178 : memref<500000x128xf32, #tpu.memory_space<hbm>>) target(%dma_start3A_172 : memref<128x128xf32, #tpu.memory_space<vmem>>) offsets(%dma_start3A_175 : memref<128xi32, #tpu.memory_space<vmem>>) semaphore(%dma_start3A_180 : memref<!tpu.dma_semaphore, #tpu.memory_space<semaphore_mem>>)
    %scan3A = arith.constant 0 : i32
    %scan3A_181 = arith.constant 25 : i32
    %scan3A_182 = arith.addi %scan3A, %scan3A_181 : i32
    %scan3A_183 = arith.constant 1 : i32
    scf.for %scan3A_222 = %scan3A to %scan3A_182 step %scan3A_183  : i32 {
      %mul3A_223 = arith.constant 2 : i32
      %mul3A_224 = arith.muli %scan3A_222, %mul3A_223 : i32
      %add3A_225 = arith.constant 0 : i32
      %add3A_226 = arith.addi %add3A_225, %mul3A_224 : i32
      %add3A_227 = arith.constant 0 : i32
      %add3A_228 = arith.addi %add3A_226, %add3A_227 : i32
      %add3A_229 = arith.constant 1 : i32
      %add3A_230 = arith.addi %add3A_228, %add3A_229 : i32
      %lt3A = arith.constant 50 : i32
      %lt3A_231 = arith.cmpi slt, %add3A_230, %lt3A : i32
      %convert_element_type3A = arith.extui %lt3A_231 : i1 to i32
      %cond3A = arith.constant 0 : i32
      %cond3A_232 = arith.cmpi ne, %convert_element_type3A, %cond3A : i32
      scf.if %cond3A_232 {
        %add3A_440 = arith.constant 1 : i32
        %add3A_441 = arith.addi %add3A_228, %add3A_440 : i32
        %get3A_442 = arith.index_cast %add3A_441 : i32 to index
        %get3A_443 = arith.constant 0 : index
        %get3A_444 = tpu.vector_load %arg5[%get3A_442, %get3A_443] {strides = array<i32>} : memref<50x128xi32, #tpu.memory_space<vmem>>, vector<16xi32>,
        %shift_right_logical3A_445 = arith.constant 1 : i32
        %shift_right_logical3A_446 = vector.broadcast %shift_right_logical3A_445 : i32 to vector<16xi32>
        %shift_right_logical3A_447 = arith.shrui %get3A_444, %shift_right_logical3A_446 : vector<16xi32>
        %swap3A_448 = arith.constant 1 : i32
        %swap3A_449 = arith.index_cast %swap3A_448 : i32 to index
        %swap3A_450 = arith.constant 0 : index
        %swap3A_451 = tpu.vector_load %arg6[%swap3A_449, %swap3A_450] {strides = array<i32>} : memref<2x128xi32, #tpu.memory_space<vmem>>, vector<16xi32>,
        tpu.vector_store %arg6[%swap3A_449, %swap3A_450], %shift_right_logical3A_447 {strides = array<i32>} : memref<2x128xi32, #tpu.memory_space<vmem>>, vector<16xi32>,
        %and3A_452 = arith.constant 1 : i32
        %and3A_453 = vector.broadcast %and3A_452 : i32 to vector<16xi32>
        %and3A_454 = arith.andi %get3A_444, %and3A_453 : vector<16xi32>
        %mul3A_455 = arith.constant 64 : i32
        %mul3A_456 = vector.broadcast %mul3A_455 : i32 to vector<16xi32>
        %mul3A_457 = arith.muli %and3A_454, %mul3A_456 : vector<16xi32>
        %swap3A_458 = arith.constant 1 : i32
        %swap3A_459 = arith.index_cast %swap3A_458 : i32 to index
        %swap3A_460 = arith.constant 0 : index
        %swap3A_461 = tpu.vector_load %arg7[%swap3A_459, %swap3A_460] {strides = array<i32>} : memref<2x128xi32, #tpu.memory_space<vmem>>, vector<16xi32>,
        tpu.vector_store %arg7[%swap3A_459, %swap3A_460], %mul3A_457 {strides = array<i32>} : memref<2x128xi32, #tpu.memory_space<vmem>>, vector<16xi32>,
        %get3A_462 = arith.index_cast %add3A_441 : i32 to index
        %get3A_463 = arith.constant 16 : index
        %get3A_464 = tpu.vector_load %arg5[%get3A_462, %get3A_463] {strides = array<i32>} : memref<50x128xi32, #tpu.memory_space<vmem>>, vector<16xi32>,
        %shift_right_logical3A_465 = arith.constant 1 : i32
        %shift_right_logical3A_466 = vector.broadcast %shift_right_logical3A_465 : i32 to vector<16xi32>
        %shift_right_logical3A_467 = arith.shrui %get3A_464, %shift_right_logical3A_466 : vector<16xi32>
        %swap3A_468 = arith.constant 1 : i32
        %swap3A_469 = arith.index_cast %swap3A_468 : i32 to index
        %swap3A_470 = arith.constant 16 : index
        %swap3A_471 = tpu.vector_load %arg6[%swap3A_469, %swap3A_470] {strides = array<i32>} : memref<2x128xi32, #tpu.memory_space<vmem>>, vector<16xi32>,
        tpu.vector_store %arg6[%swap3A_469, %swap3A_470], %shift_right_logical3A_467 {strides = array<i32>} : memref<2x128xi32, #tpu.memory_space<vmem>>, vector<16xi32>,
        %and3A_472 = arith.constant 1 : i32
        %and3A_473 = vector.broadcast %and3A_472 : i32 to vector<16xi32>
        %and3A_474 = arith.andi %get3A_464, %and3A_473 : vector<16xi32>
        %mul3A_475 = arith.constant 64 : i32
        %mul3A_476 = vector.broadcast %mul3A_475 : i32 to vector<16xi32>
        %mul3A_477 = arith.muli %and3A_474, %mul3A_476 : vector<16xi32>
        %swap3A_478 = arith.constant 1 : i32
        %swap3A_479 = arith.index_cast %swap3A_478 : i32 to index
        %swap3A_480 = arith.constant 16 : index
        %swap3A_481 = tpu.vector_load %arg7[%swap3A_479, %swap3A_480] {strides = array<i32>} : memref<2x128xi32, #tpu.memory_space<vmem>>, vector<16xi32>,
        tpu.vector_store %arg7[%swap3A_479, %swap3A_480], %mul3A_477 {strides = array<i32>} : memref<2x128xi32, #tpu.memory_space<vmem>>, vector<16xi32>,
        %get3A_482 = arith.index_cast %add3A_441 : i32 to index
        %get3A_483 = arith.constant 32 : index
        %get3A_484 = tpu.vector_load %arg5[%get3A_482, %get3A_483] {strides = array<i32>} : memref<50x128xi32, #tpu.memory_space<vmem>>, vector<16xi32>,
        %shift_right_logical3A_485 = arith.constant 1 : i32
        %shift_right_logical3A_486 = vector.broadcast %shift_right_logical3A_485 : i32 to vector<16xi32>
        %shift_right_logical3A_487 = arith.shrui %get3A_484, %shift_right_logical3A_486 : vector<16xi32>
        %swap3A_488 = arith.constant 1 : i32
        %swap3A_489 = arith.index_cast %swap3A_488 : i32 to index
        %swap3A_490 = arith.constant 32 : index
        %swap3A_491 = tpu.vector_load %arg6[%swap3A_489, %swap3A_490] {strides = array<i32>} : memref<2x128xi32, #tpu.memory_space<vmem>>, vector<16xi32>,
        tpu.vector_store %arg6[%swap3A_489, %swap3A_490], %shift_right_logical3A_487 {strides = array<i32>} : memref<2x128xi32, #tpu.memory_space<vmem>>, vector<16xi32>,
        %and3A_492 = arith.constant 1 : i32
        %and3A_493 = vector.broadcast %and3A_492 : i32 to vector<16xi32>
        %and3A_494 = arith.andi %get3A_484, %and3A_493 : vector<16xi32>
        %mul3A_495 = arith.constant 64 : i32
        %mul3A_496 = vector.broadcast %mul3A_495 : i32 to vector<16xi32>
        %mul3A_497 = arith.muli %and3A_494, %mul3A_496 : vector<16xi32>
        %swap3A_498 = arith.constant 1 : i32
        %swap3A_499 = arith.index_cast %swap3A_498 : i32 to index
        %swap3A_500 = arith.constant 32 : index
        %swap3A_501 = tpu.vector_load %arg7[%swap3A_499, %swap3A_500] {strides = array<i32>} : memref<2x128xi32, #tpu.memory_space<vmem>>, vector<16xi32>,
        tpu.vector_store %arg7[%swap3A_499, %swap3A_500], %mul3A_497 {strides = array<i32>} : memref<2x128xi32, #tpu.memory_space<vmem>>, vector<16xi32>,
        %get3A_502 = arith.index_cast %add3A_441 : i32 to index
        %get3A_503 = arith.constant 48 : index
        %get3A_504 = tpu.vector_load %arg5[%get3A_502, %get3A_503] {strides = array<i32>} : memref<50x128xi32, #tpu.memory_space<vmem>>, vector<16xi32>,
        %shift_right_logical3A_505 = arith.constant 1 : i32
        %shift_right_logical3A_506 = vector.broadcast %shift_right_logical3A_505 : i32 to vector<16xi32>
        %shift_right_logical3A_507 = arith.shrui %get3A_504, %shift_right_logical3A_506 : vector<16xi32>
        %swap3A_508 = arith.constant 1 : i32
        %swap3A_509 = arith.index_cast %swap3A_508 : i32 to index
        %swap3A_510 = arith.constant 48 : index
        %swap3A_511 = tpu.vector_load %arg6[%swap3A_509, %swap3A_510] {strides = array<i32>} : memref<2x128xi32, #tpu.memory_space<vmem>>, vector<16xi32>,
        tpu.vector_store %arg6[%swap3A_509, %swap3A_510], %shift_right_logical3A_507 {strides = array<i32>} : memref<2x128xi32, #tpu.memory_space<vmem>>, vector<16xi32>,
        %and3A_512 = arith.constant 1 : i32
        %and3A_513 = vector.broadcast %and3A_512 : i32 to vector<16xi32>
        %and3A_514 = arith.andi %get3A_504, %and3A_513 : vector<16xi32>
        %mul3A_515 = arith.constant 64 : i32
        %mul3A_516 = vector.broadcast %mul3A_515 : i32 to vector<16xi32>
        %mul3A_517 = arith.muli %and3A_514, %mul3A_516 : vector<16xi32>
        %swap3A_518 = arith.constant 1 : i32
        %swap3A_519 = arith.index_cast %swap3A_518 : i32 to index
        %swap3A_520 = arith.constant 48 : index
        %swap3A_521 = tpu.vector_load %arg7[%swap3A_519, %swap3A_520] {strides = array<i32>} : memref<2x128xi32, #tpu.memory_space<vmem>>, vector<16xi32>,
        tpu.vector_store %arg7[%swap3A_519, %swap3A_520], %mul3A_517 {strides = array<i32>} : memref<2x128xi32, #tpu.memory_space<vmem>>, vector<16xi32>,
        %get3A_522 = arith.index_cast %add3A_441 : i32 to index
        %get3A_523 = arith.constant 64 : index
        %get3A_524 = tpu.vector_load %arg5[%get3A_522, %get3A_523] {strides = array<i32>} : memref<50x128xi32, #tpu.memory_space<vmem>>, vector<16xi32>,
        %shift_right_logical3A_525 = arith.constant 1 : i32
        %shift_right_logical3A_526 = vector.broadcast %shift_right_logical3A_525 : i32 to vector<16xi32>
        %shift_right_logical3A_527 = arith.shrui %get3A_524, %shift_right_logical3A_526 : vector<16xi32>
        %swap3A_528 = arith.constant 1 : i32
        %swap3A_529 = arith.index_cast %swap3A_528 : i32 to index
        %swap3A_530 = arith.constant 64 : index
        %swap3A_531 = tpu.vector_load %arg6[%swap3A_529, %swap3A_530] {strides = array<i32>} : memref<2x128xi32, #tpu.memory_space<vmem>>, vector<16xi32>,
        tpu.vector_store %arg6[%swap3A_529, %swap3A_530], %shift_right_logical3A_527 {strides = array<i32>} : memref<2x128xi32, #tpu.memory_space<vmem>>, vector<16xi32>,
        %and3A_532 = arith.constant 1 : i32
        %and3A_533 = vector.broadcast %and3A_532 : i32 to vector<16xi32>
        %and3A_534 = arith.andi %get3A_524, %and3A_533 : vector<16xi32>
        %mul3A_535 = arith.constant 64 : i32
        %mul3A_536 = vector.broadcast %mul3A_535 : i32 to vector<16xi32>
        %mul3A_537 = arith.muli %and3A_534, %mul3A_536 : vector<16xi32>
        %swap3A_538 = arith.constant 1 : i32
        %swap3A_539 = arith.index_cast %swap3A_538 : i32 to index
        %swap3A_540 = arith.constant 64 : index
        %swap3A_541 = tpu.vector_load %arg7[%swap3A_539, %swap3A_540] {strides = array<i32>} : memref<2x128xi32, #tpu.memory_space<vmem>>, vector<16xi32>,
        tpu.vector_store %arg7[%swap3A_539, %swap3A_540], %mul3A_537 {strides = array<i32>} : memref<2x128xi32, #tpu.memory_space<vmem>>, vector<16xi32>,
        %get3A_542 = arith.index_cast %add3A_441 : i32 to index
        %get3A_543 = arith.constant 80 : index
        %get3A_544 = tpu.vector_load %arg5[%get3A_542, %get3A_543] {strides = array<i32>} : memref<50x128xi32, #tpu.memory_space<vmem>>, vector<16xi32>,
        %shift_right_logical3A_545 = arith.constant 1 : i32
        %shift_right_logical3A_546 = vector.broadcast %shift_right_logical3A_545 : i32 to vector<16xi32>
        %shift_right_logical3A_547 = arith.shrui %get3A_544, %shift_right_logical3A_546 : vector<16xi32>
        %swap3A_548 = arith.constant 1 : i32
        %swap3A_549 = arith.index_cast %swap3A_548 : i32 to index
        %swap3A_550 = arith.constant 80 : index
        %swap3A_551 = tpu.vector_load %arg6[%swap3A_549, %swap3A_550] {strides = array<i32>} : memref<2x128xi32, #tpu.memory_space<vmem>>, vector<16xi32>,
        tpu.vector_store %arg6[%swap3A_549, %swap3A_550], %shift_right_logical3A_547 {strides = array<i32>} : memref<2x128xi32, #tpu.memory_space<vmem>>, vector<16xi32>,
        %and3A_552 = arith.constant 1 : i32
        %and3A_553 = vector.broadcast %and3A_552 : i32 to vector<16xi32>
        %and3A_554 = arith.andi %get3A_544, %and3A_553 : vector<16xi32>
        %mul3A_555 = arith.constant 64 : i32
        %mul3A_556 = vector.broadcast %mul3A_555 : i32 to vector<16xi32>
        %mul3A_557 = arith.muli %and3A_554, %mul3A_556 : vector<16xi32>
        %swap3A_558 = arith.constant 1 : i32
        %swap3A_559 = arith.index_cast %swap3A_558 : i32 to index
        %swap3A_560 = arith.constant 80 : index
        %swap3A_561 = tpu.vector_load %arg7[%swap3A_559, %swap3A_560] {strides = array<i32>} : memref<2x128xi32, #tpu.memory_space<vmem>>, vector<16xi32>,
        tpu.vector_store %arg7[%swap3A_559, %swap3A_560], %mul3A_557 {strides = array<i32>} : memref<2x128xi32, #tpu.memory_space<vmem>>, vector<16xi32>,
        %get3A_562 = arith.index_cast %add3A_441 : i32 to index
        %get3A_563 = arith.constant 96 : index
        %get3A_564 = tpu.vector_load %arg5[%get3A_562, %get3A_563] {strides = array<i32>} : memref<50x128xi32, #tpu.memory_space<vmem>>, vector<16xi32>,
        %shift_right_logical3A_565 = arith.constant 1 : i32
        %shift_right_logical3A_566 = vector.broadcast %shift_right_logical3A_565 : i32 to vector<16xi32>
        %shift_right_logical3A_567 = arith.shrui %get3A_564, %shift_right_logical3A_566 : vector<16xi32>
        %swap3A_568 = arith.constant 1 : i32
        %swap3A_569 = arith.index_cast %swap3A_568 : i32 to index
        %swap3A_570 = arith.constant 96 : index
        %swap3A_571 = tpu.vector_load %arg6[%swap3A_569, %swap3A_570] {strides = array<i32>} : memref<2x128xi32, #tpu.memory_space<vmem>>, vector<16xi32>,
        tpu.vector_store %arg6[%swap3A_569, %swap3A_570], %shift_right_logical3A_567 {strides = array<i32>} : memref<2x128xi32, #tpu.memory_space<vmem>>, vector<16xi32>,
        %and3A_572 = arith.constant 1 : i32
        %and3A_573 = vector.broadcast %and3A_572 : i32 to vector<16xi32>
        %and3A_574 = arith.andi %get3A_564, %and3A_573 : vector<16xi32>
        %mul3A_575 = arith.constant 64 : i32
        %mul3A_576 = vector.broadcast %mul3A_575 : i32 to vector<16xi32>
        %mul3A_577 = arith.muli %and3A_574, %mul3A_576 : vector<16xi32>
        %swap3A_578 = arith.constant 1 : i32
        %swap3A_579 = arith.index_cast %swap3A_578 : i32 to index
        %swap3A_580 = arith.constant 96 : index
        %swap3A_581 = tpu.vector_load %arg7[%swap3A_579, %swap3A_580] {strides = array<i32>} : memref<2x128xi32, #tpu.memory_space<vmem>>, vector<16xi32>,
        tpu.vector_store %arg7[%swap3A_579, %swap3A_580], %mul3A_577 {strides = array<i32>} : memref<2x128xi32, #tpu.memory_space<vmem>>, vector<16xi32>,
        %get3A_582 = arith.index_cast %add3A_441 : i32 to index
        %get3A_583 = arith.constant 112 : index
        %get3A_584 = tpu.vector_load %arg5[%get3A_582, %get3A_583] {strides = array<i32>} : memref<50x128xi32, #tpu.memory_space<vmem>>, vector<16xi32>,
        %shift_right_logical3A_585 = arith.constant 1 : i32
        %shift_right_logical3A_586 = vector.broadcast %shift_right_logical3A_585 : i32 to vector<16xi32>
        %shift_right_logical3A_587 = arith.shrui %get3A_584, %shift_right_logical3A_586 : vector<16xi32>
        %swap3A_588 = arith.constant 1 : i32
        %swap3A_589 = arith.index_cast %swap3A_588 : i32 to index
        %swap3A_590 = arith.constant 112 : index
        %swap3A_591 = tpu.vector_load %arg6[%swap3A_589, %swap3A_590] {strides = array<i32>} : memref<2x128xi32, #tpu.memory_space<vmem>>, vector<16xi32>,
        tpu.vector_store %arg6[%swap3A_589, %swap3A_590], %shift_right_logical3A_587 {strides = array<i32>} : memref<2x128xi32, #tpu.memory_space<vmem>>, vector<16xi32>,
        %and3A_592 = arith.constant 1 : i32
        %and3A_593 = vector.broadcast %and3A_592 : i32 to vector<16xi32>
        %and3A_594 = arith.andi %get3A_584, %and3A_593 : vector<16xi32>
        %mul3A_595 = arith.constant 64 : i32
        %mul3A_596 = vector.broadcast %mul3A_595 : i32 to vector<16xi32>
        %mul3A_597 = arith.muli %and3A_594, %mul3A_596 : vector<16xi32>
        %swap3A_598 = arith.constant 1 : i32
        %swap3A_599 = arith.index_cast %swap3A_598 : i32 to index
        %swap3A_600 = arith.constant 112 : index
        %swap3A_601 = tpu.vector_load %arg7[%swap3A_599, %swap3A_600] {strides = array<i32>} : memref<2x128xi32, #tpu.memory_space<vmem>>, vector<16xi32>,
        tpu.vector_store %arg7[%swap3A_599, %swap3A_600], %mul3A_597 {strides = array<i32>} : memref<2x128xi32, #tpu.memory_space<vmem>>, vector<16xi32>,
        %dma_start3A_602 = arith.constant 1 : i32
        %dma_start3A_603 = arith.constant 1 : i32
        %dma_start3A_604 = arith.constant 1 : i32
        %dma_start3A_605 = arith.constant 0 : i32
        %dma_start3A_606 = arith.constant 0 : i32
        %dma_start3A_607 = tpu.memref_slice %arg8[%dma_start3A_603, %dma_start3A_605, %dma_start3A_606] : memref<2x128x128xf32, #tpu.memory_space<vmem>> -> memref<1x128x128xf32, #tpu.memory_space<vmem>>
        %dma_start3A_608 = tpu.memref_squeeze %dma_start3A_607 : memref<1x128x128xf32, #tpu.memory_space<vmem>> -> memref<128x128xf32, #tpu.memory_space<vmem>>
        %dma_start3A_609 = arith.constant 0 : i32
        %dma_start3A_610 = tpu.memref_slice %arg6[%dma_start3A_602, %dma_start3A_609] : memref<2x128xi32, #tpu.memory_space<vmem>> -> memref<1x128xi32, #tpu.memory_space<vmem>>
        %dma_start3A_611 = tpu.memref_squeeze %dma_start3A_610 : memref<1x128xi32, #tpu.memory_space<vmem>> -> memref<128xi32, #tpu.memory_space<vmem>>
        %dma_start3A_612 = arith.constant 0 : i32
        %dma_start3A_613 = arith.constant 0 : i32
        %dma_start3A_614 = tpu.memref_slice %arg3[%dma_start3A_612, %dma_start3A_613] : memref<500000x128xf32, #tpu.memory_space<hbm>> -> memref<500000x128xf32, #tpu.memory_space<hbm>>
        %dma_start3A_615 = tpu.memref_slice %arg10[%dma_start3A_604] : memref<2x!tpu.dma_semaphore, #tpu.memory_space<semaphore_mem>> -> memref<1x!tpu.dma_semaphore, #tpu.memory_space<semaphore_mem>>
        %dma_start3A_616 = tpu.memref_squeeze %dma_start3A_615 : memref<1x!tpu.dma_semaphore, #tpu.memory_space<semaphore_mem>> -> memref<!tpu.dma_semaphore, #tpu.memory_space<semaphore_mem>>
        tpu.enqueue_indirect_dma source(%dma_start3A_614 : memref<500000x128xf32, #tpu.memory_space<hbm>>) target(%dma_start3A_608 : memref<128x128xf32, #tpu.memory_space<vmem>>) offsets(%dma_start3A_611 : memref<128xi32, #tpu.memory_space<vmem>>) semaphore(%dma_start3A_616 : memref<!tpu.dma_semaphore, #tpu.memory_space<semaphore_mem>>)
      } else {
      }
      %dma_wait3A_233 = arith.constant 0 : i32
      %dma_wait3A_234 = arith.constant 0 : i32
      %dma_wait3A_235 = arith.constant 0 : i32
      %dma_wait3A_236 = arith.constant 0 : i32
      %dma_wait3A_237 = arith.constant 0 : i32
      %dma_wait3A_238 = tpu.memref_slice %arg8[%dma_wait3A_234, %dma_wait3A_236, %dma_wait3A_237] : memref<2x128x128xf32, #tpu.memory_space<vmem>> -> memref<1x128x128xf32, #tpu.memory_space<vmem>>
      %dma_wait3A_239 = tpu.memref_squeeze %dma_wait3A_238 : memref<1x128x128xf32, #tpu.memory_space<vmem>> -> memref<128x128xf32, #tpu.memory_space<vmem>>
      %dma_wait3A_240 = arith.constant 0 : i32
      %dma_wait3A_241 = tpu.memref_slice %arg6[%dma_wait3A_233, %dma_wait3A_240] : memref<2x128xi32, #tpu.memory_space<vmem>> -> memref<1x128xi32, #tpu.memory_space<vmem>>
      %dma_wait3A_242 = tpu.memref_squeeze %dma_wait3A_241 : memref<1x128xi32, #tpu.memory_space<vmem>> -> memref<128xi32, #tpu.memory_space<vmem>>
      %dma_wait3A_243 = arith.constant 0 : i32
      %dma_wait3A_244 = arith.constant 0 : i32
      %dma_wait3A_245 = tpu.memref_slice %arg3[%dma_wait3A_243, %dma_wait3A_244] : memref<500000x128xf32, #tpu.memory_space<hbm>> -> memref<500000x128xf32, #tpu.memory_space<hbm>>
      %dma_wait3A_246 = tpu.memref_slice %arg10[%dma_wait3A_235] : memref<2x!tpu.dma_semaphore, #tpu.memory_space<semaphore_mem>> -> memref<1x!tpu.dma_semaphore, #tpu.memory_space<semaphore_mem>>
      %dma_wait3A_247 = tpu.memref_squeeze %dma_wait3A_246 : memref<1x!tpu.dma_semaphore, #tpu.memory_space<semaphore_mem>> -> memref<!tpu.dma_semaphore, #tpu.memory_space<semaphore_mem>>
      tpu.wait_indirect_dma semaphore(%dma_wait3A_247 : memref<!tpu.dma_semaphore, #tpu.memory_space<semaphore_mem>>) src(%dma_wait3A_245 : memref<500000x128xf32, #tpu.memory_space<hbm>>) dst(%dma_wait3A_239 : memref<128x128xf32, #tpu.memory_space<vmem>>)
      %ge3A = arith.constant 2 : i32
      %ge3A_248 = arith.cmpi sge, %add3A_228, %ge3A : i32
      %convert_element_type3A_249 = arith.extui %ge3A_248 : i1 to i32
      %cond3A_250 = arith.constant 0 : i32
      %cond3A_251 = arith.cmpi ne, %convert_element_type3A_249, %cond3A_250 : i32
      scf.if %cond3A_251 {
        %sub3A = arith.constant 2 : i32
        %sub3A_440 = arith.subi %add3A_228, %sub3A : i32
        %dma_wait3A_441 = arith.constant 0 : i32
        %dma_wait3A_442 = arith.constant 0 : i32
        %dma_wait3A_443 = arith.constant 0 : i32
        %dma_wait3A_444 = arith.constant 0 : i32
        %dma_wait3A_445 = tpu.memref_slice %arg9[%dma_wait3A_441, %dma_wait3A_443, %dma_wait3A_444] : memref<2x64x128xf32, #tpu.memory_space<vmem>> -> memref<1x64x128xf32, #tpu.memory_space<vmem>>
        %dma_wait3A_446 = tpu.memref_squeeze %dma_wait3A_445 : memref<1x64x128xf32, #tpu.memory_space<vmem>> -> memref<64x128xf32, #tpu.memory_space<vmem>>
        %dma_wait3A_447 = arith.constant 0 : i32
        %dma_wait3A_448 = tpu.memref_slice %arg4[%sub3A_440, %dma_wait3A_447, %mul3A_2] : memref<50x64x4096xf32, #tpu.memory_space<hbm>> -> memref<1x64x128xf32, #tpu.memory_space<hbm>>
        %dma_wait3A_449 = tpu.memref_squeeze %dma_wait3A_448 : memref<1x64x128xf32, #tpu.memory_space<hbm>> -> memref<64x128xf32, #tpu.memory_space<hbm>>
        %dma_wait3A_450 = tpu.memref_slice %arg11[%dma_wait3A_442] : memref<2x!tpu.dma_semaphore, #tpu.memory_space<semaphore_mem>> -> memref<1x!tpu.dma_semaphore, #tpu.memory_space<semaphore_mem>>
        %dma_wait3A_451 = tpu.memref_squeeze %dma_wait3A_450 : memref<1x!tpu.dma_semaphore, #tpu.memory_space<semaphore_mem>> -> memref<!tpu.dma_semaphore, #tpu.memory_space<semaphore_mem>>
        %dma_wait3A_452 = arith.constant 0 : i32
        %dma_wait3A_453 = tpu.memref_slice %arg4[%sub3A_440, %dma_wait3A_452, %mul3A_2] : memref<50x64x4096xf32, #tpu.memory_space<hbm>> -> memref<1x64x128xf32, #tpu.memory_space<hbm>>
        %dma_wait3A_454 = tpu.memref_squeeze %dma_wait3A_453 : memref<1x64x128xf32, #tpu.memory_space<hbm>> -> memref<64x128xf32, #tpu.memory_space<hbm>>
        %dma_wait3A_455 = arith.constant 0 : i32
        %dma_wait3A_456 = arith.constant 0 : i32
        %dma_wait3A_457 = tpu.memref_slice %arg9[%dma_wait3A_441, %dma_wait3A_455, %dma_wait3A_456] : memref<2x64x128xf32, #tpu.memory_space<vmem>> -> memref<1x64x128xf32, #tpu.memory_space<vmem>>
        %dma_wait3A_458 = tpu.memref_squeeze %dma_wait3A_457 : memref<1x64x128xf32, #tpu.memory_space<vmem>> -> memref<64x128xf32, #tpu.memory_space<vmem>>
        tpu.wait_dma2 semaphore(%dma_wait3A_451 : memref<!tpu.dma_semaphore, #tpu.memory_space<semaphore_mem>>) src(%dma_wait3A_458 : memref<64x128xf32, #tpu.memory_space<vmem>>) dst(%dma_wait3A_454 : memref<64x128xf32, #tpu.memory_space<hbm>>)
      } else {
      }
      %iota3A = tpu.iota {dimensions = array<i32: 0>} : vector<16xi32>
      %add3A_252 = arith.constant 0 : i32
      %add3A_253 = vector.broadcast %add3A_252 : i32 to vector<16xi32>
      %add3A_254 = arith.addi %iota3A, %add3A_253 : vector<16xi32>
      %add3A_255 = arith.constant 16 : i32
      %add3A_256 = vector.broadcast %add3A_255 : i32 to vector<16xi32>
      %add3A_257 = arith.addi %iota3A, %add3A_256 : vector<16xi32>
      %add3A_258 = arith.constant 32 : i32
      %add3A_259 = vector.broadcast %add3A_258 : i32 to vector<16xi32>
      %add3A_260 = arith.addi %iota3A, %add3A_259 : vector<16xi32>
      %add3A_261 = arith.constant 48 : i32
      %add3A_262 = vector.broadcast %add3A_261 : i32 to vector<16xi32>
      %add3A_263 = arith.addi %iota3A, %add3A_262 : vector<16xi32>
      %add3A_264 = arith.constant 64 : i32
      %add3A_265 = vector.broadcast %add3A_264 : i32 to vector<16xi32>
      %add3A_266 = arith.addi %iota3A, %add3A_265 : vector<16xi32>
      %add3A_267 = arith.constant 80 : i32
      %add3A_268 = vector.broadcast %add3A_267 : i32 to vector<16xi32>
      %add3A_269 = arith.addi %iota3A, %add3A_268 : vector<16xi32>
      %add3A_270 = arith.constant 96 : i32
      %add3A_271 = vector.broadcast %add3A_270 : i32 to vector<16xi32>
      %add3A_272 = arith.addi %iota3A, %add3A_271 : vector<16xi32>
      %add3A_273 = arith.constant 112 : i32
      %add3A_274 = vector.broadcast %add3A_273 : i32 to vector<16xi32>
      %add3A_275 = arith.addi %iota3A, %add3A_274 : vector<16xi32>
      %get3A_276 = arith.constant 0 : i32
      %get3A_277 = arith.index_cast %get3A_276 : i32 to index
      %get3A_278 = arith.constant 0 : index
      %get3A_279 = tpu.vector_load %arg7[%get3A_277, %get3A_278] {strides = array<i32>} : memref<2x128xi32, #tpu.memory_space<vmem>>, vector<16xi32>,
      %get3A_280 = arith.constant 0 : i32
      %get3A_281 = arith.index_cast %get3A_280 : i32 to index
      %get3A_282 = arith.constant 16 : index
      %get3A_283 = tpu.vector_load %arg7[%get3A_281, %get3A_282] {strides = array<i32>} : memref<2x128xi32, #tpu.memory_space<vmem>>, vector<16xi32>,
      %get3A_284 = arith.constant 0 : i32
      %get3A_285 = arith.index_cast %get3A_284 : i32 to index
      %get3A_286 = arith.constant 32 : index
      %get3A_287 = tpu.vector_load %arg7[%get3A_285, %get3A_286] {strides = array<i32>} : memref<2x128xi32, #tpu.memory_space<vmem>>, vector<16xi32>,
      %get3A_288 = arith.constant 0 : i32
      %get3A_289 = arith.index_cast %get3A_288 : i32 to index
      %get3A_290 = arith.constant 48 : index
      %get3A_291 = tpu.vector_load %arg7[%get3A_289, %get3A_290] {strides = array<i32>} : memref<2x128xi32, #tpu.memory_space<vmem>>, vector<16xi32>,
      %get3A_292 = arith.constant 0 : i32
      %get3A_293 = arith.index_cast %get3A_292 : i32 to index
      %get3A_294 = arith.constant 64 : index
      %get3A_295 = tpu.vector_load %arg7[%get3A_293, %get3A_294] {strides = array<i32>} : memref<2x128xi32, #tpu.memory_space<vmem>>, vector<16xi32>,
      %get3A_296 = arith.constant 0 : i32
      %get3A_297 = arith.index_cast %get3A_296 : i32 to index
      %get3A_298 = arith.constant 80 : index
      %get3A_299 = tpu.vector_load %arg7[%get3A_297, %get3A_298] {strides = array<i32>} : memref<2x128xi32, #tpu.memory_space<vmem>>, vector<16xi32>,
      %get3A_300 = arith.constant 0 : i32
      %get3A_301 = arith.index_cast %get3A_300 : i32 to index
      %get3A_302 = arith.constant 96 : index
      %get3A_303 = tpu.vector_load %arg7[%get3A_301, %get3A_302] {strides = array<i32>} : memref<2x128xi32, #tpu.memory_space<vmem>>, vector<16xi32>,
      %get3A_304 = arith.constant 0 : i32
      %get3A_305 = arith.index_cast %get3A_304 : i32 to index
      %get3A_306 = arith.constant 112 : index
      %get3A_307 = tpu.vector_load %arg7[%get3A_305, %get3A_306] {strides = array<i32>} : memref<2x128xi32, #tpu.memory_space<vmem>>, vector<16xi32>,
      %scan3A_308 = arith.constant 0 : i32
      %scan3A_309 = arith.constant 64 : i32
      %scan3A_310 = arith.addi %scan3A_308, %scan3A_309 : i32
      %scan3A_311 = arith.constant 8 : i32
      scf.for %scan3A_440 = %scan3A_308 to %scan3A_310 step %scan3A_311  : i32 {
        %mul3A_441 = arith.constant 1 : i32
        %mul3A_442 = arith.muli %scan3A_440, %mul3A_441 : i32
        %add3A_443 = arith.constant 0 : i32
        %add3A_444 = arith.addi %add3A_443, %mul3A_442 : i32
        %add3A_445 = vector.broadcast %add3A_444 : i32 to vector<16xi32>
        %add3A_446 = arith.addi %iota3A, %add3A_445 : vector<16xi32>
        %and3A_447 = arith.constant 63 : i32
        %and3A_448 = vector.broadcast %and3A_447 : i32 to vector<16xi32>
        %and3A_449 = arith.andi %add3A_446, %and3A_448 : vector<16xi32>
        %add3A_450 = arith.addi %get3A_279, %and3A_449 : vector<16xi32>
        %gather3A = arith.constant 0 : i32
        %gather3A_451 = arith.constant 0 : i32
        %gather3A_452 = arith.constant 0 : i32
        %gather3A_453 = tpu.memref_slice %arg8[%gather3A, %gather3A_451, %gather3A_452] : memref<2x128x128xf32, #tpu.memory_space<vmem>> -> memref<1x128x128xf32, #tpu.memory_space<vmem>>
        %gather3A_454 = tpu.memref_squeeze %gather3A_453 : memref<1x128x128xf32, #tpu.memory_space<vmem>> -> memref<128x128xf32, #tpu.memory_space<vmem>>
        %gather3A_455 = tpu.vector_load_idx %gather3A_454[%add3A_254, %add3A_450] : memref<128x128xf32, #tpu.memory_space<vmem>>[vector<16xi32>, vector<16xi32>], vector<16xf32>,
        %scatter3A = arith.constant 0 : i32
        %scatter3A_456 = arith.constant 0 : i32
        %scatter3A_457 = arith.constant 0 : i32
        %scatter3A_458 = tpu.memref_slice %arg9[%scatter3A, %scatter3A_456, %scatter3A_457] : memref<2x64x128xf32, #tpu.memory_space<vmem>> -> memref<1x64x128xf32, #tpu.memory_space<vmem>>
        %scatter3A_459 = tpu.memref_squeeze %scatter3A_458 : memref<1x64x128xf32, #tpu.memory_space<vmem>> -> memref<64x128xf32, #tpu.memory_space<vmem>>
        tpu.vector_store_idx %scatter3A_459[%and3A_449, %add3A_254], %gather3A_455 : memref<64x128xf32, #tpu.memory_space<vmem>>[vector<16xi32>, vector<16xi32>], vector<16xf32>,
        %add3A_460 = arith.addi %get3A_283, %and3A_449 : vector<16xi32>
        %gather3A_461 = arith.constant 0 : i32
        %gather3A_462 = arith.constant 0 : i32
        %gather3A_463 = arith.constant 0 : i32
        %gather3A_464 = tpu.memref_slice %arg8[%gather3A_461, %gather3A_462, %gather3A_463] : memref<2x128x128xf32, #tpu.memory_space<vmem>> -> memref<1x128x128xf32, #tpu.memory_space<vmem>>
        %gather3A_465 = tpu.memref_squeeze %gather3A_464 : memref<1x128x128xf32, #tpu.memory_space<vmem>> -> memref<128x128xf32, #tpu.memory_space<vmem>>
        %gather3A_466 = tpu.vector_load_idx %gather3A_465[%add3A_257, %add3A_460] : memref<128x128xf32, #tpu.memory_space<vmem>>[vector<16xi32>, vector<16xi32>], vector<16xf32>,
        %scatter3A_467 = arith.constant 0 : i32
        %scatter3A_468 = arith.constant 0 : i32
        %scatter3A_469 = arith.constant 0 : i32
        %scatter3A_470 = tpu.memref_slice %arg9[%scatter3A_467, %scatter3A_468, %scatter3A_469] : memref<2x64x128xf32, #tpu.memory_space<vmem>> -> memref<1x64x128xf32, #tpu.memory_space<vmem>>
        %scatter3A_471 = tpu.memref_squeeze %scatter3A_470 : memref<1x64x128xf32, #tpu.memory_space<vmem>> -> memref<64x128xf32, #tpu.memory_space<vmem>>
        tpu.vector_store_idx %scatter3A_471[%and3A_449, %add3A_257], %gather3A_466 : memref<64x128xf32, #tpu.memory_space<vmem>>[vector<16xi32>, vector<16xi32>], vector<16xf32>,
        %add3A_472 = arith.addi %get3A_287, %and3A_449 : vector<16xi32>
        %gather3A_473 = arith.constant 0 : i32
        %gather3A_474 = arith.constant 0 : i32
        %gather3A_475 = arith.constant 0 : i32
        %gather3A_476 = tpu.memref_slice %arg8[%gather3A_473, %gather3A_474, %gather3A_475] : memref<2x128x128xf32, #tpu.memory_space<vmem>> -> memref<1x128x128xf32, #tpu.memory_space<vmem>>
        %gather3A_477 = tpu.memref_squeeze %gather3A_476 : memref<1x128x128xf32, #tpu.memory_space<vmem>> -> memref<128x128xf32, #tpu.memory_space<vmem>>
        %gather3A_478 = tpu.vector_load_idx %gather3A_477[%add3A_260, %add3A_472] : memref<128x128xf32, #tpu.memory_space<vmem>>[vector<16xi32>, vector<16xi32>], vector<16xf32>,
        %scatter3A_479 = arith.constant 0 : i32
        %scatter3A_480 = arith.constant 0 : i32
        %scatter3A_481 = arith.constant 0 : i32
        %scatter3A_482 = tpu.memref_slice %arg9[%scatter3A_479, %scatter3A_480, %scatter3A_481] : memref<2x64x128xf32, #tpu.memory_space<vmem>> -> memref<1x64x128xf32, #tpu.memory_space<vmem>>
        %scatter3A_483 = tpu.memref_squeeze %scatter3A_482 : memref<1x64x128xf32, #tpu.memory_space<vmem>> -> memref<64x128xf32, #tpu.memory_space<vmem>>
        tpu.vector_store_idx %scatter3A_483[%and3A_449, %add3A_260], %gather3A_478 : memref<64x128xf32, #tpu.memory_space<vmem>>[vector<16xi32>, vector<16xi32>], vector<16xf32>,
        %add3A_484 = arith.addi %get3A_291, %and3A_449 : vector<16xi32>
        %gather3A_485 = arith.constant 0 : i32
        %gather3A_486 = arith.constant 0 : i32
        %gather3A_487 = arith.constant 0 : i32
        %gather3A_488 = tpu.memref_slice %arg8[%gather3A_485, %gather3A_486, %gather3A_487] : memref<2x128x128xf32, #tpu.memory_space<vmem>> -> memref<1x128x128xf32, #tpu.memory_space<vmem>>
        %gather3A_489 = tpu.memref_squeeze %gather3A_488 : memref<1x128x128xf32, #tpu.memory_space<vmem>> -> memref<128x128xf32, #tpu.memory_space<vmem>>
        %gather3A_490 = tpu.vector_load_idx %gather3A_489[%add3A_263, %add3A_484] : memref<128x128xf32, #tpu.memory_space<vmem>>[vector<16xi32>, vector<16xi32>], vector<16xf32>,
        %scatter3A_491 = arith.constant 0 : i32
        %scatter3A_492 = arith.constant 0 : i32
        %scatter3A_493 = arith.constant 0 : i32
        %scatter3A_494 = tpu.memref_slice %arg9[%scatter3A_491, %scatter3A_492, %scatter3A_493] : memref<2x64x128xf32, #tpu.memory_space<vmem>> -> memref<1x64x128xf32, #tpu.memory_space<vmem>>
        %scatter3A_495 = tpu.memref_squeeze %scatter3A_494 : memref<1x64x128xf32, #tpu.memory_space<vmem>> -> memref<64x128xf32, #tpu.memory_space<vmem>>
        tpu.vector_store_idx %scatter3A_495[%and3A_449, %add3A_263], %gather3A_490 : memref<64x128xf32, #tpu.memory_space<vmem>>[vector<16xi32>, vector<16xi32>], vector<16xf32>,
        %add3A_496 = arith.addi %get3A_295, %and3A_449 : vector<16xi32>
        %gather3A_497 = arith.constant 0 : i32
        %gather3A_498 = arith.constant 0 : i32
        %gather3A_499 = arith.constant 0 : i32
        %gather3A_500 = tpu.memref_slice %arg8[%gather3A_497, %gather3A_498, %gather3A_499] : memref<2x128x128xf32, #tpu.memory_space<vmem>> -> memref<1x128x128xf32, #tpu.memory_space<vmem>>
        %gather3A_501 = tpu.memref_squeeze %gather3A_500 : memref<1x128x128xf32, #tpu.memory_space<vmem>> -> memref<128x128xf32, #tpu.memory_space<vmem>>
        %gather3A_502 = tpu.vector_load_idx %gather3A_501[%add3A_266, %add3A_496] : memref<128x128xf32, #tpu.memory_space<vmem>>[vector<16xi32>, vector<16xi32>], vector<16xf32>,
        %scatter3A_503 = arith.constant 0 : i32
        %scatter3A_504 = arith.constant 0 : i32
        %scatter3A_505 = arith.constant 0 : i32
        %scatter3A_506 = tpu.memref_slice %arg9[%scatter3A_503, %scatter3A_504, %scatter3A_505] : memref<2x64x128xf32, #tpu.memory_space<vmem>> -> memref<1x64x128xf32, #tpu.memory_space<vmem>>
        %scatter3A_507 = tpu.memref_squeeze %scatter3A_506 : memref<1x64x128xf32, #tpu.memory_space<vmem>> -> memref<64x128xf32, #tpu.memory_space<vmem>>
        tpu.vector_store_idx %scatter3A_507[%and3A_449, %add3A_266], %gather3A_502 : memref<64x128xf32, #tpu.memory_space<vmem>>[vector<16xi32>, vector<16xi32>], vector<16xf32>,
        %add3A_508 = arith.addi %get3A_299, %and3A_449 : vector<16xi32>
        %gather3A_509 = arith.constant 0 : i32
        %gather3A_510 = arith.constant 0 : i32
        %gather3A_511 = arith.constant 0 : i32
        %gather3A_512 = tpu.memref_slice %arg8[%gather3A_509, %gather3A_510, %gather3A_511] : memref<2x128x128xf32, #tpu.memory_space<vmem>> -> memref<1x128x128xf32, #tpu.memory_space<vmem>>
        %gather3A_513 = tpu.memref_squeeze %gather3A_512 : memref<1x128x128xf32, #tpu.memory_space<vmem>> -> memref<128x128xf32, #tpu.memory_space<vmem>>
        %gather3A_514 = tpu.vector_load_idx %gather3A_513[%add3A_269, %add3A_508] : memref<128x128xf32, #tpu.memory_space<vmem>>[vector<16xi32>, vector<16xi32>], vector<16xf32>,
        %scatter3A_515 = arith.constant 0 : i32
        %scatter3A_516 = arith.constant 0 : i32
        %scatter3A_517 = arith.constant 0 : i32
        %scatter3A_518 = tpu.memref_slice %arg9[%scatter3A_515, %scatter3A_516, %scatter3A_517] : memref<2x64x128xf32, #tpu.memory_space<vmem>> -> memref<1x64x128xf32, #tpu.memory_space<vmem>>
        %scatter3A_519 = tpu.memref_squeeze %scatter3A_518 : memref<1x64x128xf32, #tpu.memory_space<vmem>> -> memref<64x128xf32, #tpu.memory_space<vmem>>
        tpu.vector_store_idx %scatter3A_519[%and3A_449, %add3A_269], %gather3A_514 : memref<64x128xf32, #tpu.memory_space<vmem>>[vector<16xi32>, vector<16xi32>], vector<16xf32>,
        %add3A_520 = arith.addi %get3A_303, %and3A_449 : vector<16xi32>
        %gather3A_521 = arith.constant 0 : i32
        %gather3A_522 = arith.constant 0 : i32
        %gather3A_523 = arith.constant 0 : i32
        %gather3A_524 = tpu.memref_slice %arg8[%gather3A_521, %gather3A_522, %gather3A_523] : memref<2x128x128xf32, #tpu.memory_space<vmem>> -> memref<1x128x128xf32, #tpu.memory_space<vmem>>
        %gather3A_525 = tpu.memref_squeeze %gather3A_524 : memref<1x128x128xf32, #tpu.memory_space<vmem>> -> memref<128x128xf32, #tpu.memory_space<vmem>>
        %gather3A_526 = tpu.vector_load_idx %gather3A_525[%add3A_272, %add3A_520] : memref<128x128xf32, #tpu.memory_space<vmem>>[vector<16xi32>, vector<16xi32>], vector<16xf32>,
        %scatter3A_527 = arith.constant 0 : i32
        %scatter3A_528 = arith.constant 0 : i32
        %scatter3A_529 = arith.constant 0 : i32
        %scatter3A_530 = tpu.memref_slice %arg9[%scatter3A_527, %scatter3A_528, %scatter3A_529] : memref<2x64x128xf32, #tpu.memory_space<vmem>> -> memref<1x64x128xf32, #tpu.memory_space<vmem>>
        %scatter3A_531 = tpu.memref_squeeze %scatter3A_530 : memref<1x64x128xf32, #tpu.memory_space<vmem>> -> memref<64x128xf32, #tpu.memory_space<vmem>>
        tpu.vector_store_idx %scatter3A_531[%and3A_449, %add3A_272], %gather3A_526 : memref<64x128xf32, #tpu.memory_space<vmem>>[vector<16xi32>, vector<16xi32>], vector<16xf32>,
        %add3A_532 = arith.addi %get3A_307, %and3A_449 : vector<16xi32>
        %gather3A_533 = arith.constant 0 : i32
        %gather3A_534 = arith.constant 0 : i32
        %gather3A_535 = arith.constant 0 : i32
        %gather3A_536 = tpu.memref_slice %arg8[%gather3A_533, %gather3A_534, %gather3A_535] : memref<2x128x128xf32, #tpu.memory_space<vmem>> -> memref<1x128x128xf32, #tpu.memory_space<vmem>>
        %gather3A_537 = tpu.memref_squeeze %gather3A_536 : memref<1x128x128xf32, #tpu.memory_space<vmem>> -> memref<128x128xf32, #tpu.memory_space<vmem>>
        %gather3A_538 = tpu.vector_load_idx %gather3A_537[%add3A_275, %add3A_532] : memref<128x128xf32, #tpu.memory_space<vmem>>[vector<16xi32>, vector<16xi32>], vector<16xf32>,
        %scatter3A_539 = arith.constant 0 : i32
        %scatter3A_540 = arith.constant 0 : i32
        %scatter3A_541 = arith.constant 0 : i32
        %scatter3A_542 = tpu.memref_slice %arg9[%scatter3A_539, %scatter3A_540, %scatter3A_541] : memref<2x64x128xf32, #tpu.memory_space<vmem>> -> memref<1x64x128xf32, #tpu.memory_space<vmem>>
        %scatter3A_543 = tpu.memref_squeeze %scatter3A_542 : memref<1x64x128xf32, #tpu.memory_space<vmem>> -> memref<64x128xf32, #tpu.memory_space<vmem>>
        tpu.vector_store_idx %scatter3A_543[%and3A_449, %add3A_275], %gather3A_538 : memref<64x128xf32, #tpu.memory_space<vmem>>[vector<16xi32>, vector<16xi32>], vector<16xf32>,
        %scan3A_544 = arith.constant 1 : i32
        %scan3A_545 = arith.addi %scan3A_440, %scan3A_544 : i32
        %mul3A_546 = arith.constant 1 : i32
        %mul3A_547 = arith.muli %scan3A_545, %mul3A_546 : i32
        %add3A_548 = arith.constant 0 : i32
        %add3A_549 = arith.addi %add3A_548, %mul3A_547 : i32
        %add3A_550 = vector.broadcast %add3A_549 : i32 to vector<16xi32>
        %add3A_551 = arith.addi %iota3A, %add3A_550 : vector<16xi32>
        %and3A_552 = arith.constant 63 : i32
        %and3A_553 = vector.broadcast %and3A_552 : i32 to vector<16xi32>
        %and3A_554 = arith.andi %add3A_551, %and3A_553 : vector<16xi32>
        %add3A_555 = arith.addi %get3A_279, %and3A_554 : vector<16xi32>
        %gather3A_556 = arith.constant 0 : i32
        %gather3A_557 = arith.constant 0 : i32
        %gather3A_558 = arith.constant 0 : i32
        %gather3A_559 = tpu.memref_slice %arg8[%gather3A_556, %gather3A_557, %gather3A_558] : memref<2x128x128xf32, #tpu.memory_space<vmem>> -> memref<1x128x128xf32, #tpu.memory_space<vmem>>
        %gather3A_560 = tpu.memref_squeeze %gather3A_559 : memref<1x128x128xf32, #tpu.memory_space<vmem>> -> memref<128x128xf32, #tpu.memory_space<vmem>>
        %gather3A_561 = tpu.vector_load_idx %gather3A_560[%add3A_254, %add3A_555] : memref<128x128xf32, #tpu.memory_space<vmem>>[vector<16xi32>, vector<16xi32>], vector<16xf32>,
        %scatter3A_562 = arith.constant 0 : i32
        %scatter3A_563 = arith.constant 0 : i32
        %scatter3A_564 = arith.constant 0 : i32
        %scatter3A_565 = tpu.memref_slice %arg9[%scatter3A_562, %scatter3A_563, %scatter3A_564] : memref<2x64x128xf32, #tpu.memory_space<vmem>> -> memref<1x64x128xf32, #tpu.memory_space<vmem>>
        %scatter3A_566 = tpu.memref_squeeze %scatter3A_565 : memref<1x64x128xf32, #tpu.memory_space<vmem>> -> memref<64x128xf32, #tpu.memory_space<vmem>>
        tpu.vector_store_idx %scatter3A_566[%and3A_554, %add3A_254], %gather3A_561 : memref<64x128xf32, #tpu.memory_space<vmem>>[vector<16xi32>, vector<16xi32>], vector<16xf32>,
        %add3A_567 = arith.addi %get3A_283, %and3A_554 : vector<16xi32>
        %gather3A_568 = arith.constant 0 : i32
        %gather3A_569 = arith.constant 0 : i32
        %gather3A_570 = arith.constant 0 : i32
        %gather3A_571 = tpu.memref_slice %arg8[%gather3A_568, %gather3A_569, %gather3A_570] : memref<2x128x128xf32, #tpu.memory_space<vmem>> -> memref<1x128x128xf32, #tpu.memory_space<vmem>>
        %gather3A_572 = tpu.memref_squeeze %gather3A_571 : memref<1x128x128xf32, #tpu.memory_space<vmem>> -> memref<128x128xf32, #tpu.memory_space<vmem>>
        %gather3A_573 = tpu.vector_load_idx %gather3A_572[%add3A_257, %add3A_567] : memref<128x128xf32, #tpu.memory_space<vmem>>[vector<16xi32>, vector<16xi32>], vector<16xf32>,
        %scatter3A_574 = arith.constant 0 : i32
        %scatter3A_575 = arith.constant 0 : i32
        %scatter3A_576 = arith.constant 0 : i32
        %scatter3A_577 = tpu.memref_slice %arg9[%scatter3A_574, %scatter3A_575, %scatter3A_576] : memref<2x64x128xf32, #tpu.memory_space<vmem>> -> memref<1x64x128xf32, #tpu.memory_space<vmem>>
        %scatter3A_578 = tpu.memref_squeeze %scatter3A_577 : memref<1x64x128xf32, #tpu.memory_space<vmem>> -> memref<64x128xf32, #tpu.memory_space<vmem>>
        tpu.vector_store_idx %scatter3A_578[%and3A_554, %add3A_257], %gather3A_573 : memref<64x128xf32, #tpu.memory_space<vmem>>[vector<16xi32>, vector<16xi32>], vector<16xf32>,
        %add3A_579 = arith.addi %get3A_287, %and3A_554 : vector<16xi32>
        %gather3A_580 = arith.constant 0 : i32
        %gather3A_581 = arith.constant 0 : i32
        %gather3A_582 = arith.constant 0 : i32
        %gather3A_583 = tpu.memref_slice %arg8[%gather3A_580, %gather3A_581, %gather3A_582] : memref<2x128x128xf32, #tpu.memory_space<vmem>> -> memref<1x128x128xf32, #tpu.memory_space<vmem>>
        %gather3A_584 = tpu.memref_squeeze %gather3A_583 : memref<1x128x128xf32, #tpu.memory_space<vmem>> -> memref<128x128xf32, #tpu.memory_space<vmem>>
        %gather3A_585 = tpu.vector_load_idx %gather3A_584[%add3A_260, %add3A_579] : memref<128x128xf32, #tpu.memory_space<vmem>>[vector<16xi32>, vector<16xi32>], vector<16xf32>,
        %scatter3A_586 = arith.constant 0 : i32
        %scatter3A_587 = arith.constant 0 : i32
        %scatter3A_588 = arith.constant 0 : i32
        %scatter3A_589 = tpu.memref_slice %arg9[%scatter3A_586, %scatter3A_587, %scatter3A_588] : memref<2x64x128xf32, #tpu.memory_space<vmem>> -> memref<1x64x128xf32, #tpu.memory_space<vmem>>
        %scatter3A_590 = tpu.memref_squeeze %scatter3A_589 : memref<1x64x128xf32, #tpu.memory_space<vmem>> -> memref<64x128xf32, #tpu.memory_space<vmem>>
        tpu.vector_store_idx %scatter3A_590[%and3A_554, %add3A_260], %gather3A_585 : memref<64x128xf32, #tpu.memory_space<vmem>>[vector<16xi32>, vector<16xi32>], vector<16xf32>,
        %add3A_591 = arith.addi %get3A_291, %and3A_554 : vector<16xi32>
        %gather3A_592 = arith.constant 0 : i32
        %gather3A_593 = arith.constant 0 : i32
        %gather3A_594 = arith.constant 0 : i32
        %gather3A_595 = tpu.memref_slice %arg8[%gather3A_592, %gather3A_593, %gather3A_594] : memref<2x128x128xf32, #tpu.memory_space<vmem>> -> memref<1x128x128xf32, #tpu.memory_space<vmem>>
        %gather3A_596 = tpu.memref_squeeze %gather3A_595 : memref<1x128x128xf32, #tpu.memory_space<vmem>> -> memref<128x128xf32, #tpu.memory_space<vmem>>
        %gather3A_597 = tpu.vector_load_idx %gather3A_596[%add3A_263, %add3A_591] : memref<128x128xf32, #tpu.memory_space<vmem>>[vector<16xi32>, vector<16xi32>], vector<16xf32>,
        %scatter3A_598 = arith.constant 0 : i32
        %scatter3A_599 = arith.constant 0 : i32
        %scatter3A_600 = arith.constant 0 : i32
        %scatter3A_601 = tpu.memref_slice %arg9[%scatter3A_598, %scatter3A_599, %scatter3A_600] : memref<2x64x128xf32, #tpu.memory_space<vmem>> -> memref<1x64x128xf32, #tpu.memory_space<vmem>>
        %scatter3A_602 = tpu.memref_squeeze %scatter3A_601 : memref<1x64x128xf32, #tpu.memory_space<vmem>> -> memref<64x128xf32, #tpu.memory_space<vmem>>
        tpu.vector_store_idx %scatter3A_602[%and3A_554, %add3A_263], %gather3A_597 : memref<64x128xf32, #tpu.memory_space<vmem>>[vector<16xi32>, vector<16xi32>], vector<16xf32>,
        %add3A_603 = arith.addi %get3A_295, %and3A_554 : vector<16xi32>
        %gather3A_604 = arith.constant 0 : i32
        %gather3A_605 = arith.constant 0 : i32
        %gather3A_606 = arith.constant 0 : i32
        %gather3A_607 = tpu.memref_slice %arg8[%gather3A_604, %gather3A_605, %gather3A_606] : memref<2x128x128xf32, #tpu.memory_space<vmem>> -> memref<1x128x128xf32, #tpu.memory_space<vmem>>
        %gather3A_608 = tpu.memref_squeeze %gather3A_607 : memref<1x128x128xf32, #tpu.memory_space<vmem>> -> memref<128x128xf32, #tpu.memory_space<vmem>>
        %gather3A_609 = tpu.vector_load_idx %gather3A_608[%add3A_266, %add3A_603] : memref<128x128xf32, #tpu.memory_space<vmem>>[vector<16xi32>, vector<16xi32>], vector<16xf32>,
        %scatter3A_610 = arith.constant 0 : i32
        %scatter3A_611 = arith.constant 0 : i32
        %scatter3A_612 = arith.constant 0 : i32
        %scatter3A_613 = tpu.memref_slice %arg9[%scatter3A_610, %scatter3A_611, %scatter3A_612] : memref<2x64x128xf32, #tpu.memory_space<vmem>> -> memref<1x64x128xf32, #tpu.memory_space<vmem>>
        %scatter3A_614 = tpu.memref_squeeze %scatter3A_613 : memref<1x64x128xf32, #tpu.memory_space<vmem>> -> memref<64x128xf32, #tpu.memory_space<vmem>>
        tpu.vector_store_idx %scatter3A_614[%and3A_554, %add3A_266], %gather3A_609 : memref<64x128xf32, #tpu.memory_space<vmem>>[vector<16xi32>, vector<16xi32>], vector<16xf32>,
        %add3A_615 = arith.addi %get3A_299, %and3A_554 : vector<16xi32>
        %gather3A_616 = arith.constant 0 : i32
        %gather3A_617 = arith.constant 0 : i32
        %gather3A_618 = arith.constant 0 : i32
        %gather3A_619 = tpu.memref_slice %arg8[%gather3A_616, %gather3A_617, %gather3A_618] : memref<2x128x128xf32, #tpu.memory_space<vmem>> -> memref<1x128x128xf32, #tpu.memory_space<vmem>>
        %gather3A_620 = tpu.memref_squeeze %gather3A_619 : memref<1x128x128xf32, #tpu.memory_space<vmem>> -> memref<128x128xf32, #tpu.memory_space<vmem>>
        %gather3A_621 = tpu.vector_load_idx %gather3A_620[%add3A_269, %add3A_615] : memref<128x128xf32, #tpu.memory_space<vmem>>[vector<16xi32>, vector<16xi32>], vector<16xf32>,
        %scatter3A_622 = arith.constant 0 : i32
        %scatter3A_623 = arith.constant 0 : i32
        %scatter3A_624 = arith.constant 0 : i32
        %scatter3A_625 = tpu.memref_slice %arg9[%scatter3A_622, %scatter3A_623, %scatter3A_624] : memref<2x64x128xf32, #tpu.memory_space<vmem>> -> memref<1x64x128xf32, #tpu.memory_space<vmem>>
        %scatter3A_626 = tpu.memref_squeeze %scatter3A_625 : memref<1x64x128xf32, #tpu.memory_space<vmem>> -> memref<64x128xf32, #tpu.memory_space<vmem>>
        tpu.vector_store_idx %scatter3A_626[%and3A_554, %add3A_269], %gather3A_621 : memref<64x128xf32, #tpu.memory_space<vmem>>[vector<16xi32>, vector<16xi32>], vector<16xf32>,
        %add3A_627 = arith.addi %get3A_303, %and3A_554 : vector<16xi32>
        %gather3A_628 = arith.constant 0 : i32
        %gather3A_629 = arith.constant 0 : i32
        %gather3A_630 = arith.constant 0 : i32
        %gather3A_631 = tpu.memref_slice %arg8[%gather3A_628, %gather3A_629, %gather3A_630] : memref<2x128x128xf32, #tpu.memory_space<vmem>> -> memref<1x128x128xf32, #tpu.memory_space<vmem>>
        %gather3A_632 = tpu.memref_squeeze %gather3A_631 : memref<1x128x128xf32, #tpu.memory_space<vmem>> -> memref<128x128xf32, #tpu.memory_space<vmem>>
        %gather3A_633 = tpu.vector_load_idx %gather3A_632[%add3A_272, %add3A_627] : memref<128x128xf32, #tpu.memory_space<vmem>>[vector<16xi32>, vector<16xi32>], vector<16xf32>,
        %scatter3A_634 = arith.constant 0 : i32
        %scatter3A_635 = arith.constant 0 : i32
        %scatter3A_636 = arith.constant 0 : i32
        %scatter3A_637 = tpu.memref_slice %arg9[%scatter3A_634, %scatter3A_635, %scatter3A_636] : memref<2x64x128xf32, #tpu.memory_space<vmem>> -> memref<1x64x128xf32, #tpu.memory_space<vmem>>
        %scatter3A_638 = tpu.memref_squeeze %scatter3A_637 : memref<1x64x128xf32, #tpu.memory_space<vmem>> -> memref<64x128xf32, #tpu.memory_space<vmem>>
        tpu.vector_store_idx %scatter3A_638[%and3A_554, %add3A_272], %gather3A_633 : memref<64x128xf32, #tpu.memory_space<vmem>>[vector<16xi32>, vector<16xi32>], vector<16xf32>,
        %add3A_639 = arith.addi %get3A_307, %and3A_554 : vector<16xi32>
        %gather3A_640 = arith.constant 0 : i32
        %gather3A_641 = arith.constant 0 : i32
        %gather3A_642 = arith.constant 0 : i32
        %gather3A_643 = tpu.memref_slice %arg8[%gather3A_640, %gather3A_641, %gather3A_642] : memref<2x128x128xf32, #tpu.memory_space<vmem>> -> memref<1x128x128xf32, #tpu.memory_space<vmem>>
        %gather3A_644 = tpu.memref_squeeze %gather3A_643 : memref<1x128x128xf32, #tpu.memory_space<vmem>> -> memref<128x128xf32, #tpu.memory_space<vmem>>
        %gather3A_645 = tpu.vector_load_idx %gather3A_644[%add3A_275, %add3A_639] : memref<128x128xf32, #tpu.memory_space<vmem>>[vector<16xi32>, vector<16xi32>], vector<16xf32>,
        %scatter3A_646 = arith.constant 0 : i32
        %scatter3A_647 = arith.constant 0 : i32
        %scatter3A_648 = arith.constant 0 : i32
        %scatter3A_649 = tpu.memref_slice %arg9[%scatter3A_646, %scatter3A_647, %scatter3A_648] : memref<2x64x128xf32, #tpu.memory_space<vmem>> -> memref<1x64x128xf32, #tpu.memory_space<vmem>>
        %scatter3A_650 = tpu.memref_squeeze %scatter3A_649 : memref<1x64x128xf32, #tpu.memory_space<vmem>> -> memref<64x128xf32, #tpu.memory_space<vmem>>
        tpu.vector_store_idx %scatter3A_650[%and3A_554, %add3A_275], %gather3A_645 : memref<64x128xf32, #tpu.memory_space<vmem>>[vector<16xi32>, vector<16xi32>], vector<16xf32>,
        %scan3A_651 = arith.constant 2 : i32
        %scan3A_652 = arith.addi %scan3A_440, %scan3A_651 : i32
        %mul3A_653 = arith.constant 1 : i32
        %mul3A_654 = arith.muli %scan3A_652, %mul3A_653 : i32
        %add3A_655 = arith.constant 0 : i32
        %add3A_656 = arith.addi %add3A_655, %mul3A_654 : i32
        %add3A_657 = vector.broadcast %add3A_656 : i32 to vector<16xi32>
        %add3A_658 = arith.addi %iota3A, %add3A_657 : vector<16xi32>
        %and3A_659 = arith.constant 63 : i32
        %and3A_660 = vector.broadcast %and3A_659 : i32 to vector<16xi32>
        %and3A_661 = arith.andi %add3A_658, %and3A_660 : vector<16xi32>
        %add3A_662 = arith.addi %get3A_279, %and3A_661 : vector<16xi32>
        %gather3A_663 = arith.constant 0 : i32
        %gather3A_664 = arith.constant 0 : i32
        %gather3A_665 = arith.constant 0 : i32
        %gather3A_666 = tpu.memref_slice %arg8[%gather3A_663, %gather3A_664, %gather3A_665] : memref<2x128x128xf32, #tpu.memory_space<vmem>> -> memref<1x128x128xf32, #tpu.memory_space<vmem>>
        %gather3A_667 = tpu.memref_squeeze %gather3A_666 : memref<1x128x128xf32, #tpu.memory_space<vmem>> -> memref<128x128xf32, #tpu.memory_space<vmem>>
        %gather3A_668 = tpu.vector_load_idx %gather3A_667[%add3A_254, %add3A_662] : memref<128x128xf32, #tpu.memory_space<vmem>>[vector<16xi32>, vector<16xi32>], vector<16xf32>,
        %scatter3A_669 = arith.constant 0 : i32
        %scatter3A_670 = arith.constant 0 : i32
        %scatter3A_671 = arith.constant 0 : i32
        %scatter3A_672 = tpu.memref_slice %arg9[%scatter3A_669, %scatter3A_670, %scatter3A_671] : memref<2x64x128xf32, #tpu.memory_space<vmem>> -> memref<1x64x128xf32, #tpu.memory_space<vmem>>
        %scatter3A_673 = tpu.memref_squeeze %scatter3A_672 : memref<1x64x128xf32, #tpu.memory_space<vmem>> -> memref<64x128xf32, #tpu.memory_space<vmem>>
        tpu.vector_store_idx %scatter3A_673[%and3A_661, %add3A_254], %gather3A_668 : memref<64x128xf32, #tpu.memory_space<vmem>>[vector<16xi32>, vector<16xi32>], vector<16xf32>,
        %add3A_674 = arith.addi %get3A_283, %and3A_661 : vector<16xi32>
        %gather3A_675 = arith.constant 0 : i32
        %gather3A_676 = arith.constant 0 : i32
        %gather3A_677 = arith.constant 0 : i32
        %gather3A_678 = tpu.memref_slice %arg8[%gather3A_675, %gather3A_676, %gather3A_677] : memref<2x128x128xf32, #tpu.memory_space<vmem>> -> memref<1x128x128xf32, #tpu.memory_space<vmem>>
        %gather3A_679 = tpu.memref_squeeze %gather3A_678 : memref<1x128x128xf32, #tpu.memory_space<vmem>> -> memref<128x128xf32, #tpu.memory_space<vmem>>
        %gather3A_680 = tpu.vector_load_idx %gather3A_679[%add3A_257, %add3A_674] : memref<128x128xf32, #tpu.memory_space<vmem>>[vector<16xi32>, vector<16xi32>], vector<16xf32>,
        %scatter3A_681 = arith.constant 0 : i32
        %scatter3A_682 = arith.constant 0 : i32
        %scatter3A_683 = arith.constant 0 : i32
        %scatter3A_684 = tpu.memref_slice %arg9[%scatter3A_681, %scatter3A_682, %scatter3A_683] : memref<2x64x128xf32, #tpu.memory_space<vmem>> -> memref<1x64x128xf32, #tpu.memory_space<vmem>>
        %scatter3A_685 = tpu.memref_squeeze %scatter3A_684 : memref<1x64x128xf32, #tpu.memory_space<vmem>> -> memref<64x128xf32, #tpu.memory_space<vmem>>
        tpu.vector_store_idx %scatter3A_685[%and3A_661, %add3A_257], %gather3A_680 : memref<64x128xf32, #tpu.memory_space<vmem>>[vector<16xi32>, vector<16xi32>], vector<16xf32>,
        %add3A_686 = arith.addi %get3A_287, %and3A_661 : vector<16xi32>
        %gather3A_687 = arith.constant 0 : i32
        %gather3A_688 = arith.constant 0 : i32
        %gather3A_689 = arith.constant 0 : i32
        %gather3A_690 = tpu.memref_slice %arg8[%gather3A_687, %gather3A_688, %gather3A_689] : memref<2x128x128xf32, #tpu.memory_space<vmem>> -> memref<1x128x128xf32, #tpu.memory_space<vmem>>
        %gather3A_691 = tpu.memref_squeeze %gather3A_690 : memref<1x128x128xf32, #tpu.memory_space<vmem>> -> memref<128x128xf32, #tpu.memory_space<vmem>>
        %gather3A_692 = tpu.vector_load_idx %gather3A_691[%add3A_260, %add3A_686] : memref<128x128xf32, #tpu.memory_space<vmem>>[vector<16xi32>, vector<16xi32>], vector<16xf32>,
        %scatter3A_693 = arith.constant 0 : i32
        %scatter3A_694 = arith.constant 0 : i32
        %scatter3A_695 = arith.constant 0 : i32
        %scatter3A_696 = tpu.memref_slice %arg9[%scatter3A_693, %scatter3A_694, %scatter3A_695] : memref<2x64x128xf32, #tpu.memory_space<vmem>> -> memref<1x64x128xf32, #tpu.memory_space<vmem>>
        %scatter3A_697 = tpu.memref_squeeze %scatter3A_696 : memref<1x64x128xf32, #tpu.memory_space<vmem>> -> memref<64x128xf32, #tpu.memory_space<vmem>>
        tpu.vector_store_idx %scatter3A_697[%and3A_661, %add3A_260], %gather3A_692 : memref<64x128xf32, #tpu.memory_space<vmem>>[vector<16xi32>, vector<16xi32>], vector<16xf32>,
        %add3A_698 = arith.addi %get3A_291, %and3A_661 : vector<16xi32>
        %gather3A_699 = arith.constant 0 : i32
        %gather3A_700 = arith.constant 0 : i32
        %gather3A_701 = arith.constant 0 : i32
        %gather3A_702 = tpu.memref_slice %arg8[%gather3A_699, %gather3A_700, %gather3A_701] : memref<2x128x128xf32, #tpu.memory_space<vmem>> -> memref<1x128x128xf32, #tpu.memory_space<vmem>>
        %gather3A_703 = tpu.memref_squeeze %gather3A_702 : memref<1x128x128xf32, #tpu.memory_space<vmem>> -> memref<128x128xf32, #tpu.memory_space<vmem>>
        %gather3A_704 = tpu.vector_load_idx %gather3A_703[%add3A_263, %add3A_698] : memref<128x128xf32, #tpu.memory_space<vmem>>[vector<16xi32>, vector<16xi32>], vector<16xf32>,
        %scatter3A_705 = arith.constant 0 : i32
        %scatter3A_706 = arith.constant 0 : i32
        %scatter3A_707 = arith.constant 0 : i32
        %scatter3A_708 = tpu.memref_slice %arg9[%scatter3A_705, %scatter3A_706, %scatter3A_707] : memref<2x64x128xf32, #tpu.memory_space<vmem>> -> memref<1x64x128xf32, #tpu.memory_space<vmem>>
        %scatter3A_709 = tpu.memref_squeeze %scatter3A_708 : memref<1x64x128xf32, #tpu.memory_space<vmem>> -> memref<64x128xf32, #tpu.memory_space<vmem>>
        tpu.vector_store_idx %scatter3A_709[%and3A_661, %add3A_263], %gather3A_704 : memref<64x128xf32, #tpu.memory_space<vmem>>[vector<16xi32>, vector<16xi32>], vector<16xf32>,
        %add3A_710 = arith.addi %get3A_295, %and3A_661 : vector<16xi32>
        %gather3A_711 = arith.constant 0 : i32
        %gather3A_712 = arith.constant 0 : i32
        %gather3A_713 = arith.constant 0 : i32
        %gather3A_714 = tpu.memref_slice %arg8[%gather3A_711, %gather3A_712, %gather3A_713] : memref<2x128x128xf32, #tpu.memory_space<vmem>> -> memref<1x128x128xf32, #tpu.memory_space<vmem>>
        %gather3A_715 = tpu.memref_squeeze %gather3A_714 : memref<1x128x128xf32, #tpu.memory_space<vmem>> -> memref<128x128xf32, #tpu.memory_space<vmem>>
        %gather3A_716 = tpu.vector_load_idx %gather3A_715[%add3A_266, %add3A_710] : memref<128x128xf32, #tpu.memory_space<vmem>>[vector<16xi32>, vector<16xi32>], vector<16xf32>,
        %scatter3A_717 = arith.constant 0 : i32
        %scatter3A_718 = arith.constant 0 : i32
        %scatter3A_719 = arith.constant 0 : i32
        %scatter3A_720 = tpu.memref_slice %arg9[%scatter3A_717, %scatter3A_718, %scatter3A_719] : memref<2x64x128xf32, #tpu.memory_space<vmem>> -> memref<1x64x128xf32, #tpu.memory_space<vmem>>
        %scatter3A_721 = tpu.memref_squeeze %scatter3A_720 : memref<1x64x128xf32, #tpu.memory_space<vmem>> -> memref<64x128xf32, #tpu.memory_space<vmem>>
        tpu.vector_store_idx %scatter3A_721[%and3A_661, %add3A_266], %gather3A_716 : memref<64x128xf32, #tpu.memory_space<vmem>>[vector<16xi32>, vector<16xi32>], vector<16xf32>,
        %add3A_722 = arith.addi %get3A_299, %and3A_661 : vector<16xi32>
        %gather3A_723 = arith.constant 0 : i32
        %gather3A_724 = arith.constant 0 : i32
        %gather3A_725 = arith.constant 0 : i32
        %gather3A_726 = tpu.memref_slice %arg8[%gather3A_723, %gather3A_724, %gather3A_725] : memref<2x128x128xf32, #tpu.memory_space<vmem>> -> memref<1x128x128xf32, #tpu.memory_space<vmem>>
        %gather3A_727 = tpu.memref_squeeze %gather3A_726 : memref<1x128x128xf32, #tpu.memory_space<vmem>> -> memref<128x128xf32, #tpu.memory_space<vmem>>
        %gather3A_728 = tpu.vector_load_idx %gather3A_727[%add3A_269, %add3A_722] : memref<128x128xf32, #tpu.memory_space<vmem>>[vector<16xi32>, vector<16xi32>], vector<16xf32>,
        %scatter3A_729 = arith.constant 0 : i32
        %scatter3A_730 = arith.constant 0 : i32
        %scatter3A_731 = arith.constant 0 : i32
        %scatter3A_732 = tpu.memref_slice %arg9[%scatter3A_729, %scatter3A_730, %scatter3A_731] : memref<2x64x128xf32, #tpu.memory_space<vmem>> -> memref<1x64x128xf32, #tpu.memory_space<vmem>>
        %scatter3A_733 = tpu.memref_squeeze %scatter3A_732 : memref<1x64x128xf32, #tpu.memory_space<vmem>> -> memref<64x128xf32, #tpu.memory_space<vmem>>
        tpu.vector_store_idx %scatter3A_733[%and3A_661, %add3A_269], %gather3A_728 : memref<64x128xf32, #tpu.memory_space<vmem>>[vector<16xi32>, vector<16xi32>], vector<16xf32>,
        %add3A_734 = arith.addi %get3A_303, %and3A_661 : vector<16xi32>
        %gather3A_735 = arith.constant 0 : i32
        %gather3A_736 = arith.constant 0 : i32
        %gather3A_737 = arith.constant 0 : i32
        %gather3A_738 = tpu.memref_slice %arg8[%gather3A_735, %gather3A_736, %gather3A_737] : memref<2x128x128xf32, #tpu.memory_space<vmem>> -> memref<1x128x128xf32, #tpu.memory_space<vmem>>
        %gather3A_739 = tpu.memref_squeeze %gather3A_738 : memref<1x128x128xf32, #tpu.memory_space<vmem>> -> memref<128x128xf32, #tpu.memory_space<vmem>>
        %gather3A_740 = tpu.vector_load_idx %gather3A_739[%add3A_272, %add3A_734] : memref<128x128xf32, #tpu.memory_space<vmem>>[vector<16xi32>, vector<16xi32>], vector<16xf32>,
        %scatter3A_741 = arith.constant 0 : i32
        %scatter3A_742 = arith.constant 0 : i32
        %scatter3A_743 = arith.constant 0 : i32
        %scatter3A_744 = tpu.memref_slice %arg9[%scatter3A_741, %scatter3A_742, %scatter3A_743] : memref<2x64x128xf32, #tpu.memory_space<vmem>> -> memref<1x64x128xf32, #tpu.memory_space<vmem>>
        %scatter3A_745 = tpu.memref_squeeze %scatter3A_744 : memref<1x64x128xf32, #tpu.memory_space<vmem>> -> memref<64x128xf32, #tpu.memory_space<vmem>>
        tpu.vector_store_idx %scatter3A_745[%and3A_661, %add3A_272], %gather3A_740 : memref<64x128xf32, #tpu.memory_space<vmem>>[vector<16xi32>, vector<16xi32>], vector<16xf32>,
        %add3A_746 = arith.addi %get3A_307, %and3A_661 : vector<16xi32>
        %gather3A_747 = arith.constant 0 : i32
        %gather3A_748 = arith.constant 0 : i32
        %gather3A_749 = arith.constant 0 : i32
        %gather3A_750 = tpu.memref_slice %arg8[%gather3A_747, %gather3A_748, %gather3A_749] : memref<2x128x128xf32, #tpu.memory_space<vmem>> -> memref<1x128x128xf32, #tpu.memory_space<vmem>>
        %gather3A_751 = tpu.memref_squeeze %gather3A_750 : memref<1x128x128xf32, #tpu.memory_space<vmem>> -> memref<128x128xf32, #tpu.memory_space<vmem>>
        %gather3A_752 = tpu.vector_load_idx %gather3A_751[%add3A_275, %add3A_746] : memref<128x128xf32, #tpu.memory_space<vmem>>[vector<16xi32>, vector<16xi32>], vector<16xf32>,
        %scatter3A_753 = arith.constant 0 : i32
        %scatter3A_754 = arith.constant 0 : i32
        %scatter3A_755 = arith.constant 0 : i32
        %scatter3A_756 = tpu.memref_slice %arg9[%scatter3A_753, %scatter3A_754, %scatter3A_755] : memref<2x64x128xf32, #tpu.memory_space<vmem>> -> memref<1x64x128xf32, #tpu.memory_space<vmem>>
        %scatter3A_757 = tpu.memref_squeeze %scatter3A_756 : memref<1x64x128xf32, #tpu.memory_space<vmem>> -> memref<64x128xf32, #tpu.memory_space<vmem>>
        tpu.vector_store_idx %scatter3A_757[%and3A_661, %add3A_275], %gather3A_752 : memref<64x128xf32, #tpu.memory_space<vmem>>[vector<16xi32>, vector<16xi32>], vector<16xf32>,
        %scan3A_758 = arith.constant 3 : i32
        %scan3A_759 = arith.addi %scan3A_440, %scan3A_758 : i32
        %mul3A_760 = arith.constant 1 : i32
        %mul3A_761 = arith.muli %scan3A_759, %mul3A_760 : i32
        %add3A_762 = arith.constant 0 : i32
        %add3A_763 = arith.addi %add3A_762, %mul3A_761 : i32
        %add3A_764 = vector.broadcast %add3A_763 : i32 to vector<16xi32>
        %add3A_765 = arith.addi %iota3A, %add3A_764 : vector<16xi32>
        %and3A_766 = arith.constant 63 : i32
        %and3A_767 = vector.broadcast %and3A_766 : i32 to vector<16xi32>
        %and3A_768 = arith.andi %add3A_765, %and3A_767 : vector<16xi32>
        %add3A_769 = arith.addi %get3A_279, %and3A_768 : vector<16xi32>
        %gather3A_770 = arith.constant 0 : i32
        %gather3A_771 = arith.constant 0 : i32
        %gather3A_772 = arith.constant 0 : i32
        %gather3A_773 = tpu.memref_slice %arg8[%gather3A_770, %gather3A_771, %gather3A_772] : memref<2x128x128xf32, #tpu.memory_space<vmem>> -> memref<1x128x128xf32, #tpu.memory_space<vmem>>
        %gather3A_774 = tpu.memref_squeeze %gather3A_773 : memref<1x128x128xf32, #tpu.memory_space<vmem>> -> memref<128x128xf32, #tpu.memory_space<vmem>>
        %gather3A_775 = tpu.vector_load_idx %gather3A_774[%add3A_254, %add3A_769] : memref<128x128xf32, #tpu.memory_space<vmem>>[vector<16xi32>, vector<16xi32>], vector<16xf32>,
        %scatter3A_776 = arith.constant 0 : i32
        %scatter3A_777 = arith.constant 0 : i32
        %scatter3A_778 = arith.constant 0 : i32
        %scatter3A_779 = tpu.memref_slice %arg9[%scatter3A_776, %scatter3A_777, %scatter3A_778] : memref<2x64x128xf32, #tpu.memory_space<vmem>> -> memref<1x64x128xf32, #tpu.memory_space<vmem>>
        %scatter3A_780 = tpu.memref_squeeze %scatter3A_779 : memref<1x64x128xf32, #tpu.memory_space<vmem>> -> memref<64x128xf32, #tpu.memory_space<vmem>>
        tpu.vector_store_idx %scatter3A_780[%and3A_768, %add3A_254], %gather3A_775 : memref<64x128xf32, #tpu.memory_space<vmem>>[vector<16xi32>, vector<16xi32>], vector<16xf32>,
        %add3A_781 = arith.addi %get3A_283, %and3A_768 : vector<16xi32>
        %gather3A_782 = arith.constant 0 : i32
        %gather3A_783 = arith.constant 0 : i32
        %gather3A_784 = arith.constant 0 : i32
        %gather3A_785 = tpu.memref_slice %arg8[%gather3A_782, %gather3A_783, %gather3A_784] : memref<2x128x128xf32, #tpu.memory_space<vmem>> -> memref<1x128x128xf32, #tpu.memory_space<vmem>>
        %gather3A_786 = tpu.memref_squeeze %gather3A_785 : memref<1x128x128xf32, #tpu.memory_space<vmem>> -> memref<128x128xf32, #tpu.memory_space<vmem>>
        %gather3A_787 = tpu.vector_load_idx %gather3A_786[%add3A_257, %add3A_781] : memref<128x128xf32, #tpu.memory_space<vmem>>[vector<16xi32>, vector<16xi32>], vector<16xf32>,
        %scatter3A_788 = arith.constant 0 : i32
        %scatter3A_789 = arith.constant 0 : i32
        %scatter3A_790 = arith.constant 0 : i32
        %scatter3A_791 = tpu.memref_slice %arg9[%scatter3A_788, %scatter3A_789, %scatter3A_790] : memref<2x64x128xf32, #tpu.memory_space<vmem>> -> memref<1x64x128xf32, #tpu.memory_space<vmem>>
        %scatter3A_792 = tpu.memref_squeeze %scatter3A_791 : memref<1x64x128xf32, #tpu.memory_space<vmem>> -> memref<64x128xf32, #tpu.memory_space<vmem>>
        tpu.vector_store_idx %scatter3A_792[%and3A_768, %add3A_257], %gather3A_787 : memref<64x128xf32, #tpu.memory_space<vmem>>[vector<16xi32>, vector<16xi32>], vector<16xf32>,
        %add3A_793 = arith.addi %get3A_287, %and3A_768 : vector<16xi32>
        %gather3A_794 = arith.constant 0 : i32
        %gather3A_795 = arith.constant 0 : i32
        %gather3A_796 = arith.constant 0 : i32
        %gather3A_797 = tpu.memref_slice %arg8[%gather3A_794, %gather3A_795, %gather3A_796] : memref<2x128x128xf32, #tpu.memory_space<vmem>> -> memref<1x128x128xf32, #tpu.memory_space<vmem>>
        %gather3A_798 = tpu.memref_squeeze %gather3A_797 : memref<1x128x128xf32, #tpu.memory_space<vmem>> -> memref<128x128xf32, #tpu.memory_space<vmem>>
        %gather3A_799 = tpu.vector_load_idx %gather3A_798[%add3A_260, %add3A_793] : memref<128x128xf32, #tpu.memory_space<vmem>>[vector<16xi32>, vector<16xi32>], vector<16xf32>,
        %scatter3A_800 = arith.constant 0 : i32
        %scatter3A_801 = arith.constant 0 : i32
        %scatter3A_802 = arith.constant 0 : i32
        %scatter3A_803 = tpu.memref_slice %arg9[%scatter3A_800, %scatter3A_801, %scatter3A_802] : memref<2x64x128xf32, #tpu.memory_space<vmem>> -> memref<1x64x128xf32, #tpu.memory_space<vmem>>
        %scatter3A_804 = tpu.memref_squeeze %scatter3A_803 : memref<1x64x128xf32, #tpu.memory_space<vmem>> -> memref<64x128xf32, #tpu.memory_space<vmem>>
        tpu.vector_store_idx %scatter3A_804[%and3A_768, %add3A_260], %gather3A_799 : memref<64x128xf32, #tpu.memory_space<vmem>>[vector<16xi32>, vector<16xi32>], vector<16xf32>,
        %add3A_805 = arith.addi %get3A_291, %and3A_768 : vector<16xi32>
        %gather3A_806 = arith.constant 0 : i32
        %gather3A_807 = arith.constant 0 : i32
        %gather3A_808 = arith.constant 0 : i32
        %gather3A_809 = tpu.memref_slice %arg8[%gather3A_806, %gather3A_807, %gather3A_808] : memref<2x128x128xf32, #tpu.memory_space<vmem>> -> memref<1x128x128xf32, #tpu.memory_space<vmem>>
        %gather3A_810 = tpu.memref_squeeze %gather3A_809 : memref<1x128x128xf32, #tpu.memory_space<vmem>> -> memref<128x128xf32, #tpu.memory_space<vmem>>
        %gather3A_811 = tpu.vector_load_idx %gather3A_810[%add3A_263, %add3A_805] : memref<128x128xf32, #tpu.memory_space<vmem>>[vector<16xi32>, vector<16xi32>], vector<16xf32>,
        %scatter3A_812 = arith.constant 0 : i32
        %scatter3A_813 = arith.constant 0 : i32
        %scatter3A_814 = arith.constant 0 : i32
        %scatter3A_815 = tpu.memref_slice %arg9[%scatter3A_812, %scatter3A_813, %scatter3A_814] : memref<2x64x128xf32, #tpu.memory_space<vmem>> -> memref<1x64x128xf32, #tpu.memory_space<vmem>>
        %scatter3A_816 = tpu.memref_squeeze %scatter3A_815 : memref<1x64x128xf32, #tpu.memory_space<vmem>> -> memref<64x128xf32, #tpu.memory_space<vmem>>
        tpu.vector_store_idx %scatter3A_816[%and3A_768, %add3A_263], %gather3A_811 : memref<64x128xf32, #tpu.memory_space<vmem>>[vector<16xi32>, vector<16xi32>], vector<16xf32>,
        %add3A_817 = arith.addi %get3A_295, %and3A_768 : vector<16xi32>
        %gather3A_818 = arith.constant 0 : i32
        %gather3A_819 = arith.constant 0 : i32
        %gather3A_820 = arith.constant 0 : i32
        %gather3A_821 = tpu.memref_slice %arg8[%gather3A_818, %gather3A_819, %gather3A_820] : memref<2x128x128xf32, #tpu.memory_space<vmem>> -> memref<1x128x128xf32, #tpu.memory_space<vmem>>
        %gather3A_822 = tpu.memref_squeeze %gather3A_821 : memref<1x128x128xf32, #tpu.memory_space<vmem>> -> memref<128x128xf32, #tpu.memory_space<vmem>>
        %gather3A_823 = tpu.vector_load_idx %gather3A_822[%add3A_266, %add3A_817] : memref<128x128xf32, #tpu.memory_space<vmem>>[vector<16xi32>, vector<16xi32>], vector<16xf32>,
        %scatter3A_824 = arith.constant 0 : i32
        %scatter3A_825 = arith.constant 0 : i32
        %scatter3A_826 = arith.constant 0 : i32
        %scatter3A_827 = tpu.memref_slice %arg9[%scatter3A_824, %scatter3A_825, %scatter3A_826] : memref<2x64x128xf32, #tpu.memory_space<vmem>> -> memref<1x64x128xf32, #tpu.memory_space<vmem>>
        %scatter3A_828 = tpu.memref_squeeze %scatter3A_827 : memref<1x64x128xf32, #tpu.memory_space<vmem>> -> memref<64x128xf32, #tpu.memory_space<vmem>>
        tpu.vector_store_idx %scatter3A_828[%and3A_768, %add3A_266], %gather3A_823 : memref<64x128xf32, #tpu.memory_space<vmem>>[vector<16xi32>, vector<16xi32>], vector<16xf32>,
        %add3A_829 = arith.addi %get3A_299, %and3A_768 : vector<16xi32>
        %gather3A_830 = arith.constant 0 : i32
        %gather3A_831 = arith.constant 0 : i32
        %gather3A_832 = arith.constant 0 : i32
        %gather3A_833 = tpu.memref_slice %arg8[%gather3A_830, %gather3A_831, %gather3A_832] : memref<2x128x128xf32, #tpu.memory_space<vmem>> -> memref<1x128x128xf32, #tpu.memory_space<vmem>>
        %gather3A_834 = tpu.memref_squeeze %gather3A_833 : memref<1x128x128xf32, #tpu.memory_space<vmem>> -> memref<128x128xf32, #tpu.memory_space<vmem>>
        %gather3A_835 = tpu.vector_load_idx %gather3A_834[%add3A_269, %add3A_829] : memref<128x128xf32, #tpu.memory_space<vmem>>[vector<16xi32>, vector<16xi32>], vector<16xf32>,
        %scatter3A_836 = arith.constant 0 : i32
        %scatter3A_837 = arith.constant 0 : i32
        %scatter3A_838 = arith.constant 0 : i32
        %scatter3A_839 = tpu.memref_slice %arg9[%scatter3A_836, %scatter3A_837, %scatter3A_838] : memref<2x64x128xf32, #tpu.memory_space<vmem>> -> memref<1x64x128xf32, #tpu.memory_space<vmem>>
        %scatter3A_840 = tpu.memref_squeeze %scatter3A_839 : memref<1x64x128xf32, #tpu.memory_space<vmem>> -> memref<64x128xf32, #tpu.memory_space<vmem>>
        tpu.vector_store_idx %scatter3A_840[%and3A_768, %add3A_269], %gather3A_835 : memref<64x128xf32, #tpu.memory_space<vmem>>[vector<16xi32>, vector<16xi32>], vector<16xf32>,
        %add3A_841 = arith.addi %get3A_303, %and3A_768 : vector<16xi32>
        %gather3A_842 = arith.constant 0 : i32
        %gather3A_843 = arith.constant 0 : i32
        %gather3A_844 = arith.constant 0 : i32
        %gather3A_845 = tpu.memref_slice %arg8[%gather3A_842, %gather3A_843, %gather3A_844] : memref<2x128x128xf32, #tpu.memory_space<vmem>> -> memref<1x128x128xf32, #tpu.memory_space<vmem>>
        %gather3A_846 = tpu.memref_squeeze %gather3A_845 : memref<1x128x128xf32, #tpu.memory_space<vmem>> -> memref<128x128xf32, #tpu.memory_space<vmem>>
        %gather3A_847 = tpu.vector_load_idx %gather3A_846[%add3A_272, %add3A_841] : memref<128x128xf32, #tpu.memory_space<vmem>>[vector<16xi32>, vector<16xi32>], vector<16xf32>,
        %scatter3A_848 = arith.constant 0 : i32
        %scatter3A_849 = arith.constant 0 : i32
        %scatter3A_850 = arith.constant 0 : i32
        %scatter3A_851 = tpu.memref_slice %arg9[%scatter3A_848, %scatter3A_849, %scatter3A_850] : memref<2x64x128xf32, #tpu.memory_space<vmem>> -> memref<1x64x128xf32, #tpu.memory_space<vmem>>
        %scatter3A_852 = tpu.memref_squeeze %scatter3A_851 : memref<1x64x128xf32, #tpu.memory_space<vmem>> -> memref<64x128xf32, #tpu.memory_space<vmem>>
        tpu.vector_store_idx %scatter3A_852[%and3A_768, %add3A_272], %gather3A_847 : memref<64x128xf32, #tpu.memory_space<vmem>>[vector<16xi32>, vector<16xi32>], vector<16xf32>,
        %add3A_853 = arith.addi %get3A_307, %and3A_768 : vector<16xi32>
        %gather3A_854 = arith.constant 0 : i32
        %gather3A_855 = arith.constant 0 : i32
        %gather3A_856 = arith.constant 0 : i32
        %gather3A_857 = tpu.memref_slice %arg8[%gather3A_854, %gather3A_855, %gather3A_856] : memref<2x128x128xf32, #tpu.memory_space<vmem>> -> memref<1x128x128xf32, #tpu.memory_space<vmem>>
        %gather3A_858 = tpu.memref_squeeze %gather3A_857 : memref<1x128x128xf32, #tpu.memory_space<vmem>> -> memref<128x128xf32, #tpu.memory_space<vmem>>
        %gather3A_859 = tpu.vector_load_idx %gather3A_858[%add3A_275, %add3A_853] : memref<128x128xf32, #tpu.memory_space<vmem>>[vector<16xi32>, vector<16xi32>], vector<16xf32>,
        %scatter3A_860 = arith.constant 0 : i32
        %scatter3A_861 = arith.constant 0 : i32
        %scatter3A_862 = arith.constant 0 : i32
        %scatter3A_863 = tpu.memref_slice %arg9[%scatter3A_860, %scatter3A_861, %scatter3A_862] : memref<2x64x128xf32, #tpu.memory_space<vmem>> -> memref<1x64x128xf32, #tpu.memory_space<vmem>>
        %scatter3A_864 = tpu.memref_squeeze %scatter3A_863 : memref<1x64x128xf32, #tpu.memory_space<vmem>> -> memref<64x128xf32, #tpu.memory_space<vmem>>
        tpu.vector_store_idx %scatter3A_864[%and3A_768, %add3A_275], %gather3A_859 : memref<64x128xf32, #tpu.memory_space<vmem>>[vector<16xi32>, vector<16xi32>], vector<16xf32>,
        %scan3A_865 = arith.constant 4 : i32
        %scan3A_866 = arith.addi %scan3A_440, %scan3A_865 : i32
        %mul3A_867 = arith.constant 1 : i32
        %mul3A_868 = arith.muli %scan3A_866, %mul3A_867 : i32
        %add3A_869 = arith.constant 0 : i32
        %add3A_870 = arith.addi %add3A_869, %mul3A_868 : i32
        %add3A_871 = vector.broadcast %add3A_870 : i32 to vector<16xi32>
        %add3A_872 = arith.addi %iota3A, %add3A_871 : vector<16xi32>
        %and3A_873 = arith.constant 63 : i32
        %and3A_874 = vector.broadcast %and3A_873 : i32 to vector<16xi32>
        %and3A_875 = arith.andi %add3A_872, %and3A_874 : vector<16xi32>
        %add3A_876 = arith.addi %get3A_279, %and3A_875 : vector<16xi32>
        %gather3A_877 = arith.constant 0 : i32
        %gather3A_878 = arith.constant 0 : i32
        %gather3A_879 = arith.constant 0 : i32
        %gather3A_880 = tpu.memref_slice %arg8[%gather3A_877, %gather3A_878, %gather3A_879] : memref<2x128x128xf32, #tpu.memory_space<vmem>> -> memref<1x128x128xf32, #tpu.memory_space<vmem>>
        %gather3A_881 = tpu.memref_squeeze %gather3A_880 : memref<1x128x128xf32, #tpu.memory_space<vmem>> -> memref<128x128xf32, #tpu.memory_space<vmem>>
        %gather3A_882 = tpu.vector_load_idx %gather3A_881[%add3A_254, %add3A_876] : memref<128x128xf32, #tpu.memory_space<vmem>>[vector<16xi32>, vector<16xi32>], vector<16xf32>,
        %scatter3A_883 = arith.constant 0 : i32
        %scatter3A_884 = arith.constant 0 : i32
        %scatter3A_885 = arith.constant 0 : i32
        %scatter3A_886 = tpu.memref_slice %arg9[%scatter3A_883, %scatter3A_884, %scatter3A_885] : memref<2x64x128xf32, #tpu.memory_space<vmem>> -> memref<1x64x128xf32, #tpu.memory_space<vmem>>
        %scatter3A_887 = tpu.memref_squeeze %scatter3A_886 : memref<1x64x128xf32, #tpu.memory_space<vmem>> -> memref<64x128xf32, #tpu.memory_space<vmem>>
        tpu.vector_store_idx %scatter3A_887[%and3A_875, %add3A_254], %gather3A_882 : memref<64x128xf32, #tpu.memory_space<vmem>>[vector<16xi32>, vector<16xi32>], vector<16xf32>,
        %add3A_888 = arith.addi %get3A_283, %and3A_875 : vector<16xi32>
        %gather3A_889 = arith.constant 0 : i32
        %gather3A_890 = arith.constant 0 : i32
        %gather3A_891 = arith.constant 0 : i32
        %gather3A_892 = tpu.memref_slice %arg8[%gather3A_889, %gather3A_890, %gather3A_891] : memref<2x128x128xf32, #tpu.memory_space<vmem>> -> memref<1x128x128xf32, #tpu.memory_space<vmem>>
        %gather3A_893 = tpu.memref_squeeze %gather3A_892 : memref<1x128x128xf32, #tpu.memory_space<vmem>> -> memref<128x128xf32, #tpu.memory_space<vmem>>
        %gather3A_894 = tpu.vector_load_idx %gather3A_893[%add3A_257, %add3A_888] : memref<128x128xf32, #tpu.memory_space<vmem>>[vector<16xi32>, vector<16xi32>], vector<16xf32>,
        %scatter3A_895 = arith.constant 0 : i32
        %scatter3A_896 = arith.constant 0 : i32
        %scatter3A_897 = arith.constant 0 : i32
        %scatter3A_898 = tpu.memref_slice %arg9[%scatter3A_895, %scatter3A_896, %scatter3A_897] : memref<2x64x128xf32, #tpu.memory_space<vmem>> -> memref<1x64x128xf32, #tpu.memory_space<vmem>>
        %scatter3A_899 = tpu.memref_squeeze %scatter3A_898 : memref<1x64x128xf32, #tpu.memory_space<vmem>> -> memref<64x128xf32, #tpu.memory_space<vmem>>
        tpu.vector_store_idx %scatter3A_899[%and3A_875, %add3A_257], %gather3A_894 : memref<64x128xf32, #tpu.memory_space<vmem>>[vector<16xi32>, vector<16xi32>], vector<16xf32>,
        %add3A_900 = arith.addi %get3A_287, %and3A_875 : vector<16xi32>
        %gather3A_901 = arith.constant 0 : i32
        %gather3A_902 = arith.constant 0 : i32
        %gather3A_903 = arith.constant 0 : i32
        %gather3A_904 = tpu.memref_slice %arg8[%gather3A_901, %gather3A_902, %gather3A_903] : memref<2x128x128xf32, #tpu.memory_space<vmem>> -> memref<1x128x128xf32, #tpu.memory_space<vmem>>
        %gather3A_905 = tpu.memref_squeeze %gather3A_904 : memref<1x128x128xf32, #tpu.memory_space<vmem>> -> memref<128x128xf32, #tpu.memory_space<vmem>>
        %gather3A_906 = tpu.vector_load_idx %gather3A_905[%add3A_260, %add3A_900] : memref<128x128xf32, #tpu.memory_space<vmem>>[vector<16xi32>, vector<16xi32>], vector<16xf32>,
        %scatter3A_907 = arith.constant 0 : i32
        %scatter3A_908 = arith.constant 0 : i32
        %scatter3A_909 = arith.constant 0 : i32
        %scatter3A_910 = tpu.memref_slice %arg9[%scatter3A_907, %scatter3A_908, %scatter3A_909] : memref<2x64x128xf32, #tpu.memory_space<vmem>> -> memref<1x64x128xf32, #tpu.memory_space<vmem>>
        %scatter3A_911 = tpu.memref_squeeze %scatter3A_910 : memref<1x64x128xf32, #tpu.memory_space<vmem>> -> memref<64x128xf32, #tpu.memory_space<vmem>>
        tpu.vector_store_idx %scatter3A_911[%and3A_875, %add3A_260], %gather3A_906 : memref<64x128xf32, #tpu.memory_space<vmem>>[vector<16xi32>, vector<16xi32>], vector<16xf32>,
        %add3A_912 = arith.addi %get3A_291, %and3A_875 : vector<16xi32>
        %gather3A_913 = arith.constant 0 : i32
        %gather3A_914 = arith.constant 0 : i32
        %gather3A_915 = arith.constant 0 : i32
        %gather3A_916 = tpu.memref_slice %arg8[%gather3A_913, %gather3A_914, %gather3A_915] : memref<2x128x128xf32, #tpu.memory_space<vmem>> -> memref<1x128x128xf32, #tpu.memory_space<vmem>>
        %gather3A_917 = tpu.memref_squeeze %gather3A_916 : memref<1x128x128xf32, #tpu.memory_space<vmem>> -> memref<128x128xf32, #tpu.memory_space<vmem>>
        %gather3A_918 = tpu.vector_load_idx %gather3A_917[%add3A_263, %add3A_912] : memref<128x128xf32, #tpu.memory_space<vmem>>[vector<16xi32>, vector<16xi32>], vector<16xf32>,
        %scatter3A_919 = arith.constant 0 : i32
        %scatter3A_920 = arith.constant 0 : i32
        %scatter3A_921 = arith.constant 0 : i32
        %scatter3A_922 = tpu.memref_slice %arg9[%scatter3A_919, %scatter3A_920, %scatter3A_921] : memref<2x64x128xf32, #tpu.memory_space<vmem>> -> memref<1x64x128xf32, #tpu.memory_space<vmem>>
        %scatter3A_923 = tpu.memref_squeeze %scatter3A_922 : memref<1x64x128xf32, #tpu.memory_space<vmem>> -> memref<64x128xf32, #tpu.memory_space<vmem>>
        tpu.vector_store_idx %scatter3A_923[%and3A_875, %add3A_263], %gather3A_918 : memref<64x128xf32, #tpu.memory_space<vmem>>[vector<16xi32>, vector<16xi32>], vector<16xf32>,
        %add3A_924 = arith.addi %get3A_295, %and3A_875 : vector<16xi32>
        %gather3A_925 = arith.constant 0 : i32
        %gather3A_926 = arith.constant 0 : i32
        %gather3A_927 = arith.constant 0 : i32
        %gather3A_928 = tpu.memref_slice %arg8[%gather3A_925, %gather3A_926, %gather3A_927] : memref<2x128x128xf32, #tpu.memory_space<vmem>> -> memref<1x128x128xf32, #tpu.memory_space<vmem>>
        %gather3A_929 = tpu.memref_squeeze %gather3A_928 : memref<1x128x128xf32, #tpu.memory_space<vmem>> -> memref<128x128xf32, #tpu.memory_space<vmem>>
        %gather3A_930 = tpu.vector_load_idx %gather3A_929[%add3A_266, %add3A_924] : memref<128x128xf32, #tpu.memory_space<vmem>>[vector<16xi32>, vector<16xi32>], vector<16xf32>,
        %scatter3A_931 = arith.constant 0 : i32
        %scatter3A_932 = arith.constant 0 : i32
        %scatter3A_933 = arith.constant 0 : i32
        %scatter3A_934 = tpu.memref_slice %arg9[%scatter3A_931, %scatter3A_932, %scatter3A_933] : memref<2x64x128xf32, #tpu.memory_space<vmem>> -> memref<1x64x128xf32, #tpu.memory_space<vmem>>
        %scatter3A_935 = tpu.memref_squeeze %scatter3A_934 : memref<1x64x128xf32, #tpu.memory_space<vmem>> -> memref<64x128xf32, #tpu.memory_space<vmem>>
        tpu.vector_store_idx %scatter3A_935[%and3A_875, %add3A_266], %gather3A_930 : memref<64x128xf32, #tpu.memory_space<vmem>>[vector<16xi32>, vector<16xi32>], vector<16xf32>,
        %add3A_936 = arith.addi %get3A_299, %and3A_875 : vector<16xi32>
        %gather3A_937 = arith.constant 0 : i32
        %gather3A_938 = arith.constant 0 : i32
        %gather3A_939 = arith.constant 0 : i32
        %gather3A_940 = tpu.memref_slice %arg8[%gather3A_937, %gather3A_938, %gather3A_939] : memref<2x128x128xf32, #tpu.memory_space<vmem>> -> memref<1x128x128xf32, #tpu.memory_space<vmem>>
        %gather3A_941 = tpu.memref_squeeze %gather3A_940 : memref<1x128x128xf32, #tpu.memory_space<vmem>> -> memref<128x128xf32, #tpu.memory_space<vmem>>
        %gather3A_942 = tpu.vector_load_idx %gather3A_941[%add3A_269, %add3A_936] : memref<128x128xf32, #tpu.memory_space<vmem>>[vector<16xi32>, vector<16xi32>], vector<16xf32>,
        %scatter3A_943 = arith.constant 0 : i32
        %scatter3A_944 = arith.constant 0 : i32
        %scatter3A_945 = arith.constant 0 : i32
        %scatter3A_946 = tpu.memref_slice %arg9[%scatter3A_943, %scatter3A_944, %scatter3A_945] : memref<2x64x128xf32, #tpu.memory_space<vmem>> -> memref<1x64x128xf32, #tpu.memory_space<vmem>>
        %scatter3A_947 = tpu.memref_squeeze %scatter3A_946 : memref<1x64x128xf32, #tpu.memory_space<vmem>> -> memref<64x128xf32, #tpu.memory_space<vmem>>
        tpu.vector_store_idx %scatter3A_947[%and3A_875, %add3A_269], %gather3A_942 : memref<64x128xf32, #tpu.memory_space<vmem>>[vector<16xi32>, vector<16xi32>], vector<16xf32>,
        %add3A_948 = arith.addi %get3A_303, %and3A_875 : vector<16xi32>
        %gather3A_949 = arith.constant 0 : i32
        %gather3A_950 = arith.constant 0 : i32
        %gather3A_951 = arith.constant 0 : i32
        %gather3A_952 = tpu.memref_slice %arg8[%gather3A_949, %gather3A_950, %gather3A_951] : memref<2x128x128xf32, #tpu.memory_space<vmem>> -> memref<1x128x128xf32, #tpu.memory_space<vmem>>
        %gather3A_953 = tpu.memref_squeeze %gather3A_952 : memref<1x128x128xf32, #tpu.memory_space<vmem>> -> memref<128x128xf32, #tpu.memory_space<vmem>>
        %gather3A_954 = tpu.vector_load_idx %gather3A_953[%add3A_272, %add3A_948] : memref<128x128xf32, #tpu.memory_space<vmem>>[vector<16xi32>, vector<16xi32>], vector<16xf32>,
        %scatter3A_955 = arith.constant 0 : i32
        %scatter3A_956 = arith.constant 0 : i32
        %scatter3A_957 = arith.constant 0 : i32
        %scatter3A_958 = tpu.memref_slice %arg9[%scatter3A_955, %scatter3A_956, %scatter3A_957] : memref<2x64x128xf32, #tpu.memory_space<vmem>> -> memref<1x64x128xf32, #tpu.memory_space<vmem>>
        %scatter3A_959 = tpu.memref_squeeze %scatter3A_958 : memref<1x64x128xf32, #tpu.memory_space<vmem>> -> memref<64x128xf32, #tpu.memory_space<vmem>>
        tpu.vector_store_idx %scatter3A_959[%and3A_875, %add3A_272], %gather3A_954 : memref<64x128xf32, #tpu.memory_space<vmem>>[vector<16xi32>, vector<16xi32>], vector<16xf32>,
        %add3A_960 = arith.addi %get3A_307, %and3A_875 : vector<16xi32>
        %gather3A_961 = arith.constant 0 : i32
        %gather3A_962 = arith.constant 0 : i32
        %gather3A_963 = arith.constant 0 : i32
        %gather3A_964 = tpu.memref_slice %arg8[%gather3A_961, %gather3A_962, %gather3A_963] : memref<2x128x128xf32, #tpu.memory_space<vmem>> -> memref<1x128x128xf32, #tpu.memory_space<vmem>>
        %gather3A_965 = tpu.memref_squeeze %gather3A_964 : memref<1x128x128xf32, #tpu.memory_space<vmem>> -> memref<128x128xf32, #tpu.memory_space<vmem>>
        %gather3A_966 = tpu.vector_load_idx %gather3A_965[%add3A_275, %add3A_960] : memref<128x128xf32, #tpu.memory_space<vmem>>[vector<16xi32>, vector<16xi32>], vector<16xf32>,
        %scatter3A_967 = arith.constant 0 : i32
        %scatter3A_968 = arith.constant 0 : i32
        %scatter3A_969 = arith.constant 0 : i32
        %scatter3A_970 = tpu.memref_slice %arg9[%scatter3A_967, %scatter3A_968, %scatter3A_969] : memref<2x64x128xf32, #tpu.memory_space<vmem>> -> memref<1x64x128xf32, #tpu.memory_space<vmem>>
        %scatter3A_971 = tpu.memref_squeeze %scatter3A_970 : memref<1x64x128xf32, #tpu.memory_space<vmem>> -> memref<64x128xf32, #tpu.memory_space<vmem>>
        tpu.vector_store_idx %scatter3A_971[%and3A_875, %add3A_275], %gather3A_966 : memref<64x128xf32, #tpu.memory_space<vmem>>[vector<16xi32>, vector<16xi32>], vector<16xf32>,
        %scan3A_972 = arith.constant 5 : i32
        %scan3A_973 = arith.addi %scan3A_440, %scan3A_972 : i32
        %mul3A_974 = arith.constant 1 : i32
        %mul3A_975 = arith.muli %scan3A_973, %mul3A_974 : i32
        %add3A_976 = arith.constant 0 : i32
        %add3A_977 = arith.addi %add3A_976, %mul3A_975 : i32
        %add3A_978 = vector.broadcast %add3A_977 : i32 to vector<16xi32>
        %add3A_979 = arith.addi %iota3A, %add3A_978 : vector<16xi32>
        %and3A_980 = arith.constant 63 : i32
        %and3A_981 = vector.broadcast %and3A_980 : i32 to vector<16xi32>
        %and3A_982 = arith.andi %add3A_979, %and3A_981 : vector<16xi32>
        %add3A_983 = arith.addi %get3A_279, %and3A_982 : vector<16xi32>
        %gather3A_984 = arith.constant 0 : i32
        %gather3A_985 = arith.constant 0 : i32
        %gather3A_986 = arith.constant 0 : i32
        %gather3A_987 = tpu.memref_slice %arg8[%gather3A_984, %gather3A_985, %gather3A_986] : memref<2x128x128xf32, #tpu.memory_space<vmem>> -> memref<1x128x128xf32, #tpu.memory_space<vmem>>
        %gather3A_988 = tpu.memref_squeeze %gather3A_987 : memref<1x128x128xf32, #tpu.memory_space<vmem>> -> memref<128x128xf32, #tpu.memory_space<vmem>>
        %gather3A_989 = tpu.vector_load_idx %gather3A_988[%add3A_254, %add3A_983] : memref<128x128xf32, #tpu.memory_space<vmem>>[vector<16xi32>, vector<16xi32>], vector<16xf32>,
        %scatter3A_990 = arith.constant 0 : i32
        %scatter3A_991 = arith.constant 0 : i32
        %scatter3A_992 = arith.constant 0 : i32
        %scatter3A_993 = tpu.memref_slice %arg9[%scatter3A_990, %scatter3A_991, %scatter3A_992] : memref<2x64x128xf32, #tpu.memory_space<vmem>> -> memref<1x64x128xf32, #tpu.memory_space<vmem>>
        %scatter3A_994 = tpu.memref_squeeze %scatter3A_993 : memref<1x64x128xf32, #tpu.memory_space<vmem>> -> memref<64x128xf32, #tpu.memory_space<vmem>>
        tpu.vector_store_idx %scatter3A_994[%and3A_982, %add3A_254], %gather3A_989 : memref<64x128xf32, #tpu.memory_space<vmem>>[vector<16xi32>, vector<16xi32>], vector<16xf32>,
        %add3A_995 = arith.addi %get3A_283, %and3A_982 : vector<16xi32>
        %gather3A_996 = arith.constant 0 : i32
        %gather3A_997 = arith.constant 0 : i32
        %gather3A_998 = arith.constant 0 : i32
        %gather3A_999 = tpu.memref_slice %arg8[%gather3A_996, %gather3A_997, %gather3A_998] : memref<2x128x128xf32, #tpu.memory_space<vmem>> -> memref<1x128x128xf32, #tpu.memory_space<vmem>>
        %gather3A_1000 = tpu.memref_squeeze %gather3A_999 : memref<1x128x128xf32, #tpu.memory_space<vmem>> -> memref<128x128xf32, #tpu.memory_space<vmem>>
        %gather3A_1001 = tpu.vector_load_idx %gather3A_1000[%add3A_257, %add3A_995] : memref<128x128xf32, #tpu.memory_space<vmem>>[vector<16xi32>, vector<16xi32>], vector<16xf32>,
        %scatter3A_1002 = arith.constant 0 : i32
        %scatter3A_1003 = arith.constant 0 : i32
        %scatter3A_1004 = arith.constant 0 : i32
        %scatter3A_1005 = tpu.memref_slice %arg9[%scatter3A_1002, %scatter3A_1003, %scatter3A_1004] : memref<2x64x128xf32, #tpu.memory_space<vmem>> -> memref<1x64x128xf32, #tpu.memory_space<vmem>>
        %scatter3A_1006 = tpu.memref_squeeze %scatter3A_1005 : memref<1x64x128xf32, #tpu.memory_space<vmem>> -> memref<64x128xf32, #tpu.memory_space<vmem>>
        tpu.vector_store_idx %scatter3A_1006[%and3A_982, %add3A_257], %gather3A_1001 : memref<64x128xf32, #tpu.memory_space<vmem>>[vector<16xi32>, vector<16xi32>], vector<16xf32>,
        %add3A_1007 = arith.addi %get3A_287, %and3A_982 : vector<16xi32>
        %gather3A_1008 = arith.constant 0 : i32
        %gather3A_1009 = arith.constant 0 : i32
        %gather3A_1010 = arith.constant 0 : i32
        %gather3A_1011 = tpu.memref_slice %arg8[%gather3A_1008, %gather3A_1009, %gather3A_1010] : memref<2x128x128xf32, #tpu.memory_space<vmem>> -> memref<1x128x128xf32, #tpu.memory_space<vmem>>
        %gather3A_1012 = tpu.memref_squeeze %gather3A_1011 : memref<1x128x128xf32, #tpu.memory_space<vmem>> -> memref<128x128xf32, #tpu.memory_space<vmem>>
        %gather3A_1013 = tpu.vector_load_idx %gather3A_1012[%add3A_260, %add3A_1007] : memref<128x128xf32, #tpu.memory_space<vmem>>[vector<16xi32>, vector<16xi32>], vector<16xf32>,
        %scatter3A_1014 = arith.constant 0 : i32
        %scatter3A_1015 = arith.constant 0 : i32
        %scatter3A_1016 = arith.constant 0 : i32
        %scatter3A_1017 = tpu.memref_slice %arg9[%scatter3A_1014, %scatter3A_1015, %scatter3A_1016] : memref<2x64x128xf32, #tpu.memory_space<vmem>> -> memref<1x64x128xf32, #tpu.memory_space<vmem>>
        %scatter3A_1018 = tpu.memref_squeeze %scatter3A_1017 : memref<1x64x128xf32, #tpu.memory_space<vmem>> -> memref<64x128xf32, #tpu.memory_space<vmem>>
        tpu.vector_store_idx %scatter3A_1018[%and3A_982, %add3A_260], %gather3A_1013 : memref<64x128xf32, #tpu.memory_space<vmem>>[vector<16xi32>, vector<16xi32>], vector<16xf32>,
        %add3A_1019 = arith.addi %get3A_291, %and3A_982 : vector<16xi32>
        %gather3A_1020 = arith.constant 0 : i32
        %gather3A_1021 = arith.constant 0 : i32
        %gather3A_1022 = arith.constant 0 : i32
        %gather3A_1023 = tpu.memref_slice %arg8[%gather3A_1020, %gather3A_1021, %gather3A_1022] : memref<2x128x128xf32, #tpu.memory_space<vmem>> -> memref<1x128x128xf32, #tpu.memory_space<vmem>>
        %gather3A_1024 = tpu.memref_squeeze %gather3A_1023 : memref<1x128x128xf32, #tpu.memory_space<vmem>> -> memref<128x128xf32, #tpu.memory_space<vmem>>
        %gather3A_1025 = tpu.vector_load_idx %gather3A_1024[%add3A_263, %add3A_1019] : memref<128x128xf32, #tpu.memory_space<vmem>>[vector<16xi32>, vector<16xi32>], vector<16xf32>,
        %scatter3A_1026 = arith.constant 0 : i32
        %scatter3A_1027 = arith.constant 0 : i32
        %scatter3A_1028 = arith.constant 0 : i32
        %scatter3A_1029 = tpu.memref_slice %arg9[%scatter3A_1026, %scatter3A_1027, %scatter3A_1028] : memref<2x64x128xf32, #tpu.memory_space<vmem>> -> memref<1x64x128xf32, #tpu.memory_space<vmem>>
        %scatter3A_1030 = tpu.memref_squeeze %scatter3A_1029 : memref<1x64x128xf32, #tpu.memory_space<vmem>> -> memref<64x128xf32, #tpu.memory_space<vmem>>
        tpu.vector_store_idx %scatter3A_1030[%and3A_982, %add3A_263], %gather3A_1025 : memref<64x128xf32, #tpu.memory_space<vmem>>[vector<16xi32>, vector<16xi32>], vector<16xf32>,
        %add3A_1031 = arith.addi %get3A_295, %and3A_982 : vector<16xi32>
        %gather3A_1032 = arith.constant 0 : i32
        %gather3A_1033 = arith.constant 0 : i32
        %gather3A_1034 = arith.constant 0 : i32
        %gather3A_1035 = tpu.memref_slice %arg8[%gather3A_1032, %gather3A_1033, %gather3A_1034] : memref<2x128x128xf32, #tpu.memory_space<vmem>> -> memref<1x128x128xf32, #tpu.memory_space<vmem>>
        %gather3A_1036 = tpu.memref_squeeze %gather3A_1035 : memref<1x128x128xf32, #tpu.memory_space<vmem>> -> memref<128x128xf32, #tpu.memory_space<vmem>>
        %gather3A_1037 = tpu.vector_load_idx %gather3A_1036[%add3A_266, %add3A_1031] : memref<128x128xf32, #tpu.memory_space<vmem>>[vector<16xi32>, vector<16xi32>], vector<16xf32>,
        %scatter3A_1038 = arith.constant 0 : i32
        %scatter3A_1039 = arith.constant 0 : i32
        %scatter3A_1040 = arith.constant 0 : i32
        %scatter3A_1041 = tpu.memref_slice %arg9[%scatter3A_1038, %scatter3A_1039, %scatter3A_1040] : memref<2x64x128xf32, #tpu.memory_space<vmem>> -> memref<1x64x128xf32, #tpu.memory_space<vmem>>
        %scatter3A_1042 = tpu.memref_squeeze %scatter3A_1041 : memref<1x64x128xf32, #tpu.memory_space<vmem>> -> memref<64x128xf32, #tpu.memory_space<vmem>>
        tpu.vector_store_idx %scatter3A_1042[%and3A_982, %add3A_266], %gather3A_1037 : memref<64x128xf32, #tpu.memory_space<vmem>>[vector<16xi32>, vector<16xi32>], vector<16xf32>,
        %add3A_1043 = arith.addi %get3A_299, %and3A_982 : vector<16xi32>
        %gather3A_1044 = arith.constant 0 : i32
        %gather3A_1045 = arith.constant 0 : i32
        %gather3A_1046 = arith.constant 0 : i32
        %gather3A_1047 = tpu.memref_slice %arg8[%gather3A_1044, %gather3A_1045, %gather3A_1046] : memref<2x128x128xf32, #tpu.memory_space<vmem>> -> memref<1x128x128xf32, #tpu.memory_space<vmem>>
        %gather3A_1048 = tpu.memref_squeeze %gather3A_1047 : memref<1x128x128xf32, #tpu.memory_space<vmem>> -> memref<128x128xf32, #tpu.memory_space<vmem>>
        %gather3A_1049 = tpu.vector_load_idx %gather3A_1048[%add3A_269, %add3A_1043] : memref<128x128xf32, #tpu.memory_space<vmem>>[vector<16xi32>, vector<16xi32>], vector<16xf32>,
        %scatter3A_1050 = arith.constant 0 : i32
        %scatter3A_1051 = arith.constant 0 : i32
        %scatter3A_1052 = arith.constant 0 : i32
        %scatter3A_1053 = tpu.memref_slice %arg9[%scatter3A_1050, %scatter3A_1051, %scatter3A_1052] : memref<2x64x128xf32, #tpu.memory_space<vmem>> -> memref<1x64x128xf32, #tpu.memory_space<vmem>>
        %scatter3A_1054 = tpu.memref_squeeze %scatter3A_1053 : memref<1x64x128xf32, #tpu.memory_space<vmem>> -> memref<64x128xf32, #tpu.memory_space<vmem>>
        tpu.vector_store_idx %scatter3A_1054[%and3A_982, %add3A_269], %gather3A_1049 : memref<64x128xf32, #tpu.memory_space<vmem>>[vector<16xi32>, vector<16xi32>], vector<16xf32>,
        %add3A_1055 = arith.addi %get3A_303, %and3A_982 : vector<16xi32>
        %gather3A_1056 = arith.constant 0 : i32
        %gather3A_1057 = arith.constant 0 : i32
        %gather3A_1058 = arith.constant 0 : i32
        %gather3A_1059 = tpu.memref_slice %arg8[%gather3A_1056, %gather3A_1057, %gather3A_1058] : memref<2x128x128xf32, #tpu.memory_space<vmem>> -> memref<1x128x128xf32, #tpu.memory_space<vmem>>
        %gather3A_1060 = tpu.memref_squeeze %gather3A_1059 : memref<1x128x128xf32, #tpu.memory_space<vmem>> -> memref<128x128xf32, #tpu.memory_space<vmem>>
        %gather3A_1061 = tpu.vector_load_idx %gather3A_1060[%add3A_272, %add3A_1055] : memref<128x128xf32, #tpu.memory_space<vmem>>[vector<16xi32>, vector<16xi32>], vector<16xf32>,
        %scatter3A_1062 = arith.constant 0 : i32
        %scatter3A_1063 = arith.constant 0 : i32
        %scatter3A_1064 = arith.constant 0 : i32
        %scatter3A_1065 = tpu.memref_slice %arg9[%scatter3A_1062, %scatter3A_1063, %scatter3A_1064] : memref<2x64x128xf32, #tpu.memory_space<vmem>> -> memref<1x64x128xf32, #tpu.memory_space<vmem>>
        %scatter3A_1066 = tpu.memref_squeeze %scatter3A_1065 : memref<1x64x128xf32, #tpu.memory_space<vmem>> -> memref<64x128xf32, #tpu.memory_space<vmem>>
        tpu.vector_store_idx %scatter3A_1066[%and3A_982, %add3A_272], %gather3A_1061 : memref<64x128xf32, #tpu.memory_space<vmem>>[vector<16xi32>, vector<16xi32>], vector<16xf32>,
        %add3A_1067 = arith.addi %get3A_307, %and3A_982 : vector<16xi32>
        %gather3A_1068 = arith.constant 0 : i32
        %gather3A_1069 = arith.constant 0 : i32
        %gather3A_1070 = arith.constant 0 : i32
        %gather3A_1071 = tpu.memref_slice %arg8[%gather3A_1068, %gather3A_1069, %gather3A_1070] : memref<2x128x128xf32, #tpu.memory_space<vmem>> -> memref<1x128x128xf32, #tpu.memory_space<vmem>>
        %gather3A_1072 = tpu.memref_squeeze %gather3A_1071 : memref<1x128x128xf32, #tpu.memory_space<vmem>> -> memref<128x128xf32, #tpu.memory_space<vmem>>
        %gather3A_1073 = tpu.vector_load_idx %gather3A_1072[%add3A_275, %add3A_1067] : memref<128x128xf32, #tpu.memory_space<vmem>>[vector<16xi32>, vector<16xi32>], vector<16xf32>,
        %scatter3A_1074 = arith.constant 0 : i32
        %scatter3A_1075 = arith.constant 0 : i32
        %scatter3A_1076 = arith.constant 0 : i32
        %scatter3A_1077 = tpu.memref_slice %arg9[%scatter3A_1074, %scatter3A_1075, %scatter3A_1076] : memref<2x64x128xf32, #tpu.memory_space<vmem>> -> memref<1x64x128xf32, #tpu.memory_space<vmem>>
        %scatter3A_1078 = tpu.memref_squeeze %scatter3A_1077 : memref<1x64x128xf32, #tpu.memory_space<vmem>> -> memref<64x128xf32, #tpu.memory_space<vmem>>
        tpu.vector_store_idx %scatter3A_1078[%and3A_982, %add3A_275], %gather3A_1073 : memref<64x128xf32, #tpu.memory_space<vmem>>[vector<16xi32>, vector<16xi32>], vector<16xf32>,
        %scan3A_1079 = arith.constant 6 : i32
        %scan3A_1080 = arith.addi %scan3A_440, %scan3A_1079 : i32
        %mul3A_1081 = arith.constant 1 : i32
        %mul3A_1082 = arith.muli %scan3A_1080, %mul3A_1081 : i32
        %add3A_1083 = arith.constant 0 : i32
        %add3A_1084 = arith.addi %add3A_1083, %mul3A_1082 : i32
        %add3A_1085 = vector.broadcast %add3A_1084 : i32 to vector<16xi32>
        %add3A_1086 = arith.addi %iota3A, %add3A_1085 : vector<16xi32>
        %and3A_1087 = arith.constant 63 : i32
        %and3A_1088 = vector.broadcast %and3A_1087 : i32 to vector<16xi32>
        %and3A_1089 = arith.andi %add3A_1086, %and3A_1088 : vector<16xi32>
        %add3A_1090 = arith.addi %get3A_279, %and3A_1089 : vector<16xi32>
        %gather3A_1091 = arith.constant 0 : i32
        %gather3A_1092 = arith.constant 0 : i32
        %gather3A_1093 = arith.constant 0 : i32
        %gather3A_1094 = tpu.memref_slice %arg8[%gather3A_1091, %gather3A_1092, %gather3A_1093] : memref<2x128x128xf32, #tpu.memory_space<vmem>> -> memref<1x128x128xf32, #tpu.memory_space<vmem>>
        %gather3A_1095 = tpu.memref_squeeze %gather3A_1094 : memref<1x128x128xf32, #tpu.memory_space<vmem>> -> memref<128x128xf32, #tpu.memory_space<vmem>>
        %gather3A_1096 = tpu.vector_load_idx %gather3A_1095[%add3A_254, %add3A_1090] : memref<128x128xf32, #tpu.memory_space<vmem>>[vector<16xi32>, vector<16xi32>], vector<16xf32>,
        %scatter3A_1097 = arith.constant 0 : i32
        %scatter3A_1098 = arith.constant 0 : i32
        %scatter3A_1099 = arith.constant 0 : i32
        %scatter3A_1100 = tpu.memref_slice %arg9[%scatter3A_1097, %scatter3A_1098, %scatter3A_1099] : memref<2x64x128xf32, #tpu.memory_space<vmem>> -> memref<1x64x128xf32, #tpu.memory_space<vmem>>
        %scatter3A_1101 = tpu.memref_squeeze %scatter3A_1100 : memref<1x64x128xf32, #tpu.memory_space<vmem>> -> memref<64x128xf32, #tpu.memory_space<vmem>>
        tpu.vector_store_idx %scatter3A_1101[%and3A_1089, %add3A_254], %gather3A_1096 : memref<64x128xf32, #tpu.memory_space<vmem>>[vector<16xi32>, vector<16xi32>], vector<16xf32>,
        %add3A_1102 = arith.addi %get3A_283, %and3A_1089 : vector<16xi32>
        %gather3A_1103 = arith.constant 0 : i32
        %gather3A_1104 = arith.constant 0 : i32
        %gather3A_1105 = arith.constant 0 : i32
        %gather3A_1106 = tpu.memref_slice %arg8[%gather3A_1103, %gather3A_1104, %gather3A_1105] : memref<2x128x128xf32, #tpu.memory_space<vmem>> -> memref<1x128x128xf32, #tpu.memory_space<vmem>>
        %gather3A_1107 = tpu.memref_squeeze %gather3A_1106 : memref<1x128x128xf32, #tpu.memory_space<vmem>> -> memref<128x128xf32, #tpu.memory_space<vmem>>
        %gather3A_1108 = tpu.vector_load_idx %gather3A_1107[%add3A_257, %add3A_1102] : memref<128x128xf32, #tpu.memory_space<vmem>>[vector<16xi32>, vector<16xi32>], vector<16xf32>,
        %scatter3A_1109 = arith.constant 0 : i32
        %scatter3A_1110 = arith.constant 0 : i32
        %scatter3A_1111 = arith.constant 0 : i32
        %scatter3A_1112 = tpu.memref_slice %arg9[%scatter3A_1109, %scatter3A_1110, %scatter3A_1111] : memref<2x64x128xf32, #tpu.memory_space<vmem>> -> memref<1x64x128xf32, #tpu.memory_space<vmem>>
        %scatter3A_1113 = tpu.memref_squeeze %scatter3A_1112 : memref<1x64x128xf32, #tpu.memory_space<vmem>> -> memref<64x128xf32, #tpu.memory_space<vmem>>
        tpu.vector_store_idx %scatter3A_1113[%and3A_1089, %add3A_257], %gather3A_1108 : memref<64x128xf32, #tpu.memory_space<vmem>>[vector<16xi32>, vector<16xi32>], vector<16xf32>,
        %add3A_1114 = arith.addi %get3A_287, %and3A_1089 : vector<16xi32>
        %gather3A_1115 = arith.constant 0 : i32
        %gather3A_1116 = arith.constant 0 : i32
        %gather3A_1117 = arith.constant 0 : i32
        %gather3A_1118 = tpu.memref_slice %arg8[%gather3A_1115, %gather3A_1116, %gather3A_1117] : memref<2x128x128xf32, #tpu.memory_space<vmem>> -> memref<1x128x128xf32, #tpu.memory_space<vmem>>
        %gather3A_1119 = tpu.memref_squeeze %gather3A_1118 : memref<1x128x128xf32, #tpu.memory_space<vmem>> -> memref<128x128xf32, #tpu.memory_space<vmem>>
        %gather3A_1120 = tpu.vector_load_idx %gather3A_1119[%add3A_260, %add3A_1114] : memref<128x128xf32, #tpu.memory_space<vmem>>[vector<16xi32>, vector<16xi32>], vector<16xf32>,
        %scatter3A_1121 = arith.constant 0 : i32
        %scatter3A_1122 = arith.constant 0 : i32
        %scatter3A_1123 = arith.constant 0 : i32
        %scatter3A_1124 = tpu.memref_slice %arg9[%scatter3A_1121, %scatter3A_1122, %scatter3A_1123] : memref<2x64x128xf32, #tpu.memory_space<vmem>> -> memref<1x64x128xf32, #tpu.memory_space<vmem>>
        %scatter3A_1125 = tpu.memref_squeeze %scatter3A_1124 : memref<1x64x128xf32, #tpu.memory_space<vmem>> -> memref<64x128xf32, #tpu.memory_space<vmem>>
        tpu.vector_store_idx %scatter3A_1125[%and3A_1089, %add3A_260], %gather3A_1120 : memref<64x128xf32, #tpu.memory_space<vmem>>[vector<16xi32>, vector<16xi32>], vector<16xf32>,
        %add3A_1126 = arith.addi %get3A_291, %and3A_1089 : vector<16xi32>
        %gather3A_1127 = arith.constant 0 : i32
        %gather3A_1128 = arith.constant 0 : i32
        %gather3A_1129 = arith.constant 0 : i32
        %gather3A_1130 = tpu.memref_slice %arg8[%gather3A_1127, %gather3A_1128, %gather3A_1129] : memref<2x128x128xf32, #tpu.memory_space<vmem>> -> memref<1x128x128xf32, #tpu.memory_space<vmem>>
        %gather3A_1131 = tpu.memref_squeeze %gather3A_1130 : memref<1x128x128xf32, #tpu.memory_space<vmem>> -> memref<128x128xf32, #tpu.memory_space<vmem>>
        %gather3A_1132 = tpu.vector_load_idx %gather3A_1131[%add3A_263, %add3A_1126] : memref<128x128xf32, #tpu.memory_space<vmem>>[vector<16xi32>, vector<16xi32>], vector<16xf32>,
        %scatter3A_1133 = arith.constant 0 : i32
        %scatter3A_1134 = arith.constant 0 : i32
        %scatter3A_1135 = arith.constant 0 : i32
        %scatter3A_1136 = tpu.memref_slice %arg9[%scatter3A_1133, %scatter3A_1134, %scatter3A_1135] : memref<2x64x128xf32, #tpu.memory_space<vmem>> -> memref<1x64x128xf32, #tpu.memory_space<vmem>>
        %scatter3A_1137 = tpu.memref_squeeze %scatter3A_1136 : memref<1x64x128xf32, #tpu.memory_space<vmem>> -> memref<64x128xf32, #tpu.memory_space<vmem>>
        tpu.vector_store_idx %scatter3A_1137[%and3A_1089, %add3A_263], %gather3A_1132 : memref<64x128xf32, #tpu.memory_space<vmem>>[vector<16xi32>, vector<16xi32>], vector<16xf32>,
        %add3A_1138 = arith.addi %get3A_295, %and3A_1089 : vector<16xi32>
        %gather3A_1139 = arith.constant 0 : i32
        %gather3A_1140 = arith.constant 0 : i32
        %gather3A_1141 = arith.constant 0 : i32
        %gather3A_1142 = tpu.memref_slice %arg8[%gather3A_1139, %gather3A_1140, %gather3A_1141] : memref<2x128x128xf32, #tpu.memory_space<vmem>> -> memref<1x128x128xf32, #tpu.memory_space<vmem>>
        %gather3A_1143 = tpu.memref_squeeze %gather3A_1142 : memref<1x128x128xf32, #tpu.memory_space<vmem>> -> memref<128x128xf32, #tpu.memory_space<vmem>>
        %gather3A_1144 = tpu.vector_load_idx %gather3A_1143[%add3A_266, %add3A_1138] : memref<128x128xf32, #tpu.memory_space<vmem>>[vector<16xi32>, vector<16xi32>], vector<16xf32>,
        %scatter3A_1145 = arith.constant 0 : i32
        %scatter3A_1146 = arith.constant 0 : i32
        %scatter3A_1147 = arith.constant 0 : i32
        %scatter3A_1148 = tpu.memref_slice %arg9[%scatter3A_1145, %scatter3A_1146, %scatter3A_1147] : memref<2x64x128xf32, #tpu.memory_space<vmem>> -> memref<1x64x128xf32, #tpu.memory_space<vmem>>
        %scatter3A_1149 = tpu.memref_squeeze %scatter3A_1148 : memref<1x64x128xf32, #tpu.memory_space<vmem>> -> memref<64x128xf32, #tpu.memory_space<vmem>>
        tpu.vector_store_idx %scatter3A_1149[%and3A_1089, %add3A_266], %gather3A_1144 : memref<64x128xf32, #tpu.memory_space<vmem>>[vector<16xi32>, vector<16xi32>], vector<16xf32>,
        %add3A_1150 = arith.addi %get3A_299, %and3A_1089 : vector<16xi32>
        %gather3A_1151 = arith.constant 0 : i32
        %gather3A_1152 = arith.constant 0 : i32
        %gather3A_1153 = arith.constant 0 : i32
        %gather3A_1154 = tpu.memref_slice %arg8[%gather3A_1151, %gather3A_1152, %gather3A_1153] : memref<2x128x128xf32, #tpu.memory_space<vmem>> -> memref<1x128x128xf32, #tpu.memory_space<vmem>>
        %gather3A_1155 = tpu.memref_squeeze %gather3A_1154 : memref<1x128x128xf32, #tpu.memory_space<vmem>> -> memref<128x128xf32, #tpu.memory_space<vmem>>
        %gather3A_1156 = tpu.vector_load_idx %gather3A_1155[%add3A_269, %add3A_1150] : memref<128x128xf32, #tpu.memory_space<vmem>>[vector<16xi32>, vector<16xi32>], vector<16xf32>,
        %scatter3A_1157 = arith.constant 0 : i32
        %scatter3A_1158 = arith.constant 0 : i32
        %scatter3A_1159 = arith.constant 0 : i32
        %scatter3A_1160 = tpu.memref_slice %arg9[%scatter3A_1157, %scatter3A_1158, %scatter3A_1159] : memref<2x64x128xf32, #tpu.memory_space<vmem>> -> memref<1x64x128xf32, #tpu.memory_space<vmem>>
        %scatter3A_1161 = tpu.memref_squeeze %scatter3A_1160 : memref<1x64x128xf32, #tpu.memory_space<vmem>> -> memref<64x128xf32, #tpu.memory_space<vmem>>
        tpu.vector_store_idx %scatter3A_1161[%and3A_1089, %add3A_269], %gather3A_1156 : memref<64x128xf32, #tpu.memory_space<vmem>>[vector<16xi32>, vector<16xi32>], vector<16xf32>,
        %add3A_1162 = arith.addi %get3A_303, %and3A_1089 : vector<16xi32>
        %gather3A_1163 = arith.constant 0 : i32
        %gather3A_1164 = arith.constant 0 : i32
        %gather3A_1165 = arith.constant 0 : i32
        %gather3A_1166 = tpu.memref_slice %arg8[%gather3A_1163, %gather3A_1164, %gather3A_1165] : memref<2x128x128xf32, #tpu.memory_space<vmem>> -> memref<1x128x128xf32, #tpu.memory_space<vmem>>
        %gather3A_1167 = tpu.memref_squeeze %gather3A_1166 : memref<1x128x128xf32, #tpu.memory_space<vmem>> -> memref<128x128xf32, #tpu.memory_space<vmem>>
        %gather3A_1168 = tpu.vector_load_idx %gather3A_1167[%add3A_272, %add3A_1162] : memref<128x128xf32, #tpu.memory_space<vmem>>[vector<16xi32>, vector<16xi32>], vector<16xf32>,
        %scatter3A_1169 = arith.constant 0 : i32
        %scatter3A_1170 = arith.constant 0 : i32
        %scatter3A_1171 = arith.constant 0 : i32
        %scatter3A_1172 = tpu.memref_slice %arg9[%scatter3A_1169, %scatter3A_1170, %scatter3A_1171] : memref<2x64x128xf32, #tpu.memory_space<vmem>> -> memref<1x64x128xf32, #tpu.memory_space<vmem>>
        %scatter3A_1173 = tpu.memref_squeeze %scatter3A_1172 : memref<1x64x128xf32, #tpu.memory_space<vmem>> -> memref<64x128xf32, #tpu.memory_space<vmem>>
        tpu.vector_store_idx %scatter3A_1173[%and3A_1089, %add3A_272], %gather3A_1168 : memref<64x128xf32, #tpu.memory_space<vmem>>[vector<16xi32>, vector<16xi32>], vector<16xf32>,
        %add3A_1174 = arith.addi %get3A_307, %and3A_1089 : vector<16xi32>
        %gather3A_1175 = arith.constant 0 : i32
        %gather3A_1176 = arith.constant 0 : i32
        %gather3A_1177 = arith.constant 0 : i32
        %gather3A_1178 = tpu.memref_slice %arg8[%gather3A_1175, %gather3A_1176, %gather3A_1177] : memref<2x128x128xf32, #tpu.memory_space<vmem>> -> memref<1x128x128xf32, #tpu.memory_space<vmem>>
        %gather3A_1179 = tpu.memref_squeeze %gather3A_1178 : memref<1x128x128xf32, #tpu.memory_space<vmem>> -> memref<128x128xf32, #tpu.memory_space<vmem>>
        %gather3A_1180 = tpu.vector_load_idx %gather3A_1179[%add3A_275, %add3A_1174] : memref<128x128xf32, #tpu.memory_space<vmem>>[vector<16xi32>, vector<16xi32>], vector<16xf32>,
        %scatter3A_1181 = arith.constant 0 : i32
        %scatter3A_1182 = arith.constant 0 : i32
        %scatter3A_1183 = arith.constant 0 : i32
        %scatter3A_1184 = tpu.memref_slice %arg9[%scatter3A_1181, %scatter3A_1182, %scatter3A_1183] : memref<2x64x128xf32, #tpu.memory_space<vmem>> -> memref<1x64x128xf32, #tpu.memory_space<vmem>>
        %scatter3A_1185 = tpu.memref_squeeze %scatter3A_1184 : memref<1x64x128xf32, #tpu.memory_space<vmem>> -> memref<64x128xf32, #tpu.memory_space<vmem>>
        tpu.vector_store_idx %scatter3A_1185[%and3A_1089, %add3A_275], %gather3A_1180 : memref<64x128xf32, #tpu.memory_space<vmem>>[vector<16xi32>, vector<16xi32>], vector<16xf32>,
        %scan3A_1186 = arith.constant 7 : i32
        %scan3A_1187 = arith.addi %scan3A_440, %scan3A_1186 : i32
        %mul3A_1188 = arith.constant 1 : i32
        %mul3A_1189 = arith.muli %scan3A_1187, %mul3A_1188 : i32
        %add3A_1190 = arith.constant 0 : i32
        %add3A_1191 = arith.addi %add3A_1190, %mul3A_1189 : i32
        %add3A_1192 = vector.broadcast %add3A_1191 : i32 to vector<16xi32>
        %add3A_1193 = arith.addi %iota3A, %add3A_1192 : vector<16xi32>
        %and3A_1194 = arith.constant 63 : i32
        %and3A_1195 = vector.broadcast %and3A_1194 : i32 to vector<16xi32>
        %and3A_1196 = arith.andi %add3A_1193, %and3A_1195 : vector<16xi32>
        %add3A_1197 = arith.addi %get3A_279, %and3A_1196 : vector<16xi32>
        %gather3A_1198 = arith.constant 0 : i32
        %gather3A_1199 = arith.constant 0 : i32
        %gather3A_1200 = arith.constant 0 : i32
        %gather3A_1201 = tpu.memref_slice %arg8[%gather3A_1198, %gather3A_1199, %gather3A_1200] : memref<2x128x128xf32, #tpu.memory_space<vmem>> -> memref<1x128x128xf32, #tpu.memory_space<vmem>>
        %gather3A_1202 = tpu.memref_squeeze %gather3A_1201 : memref<1x128x128xf32, #tpu.memory_space<vmem>> -> memref<128x128xf32, #tpu.memory_space<vmem>>
        %gather3A_1203 = tpu.vector_load_idx %gather3A_1202[%add3A_254, %add3A_1197] : memref<128x128xf32, #tpu.memory_space<vmem>>[vector<16xi32>, vector<16xi32>], vector<16xf32>,
        %scatter3A_1204 = arith.constant 0 : i32
        %scatter3A_1205 = arith.constant 0 : i32
        %scatter3A_1206 = arith.constant 0 : i32
        %scatter3A_1207 = tpu.memref_slice %arg9[%scatter3A_1204, %scatter3A_1205, %scatter3A_1206] : memref<2x64x128xf32, #tpu.memory_space<vmem>> -> memref<1x64x128xf32, #tpu.memory_space<vmem>>
        %scatter3A_1208 = tpu.memref_squeeze %scatter3A_1207 : memref<1x64x128xf32, #tpu.memory_space<vmem>> -> memref<64x128xf32, #tpu.memory_space<vmem>>
        tpu.vector_store_idx %scatter3A_1208[%and3A_1196, %add3A_254], %gather3A_1203 : memref<64x128xf32, #tpu.memory_space<vmem>>[vector<16xi32>, vector<16xi32>], vector<16xf32>,
        %add3A_1209 = arith.addi %get3A_283, %and3A_1196 : vector<16xi32>
        %gather3A_1210 = arith.constant 0 : i32
        %gather3A_1211 = arith.constant 0 : i32
        %gather3A_1212 = arith.constant 0 : i32
        %gather3A_1213 = tpu.memref_slice %arg8[%gather3A_1210, %gather3A_1211, %gather3A_1212] : memref<2x128x128xf32, #tpu.memory_space<vmem>> -> memref<1x128x128xf32, #tpu.memory_space<vmem>>
        %gather3A_1214 = tpu.memref_squeeze %gather3A_1213 : memref<1x128x128xf32, #tpu.memory_space<vmem>> -> memref<128x128xf32, #tpu.memory_space<vmem>>
        %gather3A_1215 = tpu.vector_load_idx %gather3A_1214[%add3A_257, %add3A_1209] : memref<128x128xf32, #tpu.memory_space<vmem>>[vector<16xi32>, vector<16xi32>], vector<16xf32>,
        %scatter3A_1216 = arith.constant 0 : i32
        %scatter3A_1217 = arith.constant 0 : i32
        %scatter3A_1218 = arith.constant 0 : i32
        %scatter3A_1219 = tpu.memref_slice %arg9[%scatter3A_1216, %scatter3A_1217, %scatter3A_1218] : memref<2x64x128xf32, #tpu.memory_space<vmem>> -> memref<1x64x128xf32, #tpu.memory_space<vmem>>
        %scatter3A_1220 = tpu.memref_squeeze %scatter3A_1219 : memref<1x64x128xf32, #tpu.memory_space<vmem>> -> memref<64x128xf32, #tpu.memory_space<vmem>>
        tpu.vector_store_idx %scatter3A_1220[%and3A_1196, %add3A_257], %gather3A_1215 : memref<64x128xf32, #tpu.memory_space<vmem>>[vector<16xi32>, vector<16xi32>], vector<16xf32>,
        %add3A_1221 = arith.addi %get3A_287, %and3A_1196 : vector<16xi32>
        %gather3A_1222 = arith.constant 0 : i32
        %gather3A_1223 = arith.constant 0 : i32
        %gather3A_1224 = arith.constant 0 : i32
        %gather3A_1225 = tpu.memref_slice %arg8[%gather3A_1222, %gather3A_1223, %gather3A_1224] : memref<2x128x128xf32, #tpu.memory_space<vmem>> -> memref<1x128x128xf32, #tpu.memory_space<vmem>>
        %gather3A_1226 = tpu.memref_squeeze %gather3A_1225 : memref<1x128x128xf32, #tpu.memory_space<vmem>> -> memref<128x128xf32, #tpu.memory_space<vmem>>
        %gather3A_1227 = tpu.vector_load_idx %gather3A_1226[%add3A_260, %add3A_1221] : memref<128x128xf32, #tpu.memory_space<vmem>>[vector<16xi32>, vector<16xi32>], vector<16xf32>,
        %scatter3A_1228 = arith.constant 0 : i32
        %scatter3A_1229 = arith.constant 0 : i32
        %scatter3A_1230 = arith.constant 0 : i32
        %scatter3A_1231 = tpu.memref_slice %arg9[%scatter3A_1228, %scatter3A_1229, %scatter3A_1230] : memref<2x64x128xf32, #tpu.memory_space<vmem>> -> memref<1x64x128xf32, #tpu.memory_space<vmem>>
        %scatter3A_1232 = tpu.memref_squeeze %scatter3A_1231 : memref<1x64x128xf32, #tpu.memory_space<vmem>> -> memref<64x128xf32, #tpu.memory_space<vmem>>
        tpu.vector_store_idx %scatter3A_1232[%and3A_1196, %add3A_260], %gather3A_1227 : memref<64x128xf32, #tpu.memory_space<vmem>>[vector<16xi32>, vector<16xi32>], vector<16xf32>,
        %add3A_1233 = arith.addi %get3A_291, %and3A_1196 : vector<16xi32>
        %gather3A_1234 = arith.constant 0 : i32
        %gather3A_1235 = arith.constant 0 : i32
        %gather3A_1236 = arith.constant 0 : i32
        %gather3A_1237 = tpu.memref_slice %arg8[%gather3A_1234, %gather3A_1235, %gather3A_1236] : memref<2x128x128xf32, #tpu.memory_space<vmem>> -> memref<1x128x128xf32, #tpu.memory_space<vmem>>
        %gather3A_1238 = tpu.memref_squeeze %gather3A_1237 : memref<1x128x128xf32, #tpu.memory_space<vmem>> -> memref<128x128xf32, #tpu.memory_space<vmem>>
        %gather3A_1239 = tpu.vector_load_idx %gather3A_1238[%add3A_263, %add3A_1233] : memref<128x128xf32, #tpu.memory_space<vmem>>[vector<16xi32>, vector<16xi32>], vector<16xf32>,
        %scatter3A_1240 = arith.constant 0 : i32
        %scatter3A_1241 = arith.constant 0 : i32
        %scatter3A_1242 = arith.constant 0 : i32
        %scatter3A_1243 = tpu.memref_slice %arg9[%scatter3A_1240, %scatter3A_1241, %scatter3A_1242] : memref<2x64x128xf32, #tpu.memory_space<vmem>> -> memref<1x64x128xf32, #tpu.memory_space<vmem>>
        %scatter3A_1244 = tpu.memref_squeeze %scatter3A_1243 : memref<1x64x128xf32, #tpu.memory_space<vmem>> -> memref<64x128xf32, #tpu.memory_space<vmem>>
        tpu.vector_store_idx %scatter3A_1244[%and3A_1196, %add3A_263], %gather3A_1239 : memref<64x128xf32, #tpu.memory_space<vmem>>[vector<16xi32>, vector<16xi32>], vector<16xf32>,
        %add3A_1245 = arith.addi %get3A_295, %and3A_1196 : vector<16xi32>
        %gather3A_1246 = arith.constant 0 : i32
        %gather3A_1247 = arith.constant 0 : i32
        %gather3A_1248 = arith.constant 0 : i32
        %gather3A_1249 = tpu.memref_slice %arg8[%gather3A_1246, %gather3A_1247, %gather3A_1248] : memref<2x128x128xf32, #tpu.memory_space<vmem>> -> memref<1x128x128xf32, #tpu.memory_space<vmem>>
        %gather3A_1250 = tpu.memref_squeeze %gather3A_1249 : memref<1x128x128xf32, #tpu.memory_space<vmem>> -> memref<128x128xf32, #tpu.memory_space<vmem>>
        %gather3A_1251 = tpu.vector_load_idx %gather3A_1250[%add3A_266, %add3A_1245] : memref<128x128xf32, #tpu.memory_space<vmem>>[vector<16xi32>, vector<16xi32>], vector<16xf32>,
        %scatter3A_1252 = arith.constant 0 : i32
        %scatter3A_1253 = arith.constant 0 : i32
        %scatter3A_1254 = arith.constant 0 : i32
        %scatter3A_1255 = tpu.memref_slice %arg9[%scatter3A_1252, %scatter3A_1253, %scatter3A_1254] : memref<2x64x128xf32, #tpu.memory_space<vmem>> -> memref<1x64x128xf32, #tpu.memory_space<vmem>>
        %scatter3A_1256 = tpu.memref_squeeze %scatter3A_1255 : memref<1x64x128xf32, #tpu.memory_space<vmem>> -> memref<64x128xf32, #tpu.memory_space<vmem>>
        tpu.vector_store_idx %scatter3A_1256[%and3A_1196, %add3A_266], %gather3A_1251 : memref<64x128xf32, #tpu.memory_space<vmem>>[vector<16xi32>, vector<16xi32>], vector<16xf32>,
        %add3A_1257 = arith.addi %get3A_299, %and3A_1196 : vector<16xi32>
        %gather3A_1258 = arith.constant 0 : i32
        %gather3A_1259 = arith.constant 0 : i32
        %gather3A_1260 = arith.constant 0 : i32
        %gather3A_1261 = tpu.memref_slice %arg8[%gather3A_1258, %gather3A_1259, %gather3A_1260] : memref<2x128x128xf32, #tpu.memory_space<vmem>> -> memref<1x128x128xf32, #tpu.memory_space<vmem>>
        %gather3A_1262 = tpu.memref_squeeze %gather3A_1261 : memref<1x128x128xf32, #tpu.memory_space<vmem>> -> memref<128x128xf32, #tpu.memory_space<vmem>>
        %gather3A_1263 = tpu.vector_load_idx %gather3A_1262[%add3A_269, %add3A_1257] : memref<128x128xf32, #tpu.memory_space<vmem>>[vector<16xi32>, vector<16xi32>], vector<16xf32>,
        %scatter3A_1264 = arith.constant 0 : i32
        %scatter3A_1265 = arith.constant 0 : i32
        %scatter3A_1266 = arith.constant 0 : i32
        %scatter3A_1267 = tpu.memref_slice %arg9[%scatter3A_1264, %scatter3A_1265, %scatter3A_1266] : memref<2x64x128xf32, #tpu.memory_space<vmem>> -> memref<1x64x128xf32, #tpu.memory_space<vmem>>
        %scatter3A_1268 = tpu.memref_squeeze %scatter3A_1267 : memref<1x64x128xf32, #tpu.memory_space<vmem>> -> memref<64x128xf32, #tpu.memory_space<vmem>>
        tpu.vector_store_idx %scatter3A_1268[%and3A_1196, %add3A_269], %gather3A_1263 : memref<64x128xf32, #tpu.memory_space<vmem>>[vector<16xi32>, vector<16xi32>], vector<16xf32>,
        %add3A_1269 = arith.addi %get3A_303, %and3A_1196 : vector<16xi32>
        %gather3A_1270 = arith.constant 0 : i32
        %gather3A_1271 = arith.constant 0 : i32
        %gather3A_1272 = arith.constant 0 : i32
        %gather3A_1273 = tpu.memref_slice %arg8[%gather3A_1270, %gather3A_1271, %gather3A_1272] : memref<2x128x128xf32, #tpu.memory_space<vmem>> -> memref<1x128x128xf32, #tpu.memory_space<vmem>>
        %gather3A_1274 = tpu.memref_squeeze %gather3A_1273 : memref<1x128x128xf32, #tpu.memory_space<vmem>> -> memref<128x128xf32, #tpu.memory_space<vmem>>
        %gather3A_1275 = tpu.vector_load_idx %gather3A_1274[%add3A_272, %add3A_1269] : memref<128x128xf32, #tpu.memory_space<vmem>>[vector<16xi32>, vector<16xi32>], vector<16xf32>,
        %scatter3A_1276 = arith.constant 0 : i32
        %scatter3A_1277 = arith.constant 0 : i32
        %scatter3A_1278 = arith.constant 0 : i32
        %scatter3A_1279 = tpu.memref_slice %arg9[%scatter3A_1276, %scatter3A_1277, %scatter3A_1278] : memref<2x64x128xf32, #tpu.memory_space<vmem>> -> memref<1x64x128xf32, #tpu.memory_space<vmem>>
        %scatter3A_1280 = tpu.memref_squeeze %scatter3A_1279 : memref<1x64x128xf32, #tpu.memory_space<vmem>> -> memref<64x128xf32, #tpu.memory_space<vmem>>
        tpu.vector_store_idx %scatter3A_1280[%and3A_1196, %add3A_272], %gather3A_1275 : memref<64x128xf32, #tpu.memory_space<vmem>>[vector<16xi32>, vector<16xi32>], vector<16xf32>,
        %add3A_1281 = arith.addi %get3A_307, %and3A_1196 : vector<16xi32>
        %gather3A_1282 = arith.constant 0 : i32
        %gather3A_1283 = arith.constant 0 : i32
        %gather3A_1284 = arith.constant 0 : i32
        %gather3A_1285 = tpu.memref_slice %arg8[%gather3A_1282, %gather3A_1283, %gather3A_1284] : memref<2x128x128xf32, #tpu.memory_space<vmem>> -> memref<1x128x128xf32, #tpu.memory_space<vmem>>
        %gather3A_1286 = tpu.memref_squeeze %gather3A_1285 : memref<1x128x128xf32, #tpu.memory_space<vmem>> -> memref<128x128xf32, #tpu.memory_space<vmem>>
        %gather3A_1287 = tpu.vector_load_idx %gather3A_1286[%add3A_275, %add3A_1281] : memref<128x128xf32, #tpu.memory_space<vmem>>[vector<16xi32>, vector<16xi32>], vector<16xf32>,
        %scatter3A_1288 = arith.constant 0 : i32
        %scatter3A_1289 = arith.constant 0 : i32
        %scatter3A_1290 = arith.constant 0 : i32
        %scatter3A_1291 = tpu.memref_slice %arg9[%scatter3A_1288, %scatter3A_1289, %scatter3A_1290] : memref<2x64x128xf32, #tpu.memory_space<vmem>> -> memref<1x64x128xf32, #tpu.memory_space<vmem>>
        %scatter3A_1292 = tpu.memref_squeeze %scatter3A_1291 : memref<1x64x128xf32, #tpu.memory_space<vmem>> -> memref<64x128xf32, #tpu.memory_space<vmem>>
        tpu.vector_store_idx %scatter3A_1292[%and3A_1196, %add3A_275], %gather3A_1287 : memref<64x128xf32, #tpu.memory_space<vmem>>[vector<16xi32>, vector<16xi32>], vector<16xf32>,
      }
      %scan3A_312 = arith.constant 64 : i32
      %dma_start3A_313 = arith.constant 0 : i32
      %dma_start3A_314 = arith.constant 0 : i32
      %dma_start3A_315 = arith.constant 0 : i32
      %dma_start3A_316 = arith.constant 0 : i32
      %dma_start3A_317 = tpu.memref_slice %arg9[%dma_start3A_313, %dma_start3A_315, %dma_start3A_316] : memref<2x64x128xf32, #tpu.memory_space<vmem>> -> memref<1x64x128xf32, #tpu.memory_space<vmem>>
      %dma_start3A_318 = tpu.memref_squeeze %dma_start3A_317 : memref<1x64x128xf32, #tpu.memory_space<vmem>> -> memref<64x128xf32, #tpu.memory_space<vmem>>
      %dma_start3A_319 = arith.constant 0 : i32
      %dma_start3A_320 = tpu.memref_slice %arg4[%add3A_228, %dma_start3A_319, %mul3A_2] : memref<50x64x4096xf32, #tpu.memory_space<hbm>> -> memref<1x64x128xf32, #tpu.memory_space<hbm>>
      %dma_start3A_321 = tpu.memref_squeeze %dma_start3A_320 : memref<1x64x128xf32, #tpu.memory_space<hbm>> -> memref<64x128xf32, #tpu.memory_space<hbm>>
      %dma_start3A_322 = tpu.memref_slice %arg11[%dma_start3A_314] : memref<2x!tpu.dma_semaphore, #tpu.memory_space<semaphore_mem>> -> memref<1x!tpu.dma_semaphore, #tpu.memory_space<semaphore_mem>>
      %dma_start3A_323 = tpu.memref_squeeze %dma_start3A_322 : memref<1x!tpu.dma_semaphore, #tpu.memory_space<semaphore_mem>> -> memref<!tpu.dma_semaphore, #tpu.memory_space<semaphore_mem>>
      %dma_start3A_324 = arith.constant 0 : i32
      %dma_start3A_325 = tpu.memref_slice %arg4[%add3A_228, %dma_start3A_324, %mul3A_2] : memref<50x64x4096xf32, #tpu.memory_space<hbm>> -> memref<1x64x128xf32, #tpu.memory_space<hbm>>
      %dma_start3A_326 = tpu.memref_squeeze %dma_start3A_325 : memref<1x64x128xf32, #tpu.memory_space<hbm>> -> memref<64x128xf32, #tpu.memory_space<hbm>>
      %dma_start3A_327 = arith.constant 0 : i32
      %dma_start3A_328 = arith.constant 0 : i32
      %dma_start3A_329 = tpu.memref_slice %arg9[%dma_start3A_313, %dma_start3A_327, %dma_start3A_328] : memref<2x64x128xf32, #tpu.memory_space<vmem>> -> memref<1x64x128xf32, #tpu.memory_space<vmem>>
      %dma_start3A_330 = tpu.memref_squeeze %dma_start3A_329 : memref<1x64x128xf32, #tpu.memory_space<vmem>> -> memref<64x128xf32, #tpu.memory_space<vmem>>
      tpu.enqueue_dma source(%dma_start3A_330 : memref<64x128xf32, #tpu.memory_space<vmem>>) target(%dma_start3A_326 : memref<64x128xf32, #tpu.memory_space<hbm>>) target_semaphore(%dma_start3A_323 : memref<!tpu.dma_semaphore, #tpu.memory_space<semaphore_mem>>)
      %add3A_331 = arith.constant 1 : i32
      %add3A_332 = arith.addi %add3A_226, %add3A_331 : i32
      %add3A_333 = arith.constant 1 : i32
      %add3A_334 = arith.addi %add3A_332, %add3A_333 : i32
      %lt3A_335 = arith.constant 50 : i32
      %lt3A_336 = arith.cmpi slt, %add3A_334, %lt3A_335 : i32
      %convert_element_type3A_337 = arith.extui %lt3A_336 : i1 to i32
      %cond3A_338 = arith.constant 0 : i32
      %cond3A_339 = arith.cmpi ne, %convert_element_type3A_337, %cond3A_338 : i32
      scf.if %cond3A_339 {
        %add3A_440 = arith.constant 1 : i32
        %add3A_441 = arith.addi %add3A_332, %add3A_440 : i32
        %get3A_442 = arith.index_cast %add3A_441 : i32 to index
        %get3A_443 = arith.constant 0 : index
        %get3A_444 = tpu.vector_load %arg5[%get3A_442, %get3A_443] {strides = array<i32>} : memref<50x128xi32, #tpu.memory_space<vmem>>, vector<16xi32>,
        %shift_right_logical3A_445 = arith.constant 1 : i32
        %shift_right_logical3A_446 = vector.broadcast %shift_right_logical3A_445 : i32 to vector<16xi32>
        %shift_right_logical3A_447 = arith.shrui %get3A_444, %shift_right_logical3A_446 : vector<16xi32>
        %swap3A_448 = arith.constant 0 : i32
        %swap3A_449 = arith.index_cast %swap3A_448 : i32 to index
        %swap3A_450 = arith.constant 0 : index
        %swap3A_451 = tpu.vector_load %arg6[%swap3A_449, %swap3A_450] {strides = array<i32>} : memref<2x128xi32, #tpu.memory_space<vmem>>, vector<16xi32>,
        tpu.vector_store %arg6[%swap3A_449, %swap3A_450], %shift_right_logical3A_447 {strides = array<i32>} : memref<2x128xi32, #tpu.memory_space<vmem>>, vector<16xi32>,
        %and3A_452 = arith.constant 1 : i32
        %and3A_453 = vector.broadcast %and3A_452 : i32 to vector<16xi32>
        %and3A_454 = arith.andi %get3A_444, %and3A_453 : vector<16xi32>
        %mul3A_455 = arith.constant 64 : i32
        %mul3A_456 = vector.broadcast %mul3A_455 : i32 to vector<16xi32>
        %mul3A_457 = arith.muli %and3A_454, %mul3A_456 : vector<16xi32>
        %swap3A_458 = arith.constant 0 : i32
        %swap3A_459 = arith.index_cast %swap3A_458 : i32 to index
        %swap3A_460 = arith.constant 0 : index
        %swap3A_461 = tpu.vector_load %arg7[%swap3A_459, %swap3A_460] {strides = array<i32>} : memref<2x128xi32, #tpu.memory_space<vmem>>, vector<16xi32>,
        tpu.vector_store %arg7[%swap3A_459, %swap3A_460], %mul3A_457 {strides = array<i32>} : memref<2x128xi32, #tpu.memory_space<vmem>>, vector<16xi32>,
        %get3A_462 = arith.index_cast %add3A_441 : i32 to index
        %get3A_463 = arith.constant 16 : index
        %get3A_464 = tpu.vector_load %arg5[%get3A_462, %get3A_463] {strides = array<i32>} : memref<50x128xi32, #tpu.memory_space<vmem>>, vector<16xi32>,
        %shift_right_logical3A_465 = arith.constant 1 : i32
        %shift_right_logical3A_466 = vector.broadcast %shift_right_logical3A_465 : i32 to vector<16xi32>
        %shift_right_logical3A_467 = arith.shrui %get3A_464, %shift_right_logical3A_466 : vector<16xi32>
        %swap3A_468 = arith.constant 0 : i32
        %swap3A_469 = arith.index_cast %swap3A_468 : i32 to index
        %swap3A_470 = arith.constant 16 : index
        %swap3A_471 = tpu.vector_load %arg6[%swap3A_469, %swap3A_470] {strides = array<i32>} : memref<2x128xi32, #tpu.memory_space<vmem>>, vector<16xi32>,
        tpu.vector_store %arg6[%swap3A_469, %swap3A_470], %shift_right_logical3A_467 {strides = array<i32>} : memref<2x128xi32, #tpu.memory_space<vmem>>, vector<16xi32>,
        %and3A_472 = arith.constant 1 : i32
        %and3A_473 = vector.broadcast %and3A_472 : i32 to vector<16xi32>
        %and3A_474 = arith.andi %get3A_464, %and3A_473 : vector<16xi32>
        %mul3A_475 = arith.constant 64 : i32
        %mul3A_476 = vector.broadcast %mul3A_475 : i32 to vector<16xi32>
        %mul3A_477 = arith.muli %and3A_474, %mul3A_476 : vector<16xi32>
        %swap3A_478 = arith.constant 0 : i32
        %swap3A_479 = arith.index_cast %swap3A_478 : i32 to index
        %swap3A_480 = arith.constant 16 : index
        %swap3A_481 = tpu.vector_load %arg7[%swap3A_479, %swap3A_480] {strides = array<i32>} : memref<2x128xi32, #tpu.memory_space<vmem>>, vector<16xi32>,
        tpu.vector_store %arg7[%swap3A_479, %swap3A_480], %mul3A_477 {strides = array<i32>} : memref<2x128xi32, #tpu.memory_space<vmem>>, vector<16xi32>,
        %get3A_482 = arith.index_cast %add3A_441 : i32 to index
        %get3A_483 = arith.constant 32 : index
        %get3A_484 = tpu.vector_load %arg5[%get3A_482, %get3A_483] {strides = array<i32>} : memref<50x128xi32, #tpu.memory_space<vmem>>, vector<16xi32>,
        %shift_right_logical3A_485 = arith.constant 1 : i32
        %shift_right_logical3A_486 = vector.broadcast %shift_right_logical3A_485 : i32 to vector<16xi32>
        %shift_right_logical3A_487 = arith.shrui %get3A_484, %shift_right_logical3A_486 : vector<16xi32>
        %swap3A_488 = arith.constant 0 : i32
        %swap3A_489 = arith.index_cast %swap3A_488 : i32 to index
        %swap3A_490 = arith.constant 32 : index
        %swap3A_491 = tpu.vector_load %arg6[%swap3A_489, %swap3A_490] {strides = array<i32>} : memref<2x128xi32, #tpu.memory_space<vmem>>, vector<16xi32>,
        tpu.vector_store %arg6[%swap3A_489, %swap3A_490], %shift_right_logical3A_487 {strides = array<i32>} : memref<2x128xi32, #tpu.memory_space<vmem>>, vector<16xi32>,
        %and3A_492 = arith.constant 1 : i32
        %and3A_493 = vector.broadcast %and3A_492 : i32 to vector<16xi32>
        %and3A_494 = arith.andi %get3A_484, %and3A_493 : vector<16xi32>
        %mul3A_495 = arith.constant 64 : i32
        %mul3A_496 = vector.broadcast %mul3A_495 : i32 to vector<16xi32>
        %mul3A_497 = arith.muli %and3A_494, %mul3A_496 : vector<16xi32>
        %swap3A_498 = arith.constant 0 : i32
        %swap3A_499 = arith.index_cast %swap3A_498 : i32 to index
        %swap3A_500 = arith.constant 32 : index
        %swap3A_501 = tpu.vector_load %arg7[%swap3A_499, %swap3A_500] {strides = array<i32>} : memref<2x128xi32, #tpu.memory_space<vmem>>, vector<16xi32>,
        tpu.vector_store %arg7[%swap3A_499, %swap3A_500], %mul3A_497 {strides = array<i32>} : memref<2x128xi32, #tpu.memory_space<vmem>>, vector<16xi32>,
        %get3A_502 = arith.index_cast %add3A_441 : i32 to index
        %get3A_503 = arith.constant 48 : index
        %get3A_504 = tpu.vector_load %arg5[%get3A_502, %get3A_503] {strides = array<i32>} : memref<50x128xi32, #tpu.memory_space<vmem>>, vector<16xi32>,
        %shift_right_logical3A_505 = arith.constant 1 : i32
        %shift_right_logical3A_506 = vector.broadcast %shift_right_logical3A_505 : i32 to vector<16xi32>
        %shift_right_logical3A_507 = arith.shrui %get3A_504, %shift_right_logical3A_506 : vector<16xi32>
        %swap3A_508 = arith.constant 0 : i32
        %swap3A_509 = arith.index_cast %swap3A_508 : i32 to index
        %swap3A_510 = arith.constant 48 : index
        %swap3A_511 = tpu.vector_load %arg6[%swap3A_509, %swap3A_510] {strides = array<i32>} : memref<2x128xi32, #tpu.memory_space<vmem>>, vector<16xi32>,
        tpu.vector_store %arg6[%swap3A_509, %swap3A_510], %shift_right_logical3A_507 {strides = array<i32>} : memref<2x128xi32, #tpu.memory_space<vmem>>, vector<16xi32>,
        %and3A_512 = arith.constant 1 : i32
        %and3A_513 = vector.broadcast %and3A_512 : i32 to vector<16xi32>
        %and3A_514 = arith.andi %get3A_504, %and3A_513 : vector<16xi32>
        %mul3A_515 = arith.constant 64 : i32
        %mul3A_516 = vector.broadcast %mul3A_515 : i32 to vector<16xi32>
        %mul3A_517 = arith.muli %and3A_514, %mul3A_516 : vector<16xi32>
        %swap3A_518 = arith.constant 0 : i32
        %swap3A_519 = arith.index_cast %swap3A_518 : i32 to index
        %swap3A_520 = arith.constant 48 : index
        %swap3A_521 = tpu.vector_load %arg7[%swap3A_519, %swap3A_520] {strides = array<i32>} : memref<2x128xi32, #tpu.memory_space<vmem>>, vector<16xi32>,
        tpu.vector_store %arg7[%swap3A_519, %swap3A_520], %mul3A_517 {strides = array<i32>} : memref<2x128xi32, #tpu.memory_space<vmem>>, vector<16xi32>,
        %get3A_522 = arith.index_cast %add3A_441 : i32 to index
        %get3A_523 = arith.constant 64 : index
        %get3A_524 = tpu.vector_load %arg5[%get3A_522, %get3A_523] {strides = array<i32>} : memref<50x128xi32, #tpu.memory_space<vmem>>, vector<16xi32>,
        %shift_right_logical3A_525 = arith.constant 1 : i32
        %shift_right_logical3A_526 = vector.broadcast %shift_right_logical3A_525 : i32 to vector<16xi32>
        %shift_right_logical3A_527 = arith.shrui %get3A_524, %shift_right_logical3A_526 : vector<16xi32>
        %swap3A_528 = arith.constant 0 : i32
        %swap3A_529 = arith.index_cast %swap3A_528 : i32 to index
        %swap3A_530 = arith.constant 64 : index
        %swap3A_531 = tpu.vector_load %arg6[%swap3A_529, %swap3A_530] {strides = array<i32>} : memref<2x128xi32, #tpu.memory_space<vmem>>, vector<16xi32>,
        tpu.vector_store %arg6[%swap3A_529, %swap3A_530], %shift_right_logical3A_527 {strides = array<i32>} : memref<2x128xi32, #tpu.memory_space<vmem>>, vector<16xi32>,
        %and3A_532 = arith.constant 1 : i32
        %and3A_533 = vector.broadcast %and3A_532 : i32 to vector<16xi32>
        %and3A_534 = arith.andi %get3A_524, %and3A_533 : vector<16xi32>
        %mul3A_535 = arith.constant 64 : i32
        %mul3A_536 = vector.broadcast %mul3A_535 : i32 to vector<16xi32>
        %mul3A_537 = arith.muli %and3A_534, %mul3A_536 : vector<16xi32>
        %swap3A_538 = arith.constant 0 : i32
        %swap3A_539 = arith.index_cast %swap3A_538 : i32 to index
        %swap3A_540 = arith.constant 64 : index
        %swap3A_541 = tpu.vector_load %arg7[%swap3A_539, %swap3A_540] {strides = array<i32>} : memref<2x128xi32, #tpu.memory_space<vmem>>, vector<16xi32>,
        tpu.vector_store %arg7[%swap3A_539, %swap3A_540], %mul3A_537 {strides = array<i32>} : memref<2x128xi32, #tpu.memory_space<vmem>>, vector<16xi32>,
        %get3A_542 = arith.index_cast %add3A_441 : i32 to index
        %get3A_543 = arith.constant 80 : index
        %get3A_544 = tpu.vector_load %arg5[%get3A_542, %get3A_543] {strides = array<i32>} : memref<50x128xi32, #tpu.memory_space<vmem>>, vector<16xi32>,
        %shift_right_logical3A_545 = arith.constant 1 : i32
        %shift_right_logical3A_546 = vector.broadcast %shift_right_logical3A_545 : i32 to vector<16xi32>
        %shift_right_logical3A_547 = arith.shrui %get3A_544, %shift_right_logical3A_546 : vector<16xi32>
        %swap3A_548 = arith.constant 0 : i32
        %swap3A_549 = arith.index_cast %swap3A_548 : i32 to index
        %swap3A_550 = arith.constant 80 : index
        %swap3A_551 = tpu.vector_load %arg6[%swap3A_549, %swap3A_550] {strides = array<i32>} : memref<2x128xi32, #tpu.memory_space<vmem>>, vector<16xi32>,
        tpu.vector_store %arg6[%swap3A_549, %swap3A_550], %shift_right_logical3A_547 {strides = array<i32>} : memref<2x128xi32, #tpu.memory_space<vmem>>, vector<16xi32>,
        %and3A_552 = arith.constant 1 : i32
        %and3A_553 = vector.broadcast %and3A_552 : i32 to vector<16xi32>
        %and3A_554 = arith.andi %get3A_544, %and3A_553 : vector<16xi32>
        %mul3A_555 = arith.constant 64 : i32
        %mul3A_556 = vector.broadcast %mul3A_555 : i32 to vector<16xi32>
        %mul3A_557 = arith.muli %and3A_554, %mul3A_556 : vector<16xi32>
        %swap3A_558 = arith.constant 0 : i32
        %swap3A_559 = arith.index_cast %swap3A_558 : i32 to index
        %swap3A_560 = arith.constant 80 : index
        %swap3A_561 = tpu.vector_load %arg7[%swap3A_559, %swap3A_560] {strides = array<i32>} : memref<2x128xi32, #tpu.memory_space<vmem>>, vector<16xi32>,
        tpu.vector_store %arg7[%swap3A_559, %swap3A_560], %mul3A_557 {strides = array<i32>} : memref<2x128xi32, #tpu.memory_space<vmem>>, vector<16xi32>,
        %get3A_562 = arith.index_cast %add3A_441 : i32 to index
        %get3A_563 = arith.constant 96 : index
        %get3A_564 = tpu.vector_load %arg5[%get3A_562, %get3A_563] {strides = array<i32>} : memref<50x128xi32, #tpu.memory_space<vmem>>, vector<16xi32>,
        %shift_right_logical3A_565 = arith.constant 1 : i32
        %shift_right_logical3A_566 = vector.broadcast %shift_right_logical3A_565 : i32 to vector<16xi32>
        %shift_right_logical3A_567 = arith.shrui %get3A_564, %shift_right_logical3A_566 : vector<16xi32>
        %swap3A_568 = arith.constant 0 : i32
        %swap3A_569 = arith.index_cast %swap3A_568 : i32 to index
        %swap3A_570 = arith.constant 96 : index
        %swap3A_571 = tpu.vector_load %arg6[%swap3A_569, %swap3A_570] {strides = array<i32>} : memref<2x128xi32, #tpu.memory_space<vmem>>, vector<16xi32>,
        tpu.vector_store %arg6[%swap3A_569, %swap3A_570], %shift_right_logical3A_567 {strides = array<i32>} : memref<2x128xi32, #tpu.memory_space<vmem>>, vector<16xi32>,
        %and3A_572 = arith.constant 1 : i32
        %and3A_573 = vector.broadcast %and3A_572 : i32 to vector<16xi32>
        %and3A_574 = arith.andi %get3A_564, %and3A_573 : vector<16xi32>
        %mul3A_575 = arith.constant 64 : i32
        %mul3A_576 = vector.broadcast %mul3A_575 : i32 to vector<16xi32>
        %mul3A_577 = arith.muli %and3A_574, %mul3A_576 : vector<16xi32>
        %swap3A_578 = arith.constant 0 : i32
        %swap3A_579 = arith.index_cast %swap3A_578 : i32 to index
        %swap3A_580 = arith.constant 96 : index
        %swap3A_581 = tpu.vector_load %arg7[%swap3A_579, %swap3A_580] {strides = array<i32>} : memref<2x128xi32, #tpu.memory_space<vmem>>, vector<16xi32>,
        tpu.vector_store %arg7[%swap3A_579, %swap3A_580], %mul3A_577 {strides = array<i32>} : memref<2x128xi32, #tpu.memory_space<vmem>>, vector<16xi32>,
        %get3A_582 = arith.index_cast %add3A_441 : i32 to index
        %get3A_583 = arith.constant 112 : index
        %get3A_584 = tpu.vector_load %arg5[%get3A_582, %get3A_583] {strides = array<i32>} : memref<50x128xi32, #tpu.memory_space<vmem>>, vector<16xi32>,
        %shift_right_logical3A_585 = arith.constant 1 : i32
        %shift_right_logical3A_586 = vector.broadcast %shift_right_logical3A_585 : i32 to vector<16xi32>
        %shift_right_logical3A_587 = arith.shrui %get3A_584, %shift_right_logical3A_586 : vector<16xi32>
        %swap3A_588 = arith.constant 0 : i32
        %swap3A_589 = arith.index_cast %swap3A_588 : i32 to index
        %swap3A_590 = arith.constant 112 : index
        %swap3A_591 = tpu.vector_load %arg6[%swap3A_589, %swap3A_590] {strides = array<i32>} : memref<2x128xi32, #tpu.memory_space<vmem>>, vector<16xi32>,
        tpu.vector_store %arg6[%swap3A_589, %swap3A_590], %shift_right_logical3A_587 {strides = array<i32>} : memref<2x128xi32, #tpu.memory_space<vmem>>, vector<16xi32>,
        %and3A_592 = arith.constant 1 : i32
        %and3A_593 = vector.broadcast %and3A_592 : i32 to vector<16xi32>
        %and3A_594 = arith.andi %get3A_584, %and3A_593 : vector<16xi32>
        %mul3A_595 = arith.constant 64 : i32
        %mul3A_596 = vector.broadcast %mul3A_595 : i32 to vector<16xi32>
        %mul3A_597 = arith.muli %and3A_594, %mul3A_596 : vector<16xi32>
        %swap3A_598 = arith.constant 0 : i32
        %swap3A_599 = arith.index_cast %swap3A_598 : i32 to index
        %swap3A_600 = arith.constant 112 : index
        %swap3A_601 = tpu.vector_load %arg7[%swap3A_599, %swap3A_600] {strides = array<i32>} : memref<2x128xi32, #tpu.memory_space<vmem>>, vector<16xi32>,
        tpu.vector_store %arg7[%swap3A_599, %swap3A_600], %mul3A_597 {strides = array<i32>} : memref<2x128xi32, #tpu.memory_space<vmem>>, vector<16xi32>,
        %dma_start3A_602 = arith.constant 0 : i32
        %dma_start3A_603 = arith.constant 0 : i32
        %dma_start3A_604 = arith.constant 0 : i32
        %dma_start3A_605 = arith.constant 0 : i32
        %dma_start3A_606 = arith.constant 0 : i32
        %dma_start3A_607 = tpu.memref_slice %arg8[%dma_start3A_603, %dma_start3A_605, %dma_start3A_606] : memref<2x128x128xf32, #tpu.memory_space<vmem>> -> memref<1x128x128xf32, #tpu.memory_space<vmem>>
        %dma_start3A_608 = tpu.memref_squeeze %dma_start3A_607 : memref<1x128x128xf32, #tpu.memory_space<vmem>> -> memref<128x128xf32, #tpu.memory_space<vmem>>
        %dma_start3A_609 = arith.constant 0 : i32
        %dma_start3A_610 = tpu.memref_slice %arg6[%dma_start3A_602, %dma_start3A_609] : memref<2x128xi32, #tpu.memory_space<vmem>> -> memref<1x128xi32, #tpu.memory_space<vmem>>
        %dma_start3A_611 = tpu.memref_squeeze %dma_start3A_610 : memref<1x128xi32, #tpu.memory_space<vmem>> -> memref<128xi32, #tpu.memory_space<vmem>>
        %dma_start3A_612 = arith.constant 0 : i32
        %dma_start3A_613 = arith.constant 0 : i32
        %dma_start3A_614 = tpu.memref_slice %arg3[%dma_start3A_612, %dma_start3A_613] : memref<500000x128xf32, #tpu.memory_space<hbm>> -> memref<500000x128xf32, #tpu.memory_space<hbm>>
        %dma_start3A_615 = tpu.memref_slice %arg10[%dma_start3A_604] : memref<2x!tpu.dma_semaphore, #tpu.memory_space<semaphore_mem>> -> memref<1x!tpu.dma_semaphore, #tpu.memory_space<semaphore_mem>>
        %dma_start3A_616 = tpu.memref_squeeze %dma_start3A_615 : memref<1x!tpu.dma_semaphore, #tpu.memory_space<semaphore_mem>> -> memref<!tpu.dma_semaphore, #tpu.memory_space<semaphore_mem>>
        tpu.enqueue_indirect_dma source(%dma_start3A_614 : memref<500000x128xf32, #tpu.memory_space<hbm>>) target(%dma_start3A_608 : memref<128x128xf32, #tpu.memory_space<vmem>>) offsets(%dma_start3A_611 : memref<128xi32, #tpu.memory_space<vmem>>) semaphore(%dma_start3A_616 : memref<!tpu.dma_semaphore, #tpu.memory_space<semaphore_mem>>)
      } else {
      }
      %dma_wait3A_340 = arith.constant 1 : i32
      %dma_wait3A_341 = arith.constant 1 : i32
      %dma_wait3A_342 = arith.constant 1 : i32
      %dma_wait3A_343 = arith.constant 0 : i32
      %dma_wait3A_344 = arith.constant 0 : i32
      %dma_wait3A_345 = tpu.memref_slice %arg8[%dma_wait3A_341, %dma_wait3A_343, %dma_wait3A_344] : memref<2x128x128xf32, #tpu.memory_space<vmem>> -> memref<1x128x128xf32, #tpu.memory_space<vmem>>
      %dma_wait3A_346 = tpu.memref_squeeze %dma_wait3A_345 : memref<1x128x128xf32, #tpu.memory_space<vmem>> -> memref<128x128xf32, #tpu.memory_space<vmem>>
      %dma_wait3A_347 = arith.constant 0 : i32
      %dma_wait3A_348 = tpu.memref_slice %arg6[%dma_wait3A_340, %dma_wait3A_347] : memref<2x128xi32, #tpu.memory_space<vmem>> -> memref<1x128xi32, #tpu.memory_space<vmem>>
      %dma_wait3A_349 = tpu.memref_squeeze %dma_wait3A_348 : memref<1x128xi32, #tpu.memory_space<vmem>> -> memref<128xi32, #tpu.memory_space<vmem>>
      %dma_wait3A_350 = arith.constant 0 : i32
      %dma_wait3A_351 = arith.constant 0 : i32
      %dma_wait3A_352 = tpu.memref_slice %arg3[%dma_wait3A_350, %dma_wait3A_351] : memref<500000x128xf32, #tpu.memory_space<hbm>> -> memref<500000x128xf32, #tpu.memory_space<hbm>>
      %dma_wait3A_353 = tpu.memref_slice %arg10[%dma_wait3A_342] : memref<2x!tpu.dma_semaphore, #tpu.memory_space<semaphore_mem>> -> memref<1x!tpu.dma_semaphore, #tpu.memory_space<semaphore_mem>>
      %dma_wait3A_354 = tpu.memref_squeeze %dma_wait3A_353 : memref<1x!tpu.dma_semaphore, #tpu.memory_space<semaphore_mem>> -> memref<!tpu.dma_semaphore, #tpu.memory_space<semaphore_mem>>
      tpu.wait_indirect_dma semaphore(%dma_wait3A_354 : memref<!tpu.dma_semaphore, #tpu.memory_space<semaphore_mem>>) src(%dma_wait3A_352 : memref<500000x128xf32, #tpu.memory_space<hbm>>) dst(%dma_wait3A_346 : memref<128x128xf32, #tpu.memory_space<vmem>>)
      %ge3A_355 = arith.constant 2 : i32
      %ge3A_356 = arith.cmpi sge, %add3A_332, %ge3A_355 : i32
      %convert_element_type3A_357 = arith.extui %ge3A_356 : i1 to i32
      %cond3A_358 = arith.constant 0 : i32
      %cond3A_359 = arith.cmpi ne, %convert_element_type3A_357, %cond3A_358 : i32
      scf.if %cond3A_359 {
        %sub3A = arith.constant 2 : i32
        %sub3A_440 = arith.subi %add3A_332, %sub3A : i32
        %dma_wait3A_441 = arith.constant 1 : i32
        %dma_wait3A_442 = arith.constant 1 : i32
        %dma_wait3A_443 = arith.constant 0 : i32
        %dma_wait3A_444 = arith.constant 0 : i32
        %dma_wait3A_445 = tpu.memref_slice %arg9[%dma_wait3A_441, %dma_wait3A_443, %dma_wait3A_444] : memref<2x64x128xf32, #tpu.memory_space<vmem>> -> memref<1x64x128xf32, #tpu.memory_space<vmem>>
        %dma_wait3A_446 = tpu.memref_squeeze %dma_wait3A_445 : memref<1x64x128xf32, #tpu.memory_space<vmem>> -> memref<64x128xf32, #tpu.memory_space<vmem>>
        %dma_wait3A_447 = arith.constant 0 : i32
        %dma_wait3A_448 = tpu.memref_slice %arg4[%sub3A_440, %dma_wait3A_447, %mul3A_2] : memref<50x64x4096xf32, #tpu.memory_space<hbm>> -> memref<1x64x128xf32, #tpu.memory_space<hbm>>
        %dma_wait3A_449 = tpu.memref_squeeze %dma_wait3A_448 : memref<1x64x128xf32, #tpu.memory_space<hbm>> -> memref<64x128xf32, #tpu.memory_space<hbm>>
        %dma_wait3A_450 = tpu.memref_slice %arg11[%dma_wait3A_442] : memref<2x!tpu.dma_semaphore, #tpu.memory_space<semaphore_mem>> -> memref<1x!tpu.dma_semaphore, #tpu.memory_space<semaphore_mem>>
        %dma_wait3A_451 = tpu.memref_squeeze %dma_wait3A_450 : memref<1x!tpu.dma_semaphore, #tpu.memory_space<semaphore_mem>> -> memref<!tpu.dma_semaphore, #tpu.memory_space<semaphore_mem>>
        %dma_wait3A_452 = arith.constant 0 : i32
        %dma_wait3A_453 = tpu.memref_slice %arg4[%sub3A_440, %dma_wait3A_452, %mul3A_2] : memref<50x64x4096xf32, #tpu.memory_space<hbm>> -> memref<1x64x128xf32, #tpu.memory_space<hbm>>
        %dma_wait3A_454 = tpu.memref_squeeze %dma_wait3A_453 : memref<1x64x128xf32, #tpu.memory_space<hbm>> -> memref<64x128xf32, #tpu.memory_space<hbm>>
        %dma_wait3A_455 = arith.constant 0 : i32
        %dma_wait3A_456 = arith.constant 0 : i32
        %dma_wait3A_457 = tpu.memref_slice %arg9[%dma_wait3A_441, %dma_wait3A_455, %dma_wait3A_456] : memref<2x64x128xf32, #tpu.memory_space<vmem>> -> memref<1x64x128xf32, #tpu.memory_space<vmem>>
        %dma_wait3A_458 = tpu.memref_squeeze %dma_wait3A_457 : memref<1x64x128xf32, #tpu.memory_space<vmem>> -> memref<64x128xf32, #tpu.memory_space<vmem>>
        tpu.wait_dma2 semaphore(%dma_wait3A_451 : memref<!tpu.dma_semaphore, #tpu.memory_space<semaphore_mem>>) src(%dma_wait3A_458 : memref<64x128xf32, #tpu.memory_space<vmem>>) dst(%dma_wait3A_454 : memref<64x128xf32, #tpu.memory_space<hbm>>)
      } else {
      }
      %iota3A_360 = tpu.iota {dimensions = array<i32: 0>} : vector<16xi32>
      %add3A_361 = arith.constant 0 : i32
      %add3A_362 = vector.broadcast %add3A_361 : i32 to vector<16xi32>
      %add3A_363 = arith.addi %iota3A_360, %add3A_362 : vector<16xi32>
      %add3A_364 = arith.constant 16 : i32
      %add3A_365 = vector.broadcast %add3A_364 : i32 to vector<16xi32>
      %add3A_366 = arith.addi %iota3A_360, %add3A_365 : vector<16xi32>
      %add3A_367 = arith.constant 32 : i32
      %add3A_368 = vector.broadcast %add3A_367 : i32 to vector<16xi32>
      %add3A_369 = arith.addi %iota3A_360, %add3A_368 : vector<16xi32>
      %add3A_370 = arith.constant 48 : i32
      %add3A_371 = vector.broadcast %add3A_370 : i32 to vector<16xi32>
      %add3A_372 = arith.addi %iota3A_360, %add3A_371 : vector<16xi32>
      %add3A_373 = arith.constant 64 : i32
      %add3A_374 = vector.broadcast %add3A_373 : i32 to vector<16xi32>
      %add3A_375 = arith.addi %iota3A_360, %add3A_374 : vector<16xi32>
      %add3A_376 = arith.constant 80 : i32
      %add3A_377 = vector.broadcast %add3A_376 : i32 to vector<16xi32>
      %add3A_378 = arith.addi %iota3A_360, %add3A_377 : vector<16xi32>
      %add3A_379 = arith.constant 96 : i32
      %add3A_380 = vector.broadcast %add3A_379 : i32 to vector<16xi32>
      %add3A_381 = arith.addi %iota3A_360, %add3A_380 : vector<16xi32>
      %add3A_382 = arith.constant 112 : i32
      %add3A_383 = vector.broadcast %add3A_382 : i32 to vector<16xi32>
      %add3A_384 = arith.addi %iota3A_360, %add3A_383 : vector<16xi32>
      %get3A_385 = arith.constant 1 : i32
      %get3A_386 = arith.index_cast %get3A_385 : i32 to index
      %get3A_387 = arith.constant 0 : index
      %get3A_388 = tpu.vector_load %arg7[%get3A_386, %get3A_387] {strides = array<i32>} : memref<2x128xi32, #tpu.memory_space<vmem>>, vector<16xi32>,
      %get3A_389 = arith.constant 1 : i32
      %get3A_390 = arith.index_cast %get3A_389 : i32 to index
      %get3A_391 = arith.constant 16 : index
      %get3A_392 = tpu.vector_load %arg7[%get3A_390, %get3A_391] {strides = array<i32>} : memref<2x128xi32, #tpu.memory_space<vmem>>, vector<16xi32>,
      %get3A_393 = arith.constant 1 : i32
      %get3A_394 = arith.index_cast %get3A_393 : i32 to index
      %get3A_395 = arith.constant 32 : index
      %get3A_396 = tpu.vector_load %arg7[%get3A_394, %get3A_395] {strides = array<i32>} : memref<2x128xi32, #tpu.memory_space<vmem>>, vector<16xi32>,
      %get3A_397 = arith.constant 1 : i32
      %get3A_398 = arith.index_cast %get3A_397 : i32 to index
      %get3A_399 = arith.constant 48 : index
      %get3A_400 = tpu.vector_load %arg7[%get3A_398, %get3A_399] {strides = array<i32>} : memref<2x128xi32, #tpu.memory_space<vmem>>, vector<16xi32>,
      %get3A_401 = arith.constant 1 : i32
      %get3A_402 = arith.index_cast %get3A_401 : i32 to index
      %get3A_403 = arith.constant 64 : index
      %get3A_404 = tpu.vector_load %arg7[%get3A_402, %get3A_403] {strides = array<i32>} : memref<2x128xi32, #tpu.memory_space<vmem>>, vector<16xi32>,
      %get3A_405 = arith.constant 1 : i32
      %get3A_406 = arith.index_cast %get3A_405 : i32 to index
      %get3A_407 = arith.constant 80 : index
      %get3A_408 = tpu.vector_load %arg7[%get3A_406, %get3A_407] {strides = array<i32>} : memref<2x128xi32, #tpu.memory_space<vmem>>, vector<16xi32>,
      %get3A_409 = arith.constant 1 : i32
      %get3A_410 = arith.index_cast %get3A_409 : i32 to index
      %get3A_411 = arith.constant 96 : index
      %get3A_412 = tpu.vector_load %arg7[%get3A_410, %get3A_411] {strides = array<i32>} : memref<2x128xi32, #tpu.memory_space<vmem>>, vector<16xi32>,
      %get3A_413 = arith.constant 1 : i32
      %get3A_414 = arith.index_cast %get3A_413 : i32 to index
      %get3A_415 = arith.constant 112 : index
      %get3A_416 = tpu.vector_load %arg7[%get3A_414, %get3A_415] {strides = array<i32>} : memref<2x128xi32, #tpu.memory_space<vmem>>, vector<16xi32>,
      %scan3A_417 = arith.constant 0 : i32
      %scan3A_418 = arith.constant 64 : i32
      %scan3A_419 = arith.addi %scan3A_417, %scan3A_418 : i32
      %scan3A_420 = arith.constant 8 : i32
      scf.for %scan3A_440 = %scan3A_417 to %scan3A_419 step %scan3A_420  : i32 {
        %mul3A_441 = arith.constant 1 : i32
        %mul3A_442 = arith.muli %scan3A_440, %mul3A_441 : i32
        %add3A_443 = arith.constant 0 : i32
        %add3A_444 = arith.addi %add3A_443, %mul3A_442 : i32
        %add3A_445 = vector.broadcast %add3A_444 : i32 to vector<16xi32>
        %add3A_446 = arith.addi %iota3A_360, %add3A_445 : vector<16xi32>
        %and3A_447 = arith.constant 63 : i32
        %and3A_448 = vector.broadcast %and3A_447 : i32 to vector<16xi32>
        %and3A_449 = arith.andi %add3A_446, %and3A_448 : vector<16xi32>
        %add3A_450 = arith.addi %get3A_388, %and3A_449 : vector<16xi32>
        %gather3A = arith.constant 1 : i32
        %gather3A_451 = arith.constant 0 : i32
        %gather3A_452 = arith.constant 0 : i32
        %gather3A_453 = tpu.memref_slice %arg8[%gather3A, %gather3A_451, %gather3A_452] : memref<2x128x128xf32, #tpu.memory_space<vmem>> -> memref<1x128x128xf32, #tpu.memory_space<vmem>>
        %gather3A_454 = tpu.memref_squeeze %gather3A_453 : memref<1x128x128xf32, #tpu.memory_space<vmem>> -> memref<128x128xf32, #tpu.memory_space<vmem>>
        %gather3A_455 = tpu.vector_load_idx %gather3A_454[%add3A_363, %add3A_450] : memref<128x128xf32, #tpu.memory_space<vmem>>[vector<16xi32>, vector<16xi32>], vector<16xf32>,
        %scatter3A = arith.constant 1 : i32
        %scatter3A_456 = arith.constant 0 : i32
        %scatter3A_457 = arith.constant 0 : i32
        %scatter3A_458 = tpu.memref_slice %arg9[%scatter3A, %scatter3A_456, %scatter3A_457] : memref<2x64x128xf32, #tpu.memory_space<vmem>> -> memref<1x64x128xf32, #tpu.memory_space<vmem>>
        %scatter3A_459 = tpu.memref_squeeze %scatter3A_458 : memref<1x64x128xf32, #tpu.memory_space<vmem>> -> memref<64x128xf32, #tpu.memory_space<vmem>>
        tpu.vector_store_idx %scatter3A_459[%and3A_449, %add3A_363], %gather3A_455 : memref<64x128xf32, #tpu.memory_space<vmem>>[vector<16xi32>, vector<16xi32>], vector<16xf32>,
        %add3A_460 = arith.addi %get3A_392, %and3A_449 : vector<16xi32>
        %gather3A_461 = arith.constant 1 : i32
        %gather3A_462 = arith.constant 0 : i32
        %gather3A_463 = arith.constant 0 : i32
        %gather3A_464 = tpu.memref_slice %arg8[%gather3A_461, %gather3A_462, %gather3A_463] : memref<2x128x128xf32, #tpu.memory_space<vmem>> -> memref<1x128x128xf32, #tpu.memory_space<vmem>>
        %gather3A_465 = tpu.memref_squeeze %gather3A_464 : memref<1x128x128xf32, #tpu.memory_space<vmem>> -> memref<128x128xf32, #tpu.memory_space<vmem>>
        %gather3A_466 = tpu.vector_load_idx %gather3A_465[%add3A_366, %add3A_460] : memref<128x128xf32, #tpu.memory_space<vmem>>[vector<16xi32>, vector<16xi32>], vector<16xf32>,
        %scatter3A_467 = arith.constant 1 : i32
        %scatter3A_468 = arith.constant 0 : i32
        %scatter3A_469 = arith.constant 0 : i32
        %scatter3A_470 = tpu.memref_slice %arg9[%scatter3A_467, %scatter3A_468, %scatter3A_469] : memref<2x64x128xf32, #tpu.memory_space<vmem>> -> memref<1x64x128xf32, #tpu.memory_space<vmem>>
        %scatter3A_471 = tpu.memref_squeeze %scatter3A_470 : memref<1x64x128xf32, #tpu.memory_space<vmem>> -> memref<64x128xf32, #tpu.memory_space<vmem>>
        tpu.vector_store_idx %scatter3A_471[%and3A_449, %add3A_366], %gather3A_466 : memref<64x128xf32, #tpu.memory_space<vmem>>[vector<16xi32>, vector<16xi32>], vector<16xf32>,
        %add3A_472 = arith.addi %get3A_396, %and3A_449 : vector<16xi32>
        %gather3A_473 = arith.constant 1 : i32
        %gather3A_474 = arith.constant 0 : i32
        %gather3A_475 = arith.constant 0 : i32
        %gather3A_476 = tpu.memref_slice %arg8[%gather3A_473, %gather3A_474, %gather3A_475] : memref<2x128x128xf32, #tpu.memory_space<vmem>> -> memref<1x128x128xf32, #tpu.memory_space<vmem>>
        %gather3A_477 = tpu.memref_squeeze %gather3A_476 : memref<1x128x128xf32, #tpu.memory_space<vmem>> -> memref<128x128xf32, #tpu.memory_space<vmem>>
        %gather3A_478 = tpu.vector_load_idx %gather3A_477[%add3A_369, %add3A_472] : memref<128x128xf32, #tpu.memory_space<vmem>>[vector<16xi32>, vector<16xi32>], vector<16xf32>,
        %scatter3A_479 = arith.constant 1 : i32
        %scatter3A_480 = arith.constant 0 : i32
        %scatter3A_481 = arith.constant 0 : i32
        %scatter3A_482 = tpu.memref_slice %arg9[%scatter3A_479, %scatter3A_480, %scatter3A_481] : memref<2x64x128xf32, #tpu.memory_space<vmem>> -> memref<1x64x128xf32, #tpu.memory_space<vmem>>
        %scatter3A_483 = tpu.memref_squeeze %scatter3A_482 : memref<1x64x128xf32, #tpu.memory_space<vmem>> -> memref<64x128xf32, #tpu.memory_space<vmem>>
        tpu.vector_store_idx %scatter3A_483[%and3A_449, %add3A_369], %gather3A_478 : memref<64x128xf32, #tpu.memory_space<vmem>>[vector<16xi32>, vector<16xi32>], vector<16xf32>,
        %add3A_484 = arith.addi %get3A_400, %and3A_449 : vector<16xi32>
        %gather3A_485 = arith.constant 1 : i32
        %gather3A_486 = arith.constant 0 : i32
        %gather3A_487 = arith.constant 0 : i32
        %gather3A_488 = tpu.memref_slice %arg8[%gather3A_485, %gather3A_486, %gather3A_487] : memref<2x128x128xf32, #tpu.memory_space<vmem>> -> memref<1x128x128xf32, #tpu.memory_space<vmem>>
        %gather3A_489 = tpu.memref_squeeze %gather3A_488 : memref<1x128x128xf32, #tpu.memory_space<vmem>> -> memref<128x128xf32, #tpu.memory_space<vmem>>
        %gather3A_490 = tpu.vector_load_idx %gather3A_489[%add3A_372, %add3A_484] : memref<128x128xf32, #tpu.memory_space<vmem>>[vector<16xi32>, vector<16xi32>], vector<16xf32>,
        %scatter3A_491 = arith.constant 1 : i32
        %scatter3A_492 = arith.constant 0 : i32
        %scatter3A_493 = arith.constant 0 : i32
        %scatter3A_494 = tpu.memref_slice %arg9[%scatter3A_491, %scatter3A_492, %scatter3A_493] : memref<2x64x128xf32, #tpu.memory_space<vmem>> -> memref<1x64x128xf32, #tpu.memory_space<vmem>>
        %scatter3A_495 = tpu.memref_squeeze %scatter3A_494 : memref<1x64x128xf32, #tpu.memory_space<vmem>> -> memref<64x128xf32, #tpu.memory_space<vmem>>
        tpu.vector_store_idx %scatter3A_495[%and3A_449, %add3A_372], %gather3A_490 : memref<64x128xf32, #tpu.memory_space<vmem>>[vector<16xi32>, vector<16xi32>], vector<16xf32>,
        %add3A_496 = arith.addi %get3A_404, %and3A_449 : vector<16xi32>
        %gather3A_497 = arith.constant 1 : i32
        %gather3A_498 = arith.constant 0 : i32
        %gather3A_499 = arith.constant 0 : i32
        %gather3A_500 = tpu.memref_slice %arg8[%gather3A_497, %gather3A_498, %gather3A_499] : memref<2x128x128xf32, #tpu.memory_space<vmem>> -> memref<1x128x128xf32, #tpu.memory_space<vmem>>
        %gather3A_501 = tpu.memref_squeeze %gather3A_500 : memref<1x128x128xf32, #tpu.memory_space<vmem>> -> memref<128x128xf32, #tpu.memory_space<vmem>>
        %gather3A_502 = tpu.vector_load_idx %gather3A_501[%add3A_375, %add3A_496] : memref<128x128xf32, #tpu.memory_space<vmem>>[vector<16xi32>, vector<16xi32>], vector<16xf32>,
        %scatter3A_503 = arith.constant 1 : i32
        %scatter3A_504 = arith.constant 0 : i32
        %scatter3A_505 = arith.constant 0 : i32
        %scatter3A_506 = tpu.memref_slice %arg9[%scatter3A_503, %scatter3A_504, %scatter3A_505] : memref<2x64x128xf32, #tpu.memory_space<vmem>> -> memref<1x64x128xf32, #tpu.memory_space<vmem>>
        %scatter3A_507 = tpu.memref_squeeze %scatter3A_506 : memref<1x64x128xf32, #tpu.memory_space<vmem>> -> memref<64x128xf32, #tpu.memory_space<vmem>>
        tpu.vector_store_idx %scatter3A_507[%and3A_449, %add3A_375], %gather3A_502 : memref<64x128xf32, #tpu.memory_space<vmem>>[vector<16xi32>, vector<16xi32>], vector<16xf32>,
        %add3A_508 = arith.addi %get3A_408, %and3A_449 : vector<16xi32>
        %gather3A_509 = arith.constant 1 : i32
        %gather3A_510 = arith.constant 0 : i32
        %gather3A_511 = arith.constant 0 : i32
        %gather3A_512 = tpu.memref_slice %arg8[%gather3A_509, %gather3A_510, %gather3A_511] : memref<2x128x128xf32, #tpu.memory_space<vmem>> -> memref<1x128x128xf32, #tpu.memory_space<vmem>>
        %gather3A_513 = tpu.memref_squeeze %gather3A_512 : memref<1x128x128xf32, #tpu.memory_space<vmem>> -> memref<128x128xf32, #tpu.memory_space<vmem>>
        %gather3A_514 = tpu.vector_load_idx %gather3A_513[%add3A_378, %add3A_508] : memref<128x128xf32, #tpu.memory_space<vmem>>[vector<16xi32>, vector<16xi32>], vector<16xf32>,
        %scatter3A_515 = arith.constant 1 : i32
        %scatter3A_516 = arith.constant 0 : i32
        %scatter3A_517 = arith.constant 0 : i32
        %scatter3A_518 = tpu.memref_slice %arg9[%scatter3A_515, %scatter3A_516, %scatter3A_517] : memref<2x64x128xf32, #tpu.memory_space<vmem>> -> memref<1x64x128xf32, #tpu.memory_space<vmem>>
        %scatter3A_519 = tpu.memref_squeeze %scatter3A_518 : memref<1x64x128xf32, #tpu.memory_space<vmem>> -> memref<64x128xf32, #tpu.memory_space<vmem>>
        tpu.vector_store_idx %scatter3A_519[%and3A_449, %add3A_378], %gather3A_514 : memref<64x128xf32, #tpu.memory_space<vmem>>[vector<16xi32>, vector<16xi32>], vector<16xf32>,
        %add3A_520 = arith.addi %get3A_412, %and3A_449 : vector<16xi32>
        %gather3A_521 = arith.constant 1 : i32
        %gather3A_522 = arith.constant 0 : i32
        %gather3A_523 = arith.constant 0 : i32
        %gather3A_524 = tpu.memref_slice %arg8[%gather3A_521, %gather3A_522, %gather3A_523] : memref<2x128x128xf32, #tpu.memory_space<vmem>> -> memref<1x128x128xf32, #tpu.memory_space<vmem>>
        %gather3A_525 = tpu.memref_squeeze %gather3A_524 : memref<1x128x128xf32, #tpu.memory_space<vmem>> -> memref<128x128xf32, #tpu.memory_space<vmem>>
        %gather3A_526 = tpu.vector_load_idx %gather3A_525[%add3A_381, %add3A_520] : memref<128x128xf32, #tpu.memory_space<vmem>>[vector<16xi32>, vector<16xi32>], vector<16xf32>,
        %scatter3A_527 = arith.constant 1 : i32
        %scatter3A_528 = arith.constant 0 : i32
        %scatter3A_529 = arith.constant 0 : i32
        %scatter3A_530 = tpu.memref_slice %arg9[%scatter3A_527, %scatter3A_528, %scatter3A_529] : memref<2x64x128xf32, #tpu.memory_space<vmem>> -> memref<1x64x128xf32, #tpu.memory_space<vmem>>
        %scatter3A_531 = tpu.memref_squeeze %scatter3A_530 : memref<1x64x128xf32, #tpu.memory_space<vmem>> -> memref<64x128xf32, #tpu.memory_space<vmem>>
        tpu.vector_store_idx %scatter3A_531[%and3A_449, %add3A_381], %gather3A_526 : memref<64x128xf32, #tpu.memory_space<vmem>>[vector<16xi32>, vector<16xi32>], vector<16xf32>,
        %add3A_532 = arith.addi %get3A_416, %and3A_449 : vector<16xi32>
        %gather3A_533 = arith.constant 1 : i32
        %gather3A_534 = arith.constant 0 : i32
        %gather3A_535 = arith.constant 0 : i32
        %gather3A_536 = tpu.memref_slice %arg8[%gather3A_533, %gather3A_534, %gather3A_535] : memref<2x128x128xf32, #tpu.memory_space<vmem>> -> memref<1x128x128xf32, #tpu.memory_space<vmem>>
        %gather3A_537 = tpu.memref_squeeze %gather3A_536 : memref<1x128x128xf32, #tpu.memory_space<vmem>> -> memref<128x128xf32, #tpu.memory_space<vmem>>
        %gather3A_538 = tpu.vector_load_idx %gather3A_537[%add3A_384, %add3A_532] : memref<128x128xf32, #tpu.memory_space<vmem>>[vector<16xi32>, vector<16xi32>], vector<16xf32>,
        %scatter3A_539 = arith.constant 1 : i32
        %scatter3A_540 = arith.constant 0 : i32
        %scatter3A_541 = arith.constant 0 : i32
        %scatter3A_542 = tpu.memref_slice %arg9[%scatter3A_539, %scatter3A_540, %scatter3A_541] : memref<2x64x128xf32, #tpu.memory_space<vmem>> -> memref<1x64x128xf32, #tpu.memory_space<vmem>>
        %scatter3A_543 = tpu.memref_squeeze %scatter3A_542 : memref<1x64x128xf32, #tpu.memory_space<vmem>> -> memref<64x128xf32, #tpu.memory_space<vmem>>
        tpu.vector_store_idx %scatter3A_543[%and3A_449, %add3A_384], %gather3A_538 : memref<64x128xf32, #tpu.memory_space<vmem>>[vector<16xi32>, vector<16xi32>], vector<16xf32>,
        %scan3A_544 = arith.constant 1 : i32
        %scan3A_545 = arith.addi %scan3A_440, %scan3A_544 : i32
        %mul3A_546 = arith.constant 1 : i32
        %mul3A_547 = arith.muli %scan3A_545, %mul3A_546 : i32
        %add3A_548 = arith.constant 0 : i32
        %add3A_549 = arith.addi %add3A_548, %mul3A_547 : i32
        %add3A_550 = vector.broadcast %add3A_549 : i32 to vector<16xi32>
        %add3A_551 = arith.addi %iota3A_360, %add3A_550 : vector<16xi32>
        %and3A_552 = arith.constant 63 : i32
        %and3A_553 = vector.broadcast %and3A_552 : i32 to vector<16xi32>
        %and3A_554 = arith.andi %add3A_551, %and3A_553 : vector<16xi32>
        %add3A_555 = arith.addi %get3A_388, %and3A_554 : vector<16xi32>
        %gather3A_556 = arith.constant 1 : i32
        %gather3A_557 = arith.constant 0 : i32
        %gather3A_558 = arith.constant 0 : i32
        %gather3A_559 = tpu.memref_slice %arg8[%gather3A_556, %gather3A_557, %gather3A_558] : memref<2x128x128xf32, #tpu.memory_space<vmem>> -> memref<1x128x128xf32, #tpu.memory_space<vmem>>
        %gather3A_560 = tpu.memref_squeeze %gather3A_559 : memref<1x128x128xf32, #tpu.memory_space<vmem>> -> memref<128x128xf32, #tpu.memory_space<vmem>>
        %gather3A_561 = tpu.vector_load_idx %gather3A_560[%add3A_363, %add3A_555] : memref<128x128xf32, #tpu.memory_space<vmem>>[vector<16xi32>, vector<16xi32>], vector<16xf32>,
        %scatter3A_562 = arith.constant 1 : i32
        %scatter3A_563 = arith.constant 0 : i32
        %scatter3A_564 = arith.constant 0 : i32
        %scatter3A_565 = tpu.memref_slice %arg9[%scatter3A_562, %scatter3A_563, %scatter3A_564] : memref<2x64x128xf32, #tpu.memory_space<vmem>> -> memref<1x64x128xf32, #tpu.memory_space<vmem>>
        %scatter3A_566 = tpu.memref_squeeze %scatter3A_565 : memref<1x64x128xf32, #tpu.memory_space<vmem>> -> memref<64x128xf32, #tpu.memory_space<vmem>>
        tpu.vector_store_idx %scatter3A_566[%and3A_554, %add3A_363], %gather3A_561 : memref<64x128xf32, #tpu.memory_space<vmem>>[vector<16xi32>, vector<16xi32>], vector<16xf32>,
        %add3A_567 = arith.addi %get3A_392, %and3A_554 : vector<16xi32>
        %gather3A_568 = arith.constant 1 : i32
        %gather3A_569 = arith.constant 0 : i32
        %gather3A_570 = arith.constant 0 : i32
        %gather3A_571 = tpu.memref_slice %arg8[%gather3A_568, %gather3A_569, %gather3A_570] : memref<2x128x128xf32, #tpu.memory_space<vmem>> -> memref<1x128x128xf32, #tpu.memory_space<vmem>>
        %gather3A_572 = tpu.memref_squeeze %gather3A_571 : memref<1x128x128xf32, #tpu.memory_space<vmem>> -> memref<128x128xf32, #tpu.memory_space<vmem>>
        %gather3A_573 = tpu.vector_load_idx %gather3A_572[%add3A_366, %add3A_567] : memref<128x128xf32, #tpu.memory_space<vmem>>[vector<16xi32>, vector<16xi32>], vector<16xf32>,
        %scatter3A_574 = arith.constant 1 : i32
        %scatter3A_575 = arith.constant 0 : i32
        %scatter3A_576 = arith.constant 0 : i32
        %scatter3A_577 = tpu.memref_slice %arg9[%scatter3A_574, %scatter3A_575, %scatter3A_576] : memref<2x64x128xf32, #tpu.memory_space<vmem>> -> memref<1x64x128xf32, #tpu.memory_space<vmem>>
        %scatter3A_578 = tpu.memref_squeeze %scatter3A_577 : memref<1x64x128xf32, #tpu.memory_space<vmem>> -> memref<64x128xf32, #tpu.memory_space<vmem>>
        tpu.vector_store_idx %scatter3A_578[%and3A_554, %add3A_366], %gather3A_573 : memref<64x128xf32, #tpu.memory_space<vmem>>[vector<16xi32>, vector<16xi32>], vector<16xf32>,
        %add3A_579 = arith.addi %get3A_396, %and3A_554 : vector<16xi32>
        %gather3A_580 = arith.constant 1 : i32
        %gather3A_581 = arith.constant 0 : i32
        %gather3A_582 = arith.constant 0 : i32
        %gather3A_583 = tpu.memref_slice %arg8[%gather3A_580, %gather3A_581, %gather3A_582] : memref<2x128x128xf32, #tpu.memory_space<vmem>> -> memref<1x128x128xf32, #tpu.memory_space<vmem>>
        %gather3A_584 = tpu.memref_squeeze %gather3A_583 : memref<1x128x128xf32, #tpu.memory_space<vmem>> -> memref<128x128xf32, #tpu.memory_space<vmem>>
        %gather3A_585 = tpu.vector_load_idx %gather3A_584[%add3A_369, %add3A_579] : memref<128x128xf32, #tpu.memory_space<vmem>>[vector<16xi32>, vector<16xi32>], vector<16xf32>,
        %scatter3A_586 = arith.constant 1 : i32
        %scatter3A_587 = arith.constant 0 : i32
        %scatter3A_588 = arith.constant 0 : i32
        %scatter3A_589 = tpu.memref_slice %arg9[%scatter3A_586, %scatter3A_587, %scatter3A_588] : memref<2x64x128xf32, #tpu.memory_space<vmem>> -> memref<1x64x128xf32, #tpu.memory_space<vmem>>
        %scatter3A_590 = tpu.memref_squeeze %scatter3A_589 : memref<1x64x128xf32, #tpu.memory_space<vmem>> -> memref<64x128xf32, #tpu.memory_space<vmem>>
        tpu.vector_store_idx %scatter3A_590[%and3A_554, %add3A_369], %gather3A_585 : memref<64x128xf32, #tpu.memory_space<vmem>>[vector<16xi32>, vector<16xi32>], vector<16xf32>,
        %add3A_591 = arith.addi %get3A_400, %and3A_554 : vector<16xi32>
        %gather3A_592 = arith.constant 1 : i32
        %gather3A_593 = arith.constant 0 : i32
        %gather3A_594 = arith.constant 0 : i32
        %gather3A_595 = tpu.memref_slice %arg8[%gather3A_592, %gather3A_593, %gather3A_594] : memref<2x128x128xf32, #tpu.memory_space<vmem>> -> memref<1x128x128xf32, #tpu.memory_space<vmem>>
        %gather3A_596 = tpu.memref_squeeze %gather3A_595 : memref<1x128x128xf32, #tpu.memory_space<vmem>> -> memref<128x128xf32, #tpu.memory_space<vmem>>
        %gather3A_597 = tpu.vector_load_idx %gather3A_596[%add3A_372, %add3A_591] : memref<128x128xf32, #tpu.memory_space<vmem>>[vector<16xi32>, vector<16xi32>], vector<16xf32>,
        %scatter3A_598 = arith.constant 1 : i32
        %scatter3A_599 = arith.constant 0 : i32
        %scatter3A_600 = arith.constant 0 : i32
        %scatter3A_601 = tpu.memref_slice %arg9[%scatter3A_598, %scatter3A_599, %scatter3A_600] : memref<2x64x128xf32, #tpu.memory_space<vmem>> -> memref<1x64x128xf32, #tpu.memory_space<vmem>>
        %scatter3A_602 = tpu.memref_squeeze %scatter3A_601 : memref<1x64x128xf32, #tpu.memory_space<vmem>> -> memref<64x128xf32, #tpu.memory_space<vmem>>
        tpu.vector_store_idx %scatter3A_602[%and3A_554, %add3A_372], %gather3A_597 : memref<64x128xf32, #tpu.memory_space<vmem>>[vector<16xi32>, vector<16xi32>], vector<16xf32>,
        %add3A_603 = arith.addi %get3A_404, %and3A_554 : vector<16xi32>
        %gather3A_604 = arith.constant 1 : i32
        %gather3A_605 = arith.constant 0 : i32
        %gather3A_606 = arith.constant 0 : i32
        %gather3A_607 = tpu.memref_slice %arg8[%gather3A_604, %gather3A_605, %gather3A_606] : memref<2x128x128xf32, #tpu.memory_space<vmem>> -> memref<1x128x128xf32, #tpu.memory_space<vmem>>
        %gather3A_608 = tpu.memref_squeeze %gather3A_607 : memref<1x128x128xf32, #tpu.memory_space<vmem>> -> memref<128x128xf32, #tpu.memory_space<vmem>>
        %gather3A_609 = tpu.vector_load_idx %gather3A_608[%add3A_375, %add3A_603] : memref<128x128xf32, #tpu.memory_space<vmem>>[vector<16xi32>, vector<16xi32>], vector<16xf32>,
        %scatter3A_610 = arith.constant 1 : i32
        %scatter3A_611 = arith.constant 0 : i32
        %scatter3A_612 = arith.constant 0 : i32
        %scatter3A_613 = tpu.memref_slice %arg9[%scatter3A_610, %scatter3A_611, %scatter3A_612] : memref<2x64x128xf32, #tpu.memory_space<vmem>> -> memref<1x64x128xf32, #tpu.memory_space<vmem>>
        %scatter3A_614 = tpu.memref_squeeze %scatter3A_613 : memref<1x64x128xf32, #tpu.memory_space<vmem>> -> memref<64x128xf32, #tpu.memory_space<vmem>>
        tpu.vector_store_idx %scatter3A_614[%and3A_554, %add3A_375], %gather3A_609 : memref<64x128xf32, #tpu.memory_space<vmem>>[vector<16xi32>, vector<16xi32>], vector<16xf32>,
        %add3A_615 = arith.addi %get3A_408, %and3A_554 : vector<16xi32>
        %gather3A_616 = arith.constant 1 : i32
        %gather3A_617 = arith.constant 0 : i32
        %gather3A_618 = arith.constant 0 : i32
        %gather3A_619 = tpu.memref_slice %arg8[%gather3A_616, %gather3A_617, %gather3A_618] : memref<2x128x128xf32, #tpu.memory_space<vmem>> -> memref<1x128x128xf32, #tpu.memory_space<vmem>>
        %gather3A_620 = tpu.memref_squeeze %gather3A_619 : memref<1x128x128xf32, #tpu.memory_space<vmem>> -> memref<128x128xf32, #tpu.memory_space<vmem>>
        %gather3A_621 = tpu.vector_load_idx %gather3A_620[%add3A_378, %add3A_615] : memref<128x128xf32, #tpu.memory_space<vmem>>[vector<16xi32>, vector<16xi32>], vector<16xf32>,
        %scatter3A_622 = arith.constant 1 : i32
        %scatter3A_623 = arith.constant 0 : i32
        %scatter3A_624 = arith.constant 0 : i32
        %scatter3A_625 = tpu.memref_slice %arg9[%scatter3A_622, %scatter3A_623, %scatter3A_624] : memref<2x64x128xf32, #tpu.memory_space<vmem>> -> memref<1x64x128xf32, #tpu.memory_space<vmem>>
        %scatter3A_626 = tpu.memref_squeeze %scatter3A_625 : memref<1x64x128xf32, #tpu.memory_space<vmem>> -> memref<64x128xf32, #tpu.memory_space<vmem>>
        tpu.vector_store_idx %scatter3A_626[%and3A_554, %add3A_378], %gather3A_621 : memref<64x128xf32, #tpu.memory_space<vmem>>[vector<16xi32>, vector<16xi32>], vector<16xf32>,
        %add3A_627 = arith.addi %get3A_412, %and3A_554 : vector<16xi32>
        %gather3A_628 = arith.constant 1 : i32
        %gather3A_629 = arith.constant 0 : i32
        %gather3A_630 = arith.constant 0 : i32
        %gather3A_631 = tpu.memref_slice %arg8[%gather3A_628, %gather3A_629, %gather3A_630] : memref<2x128x128xf32, #tpu.memory_space<vmem>> -> memref<1x128x128xf32, #tpu.memory_space<vmem>>
        %gather3A_632 = tpu.memref_squeeze %gather3A_631 : memref<1x128x128xf32, #tpu.memory_space<vmem>> -> memref<128x128xf32, #tpu.memory_space<vmem>>
        %gather3A_633 = tpu.vector_load_idx %gather3A_632[%add3A_381, %add3A_627] : memref<128x128xf32, #tpu.memory_space<vmem>>[vector<16xi32>, vector<16xi32>], vector<16xf32>,
        %scatter3A_634 = arith.constant 1 : i32
        %scatter3A_635 = arith.constant 0 : i32
        %scatter3A_636 = arith.constant 0 : i32
        %scatter3A_637 = tpu.memref_slice %arg9[%scatter3A_634, %scatter3A_635, %scatter3A_636] : memref<2x64x128xf32, #tpu.memory_space<vmem>> -> memref<1x64x128xf32, #tpu.memory_space<vmem>>
        %scatter3A_638 = tpu.memref_squeeze %scatter3A_637 : memref<1x64x128xf32, #tpu.memory_space<vmem>> -> memref<64x128xf32, #tpu.memory_space<vmem>>
        tpu.vector_store_idx %scatter3A_638[%and3A_554, %add3A_381], %gather3A_633 : memref<64x128xf32, #tpu.memory_space<vmem>>[vector<16xi32>, vector<16xi32>], vector<16xf32>,
        %add3A_639 = arith.addi %get3A_416, %and3A_554 : vector<16xi32>
        %gather3A_640 = arith.constant 1 : i32
        %gather3A_641 = arith.constant 0 : i32
        %gather3A_642 = arith.constant 0 : i32
        %gather3A_643 = tpu.memref_slice %arg8[%gather3A_640, %gather3A_641, %gather3A_642] : memref<2x128x128xf32, #tpu.memory_space<vmem>> -> memref<1x128x128xf32, #tpu.memory_space<vmem>>
        %gather3A_644 = tpu.memref_squeeze %gather3A_643 : memref<1x128x128xf32, #tpu.memory_space<vmem>> -> memref<128x128xf32, #tpu.memory_space<vmem>>
        %gather3A_645 = tpu.vector_load_idx %gather3A_644[%add3A_384, %add3A_639] : memref<128x128xf32, #tpu.memory_space<vmem>>[vector<16xi32>, vector<16xi32>], vector<16xf32>,
        %scatter3A_646 = arith.constant 1 : i32
        %scatter3A_647 = arith.constant 0 : i32
        %scatter3A_648 = arith.constant 0 : i32
        %scatter3A_649 = tpu.memref_slice %arg9[%scatter3A_646, %scatter3A_647, %scatter3A_648] : memref<2x64x128xf32, #tpu.memory_space<vmem>> -> memref<1x64x128xf32, #tpu.memory_space<vmem>>
        %scatter3A_650 = tpu.memref_squeeze %scatter3A_649 : memref<1x64x128xf32, #tpu.memory_space<vmem>> -> memref<64x128xf32, #tpu.memory_space<vmem>>
        tpu.vector_store_idx %scatter3A_650[%and3A_554, %add3A_384], %gather3A_645 : memref<64x128xf32, #tpu.memory_space<vmem>>[vector<16xi32>, vector<16xi32>], vector<16xf32>,
        %scan3A_651 = arith.constant 2 : i32
        %scan3A_652 = arith.addi %scan3A_440, %scan3A_651 : i32
        %mul3A_653 = arith.constant 1 : i32
        %mul3A_654 = arith.muli %scan3A_652, %mul3A_653 : i32
        %add3A_655 = arith.constant 0 : i32
        %add3A_656 = arith.addi %add3A_655, %mul3A_654 : i32
        %add3A_657 = vector.broadcast %add3A_656 : i32 to vector<16xi32>
        %add3A_658 = arith.addi %iota3A_360, %add3A_657 : vector<16xi32>
        %and3A_659 = arith.constant 63 : i32
        %and3A_660 = vector.broadcast %and3A_659 : i32 to vector<16xi32>
        %and3A_661 = arith.andi %add3A_658, %and3A_660 : vector<16xi32>
        %add3A_662 = arith.addi %get3A_388, %and3A_661 : vector<16xi32>
        %gather3A_663 = arith.constant 1 : i32
        %gather3A_664 = arith.constant 0 : i32
        %gather3A_665 = arith.constant 0 : i32
        %gather3A_666 = tpu.memref_slice %arg8[%gather3A_663, %gather3A_664, %gather3A_665] : memref<2x128x128xf32, #tpu.memory_space<vmem>> -> memref<1x128x128xf32, #tpu.memory_space<vmem>>
        %gather3A_667 = tpu.memref_squeeze %gather3A_666 : memref<1x128x128xf32, #tpu.memory_space<vmem>> -> memref<128x128xf32, #tpu.memory_space<vmem>>
        %gather3A_668 = tpu.vector_load_idx %gather3A_667[%add3A_363, %add3A_662] : memref<128x128xf32, #tpu.memory_space<vmem>>[vector<16xi32>, vector<16xi32>], vector<16xf32>,
        %scatter3A_669 = arith.constant 1 : i32
        %scatter3A_670 = arith.constant 0 : i32
        %scatter3A_671 = arith.constant 0 : i32
        %scatter3A_672 = tpu.memref_slice %arg9[%scatter3A_669, %scatter3A_670, %scatter3A_671] : memref<2x64x128xf32, #tpu.memory_space<vmem>> -> memref<1x64x128xf32, #tpu.memory_space<vmem>>
        %scatter3A_673 = tpu.memref_squeeze %scatter3A_672 : memref<1x64x128xf32, #tpu.memory_space<vmem>> -> memref<64x128xf32, #tpu.memory_space<vmem>>
        tpu.vector_store_idx %scatter3A_673[%and3A_661, %add3A_363], %gather3A_668 : memref<64x128xf32, #tpu.memory_space<vmem>>[vector<16xi32>, vector<16xi32>], vector<16xf32>,
        %add3A_674 = arith.addi %get3A_392, %and3A_661 : vector<16xi32>
        %gather3A_675 = arith.constant 1 : i32
        %gather3A_676 = arith.constant 0 : i32
        %gather3A_677 = arith.constant 0 : i32
        %gather3A_678 = tpu.memref_slice %arg8[%gather3A_675, %gather3A_676, %gather3A_677] : memref<2x128x128xf32, #tpu.memory_space<vmem>> -> memref<1x128x128xf32, #tpu.memory_space<vmem>>
        %gather3A_679 = tpu.memref_squeeze %gather3A_678 : memref<1x128x128xf32, #tpu.memory_space<vmem>> -> memref<128x128xf32, #tpu.memory_space<vmem>>
        %gather3A_680 = tpu.vector_load_idx %gather3A_679[%add3A_366, %add3A_674] : memref<128x128xf32, #tpu.memory_space<vmem>>[vector<16xi32>, vector<16xi32>], vector<16xf32>,
        %scatter3A_681 = arith.constant 1 : i32
        %scatter3A_682 = arith.constant 0 : i32
        %scatter3A_683 = arith.constant 0 : i32
        %scatter3A_684 = tpu.memref_slice %arg9[%scatter3A_681, %scatter3A_682, %scatter3A_683] : memref<2x64x128xf32, #tpu.memory_space<vmem>> -> memref<1x64x128xf32, #tpu.memory_space<vmem>>
        %scatter3A_685 = tpu.memref_squeeze %scatter3A_684 : memref<1x64x128xf32, #tpu.memory_space<vmem>> -> memref<64x128xf32, #tpu.memory_space<vmem>>
        tpu.vector_store_idx %scatter3A_685[%and3A_661, %add3A_366], %gather3A_680 : memref<64x128xf32, #tpu.memory_space<vmem>>[vector<16xi32>, vector<16xi32>], vector<16xf32>,
        %add3A_686 = arith.addi %get3A_396, %and3A_661 : vector<16xi32>
        %gather3A_687 = arith.constant 1 : i32
        %gather3A_688 = arith.constant 0 : i32
        %gather3A_689 = arith.constant 0 : i32
        %gather3A_690 = tpu.memref_slice %arg8[%gather3A_687, %gather3A_688, %gather3A_689] : memref<2x128x128xf32, #tpu.memory_space<vmem>> -> memref<1x128x128xf32, #tpu.memory_space<vmem>>
        %gather3A_691 = tpu.memref_squeeze %gather3A_690 : memref<1x128x128xf32, #tpu.memory_space<vmem>> -> memref<128x128xf32, #tpu.memory_space<vmem>>
        %gather3A_692 = tpu.vector_load_idx %gather3A_691[%add3A_369, %add3A_686] : memref<128x128xf32, #tpu.memory_space<vmem>>[vector<16xi32>, vector<16xi32>], vector<16xf32>,
        %scatter3A_693 = arith.constant 1 : i32
        %scatter3A_694 = arith.constant 0 : i32
        %scatter3A_695 = arith.constant 0 : i32
        %scatter3A_696 = tpu.memref_slice %arg9[%scatter3A_693, %scatter3A_694, %scatter3A_695] : memref<2x64x128xf32, #tpu.memory_space<vmem>> -> memref<1x64x128xf32, #tpu.memory_space<vmem>>
        %scatter3A_697 = tpu.memref_squeeze %scatter3A_696 : memref<1x64x128xf32, #tpu.memory_space<vmem>> -> memref<64x128xf32, #tpu.memory_space<vmem>>
        tpu.vector_store_idx %scatter3A_697[%and3A_661, %add3A_369], %gather3A_692 : memref<64x128xf32, #tpu.memory_space<vmem>>[vector<16xi32>, vector<16xi32>], vector<16xf32>,
        %add3A_698 = arith.addi %get3A_400, %and3A_661 : vector<16xi32>
        %gather3A_699 = arith.constant 1 : i32
        %gather3A_700 = arith.constant 0 : i32
        %gather3A_701 = arith.constant 0 : i32
        %gather3A_702 = tpu.memref_slice %arg8[%gather3A_699, %gather3A_700, %gather3A_701] : memref<2x128x128xf32, #tpu.memory_space<vmem>> -> memref<1x128x128xf32, #tpu.memory_space<vmem>>
        %gather3A_703 = tpu.memref_squeeze %gather3A_702 : memref<1x128x128xf32, #tpu.memory_space<vmem>> -> memref<128x128xf32, #tpu.memory_space<vmem>>
        %gather3A_704 = tpu.vector_load_idx %gather3A_703[%add3A_372, %add3A_698] : memref<128x128xf32, #tpu.memory_space<vmem>>[vector<16xi32>, vector<16xi32>], vector<16xf32>,
        %scatter3A_705 = arith.constant 1 : i32
        %scatter3A_706 = arith.constant 0 : i32
        %scatter3A_707 = arith.constant 0 : i32
        %scatter3A_708 = tpu.memref_slice %arg9[%scatter3A_705, %scatter3A_706, %scatter3A_707] : memref<2x64x128xf32, #tpu.memory_space<vmem>> -> memref<1x64x128xf32, #tpu.memory_space<vmem>>
        %scatter3A_709 = tpu.memref_squeeze %scatter3A_708 : memref<1x64x128xf32, #tpu.memory_space<vmem>> -> memref<64x128xf32, #tpu.memory_space<vmem>>
        tpu.vector_store_idx %scatter3A_709[%and3A_661, %add3A_372], %gather3A_704 : memref<64x128xf32, #tpu.memory_space<vmem>>[vector<16xi32>, vector<16xi32>], vector<16xf32>,
        %add3A_710 = arith.addi %get3A_404, %and3A_661 : vector<16xi32>
        %gather3A_711 = arith.constant 1 : i32
        %gather3A_712 = arith.constant 0 : i32
        %gather3A_713 = arith.constant 0 : i32
        %gather3A_714 = tpu.memref_slice %arg8[%gather3A_711, %gather3A_712, %gather3A_713] : memref<2x128x128xf32, #tpu.memory_space<vmem>> -> memref<1x128x128xf32, #tpu.memory_space<vmem>>
        %gather3A_715 = tpu.memref_squeeze %gather3A_714 : memref<1x128x128xf32, #tpu.memory_space<vmem>> -> memref<128x128xf32, #tpu.memory_space<vmem>>
        %gather3A_716 = tpu.vector_load_idx %gather3A_715[%add3A_375, %add3A_710] : memref<128x128xf32, #tpu.memory_space<vmem>>[vector<16xi32>, vector<16xi32>], vector<16xf32>,
        %scatter3A_717 = arith.constant 1 : i32
        %scatter3A_718 = arith.constant 0 : i32
        %scatter3A_719 = arith.constant 0 : i32
        %scatter3A_720 = tpu.memref_slice %arg9[%scatter3A_717, %scatter3A_718, %scatter3A_719] : memref<2x64x128xf32, #tpu.memory_space<vmem>> -> memref<1x64x128xf32, #tpu.memory_space<vmem>>
        %scatter3A_721 = tpu.memref_squeeze %scatter3A_720 : memref<1x64x128xf32, #tpu.memory_space<vmem>> -> memref<64x128xf32, #tpu.memory_space<vmem>>
        tpu.vector_store_idx %scatter3A_721[%and3A_661, %add3A_375], %gather3A_716 : memref<64x128xf32, #tpu.memory_space<vmem>>[vector<16xi32>, vector<16xi32>], vector<16xf32>,
        %add3A_722 = arith.addi %get3A_408, %and3A_661 : vector<16xi32>
        %gather3A_723 = arith.constant 1 : i32
        %gather3A_724 = arith.constant 0 : i32
        %gather3A_725 = arith.constant 0 : i32
        %gather3A_726 = tpu.memref_slice %arg8[%gather3A_723, %gather3A_724, %gather3A_725] : memref<2x128x128xf32, #tpu.memory_space<vmem>> -> memref<1x128x128xf32, #tpu.memory_space<vmem>>
        %gather3A_727 = tpu.memref_squeeze %gather3A_726 : memref<1x128x128xf32, #tpu.memory_space<vmem>> -> memref<128x128xf32, #tpu.memory_space<vmem>>
        %gather3A_728 = tpu.vector_load_idx %gather3A_727[%add3A_378, %add3A_722] : memref<128x128xf32, #tpu.memory_space<vmem>>[vector<16xi32>, vector<16xi32>], vector<16xf32>,
        %scatter3A_729 = arith.constant 1 : i32
        %scatter3A_730 = arith.constant 0 : i32
        %scatter3A_731 = arith.constant 0 : i32
        %scatter3A_732 = tpu.memref_slice %arg9[%scatter3A_729, %scatter3A_730, %scatter3A_731] : memref<2x64x128xf32, #tpu.memory_space<vmem>> -> memref<1x64x128xf32, #tpu.memory_space<vmem>>
        %scatter3A_733 = tpu.memref_squeeze %scatter3A_732 : memref<1x64x128xf32, #tpu.memory_space<vmem>> -> memref<64x128xf32, #tpu.memory_space<vmem>>
        tpu.vector_store_idx %scatter3A_733[%and3A_661, %add3A_378], %gather3A_728 : memref<64x128xf32, #tpu.memory_space<vmem>>[vector<16xi32>, vector<16xi32>], vector<16xf32>,
        %add3A_734 = arith.addi %get3A_412, %and3A_661 : vector<16xi32>
        %gather3A_735 = arith.constant 1 : i32
        %gather3A_736 = arith.constant 0 : i32
        %gather3A_737 = arith.constant 0 : i32
        %gather3A_738 = tpu.memref_slice %arg8[%gather3A_735, %gather3A_736, %gather3A_737] : memref<2x128x128xf32, #tpu.memory_space<vmem>> -> memref<1x128x128xf32, #tpu.memory_space<vmem>>
        %gather3A_739 = tpu.memref_squeeze %gather3A_738 : memref<1x128x128xf32, #tpu.memory_space<vmem>> -> memref<128x128xf32, #tpu.memory_space<vmem>>
        %gather3A_740 = tpu.vector_load_idx %gather3A_739[%add3A_381, %add3A_734] : memref<128x128xf32, #tpu.memory_space<vmem>>[vector<16xi32>, vector<16xi32>], vector<16xf32>,
        %scatter3A_741 = arith.constant 1 : i32
        %scatter3A_742 = arith.constant 0 : i32
        %scatter3A_743 = arith.constant 0 : i32
        %scatter3A_744 = tpu.memref_slice %arg9[%scatter3A_741, %scatter3A_742, %scatter3A_743] : memref<2x64x128xf32, #tpu.memory_space<vmem>> -> memref<1x64x128xf32, #tpu.memory_space<vmem>>
        %scatter3A_745 = tpu.memref_squeeze %scatter3A_744 : memref<1x64x128xf32, #tpu.memory_space<vmem>> -> memref<64x128xf32, #tpu.memory_space<vmem>>
        tpu.vector_store_idx %scatter3A_745[%and3A_661, %add3A_381], %gather3A_740 : memref<64x128xf32, #tpu.memory_space<vmem>>[vector<16xi32>, vector<16xi32>], vector<16xf32>,
        %add3A_746 = arith.addi %get3A_416, %and3A_661 : vector<16xi32>
        %gather3A_747 = arith.constant 1 : i32
        %gather3A_748 = arith.constant 0 : i32
        %gather3A_749 = arith.constant 0 : i32
        %gather3A_750 = tpu.memref_slice %arg8[%gather3A_747, %gather3A_748, %gather3A_749] : memref<2x128x128xf32, #tpu.memory_space<vmem>> -> memref<1x128x128xf32, #tpu.memory_space<vmem>>
        %gather3A_751 = tpu.memref_squeeze %gather3A_750 : memref<1x128x128xf32, #tpu.memory_space<vmem>> -> memref<128x128xf32, #tpu.memory_space<vmem>>
        %gather3A_752 = tpu.vector_load_idx %gather3A_751[%add3A_384, %add3A_746] : memref<128x128xf32, #tpu.memory_space<vmem>>[vector<16xi32>, vector<16xi32>], vector<16xf32>,
        %scatter3A_753 = arith.constant 1 : i32
        %scatter3A_754 = arith.constant 0 : i32
        %scatter3A_755 = arith.constant 0 : i32
        %scatter3A_756 = tpu.memref_slice %arg9[%scatter3A_753, %scatter3A_754, %scatter3A_755] : memref<2x64x128xf32, #tpu.memory_space<vmem>> -> memref<1x64x128xf32, #tpu.memory_space<vmem>>
        %scatter3A_757 = tpu.memref_squeeze %scatter3A_756 : memref<1x64x128xf32, #tpu.memory_space<vmem>> -> memref<64x128xf32, #tpu.memory_space<vmem>>
        tpu.vector_store_idx %scatter3A_757[%and3A_661, %add3A_384], %gather3A_752 : memref<64x128xf32, #tpu.memory_space<vmem>>[vector<16xi32>, vector<16xi32>], vector<16xf32>,
        %scan3A_758 = arith.constant 3 : i32
        %scan3A_759 = arith.addi %scan3A_440, %scan3A_758 : i32
        %mul3A_760 = arith.constant 1 : i32
        %mul3A_761 = arith.muli %scan3A_759, %mul3A_760 : i32
        %add3A_762 = arith.constant 0 : i32
        %add3A_763 = arith.addi %add3A_762, %mul3A_761 : i32
        %add3A_764 = vector.broadcast %add3A_763 : i32 to vector<16xi32>
        %add3A_765 = arith.addi %iota3A_360, %add3A_764 : vector<16xi32>
        %and3A_766 = arith.constant 63 : i32
        %and3A_767 = vector.broadcast %and3A_766 : i32 to vector<16xi32>
        %and3A_768 = arith.andi %add3A_765, %and3A_767 : vector<16xi32>
        %add3A_769 = arith.addi %get3A_388, %and3A_768 : vector<16xi32>
        %gather3A_770 = arith.constant 1 : i32
        %gather3A_771 = arith.constant 0 : i32
        %gather3A_772 = arith.constant 0 : i32
        %gather3A_773 = tpu.memref_slice %arg8[%gather3A_770, %gather3A_771, %gather3A_772] : memref<2x128x128xf32, #tpu.memory_space<vmem>> -> memref<1x128x128xf32, #tpu.memory_space<vmem>>
        %gather3A_774 = tpu.memref_squeeze %gather3A_773 : memref<1x128x128xf32, #tpu.memory_space<vmem>> -> memref<128x128xf32, #tpu.memory_space<vmem>>
        %gather3A_775 = tpu.vector_load_idx %gather3A_774[%add3A_363, %add3A_769] : memref<128x128xf32, #tpu.memory_space<vmem>>[vector<16xi32>, vector<16xi32>], vector<16xf32>,
        %scatter3A_776 = arith.constant 1 : i32
        %scatter3A_777 = arith.constant 0 : i32
        %scatter3A_778 = arith.constant 0 : i32
        %scatter3A_779 = tpu.memref_slice %arg9[%scatter3A_776, %scatter3A_777, %scatter3A_778] : memref<2x64x128xf32, #tpu.memory_space<vmem>> -> memref<1x64x128xf32, #tpu.memory_space<vmem>>
        %scatter3A_780 = tpu.memref_squeeze %scatter3A_779 : memref<1x64x128xf32, #tpu.memory_space<vmem>> -> memref<64x128xf32, #tpu.memory_space<vmem>>
        tpu.vector_store_idx %scatter3A_780[%and3A_768, %add3A_363], %gather3A_775 : memref<64x128xf32, #tpu.memory_space<vmem>>[vector<16xi32>, vector<16xi32>], vector<16xf32>,
        %add3A_781 = arith.addi %get3A_392, %and3A_768 : vector<16xi32>
        %gather3A_782 = arith.constant 1 : i32
        %gather3A_783 = arith.constant 0 : i32
        %gather3A_784 = arith.constant 0 : i32
        %gather3A_785 = tpu.memref_slice %arg8[%gather3A_782, %gather3A_783, %gather3A_784] : memref<2x128x128xf32, #tpu.memory_space<vmem>> -> memref<1x128x128xf32, #tpu.memory_space<vmem>>
        %gather3A_786 = tpu.memref_squeeze %gather3A_785 : memref<1x128x128xf32, #tpu.memory_space<vmem>> -> memref<128x128xf32, #tpu.memory_space<vmem>>
        %gather3A_787 = tpu.vector_load_idx %gather3A_786[%add3A_366, %add3A_781] : memref<128x128xf32, #tpu.memory_space<vmem>>[vector<16xi32>, vector<16xi32>], vector<16xf32>,
        %scatter3A_788 = arith.constant 1 : i32
        %scatter3A_789 = arith.constant 0 : i32
        %scatter3A_790 = arith.constant 0 : i32
        %scatter3A_791 = tpu.memref_slice %arg9[%scatter3A_788, %scatter3A_789, %scatter3A_790] : memref<2x64x128xf32, #tpu.memory_space<vmem>> -> memref<1x64x128xf32, #tpu.memory_space<vmem>>
        %scatter3A_792 = tpu.memref_squeeze %scatter3A_791 : memref<1x64x128xf32, #tpu.memory_space<vmem>> -> memref<64x128xf32, #tpu.memory_space<vmem>>
        tpu.vector_store_idx %scatter3A_792[%and3A_768, %add3A_366], %gather3A_787 : memref<64x128xf32, #tpu.memory_space<vmem>>[vector<16xi32>, vector<16xi32>], vector<16xf32>,
        %add3A_793 = arith.addi %get3A_396, %and3A_768 : vector<16xi32>
        %gather3A_794 = arith.constant 1 : i32
        %gather3A_795 = arith.constant 0 : i32
        %gather3A_796 = arith.constant 0 : i32
        %gather3A_797 = tpu.memref_slice %arg8[%gather3A_794, %gather3A_795, %gather3A_796] : memref<2x128x128xf32, #tpu.memory_space<vmem>> -> memref<1x128x128xf32, #tpu.memory_space<vmem>>
        %gather3A_798 = tpu.memref_squeeze %gather3A_797 : memref<1x128x128xf32, #tpu.memory_space<vmem>> -> memref<128x128xf32, #tpu.memory_space<vmem>>
        %gather3A_799 = tpu.vector_load_idx %gather3A_798[%add3A_369, %add3A_793] : memref<128x128xf32, #tpu.memory_space<vmem>>[vector<16xi32>, vector<16xi32>], vector<16xf32>,
        %scatter3A_800 = arith.constant 1 : i32
        %scatter3A_801 = arith.constant 0 : i32
        %scatter3A_802 = arith.constant 0 : i32
        %scatter3A_803 = tpu.memref_slice %arg9[%scatter3A_800, %scatter3A_801, %scatter3A_802] : memref<2x64x128xf32, #tpu.memory_space<vmem>> -> memref<1x64x128xf32, #tpu.memory_space<vmem>>
        %scatter3A_804 = tpu.memref_squeeze %scatter3A_803 : memref<1x64x128xf32, #tpu.memory_space<vmem>> -> memref<64x128xf32, #tpu.memory_space<vmem>>
        tpu.vector_store_idx %scatter3A_804[%and3A_768, %add3A_369], %gather3A_799 : memref<64x128xf32, #tpu.memory_space<vmem>>[vector<16xi32>, vector<16xi32>], vector<16xf32>,
        %add3A_805 = arith.addi %get3A_400, %and3A_768 : vector<16xi32>
        %gather3A_806 = arith.constant 1 : i32
        %gather3A_807 = arith.constant 0 : i32
        %gather3A_808 = arith.constant 0 : i32
        %gather3A_809 = tpu.memref_slice %arg8[%gather3A_806, %gather3A_807, %gather3A_808] : memref<2x128x128xf32, #tpu.memory_space<vmem>> -> memref<1x128x128xf32, #tpu.memory_space<vmem>>
        %gather3A_810 = tpu.memref_squeeze %gather3A_809 : memref<1x128x128xf32, #tpu.memory_space<vmem>> -> memref<128x128xf32, #tpu.memory_space<vmem>>
        %gather3A_811 = tpu.vector_load_idx %gather3A_810[%add3A_372, %add3A_805] : memref<128x128xf32, #tpu.memory_space<vmem>>[vector<16xi32>, vector<16xi32>], vector<16xf32>,
        %scatter3A_812 = arith.constant 1 : i32
        %scatter3A_813 = arith.constant 0 : i32
        %scatter3A_814 = arith.constant 0 : i32
        %scatter3A_815 = tpu.memref_slice %arg9[%scatter3A_812, %scatter3A_813, %scatter3A_814] : memref<2x64x128xf32, #tpu.memory_space<vmem>> -> memref<1x64x128xf32, #tpu.memory_space<vmem>>
        %scatter3A_816 = tpu.memref_squeeze %scatter3A_815 : memref<1x64x128xf32, #tpu.memory_space<vmem>> -> memref<64x128xf32, #tpu.memory_space<vmem>>
        tpu.vector_store_idx %scatter3A_816[%and3A_768, %add3A_372], %gather3A_811 : memref<64x128xf32, #tpu.memory_space<vmem>>[vector<16xi32>, vector<16xi32>], vector<16xf32>,
        %add3A_817 = arith.addi %get3A_404, %and3A_768 : vector<16xi32>
        %gather3A_818 = arith.constant 1 : i32
        %gather3A_819 = arith.constant 0 : i32
        %gather3A_820 = arith.constant 0 : i32
        %gather3A_821 = tpu.memref_slice %arg8[%gather3A_818, %gather3A_819, %gather3A_820] : memref<2x128x128xf32, #tpu.memory_space<vmem>> -> memref<1x128x128xf32, #tpu.memory_space<vmem>>
        %gather3A_822 = tpu.memref_squeeze %gather3A_821 : memref<1x128x128xf32, #tpu.memory_space<vmem>> -> memref<128x128xf32, #tpu.memory_space<vmem>>
        %gather3A_823 = tpu.vector_load_idx %gather3A_822[%add3A_375, %add3A_817] : memref<128x128xf32, #tpu.memory_space<vmem>>[vector<16xi32>, vector<16xi32>], vector<16xf32>,
        %scatter3A_824 = arith.constant 1 : i32
        %scatter3A_825 = arith.constant 0 : i32
        %scatter3A_826 = arith.constant 0 : i32
        %scatter3A_827 = tpu.memref_slice %arg9[%scatter3A_824, %scatter3A_825, %scatter3A_826] : memref<2x64x128xf32, #tpu.memory_space<vmem>> -> memref<1x64x128xf32, #tpu.memory_space<vmem>>
        %scatter3A_828 = tpu.memref_squeeze %scatter3A_827 : memref<1x64x128xf32, #tpu.memory_space<vmem>> -> memref<64x128xf32, #tpu.memory_space<vmem>>
        tpu.vector_store_idx %scatter3A_828[%and3A_768, %add3A_375], %gather3A_823 : memref<64x128xf32, #tpu.memory_space<vmem>>[vector<16xi32>, vector<16xi32>], vector<16xf32>,
        %add3A_829 = arith.addi %get3A_408, %and3A_768 : vector<16xi32>
        %gather3A_830 = arith.constant 1 : i32
        %gather3A_831 = arith.constant 0 : i32
        %gather3A_832 = arith.constant 0 : i32
        %gather3A_833 = tpu.memref_slice %arg8[%gather3A_830, %gather3A_831, %gather3A_832] : memref<2x128x128xf32, #tpu.memory_space<vmem>> -> memref<1x128x128xf32, #tpu.memory_space<vmem>>
        %gather3A_834 = tpu.memref_squeeze %gather3A_833 : memref<1x128x128xf32, #tpu.memory_space<vmem>> -> memref<128x128xf32, #tpu.memory_space<vmem>>
        %gather3A_835 = tpu.vector_load_idx %gather3A_834[%add3A_378, %add3A_829] : memref<128x128xf32, #tpu.memory_space<vmem>>[vector<16xi32>, vector<16xi32>], vector<16xf32>,
        %scatter3A_836 = arith.constant 1 : i32
        %scatter3A_837 = arith.constant 0 : i32
        %scatter3A_838 = arith.constant 0 : i32
        %scatter3A_839 = tpu.memref_slice %arg9[%scatter3A_836, %scatter3A_837, %scatter3A_838] : memref<2x64x128xf32, #tpu.memory_space<vmem>> -> memref<1x64x128xf32, #tpu.memory_space<vmem>>
        %scatter3A_840 = tpu.memref_squeeze %scatter3A_839 : memref<1x64x128xf32, #tpu.memory_space<vmem>> -> memref<64x128xf32, #tpu.memory_space<vmem>>
        tpu.vector_store_idx %scatter3A_840[%and3A_768, %add3A_378], %gather3A_835 : memref<64x128xf32, #tpu.memory_space<vmem>>[vector<16xi32>, vector<16xi32>], vector<16xf32>,
        %add3A_841 = arith.addi %get3A_412, %and3A_768 : vector<16xi32>
        %gather3A_842 = arith.constant 1 : i32
        %gather3A_843 = arith.constant 0 : i32
        %gather3A_844 = arith.constant 0 : i32
        %gather3A_845 = tpu.memref_slice %arg8[%gather3A_842, %gather3A_843, %gather3A_844] : memref<2x128x128xf32, #tpu.memory_space<vmem>> -> memref<1x128x128xf32, #tpu.memory_space<vmem>>
        %gather3A_846 = tpu.memref_squeeze %gather3A_845 : memref<1x128x128xf32, #tpu.memory_space<vmem>> -> memref<128x128xf32, #tpu.memory_space<vmem>>
        %gather3A_847 = tpu.vector_load_idx %gather3A_846[%add3A_381, %add3A_841] : memref<128x128xf32, #tpu.memory_space<vmem>>[vector<16xi32>, vector<16xi32>], vector<16xf32>,
        %scatter3A_848 = arith.constant 1 : i32
        %scatter3A_849 = arith.constant 0 : i32
        %scatter3A_850 = arith.constant 0 : i32
        %scatter3A_851 = tpu.memref_slice %arg9[%scatter3A_848, %scatter3A_849, %scatter3A_850] : memref<2x64x128xf32, #tpu.memory_space<vmem>> -> memref<1x64x128xf32, #tpu.memory_space<vmem>>
        %scatter3A_852 = tpu.memref_squeeze %scatter3A_851 : memref<1x64x128xf32, #tpu.memory_space<vmem>> -> memref<64x128xf32, #tpu.memory_space<vmem>>
        tpu.vector_store_idx %scatter3A_852[%and3A_768, %add3A_381], %gather3A_847 : memref<64x128xf32, #tpu.memory_space<vmem>>[vector<16xi32>, vector<16xi32>], vector<16xf32>,
        %add3A_853 = arith.addi %get3A_416, %and3A_768 : vector<16xi32>
        %gather3A_854 = arith.constant 1 : i32
        %gather3A_855 = arith.constant 0 : i32
        %gather3A_856 = arith.constant 0 : i32
        %gather3A_857 = tpu.memref_slice %arg8[%gather3A_854, %gather3A_855, %gather3A_856] : memref<2x128x128xf32, #tpu.memory_space<vmem>> -> memref<1x128x128xf32, #tpu.memory_space<vmem>>
        %gather3A_858 = tpu.memref_squeeze %gather3A_857 : memref<1x128x128xf32, #tpu.memory_space<vmem>> -> memref<128x128xf32, #tpu.memory_space<vmem>>
        %gather3A_859 = tpu.vector_load_idx %gather3A_858[%add3A_384, %add3A_853] : memref<128x128xf32, #tpu.memory_space<vmem>>[vector<16xi32>, vector<16xi32>], vector<16xf32>,
        %scatter3A_860 = arith.constant 1 : i32
        %scatter3A_861 = arith.constant 0 : i32
        %scatter3A_862 = arith.constant 0 : i32
        %scatter3A_863 = tpu.memref_slice %arg9[%scatter3A_860, %scatter3A_861, %scatter3A_862] : memref<2x64x128xf32, #tpu.memory_space<vmem>> -> memref<1x64x128xf32, #tpu.memory_space<vmem>>
        %scatter3A_864 = tpu.memref_squeeze %scatter3A_863 : memref<1x64x128xf32, #tpu.memory_space<vmem>> -> memref<64x128xf32, #tpu.memory_space<vmem>>
        tpu.vector_store_idx %scatter3A_864[%and3A_768, %add3A_384], %gather3A_859 : memref<64x128xf32, #tpu.memory_space<vmem>>[vector<16xi32>, vector<16xi32>], vector<16xf32>,
        %scan3A_865 = arith.constant 4 : i32
        %scan3A_866 = arith.addi %scan3A_440, %scan3A_865 : i32
        %mul3A_867 = arith.constant 1 : i32
        %mul3A_868 = arith.muli %scan3A_866, %mul3A_867 : i32
        %add3A_869 = arith.constant 0 : i32
        %add3A_870 = arith.addi %add3A_869, %mul3A_868 : i32
        %add3A_871 = vector.broadcast %add3A_870 : i32 to vector<16xi32>
        %add3A_872 = arith.addi %iota3A_360, %add3A_871 : vector<16xi32>
        %and3A_873 = arith.constant 63 : i32
        %and3A_874 = vector.broadcast %and3A_873 : i32 to vector<16xi32>
        %and3A_875 = arith.andi %add3A_872, %and3A_874 : vector<16xi32>
        %add3A_876 = arith.addi %get3A_388, %and3A_875 : vector<16xi32>
        %gather3A_877 = arith.constant 1 : i32
        %gather3A_878 = arith.constant 0 : i32
        %gather3A_879 = arith.constant 0 : i32
        %gather3A_880 = tpu.memref_slice %arg8[%gather3A_877, %gather3A_878, %gather3A_879] : memref<2x128x128xf32, #tpu.memory_space<vmem>> -> memref<1x128x128xf32, #tpu.memory_space<vmem>>
        %gather3A_881 = tpu.memref_squeeze %gather3A_880 : memref<1x128x128xf32, #tpu.memory_space<vmem>> -> memref<128x128xf32, #tpu.memory_space<vmem>>
        %gather3A_882 = tpu.vector_load_idx %gather3A_881[%add3A_363, %add3A_876] : memref<128x128xf32, #tpu.memory_space<vmem>>[vector<16xi32>, vector<16xi32>], vector<16xf32>,
        %scatter3A_883 = arith.constant 1 : i32
        %scatter3A_884 = arith.constant 0 : i32
        %scatter3A_885 = arith.constant 0 : i32
        %scatter3A_886 = tpu.memref_slice %arg9[%scatter3A_883, %scatter3A_884, %scatter3A_885] : memref<2x64x128xf32, #tpu.memory_space<vmem>> -> memref<1x64x128xf32, #tpu.memory_space<vmem>>
        %scatter3A_887 = tpu.memref_squeeze %scatter3A_886 : memref<1x64x128xf32, #tpu.memory_space<vmem>> -> memref<64x128xf32, #tpu.memory_space<vmem>>
        tpu.vector_store_idx %scatter3A_887[%and3A_875, %add3A_363], %gather3A_882 : memref<64x128xf32, #tpu.memory_space<vmem>>[vector<16xi32>, vector<16xi32>], vector<16xf32>,
        %add3A_888 = arith.addi %get3A_392, %and3A_875 : vector<16xi32>
        %gather3A_889 = arith.constant 1 : i32
        %gather3A_890 = arith.constant 0 : i32
        %gather3A_891 = arith.constant 0 : i32
        %gather3A_892 = tpu.memref_slice %arg8[%gather3A_889, %gather3A_890, %gather3A_891] : memref<2x128x128xf32, #tpu.memory_space<vmem>> -> memref<1x128x128xf32, #tpu.memory_space<vmem>>
        %gather3A_893 = tpu.memref_squeeze %gather3A_892 : memref<1x128x128xf32, #tpu.memory_space<vmem>> -> memref<128x128xf32, #tpu.memory_space<vmem>>
        %gather3A_894 = tpu.vector_load_idx %gather3A_893[%add3A_366, %add3A_888] : memref<128x128xf32, #tpu.memory_space<vmem>>[vector<16xi32>, vector<16xi32>], vector<16xf32>,
        %scatter3A_895 = arith.constant 1 : i32
        %scatter3A_896 = arith.constant 0 : i32
        %scatter3A_897 = arith.constant 0 : i32
        %scatter3A_898 = tpu.memref_slice %arg9[%scatter3A_895, %scatter3A_896, %scatter3A_897] : memref<2x64x128xf32, #tpu.memory_space<vmem>> -> memref<1x64x128xf32, #tpu.memory_space<vmem>>
        %scatter3A_899 = tpu.memref_squeeze %scatter3A_898 : memref<1x64x128xf32, #tpu.memory_space<vmem>> -> memref<64x128xf32, #tpu.memory_space<vmem>>
        tpu.vector_store_idx %scatter3A_899[%and3A_875, %add3A_366], %gather3A_894 : memref<64x128xf32, #tpu.memory_space<vmem>>[vector<16xi32>, vector<16xi32>], vector<16xf32>,
        %add3A_900 = arith.addi %get3A_396, %and3A_875 : vector<16xi32>
        %gather3A_901 = arith.constant 1 : i32
        %gather3A_902 = arith.constant 0 : i32
        %gather3A_903 = arith.constant 0 : i32
        %gather3A_904 = tpu.memref_slice %arg8[%gather3A_901, %gather3A_902, %gather3A_903] : memref<2x128x128xf32, #tpu.memory_space<vmem>> -> memref<1x128x128xf32, #tpu.memory_space<vmem>>
        %gather3A_905 = tpu.memref_squeeze %gather3A_904 : memref<1x128x128xf32, #tpu.memory_space<vmem>> -> memref<128x128xf32, #tpu.memory_space<vmem>>
        %gather3A_906 = tpu.vector_load_idx %gather3A_905[%add3A_369, %add3A_900] : memref<128x128xf32, #tpu.memory_space<vmem>>[vector<16xi32>, vector<16xi32>], vector<16xf32>,
        %scatter3A_907 = arith.constant 1 : i32
        %scatter3A_908 = arith.constant 0 : i32
        %scatter3A_909 = arith.constant 0 : i32
        %scatter3A_910 = tpu.memref_slice %arg9[%scatter3A_907, %scatter3A_908, %scatter3A_909] : memref<2x64x128xf32, #tpu.memory_space<vmem>> -> memref<1x64x128xf32, #tpu.memory_space<vmem>>
        %scatter3A_911 = tpu.memref_squeeze %scatter3A_910 : memref<1x64x128xf32, #tpu.memory_space<vmem>> -> memref<64x128xf32, #tpu.memory_space<vmem>>
        tpu.vector_store_idx %scatter3A_911[%and3A_875, %add3A_369], %gather3A_906 : memref<64x128xf32, #tpu.memory_space<vmem>>[vector<16xi32>, vector<16xi32>], vector<16xf32>,
        %add3A_912 = arith.addi %get3A_400, %and3A_875 : vector<16xi32>
        %gather3A_913 = arith.constant 1 : i32
        %gather3A_914 = arith.constant 0 : i32
        %gather3A_915 = arith.constant 0 : i32
        %gather3A_916 = tpu.memref_slice %arg8[%gather3A_913, %gather3A_914, %gather3A_915] : memref<2x128x128xf32, #tpu.memory_space<vmem>> -> memref<1x128x128xf32, #tpu.memory_space<vmem>>
        %gather3A_917 = tpu.memref_squeeze %gather3A_916 : memref<1x128x128xf32, #tpu.memory_space<vmem>> -> memref<128x128xf32, #tpu.memory_space<vmem>>
        %gather3A_918 = tpu.vector_load_idx %gather3A_917[%add3A_372, %add3A_912] : memref<128x128xf32, #tpu.memory_space<vmem>>[vector<16xi32>, vector<16xi32>], vector<16xf32>,
        %scatter3A_919 = arith.constant 1 : i32
        %scatter3A_920 = arith.constant 0 : i32
        %scatter3A_921 = arith.constant 0 : i32
        %scatter3A_922 = tpu.memref_slice %arg9[%scatter3A_919, %scatter3A_920, %scatter3A_921] : memref<2x64x128xf32, #tpu.memory_space<vmem>> -> memref<1x64x128xf32, #tpu.memory_space<vmem>>
        %scatter3A_923 = tpu.memref_squeeze %scatter3A_922 : memref<1x64x128xf32, #tpu.memory_space<vmem>> -> memref<64x128xf32, #tpu.memory_space<vmem>>
        tpu.vector_store_idx %scatter3A_923[%and3A_875, %add3A_372], %gather3A_918 : memref<64x128xf32, #tpu.memory_space<vmem>>[vector<16xi32>, vector<16xi32>], vector<16xf32>,
        %add3A_924 = arith.addi %get3A_404, %and3A_875 : vector<16xi32>
        %gather3A_925 = arith.constant 1 : i32
        %gather3A_926 = arith.constant 0 : i32
        %gather3A_927 = arith.constant 0 : i32
        %gather3A_928 = tpu.memref_slice %arg8[%gather3A_925, %gather3A_926, %gather3A_927] : memref<2x128x128xf32, #tpu.memory_space<vmem>> -> memref<1x128x128xf32, #tpu.memory_space<vmem>>
        %gather3A_929 = tpu.memref_squeeze %gather3A_928 : memref<1x128x128xf32, #tpu.memory_space<vmem>> -> memref<128x128xf32, #tpu.memory_space<vmem>>
        %gather3A_930 = tpu.vector_load_idx %gather3A_929[%add3A_375, %add3A_924] : memref<128x128xf32, #tpu.memory_space<vmem>>[vector<16xi32>, vector<16xi32>], vector<16xf32>,
        %scatter3A_931 = arith.constant 1 : i32
        %scatter3A_932 = arith.constant 0 : i32
        %scatter3A_933 = arith.constant 0 : i32
        %scatter3A_934 = tpu.memref_slice %arg9[%scatter3A_931, %scatter3A_932, %scatter3A_933] : memref<2x64x128xf32, #tpu.memory_space<vmem>> -> memref<1x64x128xf32, #tpu.memory_space<vmem>>
        %scatter3A_935 = tpu.memref_squeeze %scatter3A_934 : memref<1x64x128xf32, #tpu.memory_space<vmem>> -> memref<64x128xf32, #tpu.memory_space<vmem>>
        tpu.vector_store_idx %scatter3A_935[%and3A_875, %add3A_375], %gather3A_930 : memref<64x128xf32, #tpu.memory_space<vmem>>[vector<16xi32>, vector<16xi32>], vector<16xf32>,
        %add3A_936 = arith.addi %get3A_408, %and3A_875 : vector<16xi32>
        %gather3A_937 = arith.constant 1 : i32
        %gather3A_938 = arith.constant 0 : i32
        %gather3A_939 = arith.constant 0 : i32
        %gather3A_940 = tpu.memref_slice %arg8[%gather3A_937, %gather3A_938, %gather3A_939] : memref<2x128x128xf32, #tpu.memory_space<vmem>> -> memref<1x128x128xf32, #tpu.memory_space<vmem>>
        %gather3A_941 = tpu.memref_squeeze %gather3A_940 : memref<1x128x128xf32, #tpu.memory_space<vmem>> -> memref<128x128xf32, #tpu.memory_space<vmem>>
        %gather3A_942 = tpu.vector_load_idx %gather3A_941[%add3A_378, %add3A_936] : memref<128x128xf32, #tpu.memory_space<vmem>>[vector<16xi32>, vector<16xi32>], vector<16xf32>,
        %scatter3A_943 = arith.constant 1 : i32
        %scatter3A_944 = arith.constant 0 : i32
        %scatter3A_945 = arith.constant 0 : i32
        %scatter3A_946 = tpu.memref_slice %arg9[%scatter3A_943, %scatter3A_944, %scatter3A_945] : memref<2x64x128xf32, #tpu.memory_space<vmem>> -> memref<1x64x128xf32, #tpu.memory_space<vmem>>
        %scatter3A_947 = tpu.memref_squeeze %scatter3A_946 : memref<1x64x128xf32, #tpu.memory_space<vmem>> -> memref<64x128xf32, #tpu.memory_space<vmem>>
        tpu.vector_store_idx %scatter3A_947[%and3A_875, %add3A_378], %gather3A_942 : memref<64x128xf32, #tpu.memory_space<vmem>>[vector<16xi32>, vector<16xi32>], vector<16xf32>,
        %add3A_948 = arith.addi %get3A_412, %and3A_875 : vector<16xi32>
        %gather3A_949 = arith.constant 1 : i32
        %gather3A_950 = arith.constant 0 : i32
        %gather3A_951 = arith.constant 0 : i32
        %gather3A_952 = tpu.memref_slice %arg8[%gather3A_949, %gather3A_950, %gather3A_951] : memref<2x128x128xf32, #tpu.memory_space<vmem>> -> memref<1x128x128xf32, #tpu.memory_space<vmem>>
        %gather3A_953 = tpu.memref_squeeze %gather3A_952 : memref<1x128x128xf32, #tpu.memory_space<vmem>> -> memref<128x128xf32, #tpu.memory_space<vmem>>
        %gather3A_954 = tpu.vector_load_idx %gather3A_953[%add3A_381, %add3A_948] : memref<128x128xf32, #tpu.memory_space<vmem>>[vector<16xi32>, vector<16xi32>], vector<16xf32>,
        %scatter3A_955 = arith.constant 1 : i32
        %scatter3A_956 = arith.constant 0 : i32
        %scatter3A_957 = arith.constant 0 : i32
        %scatter3A_958 = tpu.memref_slice %arg9[%scatter3A_955, %scatter3A_956, %scatter3A_957] : memref<2x64x128xf32, #tpu.memory_space<vmem>> -> memref<1x64x128xf32, #tpu.memory_space<vmem>>
        %scatter3A_959 = tpu.memref_squeeze %scatter3A_958 : memref<1x64x128xf32, #tpu.memory_space<vmem>> -> memref<64x128xf32, #tpu.memory_space<vmem>>
        tpu.vector_store_idx %scatter3A_959[%and3A_875, %add3A_381], %gather3A_954 : memref<64x128xf32, #tpu.memory_space<vmem>>[vector<16xi32>, vector<16xi32>], vector<16xf32>,
        %add3A_960 = arith.addi %get3A_416, %and3A_875 : vector<16xi32>
        %gather3A_961 = arith.constant 1 : i32
        %gather3A_962 = arith.constant 0 : i32
        %gather3A_963 = arith.constant 0 : i32
        %gather3A_964 = tpu.memref_slice %arg8[%gather3A_961, %gather3A_962, %gather3A_963] : memref<2x128x128xf32, #tpu.memory_space<vmem>> -> memref<1x128x128xf32, #tpu.memory_space<vmem>>
        %gather3A_965 = tpu.memref_squeeze %gather3A_964 : memref<1x128x128xf32, #tpu.memory_space<vmem>> -> memref<128x128xf32, #tpu.memory_space<vmem>>
        %gather3A_966 = tpu.vector_load_idx %gather3A_965[%add3A_384, %add3A_960] : memref<128x128xf32, #tpu.memory_space<vmem>>[vector<16xi32>, vector<16xi32>], vector<16xf32>,
        %scatter3A_967 = arith.constant 1 : i32
        %scatter3A_968 = arith.constant 0 : i32
        %scatter3A_969 = arith.constant 0 : i32
        %scatter3A_970 = tpu.memref_slice %arg9[%scatter3A_967, %scatter3A_968, %scatter3A_969] : memref<2x64x128xf32, #tpu.memory_space<vmem>> -> memref<1x64x128xf32, #tpu.memory_space<vmem>>
        %scatter3A_971 = tpu.memref_squeeze %scatter3A_970 : memref<1x64x128xf32, #tpu.memory_space<vmem>> -> memref<64x128xf32, #tpu.memory_space<vmem>>
        tpu.vector_store_idx %scatter3A_971[%and3A_875, %add3A_384], %gather3A_966 : memref<64x128xf32, #tpu.memory_space<vmem>>[vector<16xi32>, vector<16xi32>], vector<16xf32>,
        %scan3A_972 = arith.constant 5 : i32
        %scan3A_973 = arith.addi %scan3A_440, %scan3A_972 : i32
        %mul3A_974 = arith.constant 1 : i32
        %mul3A_975 = arith.muli %scan3A_973, %mul3A_974 : i32
        %add3A_976 = arith.constant 0 : i32
        %add3A_977 = arith.addi %add3A_976, %mul3A_975 : i32
        %add3A_978 = vector.broadcast %add3A_977 : i32 to vector<16xi32>
        %add3A_979 = arith.addi %iota3A_360, %add3A_978 : vector<16xi32>
        %and3A_980 = arith.constant 63 : i32
        %and3A_981 = vector.broadcast %and3A_980 : i32 to vector<16xi32>
        %and3A_982 = arith.andi %add3A_979, %and3A_981 : vector<16xi32>
        %add3A_983 = arith.addi %get3A_388, %and3A_982 : vector<16xi32>
        %gather3A_984 = arith.constant 1 : i32
        %gather3A_985 = arith.constant 0 : i32
        %gather3A_986 = arith.constant 0 : i32
        %gather3A_987 = tpu.memref_slice %arg8[%gather3A_984, %gather3A_985, %gather3A_986] : memref<2x128x128xf32, #tpu.memory_space<vmem>> -> memref<1x128x128xf32, #tpu.memory_space<vmem>>
        %gather3A_988 = tpu.memref_squeeze %gather3A_987 : memref<1x128x128xf32, #tpu.memory_space<vmem>> -> memref<128x128xf32, #tpu.memory_space<vmem>>
        %gather3A_989 = tpu.vector_load_idx %gather3A_988[%add3A_363, %add3A_983] : memref<128x128xf32, #tpu.memory_space<vmem>>[vector<16xi32>, vector<16xi32>], vector<16xf32>,
        %scatter3A_990 = arith.constant 1 : i32
        %scatter3A_991 = arith.constant 0 : i32
        %scatter3A_992 = arith.constant 0 : i32
        %scatter3A_993 = tpu.memref_slice %arg9[%scatter3A_990, %scatter3A_991, %scatter3A_992] : memref<2x64x128xf32, #tpu.memory_space<vmem>> -> memref<1x64x128xf32, #tpu.memory_space<vmem>>
        %scatter3A_994 = tpu.memref_squeeze %scatter3A_993 : memref<1x64x128xf32, #tpu.memory_space<vmem>> -> memref<64x128xf32, #tpu.memory_space<vmem>>
        tpu.vector_store_idx %scatter3A_994[%and3A_982, %add3A_363], %gather3A_989 : memref<64x128xf32, #tpu.memory_space<vmem>>[vector<16xi32>, vector<16xi32>], vector<16xf32>,
        %add3A_995 = arith.addi %get3A_392, %and3A_982 : vector<16xi32>
        %gather3A_996 = arith.constant 1 : i32
        %gather3A_997 = arith.constant 0 : i32
        %gather3A_998 = arith.constant 0 : i32
        %gather3A_999 = tpu.memref_slice %arg8[%gather3A_996, %gather3A_997, %gather3A_998] : memref<2x128x128xf32, #tpu.memory_space<vmem>> -> memref<1x128x128xf32, #tpu.memory_space<vmem>>
        %gather3A_1000 = tpu.memref_squeeze %gather3A_999 : memref<1x128x128xf32, #tpu.memory_space<vmem>> -> memref<128x128xf32, #tpu.memory_space<vmem>>
        %gather3A_1001 = tpu.vector_load_idx %gather3A_1000[%add3A_366, %add3A_995] : memref<128x128xf32, #tpu.memory_space<vmem>>[vector<16xi32>, vector<16xi32>], vector<16xf32>,
        %scatter3A_1002 = arith.constant 1 : i32
        %scatter3A_1003 = arith.constant 0 : i32
        %scatter3A_1004 = arith.constant 0 : i32
        %scatter3A_1005 = tpu.memref_slice %arg9[%scatter3A_1002, %scatter3A_1003, %scatter3A_1004] : memref<2x64x128xf32, #tpu.memory_space<vmem>> -> memref<1x64x128xf32, #tpu.memory_space<vmem>>
        %scatter3A_1006 = tpu.memref_squeeze %scatter3A_1005 : memref<1x64x128xf32, #tpu.memory_space<vmem>> -> memref<64x128xf32, #tpu.memory_space<vmem>>
        tpu.vector_store_idx %scatter3A_1006[%and3A_982, %add3A_366], %gather3A_1001 : memref<64x128xf32, #tpu.memory_space<vmem>>[vector<16xi32>, vector<16xi32>], vector<16xf32>,
        %add3A_1007 = arith.addi %get3A_396, %and3A_982 : vector<16xi32>
        %gather3A_1008 = arith.constant 1 : i32
        %gather3A_1009 = arith.constant 0 : i32
        %gather3A_1010 = arith.constant 0 : i32
        %gather3A_1011 = tpu.memref_slice %arg8[%gather3A_1008, %gather3A_1009, %gather3A_1010] : memref<2x128x128xf32, #tpu.memory_space<vmem>> -> memref<1x128x128xf32, #tpu.memory_space<vmem>>
        %gather3A_1012 = tpu.memref_squeeze %gather3A_1011 : memref<1x128x128xf32, #tpu.memory_space<vmem>> -> memref<128x128xf32, #tpu.memory_space<vmem>>
        %gather3A_1013 = tpu.vector_load_idx %gather3A_1012[%add3A_369, %add3A_1007] : memref<128x128xf32, #tpu.memory_space<vmem>>[vector<16xi32>, vector<16xi32>], vector<16xf32>,
        %scatter3A_1014 = arith.constant 1 : i32
        %scatter3A_1015 = arith.constant 0 : i32
        %scatter3A_1016 = arith.constant 0 : i32
        %scatter3A_1017 = tpu.memref_slice %arg9[%scatter3A_1014, %scatter3A_1015, %scatter3A_1016] : memref<2x64x128xf32, #tpu.memory_space<vmem>> -> memref<1x64x128xf32, #tpu.memory_space<vmem>>
        %scatter3A_1018 = tpu.memref_squeeze %scatter3A_1017 : memref<1x64x128xf32, #tpu.memory_space<vmem>> -> memref<64x128xf32, #tpu.memory_space<vmem>>
        tpu.vector_store_idx %scatter3A_1018[%and3A_982, %add3A_369], %gather3A_1013 : memref<64x128xf32, #tpu.memory_space<vmem>>[vector<16xi32>, vector<16xi32>], vector<16xf32>,
        %add3A_1019 = arith.addi %get3A_400, %and3A_982 : vector<16xi32>
        %gather3A_1020 = arith.constant 1 : i32
        %gather3A_1021 = arith.constant 0 : i32
        %gather3A_1022 = arith.constant 0 : i32
        %gather3A_1023 = tpu.memref_slice %arg8[%gather3A_1020, %gather3A_1021, %gather3A_1022] : memref<2x128x128xf32, #tpu.memory_space<vmem>> -> memref<1x128x128xf32, #tpu.memory_space<vmem>>
        %gather3A_1024 = tpu.memref_squeeze %gather3A_1023 : memref<1x128x128xf32, #tpu.memory_space<vmem>> -> memref<128x128xf32, #tpu.memory_space<vmem>>
        %gather3A_1025 = tpu.vector_load_idx %gather3A_1024[%add3A_372, %add3A_1019] : memref<128x128xf32, #tpu.memory_space<vmem>>[vector<16xi32>, vector<16xi32>], vector<16xf32>,
        %scatter3A_1026 = arith.constant 1 : i32
        %scatter3A_1027 = arith.constant 0 : i32
        %scatter3A_1028 = arith.constant 0 : i32
        %scatter3A_1029 = tpu.memref_slice %arg9[%scatter3A_1026, %scatter3A_1027, %scatter3A_1028] : memref<2x64x128xf32, #tpu.memory_space<vmem>> -> memref<1x64x128xf32, #tpu.memory_space<vmem>>
        %scatter3A_1030 = tpu.memref_squeeze %scatter3A_1029 : memref<1x64x128xf32, #tpu.memory_space<vmem>> -> memref<64x128xf32, #tpu.memory_space<vmem>>
        tpu.vector_store_idx %scatter3A_1030[%and3A_982, %add3A_372], %gather3A_1025 : memref<64x128xf32, #tpu.memory_space<vmem>>[vector<16xi32>, vector<16xi32>], vector<16xf32>,
        %add3A_1031 = arith.addi %get3A_404, %and3A_982 : vector<16xi32>
        %gather3A_1032 = arith.constant 1 : i32
        %gather3A_1033 = arith.constant 0 : i32
        %gather3A_1034 = arith.constant 0 : i32
        %gather3A_1035 = tpu.memref_slice %arg8[%gather3A_1032, %gather3A_1033, %gather3A_1034] : memref<2x128x128xf32, #tpu.memory_space<vmem>> -> memref<1x128x128xf32, #tpu.memory_space<vmem>>
        %gather3A_1036 = tpu.memref_squeeze %gather3A_1035 : memref<1x128x128xf32, #tpu.memory_space<vmem>> -> memref<128x128xf32, #tpu.memory_space<vmem>>
        %gather3A_1037 = tpu.vector_load_idx %gather3A_1036[%add3A_375, %add3A_1031] : memref<128x128xf32, #tpu.memory_space<vmem>>[vector<16xi32>, vector<16xi32>], vector<16xf32>,
        %scatter3A_1038 = arith.constant 1 : i32
        %scatter3A_1039 = arith.constant 0 : i32
        %scatter3A_1040 = arith.constant 0 : i32
        %scatter3A_1041 = tpu.memref_slice %arg9[%scatter3A_1038, %scatter3A_1039, %scatter3A_1040] : memref<2x64x128xf32, #tpu.memory_space<vmem>> -> memref<1x64x128xf32, #tpu.memory_space<vmem>>
        %scatter3A_1042 = tpu.memref_squeeze %scatter3A_1041 : memref<1x64x128xf32, #tpu.memory_space<vmem>> -> memref<64x128xf32, #tpu.memory_space<vmem>>
        tpu.vector_store_idx %scatter3A_1042[%and3A_982, %add3A_375], %gather3A_1037 : memref<64x128xf32, #tpu.memory_space<vmem>>[vector<16xi32>, vector<16xi32>], vector<16xf32>,
        %add3A_1043 = arith.addi %get3A_408, %and3A_982 : vector<16xi32>
        %gather3A_1044 = arith.constant 1 : i32
        %gather3A_1045 = arith.constant 0 : i32
        %gather3A_1046 = arith.constant 0 : i32
        %gather3A_1047 = tpu.memref_slice %arg8[%gather3A_1044, %gather3A_1045, %gather3A_1046] : memref<2x128x128xf32, #tpu.memory_space<vmem>> -> memref<1x128x128xf32, #tpu.memory_space<vmem>>
        %gather3A_1048 = tpu.memref_squeeze %gather3A_1047 : memref<1x128x128xf32, #tpu.memory_space<vmem>> -> memref<128x128xf32, #tpu.memory_space<vmem>>
        %gather3A_1049 = tpu.vector_load_idx %gather3A_1048[%add3A_378, %add3A_1043] : memref<128x128xf32, #tpu.memory_space<vmem>>[vector<16xi32>, vector<16xi32>], vector<16xf32>,
        %scatter3A_1050 = arith.constant 1 : i32
        %scatter3A_1051 = arith.constant 0 : i32
        %scatter3A_1052 = arith.constant 0 : i32
        %scatter3A_1053 = tpu.memref_slice %arg9[%scatter3A_1050, %scatter3A_1051, %scatter3A_1052] : memref<2x64x128xf32, #tpu.memory_space<vmem>> -> memref<1x64x128xf32, #tpu.memory_space<vmem>>
        %scatter3A_1054 = tpu.memref_squeeze %scatter3A_1053 : memref<1x64x128xf32, #tpu.memory_space<vmem>> -> memref<64x128xf32, #tpu.memory_space<vmem>>
        tpu.vector_store_idx %scatter3A_1054[%and3A_982, %add3A_378], %gather3A_1049 : memref<64x128xf32, #tpu.memory_space<vmem>>[vector<16xi32>, vector<16xi32>], vector<16xf32>,
        %add3A_1055 = arith.addi %get3A_412, %and3A_982 : vector<16xi32>
        %gather3A_1056 = arith.constant 1 : i32
        %gather3A_1057 = arith.constant 0 : i32
        %gather3A_1058 = arith.constant 0 : i32
        %gather3A_1059 = tpu.memref_slice %arg8[%gather3A_1056, %gather3A_1057, %gather3A_1058] : memref<2x128x128xf32, #tpu.memory_space<vmem>> -> memref<1x128x128xf32, #tpu.memory_space<vmem>>
        %gather3A_1060 = tpu.memref_squeeze %gather3A_1059 : memref<1x128x128xf32, #tpu.memory_space<vmem>> -> memref<128x128xf32, #tpu.memory_space<vmem>>
        %gather3A_1061 = tpu.vector_load_idx %gather3A_1060[%add3A_381, %add3A_1055] : memref<128x128xf32, #tpu.memory_space<vmem>>[vector<16xi32>, vector<16xi32>], vector<16xf32>,
        %scatter3A_1062 = arith.constant 1 : i32
        %scatter3A_1063 = arith.constant 0 : i32
        %scatter3A_1064 = arith.constant 0 : i32
        %scatter3A_1065 = tpu.memref_slice %arg9[%scatter3A_1062, %scatter3A_1063, %scatter3A_1064] : memref<2x64x128xf32, #tpu.memory_space<vmem>> -> memref<1x64x128xf32, #tpu.memory_space<vmem>>
        %scatter3A_1066 = tpu.memref_squeeze %scatter3A_1065 : memref<1x64x128xf32, #tpu.memory_space<vmem>> -> memref<64x128xf32, #tpu.memory_space<vmem>>
        tpu.vector_store_idx %scatter3A_1066[%and3A_982, %add3A_381], %gather3A_1061 : memref<64x128xf32, #tpu.memory_space<vmem>>[vector<16xi32>, vector<16xi32>], vector<16xf32>,
        %add3A_1067 = arith.addi %get3A_416, %and3A_982 : vector<16xi32>
        %gather3A_1068 = arith.constant 1 : i32
        %gather3A_1069 = arith.constant 0 : i32
        %gather3A_1070 = arith.constant 0 : i32
        %gather3A_1071 = tpu.memref_slice %arg8[%gather3A_1068, %gather3A_1069, %gather3A_1070] : memref<2x128x128xf32, #tpu.memory_space<vmem>> -> memref<1x128x128xf32, #tpu.memory_space<vmem>>
        %gather3A_1072 = tpu.memref_squeeze %gather3A_1071 : memref<1x128x128xf32, #tpu.memory_space<vmem>> -> memref<128x128xf32, #tpu.memory_space<vmem>>
        %gather3A_1073 = tpu.vector_load_idx %gather3A_1072[%add3A_384, %add3A_1067] : memref<128x128xf32, #tpu.memory_space<vmem>>[vector<16xi32>, vector<16xi32>], vector<16xf32>,
        %scatter3A_1074 = arith.constant 1 : i32
        %scatter3A_1075 = arith.constant 0 : i32
        %scatter3A_1076 = arith.constant 0 : i32
        %scatter3A_1077 = tpu.memref_slice %arg9[%scatter3A_1074, %scatter3A_1075, %scatter3A_1076] : memref<2x64x128xf32, #tpu.memory_space<vmem>> -> memref<1x64x128xf32, #tpu.memory_space<vmem>>
        %scatter3A_1078 = tpu.memref_squeeze %scatter3A_1077 : memref<1x64x128xf32, #tpu.memory_space<vmem>> -> memref<64x128xf32, #tpu.memory_space<vmem>>
        tpu.vector_store_idx %scatter3A_1078[%and3A_982, %add3A_384], %gather3A_1073 : memref<64x128xf32, #tpu.memory_space<vmem>>[vector<16xi32>, vector<16xi32>], vector<16xf32>,
        %scan3A_1079 = arith.constant 6 : i32
        %scan3A_1080 = arith.addi %scan3A_440, %scan3A_1079 : i32
        %mul3A_1081 = arith.constant 1 : i32
        %mul3A_1082 = arith.muli %scan3A_1080, %mul3A_1081 : i32
        %add3A_1083 = arith.constant 0 : i32
        %add3A_1084 = arith.addi %add3A_1083, %mul3A_1082 : i32
        %add3A_1085 = vector.broadcast %add3A_1084 : i32 to vector<16xi32>
        %add3A_1086 = arith.addi %iota3A_360, %add3A_1085 : vector<16xi32>
        %and3A_1087 = arith.constant 63 : i32
        %and3A_1088 = vector.broadcast %and3A_1087 : i32 to vector<16xi32>
        %and3A_1089 = arith.andi %add3A_1086, %and3A_1088 : vector<16xi32>
        %add3A_1090 = arith.addi %get3A_388, %and3A_1089 : vector<16xi32>
        %gather3A_1091 = arith.constant 1 : i32
        %gather3A_1092 = arith.constant 0 : i32
        %gather3A_1093 = arith.constant 0 : i32
        %gather3A_1094 = tpu.memref_slice %arg8[%gather3A_1091, %gather3A_1092, %gather3A_1093] : memref<2x128x128xf32, #tpu.memory_space<vmem>> -> memref<1x128x128xf32, #tpu.memory_space<vmem>>
        %gather3A_1095 = tpu.memref_squeeze %gather3A_1094 : memref<1x128x128xf32, #tpu.memory_space<vmem>> -> memref<128x128xf32, #tpu.memory_space<vmem>>
        %gather3A_1096 = tpu.vector_load_idx %gather3A_1095[%add3A_363, %add3A_1090] : memref<128x128xf32, #tpu.memory_space<vmem>>[vector<16xi32>, vector<16xi32>], vector<16xf32>,
        %scatter3A_1097 = arith.constant 1 : i32
        %scatter3A_1098 = arith.constant 0 : i32
        %scatter3A_1099 = arith.constant 0 : i32
        %scatter3A_1100 = tpu.memref_slice %arg9[%scatter3A_1097, %scatter3A_1098, %scatter3A_1099] : memref<2x64x128xf32, #tpu.memory_space<vmem>> -> memref<1x64x128xf32, #tpu.memory_space<vmem>>
        %scatter3A_1101 = tpu.memref_squeeze %scatter3A_1100 : memref<1x64x128xf32, #tpu.memory_space<vmem>> -> memref<64x128xf32, #tpu.memory_space<vmem>>
        tpu.vector_store_idx %scatter3A_1101[%and3A_1089, %add3A_363], %gather3A_1096 : memref<64x128xf32, #tpu.memory_space<vmem>>[vector<16xi32>, vector<16xi32>], vector<16xf32>,
        %add3A_1102 = arith.addi %get3A_392, %and3A_1089 : vector<16xi32>
        %gather3A_1103 = arith.constant 1 : i32
        %gather3A_1104 = arith.constant 0 : i32
        %gather3A_1105 = arith.constant 0 : i32
        %gather3A_1106 = tpu.memref_slice %arg8[%gather3A_1103, %gather3A_1104, %gather3A_1105] : memref<2x128x128xf32, #tpu.memory_space<vmem>> -> memref<1x128x128xf32, #tpu.memory_space<vmem>>
        %gather3A_1107 = tpu.memref_squeeze %gather3A_1106 : memref<1x128x128xf32, #tpu.memory_space<vmem>> -> memref<128x128xf32, #tpu.memory_space<vmem>>
        %gather3A_1108 = tpu.vector_load_idx %gather3A_1107[%add3A_366, %add3A_1102] : memref<128x128xf32, #tpu.memory_space<vmem>>[vector<16xi32>, vector<16xi32>], vector<16xf32>,
        %scatter3A_1109 = arith.constant 1 : i32
        %scatter3A_1110 = arith.constant 0 : i32
        %scatter3A_1111 = arith.constant 0 : i32
        %scatter3A_1112 = tpu.memref_slice %arg9[%scatter3A_1109, %scatter3A_1110, %scatter3A_1111] : memref<2x64x128xf32, #tpu.memory_space<vmem>> -> memref<1x64x128xf32, #tpu.memory_space<vmem>>
        %scatter3A_1113 = tpu.memref_squeeze %scatter3A_1112 : memref<1x64x128xf32, #tpu.memory_space<vmem>> -> memref<64x128xf32, #tpu.memory_space<vmem>>
        tpu.vector_store_idx %scatter3A_1113[%and3A_1089, %add3A_366], %gather3A_1108 : memref<64x128xf32, #tpu.memory_space<vmem>>[vector<16xi32>, vector<16xi32>], vector<16xf32>,
        %add3A_1114 = arith.addi %get3A_396, %and3A_1089 : vector<16xi32>
        %gather3A_1115 = arith.constant 1 : i32
        %gather3A_1116 = arith.constant 0 : i32
        %gather3A_1117 = arith.constant 0 : i32
        %gather3A_1118 = tpu.memref_slice %arg8[%gather3A_1115, %gather3A_1116, %gather3A_1117] : memref<2x128x128xf32, #tpu.memory_space<vmem>> -> memref<1x128x128xf32, #tpu.memory_space<vmem>>
        %gather3A_1119 = tpu.memref_squeeze %gather3A_1118 : memref<1x128x128xf32, #tpu.memory_space<vmem>> -> memref<128x128xf32, #tpu.memory_space<vmem>>
        %gather3A_1120 = tpu.vector_load_idx %gather3A_1119[%add3A_369, %add3A_1114] : memref<128x128xf32, #tpu.memory_space<vmem>>[vector<16xi32>, vector<16xi32>], vector<16xf32>,
        %scatter3A_1121 = arith.constant 1 : i32
        %scatter3A_1122 = arith.constant 0 : i32
        %scatter3A_1123 = arith.constant 0 : i32
        %scatter3A_1124 = tpu.memref_slice %arg9[%scatter3A_1121, %scatter3A_1122, %scatter3A_1123] : memref<2x64x128xf32, #tpu.memory_space<vmem>> -> memref<1x64x128xf32, #tpu.memory_space<vmem>>
        %scatter3A_1125 = tpu.memref_squeeze %scatter3A_1124 : memref<1x64x128xf32, #tpu.memory_space<vmem>> -> memref<64x128xf32, #tpu.memory_space<vmem>>
        tpu.vector_store_idx %scatter3A_1125[%and3A_1089, %add3A_369], %gather3A_1120 : memref<64x128xf32, #tpu.memory_space<vmem>>[vector<16xi32>, vector<16xi32>], vector<16xf32>,
        %add3A_1126 = arith.addi %get3A_400, %and3A_1089 : vector<16xi32>
        %gather3A_1127 = arith.constant 1 : i32
        %gather3A_1128 = arith.constant 0 : i32
        %gather3A_1129 = arith.constant 0 : i32
        %gather3A_1130 = tpu.memref_slice %arg8[%gather3A_1127, %gather3A_1128, %gather3A_1129] : memref<2x128x128xf32, #tpu.memory_space<vmem>> -> memref<1x128x128xf32, #tpu.memory_space<vmem>>
        %gather3A_1131 = tpu.memref_squeeze %gather3A_1130 : memref<1x128x128xf32, #tpu.memory_space<vmem>> -> memref<128x128xf32, #tpu.memory_space<vmem>>
        %gather3A_1132 = tpu.vector_load_idx %gather3A_1131[%add3A_372, %add3A_1126] : memref<128x128xf32, #tpu.memory_space<vmem>>[vector<16xi32>, vector<16xi32>], vector<16xf32>,
        %scatter3A_1133 = arith.constant 1 : i32
        %scatter3A_1134 = arith.constant 0 : i32
        %scatter3A_1135 = arith.constant 0 : i32
        %scatter3A_1136 = tpu.memref_slice %arg9[%scatter3A_1133, %scatter3A_1134, %scatter3A_1135] : memref<2x64x128xf32, #tpu.memory_space<vmem>> -> memref<1x64x128xf32, #tpu.memory_space<vmem>>
        %scatter3A_1137 = tpu.memref_squeeze %scatter3A_1136 : memref<1x64x128xf32, #tpu.memory_space<vmem>> -> memref<64x128xf32, #tpu.memory_space<vmem>>
        tpu.vector_store_idx %scatter3A_1137[%and3A_1089, %add3A_372], %gather3A_1132 : memref<64x128xf32, #tpu.memory_space<vmem>>[vector<16xi32>, vector<16xi32>], vector<16xf32>,
        %add3A_1138 = arith.addi %get3A_404, %and3A_1089 : vector<16xi32>
        %gather3A_1139 = arith.constant 1 : i32
        %gather3A_1140 = arith.constant 0 : i32
        %gather3A_1141 = arith.constant 0 : i32
        %gather3A_1142 = tpu.memref_slice %arg8[%gather3A_1139, %gather3A_1140, %gather3A_1141] : memref<2x128x128xf32, #tpu.memory_space<vmem>> -> memref<1x128x128xf32, #tpu.memory_space<vmem>>
        %gather3A_1143 = tpu.memref_squeeze %gather3A_1142 : memref<1x128x128xf32, #tpu.memory_space<vmem>> -> memref<128x128xf32, #tpu.memory_space<vmem>>
        %gather3A_1144 = tpu.vector_load_idx %gather3A_1143[%add3A_375, %add3A_1138] : memref<128x128xf32, #tpu.memory_space<vmem>>[vector<16xi32>, vector<16xi32>], vector<16xf32>,
        %scatter3A_1145 = arith.constant 1 : i32
        %scatter3A_1146 = arith.constant 0 : i32
        %scatter3A_1147 = arith.constant 0 : i32
        %scatter3A_1148 = tpu.memref_slice %arg9[%scatter3A_1145, %scatter3A_1146, %scatter3A_1147] : memref<2x64x128xf32, #tpu.memory_space<vmem>> -> memref<1x64x128xf32, #tpu.memory_space<vmem>>
        %scatter3A_1149 = tpu.memref_squeeze %scatter3A_1148 : memref<1x64x128xf32, #tpu.memory_space<vmem>> -> memref<64x128xf32, #tpu.memory_space<vmem>>
        tpu.vector_store_idx %scatter3A_1149[%and3A_1089, %add3A_375], %gather3A_1144 : memref<64x128xf32, #tpu.memory_space<vmem>>[vector<16xi32>, vector<16xi32>], vector<16xf32>,
        %add3A_1150 = arith.addi %get3A_408, %and3A_1089 : vector<16xi32>
        %gather3A_1151 = arith.constant 1 : i32
        %gather3A_1152 = arith.constant 0 : i32
        %gather3A_1153 = arith.constant 0 : i32
        %gather3A_1154 = tpu.memref_slice %arg8[%gather3A_1151, %gather3A_1152, %gather3A_1153] : memref<2x128x128xf32, #tpu.memory_space<vmem>> -> memref<1x128x128xf32, #tpu.memory_space<vmem>>
        %gather3A_1155 = tpu.memref_squeeze %gather3A_1154 : memref<1x128x128xf32, #tpu.memory_space<vmem>> -> memref<128x128xf32, #tpu.memory_space<vmem>>
        %gather3A_1156 = tpu.vector_load_idx %gather3A_1155[%add3A_378, %add3A_1150] : memref<128x128xf32, #tpu.memory_space<vmem>>[vector<16xi32>, vector<16xi32>], vector<16xf32>,
        %scatter3A_1157 = arith.constant 1 : i32
        %scatter3A_1158 = arith.constant 0 : i32
        %scatter3A_1159 = arith.constant 0 : i32
        %scatter3A_1160 = tpu.memref_slice %arg9[%scatter3A_1157, %scatter3A_1158, %scatter3A_1159] : memref<2x64x128xf32, #tpu.memory_space<vmem>> -> memref<1x64x128xf32, #tpu.memory_space<vmem>>
        %scatter3A_1161 = tpu.memref_squeeze %scatter3A_1160 : memref<1x64x128xf32, #tpu.memory_space<vmem>> -> memref<64x128xf32, #tpu.memory_space<vmem>>
        tpu.vector_store_idx %scatter3A_1161[%and3A_1089, %add3A_378], %gather3A_1156 : memref<64x128xf32, #tpu.memory_space<vmem>>[vector<16xi32>, vector<16xi32>], vector<16xf32>,
        %add3A_1162 = arith.addi %get3A_412, %and3A_1089 : vector<16xi32>
        %gather3A_1163 = arith.constant 1 : i32
        %gather3A_1164 = arith.constant 0 : i32
        %gather3A_1165 = arith.constant 0 : i32
        %gather3A_1166 = tpu.memref_slice %arg8[%gather3A_1163, %gather3A_1164, %gather3A_1165] : memref<2x128x128xf32, #tpu.memory_space<vmem>> -> memref<1x128x128xf32, #tpu.memory_space<vmem>>
        %gather3A_1167 = tpu.memref_squeeze %gather3A_1166 : memref<1x128x128xf32, #tpu.memory_space<vmem>> -> memref<128x128xf32, #tpu.memory_space<vmem>>
        %gather3A_1168 = tpu.vector_load_idx %gather3A_1167[%add3A_381, %add3A_1162] : memref<128x128xf32, #tpu.memory_space<vmem>>[vector<16xi32>, vector<16xi32>], vector<16xf32>,
        %scatter3A_1169 = arith.constant 1 : i32
        %scatter3A_1170 = arith.constant 0 : i32
        %scatter3A_1171 = arith.constant 0 : i32
        %scatter3A_1172 = tpu.memref_slice %arg9[%scatter3A_1169, %scatter3A_1170, %scatter3A_1171] : memref<2x64x128xf32, #tpu.memory_space<vmem>> -> memref<1x64x128xf32, #tpu.memory_space<vmem>>
        %scatter3A_1173 = tpu.memref_squeeze %scatter3A_1172 : memref<1x64x128xf32, #tpu.memory_space<vmem>> -> memref<64x128xf32, #tpu.memory_space<vmem>>
        tpu.vector_store_idx %scatter3A_1173[%and3A_1089, %add3A_381], %gather3A_1168 : memref<64x128xf32, #tpu.memory_space<vmem>>[vector<16xi32>, vector<16xi32>], vector<16xf32>,
        %add3A_1174 = arith.addi %get3A_416, %and3A_1089 : vector<16xi32>
        %gather3A_1175 = arith.constant 1 : i32
        %gather3A_1176 = arith.constant 0 : i32
        %gather3A_1177 = arith.constant 0 : i32
        %gather3A_1178 = tpu.memref_slice %arg8[%gather3A_1175, %gather3A_1176, %gather3A_1177] : memref<2x128x128xf32, #tpu.memory_space<vmem>> -> memref<1x128x128xf32, #tpu.memory_space<vmem>>
        %gather3A_1179 = tpu.memref_squeeze %gather3A_1178 : memref<1x128x128xf32, #tpu.memory_space<vmem>> -> memref<128x128xf32, #tpu.memory_space<vmem>>
        %gather3A_1180 = tpu.vector_load_idx %gather3A_1179[%add3A_384, %add3A_1174] : memref<128x128xf32, #tpu.memory_space<vmem>>[vector<16xi32>, vector<16xi32>], vector<16xf32>,
        %scatter3A_1181 = arith.constant 1 : i32
        %scatter3A_1182 = arith.constant 0 : i32
        %scatter3A_1183 = arith.constant 0 : i32
        %scatter3A_1184 = tpu.memref_slice %arg9[%scatter3A_1181, %scatter3A_1182, %scatter3A_1183] : memref<2x64x128xf32, #tpu.memory_space<vmem>> -> memref<1x64x128xf32, #tpu.memory_space<vmem>>
        %scatter3A_1185 = tpu.memref_squeeze %scatter3A_1184 : memref<1x64x128xf32, #tpu.memory_space<vmem>> -> memref<64x128xf32, #tpu.memory_space<vmem>>
        tpu.vector_store_idx %scatter3A_1185[%and3A_1089, %add3A_384], %gather3A_1180 : memref<64x128xf32, #tpu.memory_space<vmem>>[vector<16xi32>, vector<16xi32>], vector<16xf32>,
        %scan3A_1186 = arith.constant 7 : i32
        %scan3A_1187 = arith.addi %scan3A_440, %scan3A_1186 : i32
        %mul3A_1188 = arith.constant 1 : i32
        %mul3A_1189 = arith.muli %scan3A_1187, %mul3A_1188 : i32
        %add3A_1190 = arith.constant 0 : i32
        %add3A_1191 = arith.addi %add3A_1190, %mul3A_1189 : i32
        %add3A_1192 = vector.broadcast %add3A_1191 : i32 to vector<16xi32>
        %add3A_1193 = arith.addi %iota3A_360, %add3A_1192 : vector<16xi32>
        %and3A_1194 = arith.constant 63 : i32
        %and3A_1195 = vector.broadcast %and3A_1194 : i32 to vector<16xi32>
        %and3A_1196 = arith.andi %add3A_1193, %and3A_1195 : vector<16xi32>
        %add3A_1197 = arith.addi %get3A_388, %and3A_1196 : vector<16xi32>
        %gather3A_1198 = arith.constant 1 : i32
        %gather3A_1199 = arith.constant 0 : i32
        %gather3A_1200 = arith.constant 0 : i32
        %gather3A_1201 = tpu.memref_slice %arg8[%gather3A_1198, %gather3A_1199, %gather3A_1200] : memref<2x128x128xf32, #tpu.memory_space<vmem>> -> memref<1x128x128xf32, #tpu.memory_space<vmem>>
        %gather3A_1202 = tpu.memref_squeeze %gather3A_1201 : memref<1x128x128xf32, #tpu.memory_space<vmem>> -> memref<128x128xf32, #tpu.memory_space<vmem>>
        %gather3A_1203 = tpu.vector_load_idx %gather3A_1202[%add3A_363, %add3A_1197] : memref<128x128xf32, #tpu.memory_space<vmem>>[vector<16xi32>, vector<16xi32>], vector<16xf32>,
        %scatter3A_1204 = arith.constant 1 : i32
        %scatter3A_1205 = arith.constant 0 : i32
        %scatter3A_1206 = arith.constant 0 : i32
        %scatter3A_1207 = tpu.memref_slice %arg9[%scatter3A_1204, %scatter3A_1205, %scatter3A_1206] : memref<2x64x128xf32, #tpu.memory_space<vmem>> -> memref<1x64x128xf32, #tpu.memory_space<vmem>>
        %scatter3A_1208 = tpu.memref_squeeze %scatter3A_1207 : memref<1x64x128xf32, #tpu.memory_space<vmem>> -> memref<64x128xf32, #tpu.memory_space<vmem>>
        tpu.vector_store_idx %scatter3A_1208[%and3A_1196, %add3A_363], %gather3A_1203 : memref<64x128xf32, #tpu.memory_space<vmem>>[vector<16xi32>, vector<16xi32>], vector<16xf32>,
        %add3A_1209 = arith.addi %get3A_392, %and3A_1196 : vector<16xi32>
        %gather3A_1210 = arith.constant 1 : i32
        %gather3A_1211 = arith.constant 0 : i32
        %gather3A_1212 = arith.constant 0 : i32
        %gather3A_1213 = tpu.memref_slice %arg8[%gather3A_1210, %gather3A_1211, %gather3A_1212] : memref<2x128x128xf32, #tpu.memory_space<vmem>> -> memref<1x128x128xf32, #tpu.memory_space<vmem>>
        %gather3A_1214 = tpu.memref_squeeze %gather3A_1213 : memref<1x128x128xf32, #tpu.memory_space<vmem>> -> memref<128x128xf32, #tpu.memory_space<vmem>>
        %gather3A_1215 = tpu.vector_load_idx %gather3A_1214[%add3A_366, %add3A_1209] : memref<128x128xf32, #tpu.memory_space<vmem>>[vector<16xi32>, vector<16xi32>], vector<16xf32>,
        %scatter3A_1216 = arith.constant 1 : i32
        %scatter3A_1217 = arith.constant 0 : i32
        %scatter3A_1218 = arith.constant 0 : i32
        %scatter3A_1219 = tpu.memref_slice %arg9[%scatter3A_1216, %scatter3A_1217, %scatter3A_1218] : memref<2x64x128xf32, #tpu.memory_space<vmem>> -> memref<1x64x128xf32, #tpu.memory_space<vmem>>
        %scatter3A_1220 = tpu.memref_squeeze %scatter3A_1219 : memref<1x64x128xf32, #tpu.memory_space<vmem>> -> memref<64x128xf32, #tpu.memory_space<vmem>>
        tpu.vector_store_idx %scatter3A_1220[%and3A_1196, %add3A_366], %gather3A_1215 : memref<64x128xf32, #tpu.memory_space<vmem>>[vector<16xi32>, vector<16xi32>], vector<16xf32>,
        %add3A_1221 = arith.addi %get3A_396, %and3A_1196 : vector<16xi32>
        %gather3A_1222 = arith.constant 1 : i32
        %gather3A_1223 = arith.constant 0 : i32
        %gather3A_1224 = arith.constant 0 : i32
        %gather3A_1225 = tpu.memref_slice %arg8[%gather3A_1222, %gather3A_1223, %gather3A_1224] : memref<2x128x128xf32, #tpu.memory_space<vmem>> -> memref<1x128x128xf32, #tpu.memory_space<vmem>>
        %gather3A_1226 = tpu.memref_squeeze %gather3A_1225 : memref<1x128x128xf32, #tpu.memory_space<vmem>> -> memref<128x128xf32, #tpu.memory_space<vmem>>
        %gather3A_1227 = tpu.vector_load_idx %gather3A_1226[%add3A_369, %add3A_1221] : memref<128x128xf32, #tpu.memory_space<vmem>>[vector<16xi32>, vector<16xi32>], vector<16xf32>,
        %scatter3A_1228 = arith.constant 1 : i32
        %scatter3A_1229 = arith.constant 0 : i32
        %scatter3A_1230 = arith.constant 0 : i32
        %scatter3A_1231 = tpu.memref_slice %arg9[%scatter3A_1228, %scatter3A_1229, %scatter3A_1230] : memref<2x64x128xf32, #tpu.memory_space<vmem>> -> memref<1x64x128xf32, #tpu.memory_space<vmem>>
        %scatter3A_1232 = tpu.memref_squeeze %scatter3A_1231 : memref<1x64x128xf32, #tpu.memory_space<vmem>> -> memref<64x128xf32, #tpu.memory_space<vmem>>
        tpu.vector_store_idx %scatter3A_1232[%and3A_1196, %add3A_369], %gather3A_1227 : memref<64x128xf32, #tpu.memory_space<vmem>>[vector<16xi32>, vector<16xi32>], vector<16xf32>,
        %add3A_1233 = arith.addi %get3A_400, %and3A_1196 : vector<16xi32>
        %gather3A_1234 = arith.constant 1 : i32
        %gather3A_1235 = arith.constant 0 : i32
        %gather3A_1236 = arith.constant 0 : i32
        %gather3A_1237 = tpu.memref_slice %arg8[%gather3A_1234, %gather3A_1235, %gather3A_1236] : memref<2x128x128xf32, #tpu.memory_space<vmem>> -> memref<1x128x128xf32, #tpu.memory_space<vmem>>
        %gather3A_1238 = tpu.memref_squeeze %gather3A_1237 : memref<1x128x128xf32, #tpu.memory_space<vmem>> -> memref<128x128xf32, #tpu.memory_space<vmem>>
        %gather3A_1239 = tpu.vector_load_idx %gather3A_1238[%add3A_372, %add3A_1233] : memref<128x128xf32, #tpu.memory_space<vmem>>[vector<16xi32>, vector<16xi32>], vector<16xf32>,
        %scatter3A_1240 = arith.constant 1 : i32
        %scatter3A_1241 = arith.constant 0 : i32
        %scatter3A_1242 = arith.constant 0 : i32
        %scatter3A_1243 = tpu.memref_slice %arg9[%scatter3A_1240, %scatter3A_1241, %scatter3A_1242] : memref<2x64x128xf32, #tpu.memory_space<vmem>> -> memref<1x64x128xf32, #tpu.memory_space<vmem>>
        %scatter3A_1244 = tpu.memref_squeeze %scatter3A_1243 : memref<1x64x128xf32, #tpu.memory_space<vmem>> -> memref<64x128xf32, #tpu.memory_space<vmem>>
        tpu.vector_store_idx %scatter3A_1244[%and3A_1196, %add3A_372], %gather3A_1239 : memref<64x128xf32, #tpu.memory_space<vmem>>[vector<16xi32>, vector<16xi32>], vector<16xf32>,
        %add3A_1245 = arith.addi %get3A_404, %and3A_1196 : vector<16xi32>
        %gather3A_1246 = arith.constant 1 : i32
        %gather3A_1247 = arith.constant 0 : i32
        %gather3A_1248 = arith.constant 0 : i32
        %gather3A_1249 = tpu.memref_slice %arg8[%gather3A_1246, %gather3A_1247, %gather3A_1248] : memref<2x128x128xf32, #tpu.memory_space<vmem>> -> memref<1x128x128xf32, #tpu.memory_space<vmem>>
        %gather3A_1250 = tpu.memref_squeeze %gather3A_1249 : memref<1x128x128xf32, #tpu.memory_space<vmem>> -> memref<128x128xf32, #tpu.memory_space<vmem>>
        %gather3A_1251 = tpu.vector_load_idx %gather3A_1250[%add3A_375, %add3A_1245] : memref<128x128xf32, #tpu.memory_space<vmem>>[vector<16xi32>, vector<16xi32>], vector<16xf32>,
        %scatter3A_1252 = arith.constant 1 : i32
        %scatter3A_1253 = arith.constant 0 : i32
        %scatter3A_1254 = arith.constant 0 : i32
        %scatter3A_1255 = tpu.memref_slice %arg9[%scatter3A_1252, %scatter3A_1253, %scatter3A_1254] : memref<2x64x128xf32, #tpu.memory_space<vmem>> -> memref<1x64x128xf32, #tpu.memory_space<vmem>>
        %scatter3A_1256 = tpu.memref_squeeze %scatter3A_1255 : memref<1x64x128xf32, #tpu.memory_space<vmem>> -> memref<64x128xf32, #tpu.memory_space<vmem>>
        tpu.vector_store_idx %scatter3A_1256[%and3A_1196, %add3A_375], %gather3A_1251 : memref<64x128xf32, #tpu.memory_space<vmem>>[vector<16xi32>, vector<16xi32>], vector<16xf32>,
        %add3A_1257 = arith.addi %get3A_408, %and3A_1196 : vector<16xi32>
        %gather3A_1258 = arith.constant 1 : i32
        %gather3A_1259 = arith.constant 0 : i32
        %gather3A_1260 = arith.constant 0 : i32
        %gather3A_1261 = tpu.memref_slice %arg8[%gather3A_1258, %gather3A_1259, %gather3A_1260] : memref<2x128x128xf32, #tpu.memory_space<vmem>> -> memref<1x128x128xf32, #tpu.memory_space<vmem>>
        %gather3A_1262 = tpu.memref_squeeze %gather3A_1261 : memref<1x128x128xf32, #tpu.memory_space<vmem>> -> memref<128x128xf32, #tpu.memory_space<vmem>>
        %gather3A_1263 = tpu.vector_load_idx %gather3A_1262[%add3A_378, %add3A_1257] : memref<128x128xf32, #tpu.memory_space<vmem>>[vector<16xi32>, vector<16xi32>], vector<16xf32>,
        %scatter3A_1264 = arith.constant 1 : i32
        %scatter3A_1265 = arith.constant 0 : i32
        %scatter3A_1266 = arith.constant 0 : i32
        %scatter3A_1267 = tpu.memref_slice %arg9[%scatter3A_1264, %scatter3A_1265, %scatter3A_1266] : memref<2x64x128xf32, #tpu.memory_space<vmem>> -> memref<1x64x128xf32, #tpu.memory_space<vmem>>
        %scatter3A_1268 = tpu.memref_squeeze %scatter3A_1267 : memref<1x64x128xf32, #tpu.memory_space<vmem>> -> memref<64x128xf32, #tpu.memory_space<vmem>>
        tpu.vector_store_idx %scatter3A_1268[%and3A_1196, %add3A_378], %gather3A_1263 : memref<64x128xf32, #tpu.memory_space<vmem>>[vector<16xi32>, vector<16xi32>], vector<16xf32>,
        %add3A_1269 = arith.addi %get3A_412, %and3A_1196 : vector<16xi32>
        %gather3A_1270 = arith.constant 1 : i32
        %gather3A_1271 = arith.constant 0 : i32
        %gather3A_1272 = arith.constant 0 : i32
        %gather3A_1273 = tpu.memref_slice %arg8[%gather3A_1270, %gather3A_1271, %gather3A_1272] : memref<2x128x128xf32, #tpu.memory_space<vmem>> -> memref<1x128x128xf32, #tpu.memory_space<vmem>>
        %gather3A_1274 = tpu.memref_squeeze %gather3A_1273 : memref<1x128x128xf32, #tpu.memory_space<vmem>> -> memref<128x128xf32, #tpu.memory_space<vmem>>
        %gather3A_1275 = tpu.vector_load_idx %gather3A_1274[%add3A_381, %add3A_1269] : memref<128x128xf32, #tpu.memory_space<vmem>>[vector<16xi32>, vector<16xi32>], vector<16xf32>,
        %scatter3A_1276 = arith.constant 1 : i32
        %scatter3A_1277 = arith.constant 0 : i32
        %scatter3A_1278 = arith.constant 0 : i32
        %scatter3A_1279 = tpu.memref_slice %arg9[%scatter3A_1276, %scatter3A_1277, %scatter3A_1278] : memref<2x64x128xf32, #tpu.memory_space<vmem>> -> memref<1x64x128xf32, #tpu.memory_space<vmem>>
        %scatter3A_1280 = tpu.memref_squeeze %scatter3A_1279 : memref<1x64x128xf32, #tpu.memory_space<vmem>> -> memref<64x128xf32, #tpu.memory_space<vmem>>
        tpu.vector_store_idx %scatter3A_1280[%and3A_1196, %add3A_381], %gather3A_1275 : memref<64x128xf32, #tpu.memory_space<vmem>>[vector<16xi32>, vector<16xi32>], vector<16xf32>,
        %add3A_1281 = arith.addi %get3A_416, %and3A_1196 : vector<16xi32>
        %gather3A_1282 = arith.constant 1 : i32
        %gather3A_1283 = arith.constant 0 : i32
        %gather3A_1284 = arith.constant 0 : i32
        %gather3A_1285 = tpu.memref_slice %arg8[%gather3A_1282, %gather3A_1283, %gather3A_1284] : memref<2x128x128xf32, #tpu.memory_space<vmem>> -> memref<1x128x128xf32, #tpu.memory_space<vmem>>
        %gather3A_1286 = tpu.memref_squeeze %gather3A_1285 : memref<1x128x128xf32, #tpu.memory_space<vmem>> -> memref<128x128xf32, #tpu.memory_space<vmem>>
        %gather3A_1287 = tpu.vector_load_idx %gather3A_1286[%add3A_384, %add3A_1281] : memref<128x128xf32, #tpu.memory_space<vmem>>[vector<16xi32>, vector<16xi32>], vector<16xf32>,
        %scatter3A_1288 = arith.constant 1 : i32
        %scatter3A_1289 = arith.constant 0 : i32
        %scatter3A_1290 = arith.constant 0 : i32
        %scatter3A_1291 = tpu.memref_slice %arg9[%scatter3A_1288, %scatter3A_1289, %scatter3A_1290] : memref<2x64x128xf32, #tpu.memory_space<vmem>> -> memref<1x64x128xf32, #tpu.memory_space<vmem>>
        %scatter3A_1292 = tpu.memref_squeeze %scatter3A_1291 : memref<1x64x128xf32, #tpu.memory_space<vmem>> -> memref<64x128xf32, #tpu.memory_space<vmem>>
        tpu.vector_store_idx %scatter3A_1292[%and3A_1196, %add3A_384], %gather3A_1287 : memref<64x128xf32, #tpu.memory_space<vmem>>[vector<16xi32>, vector<16xi32>], vector<16xf32>,
      }
      %scan3A_421 = arith.constant 64 : i32
      %dma_start3A_422 = arith.constant 1 : i32
      %dma_start3A_423 = arith.constant 1 : i32
      %dma_start3A_424 = arith.constant 0 : i32
      %dma_start3A_425 = arith.constant 0 : i32
      %dma_start3A_426 = tpu.memref_slice %arg9[%dma_start3A_422, %dma_start3A_424, %dma_start3A_425] : memref<2x64x128xf32, #tpu.memory_space<vmem>> -> memref<1x64x128xf32, #tpu.memory_space<vmem>>
      %dma_start3A_427 = tpu.memref_squeeze %dma_start3A_426 : memref<1x64x128xf32, #tpu.memory_space<vmem>> -> memref<64x128xf32, #tpu.memory_space<vmem>>
      %dma_start3A_428 = arith.constant 0 : i32
      %dma_start3A_429 = tpu.memref_slice %arg4[%add3A_332, %dma_start3A_428, %mul3A_2] : memref<50x64x4096xf32, #tpu.memory_space<hbm>> -> memref<1x64x128xf32, #tpu.memory_space<hbm>>
      %dma_start3A_430 = tpu.memref_squeeze %dma_start3A_429 : memref<1x64x128xf32, #tpu.memory_space<hbm>> -> memref<64x128xf32, #tpu.memory_space<hbm>>
      %dma_start3A_431 = tpu.memref_slice %arg11[%dma_start3A_423] : memref<2x!tpu.dma_semaphore, #tpu.memory_space<semaphore_mem>> -> memref<1x!tpu.dma_semaphore, #tpu.memory_space<semaphore_mem>>
      %dma_start3A_432 = tpu.memref_squeeze %dma_start3A_431 : memref<1x!tpu.dma_semaphore, #tpu.memory_space<semaphore_mem>> -> memref<!tpu.dma_semaphore, #tpu.memory_space<semaphore_mem>>
      %dma_start3A_433 = arith.constant 0 : i32
      %dma_start3A_434 = tpu.memref_slice %arg4[%add3A_332, %dma_start3A_433, %mul3A_2] : memref<50x64x4096xf32, #tpu.memory_space<hbm>> -> memref<1x64x128xf32, #tpu.memory_space<hbm>>
      %dma_start3A_435 = tpu.memref_squeeze %dma_start3A_434 : memref<1x64x128xf32, #tpu.memory_space<hbm>> -> memref<64x128xf32, #tpu.memory_space<hbm>>
      %dma_start3A_436 = arith.constant 0 : i32
      %dma_start3A_437 = arith.constant 0 : i32
      %dma_start3A_438 = tpu.memref_slice %arg9[%dma_start3A_422, %dma_start3A_436, %dma_start3A_437] : memref<2x64x128xf32, #tpu.memory_space<vmem>> -> memref<1x64x128xf32, #tpu.memory_space<vmem>>
      %dma_start3A_439 = tpu.memref_squeeze %dma_start3A_438 : memref<1x64x128xf32, #tpu.memory_space<vmem>> -> memref<64x128xf32, #tpu.memory_space<vmem>>
      tpu.enqueue_dma source(%dma_start3A_439 : memref<64x128xf32, #tpu.memory_space<vmem>>) target(%dma_start3A_435 : memref<64x128xf32, #tpu.memory_space<hbm>>) target_semaphore(%dma_start3A_432 : memref<!tpu.dma_semaphore, #tpu.memory_space<semaphore_mem>>)
    }
    %scan3A_184 = arith.constant 25 : i32
    %dma_wait3A = arith.constant 0 : i32
    %dma_wait3A_185 = arith.constant 48 : i32
    %dma_wait3A_186 = arith.constant 0 : i32
    %dma_wait3A_187 = arith.constant 0 : i32
    %dma_wait3A_188 = arith.constant 0 : i32
    %dma_wait3A_189 = tpu.memref_slice %arg9[%dma_wait3A, %dma_wait3A_187, %dma_wait3A_188] : memref<2x64x128xf32, #tpu.memory_space<vmem>> -> memref<1x64x128xf32, #tpu.memory_space<vmem>>
    %dma_wait3A_190 = tpu.memref_squeeze %dma_wait3A_189 : memref<1x64x128xf32, #tpu.memory_space<vmem>> -> memref<64x128xf32, #tpu.memory_space<vmem>>
    %dma_wait3A_191 = arith.constant 0 : i32
    %dma_wait3A_192 = tpu.memref_slice %arg4[%dma_wait3A_185, %dma_wait3A_191, %mul3A_2] : memref<50x64x4096xf32, #tpu.memory_space<hbm>> -> memref<1x64x128xf32, #tpu.memory_space<hbm>>
    %dma_wait3A_193 = tpu.memref_squeeze %dma_wait3A_192 : memref<1x64x128xf32, #tpu.memory_space<hbm>> -> memref<64x128xf32, #tpu.memory_space<hbm>>
    %dma_wait3A_194 = tpu.memref_slice %arg11[%dma_wait3A_186] : memref<2x!tpu.dma_semaphore, #tpu.memory_space<semaphore_mem>> -> memref<1x!tpu.dma_semaphore, #tpu.memory_space<semaphore_mem>>
    %dma_wait3A_195 = tpu.memref_squeeze %dma_wait3A_194 : memref<1x!tpu.dma_semaphore, #tpu.memory_space<semaphore_mem>> -> memref<!tpu.dma_semaphore, #tpu.memory_space<semaphore_mem>>
    %dma_wait3A_196 = arith.constant 0 : i32
    %dma_wait3A_197 = tpu.memref_slice %arg4[%dma_wait3A_185, %dma_wait3A_196, %mul3A_2] : memref<50x64x4096xf32, #tpu.memory_space<hbm>> -> memref<1x64x128xf32, #tpu.memory_space<hbm>>
    %dma_wait3A_198 = tpu.memref_squeeze %dma_wait3A_197 : memref<1x64x128xf32, #tpu.memory_space<hbm>> -> memref<64x128xf32, #tpu.memory_space<hbm>>
    %dma_wait3A_199 = arith.constant 0 : i32
    %dma_wait3A_200 = arith.constant 0 : i32
    %dma_wait3A_201 = tpu.memref_slice %arg9[%dma_wait3A, %dma_wait3A_199, %dma_wait3A_200] : memref<2x64x128xf32, #tpu.memory_space<vmem>> -> memref<1x64x128xf32, #tpu.memory_space<vmem>>
    %dma_wait3A_202 = tpu.memref_squeeze %dma_wait3A_201 : memref<1x64x128xf32, #tpu.memory_space<vmem>> -> memref<64x128xf32, #tpu.memory_space<vmem>>
    tpu.wait_dma2 semaphore(%dma_wait3A_195 : memref<!tpu.dma_semaphore, #tpu.memory_space<semaphore_mem>>) src(%dma_wait3A_202 : memref<64x128xf32, #tpu.memory_space<vmem>>) dst(%dma_wait3A_198 : memref<64x128xf32, #tpu.memory_space<hbm>>)
    %dma_wait3A_203 = arith.constant 1 : i32
    %dma_wait3A_204 = arith.constant 49 : i32
    %dma_wait3A_205 = arith.constant 1 : i32
    %dma_wait3A_206 = arith.constant 0 : i32
    %dma_wait3A_207 = arith.constant 0 : i32
    %dma_wait3A_208 = tpu.memref_slice %arg9[%dma_wait3A_203, %dma_wait3A_206, %dma_wait3A_207] : memref<2x64x128xf32, #tpu.memory_space<vmem>> -> memref<1x64x128xf32, #tpu.memory_space<vmem>>
    %dma_wait3A_209 = tpu.memref_squeeze %dma_wait3A_208 : memref<1x64x128xf32, #tpu.memory_space<vmem>> -> memref<64x128xf32, #tpu.memory_space<vmem>>
    %dma_wait3A_210 = arith.constant 0 : i32
    %dma_wait3A_211 = tpu.memref_slice %arg4[%dma_wait3A_204, %dma_wait3A_210, %mul3A_2] : memref<50x64x4096xf32, #tpu.memory_space<hbm>> -> memref<1x64x128xf32, #tpu.memory_space<hbm>>
    %dma_wait3A_212 = tpu.memref_squeeze %dma_wait3A_211 : memref<1x64x128xf32, #tpu.memory_space<hbm>> -> memref<64x128xf32, #tpu.memory_space<hbm>>
    %dma_wait3A_213 = tpu.memref_slice %arg11[%dma_wait3A_205] : memref<2x!tpu.dma_semaphore, #tpu.memory_space<semaphore_mem>> -> memref<1x!tpu.dma_semaphore, #tpu.memory_space<semaphore_mem>>
    %dma_wait3A_214 = tpu.memref_squeeze %dma_wait3A_213 : memref<1x!tpu.dma_semaphore, #tpu.memory_space<semaphore_mem>> -> memref<!tpu.dma_semaphore, #tpu.memory_space<semaphore_mem>>
    %dma_wait3A_215 = arith.constant 0 : i32
    %dma_wait3A_216 = tpu.memref_slice %arg4[%dma_wait3A_204, %dma_wait3A_215, %mul3A_2] : memref<50x64x4096xf32, #tpu.memory_space<hbm>> -> memref<1x64x128xf32, #tpu.memory_space<hbm>>
    %dma_wait3A_217 = tpu.memref_squeeze %dma_wait3A_216 : memref<1x64x128xf32, #tpu.memory_space<hbm>> -> memref<64x128xf32, #tpu.memory_space<hbm>>
    %dma_wait3A_218 = arith.constant 0 : i32
    %dma_wait3A_219 = arith.constant 0 : i32
    %dma_wait3A_220 = tpu.memref_slice %arg9[%dma_wait3A_203, %dma_wait3A_218, %dma_wait3A_219] : memref<2x64x128xf32, #tpu.memory_space<vmem>> -> memref<1x64x128xf32, #tpu.memory_space<vmem>>
    %dma_wait3A_221 = tpu.memref_squeeze %dma_wait3A_220 : memref<1x64x128xf32, #tpu.memory_space<vmem>> -> memref<64x128xf32, #tpu.memory_space<vmem>>
    tpu.wait_dma2 semaphore(%dma_wait3A_214 : memref<!tpu.dma_semaphore, #tpu.memory_space<semaphore_mem>>) src(%dma_wait3A_221 : memref<64x128xf32, #tpu.memory_space<vmem>>) dst(%dma_wait3A_217 : memref<64x128xf32, #tpu.memory_space<hbm>>)
    return
  }
}

module attributes {stable_mosaic.version = 14 : i64} {
  func.func @_relayout_body(%arg0: i32, %arg1: memref<64x1024xf32, #tpu.memory_space<vmem>>, %arg2: memref<512x128xf32, #tpu.memory_space<vmem>>) attributes {dimension_semantics = [#tpu.dimension_semantics<arbitrary>], iteration_bounds = array<i64: 977>, scalar_prefetch = 0 : i64, scratch_operands = 0 : i64, tpu.core_type = #tpu.core_type<tc>, window_params = [{transform_indices = @transform_0, window_bounds = array<i64: 64, 1024>}, {transform_indices = @transform_1, window_bounds = array<i64: 512, 128>}]} {
    %get3A = arith.constant 0 : index
    %get3A_0 = arith.constant 0 : index
    %get3A_1 = vector.load %arg1[%get3A, %get3A_0] : memref<64x1024xf32, #tpu.memory_space<vmem>>, vector<64x1024xf32>
    %transpose3A = tpu.transpose %get3A_1, [1, 0] : vector<64x1024xf32> -> vector<1024x64xf32>
    %reshape3A = vector.shape_cast %transpose3A : vector<1024x64xf32> to vector<512x2x64xf32>
    %slice3A = vector.extract_strided_slice %reshape3A {offsets = [0, 0, 0], sizes = [512, 1, 64], strides = [1, 1, 1]} : vector<512x2x64xf32> to vector<512x1x64xf32>
    %squeeze3A = vector.shape_cast %slice3A : vector<512x1x64xf32> to vector<512x64xf32>
    %swap3A = arith.constant 0 : index
    %swap3A_2 = arith.constant 0 : index
    %swap3A_3 = vector.load %arg2[%swap3A, %swap3A_2] : memref<512x128xf32, #tpu.memory_space<vmem>>, vector<512x64xf32>
    tpu.vector_store %arg2[%swap3A, %swap3A_2], %squeeze3A {strides = array<i32>} : memref<512x128xf32, #tpu.memory_space<vmem>>, vector<512x64xf32>,
    %slice3A_4 = vector.extract_strided_slice %reshape3A {offsets = [0, 1, 0], sizes = [512, 1, 64], strides = [1, 1, 1]} : vector<512x2x64xf32> to vector<512x1x64xf32>
    %squeeze3A_5 = vector.shape_cast %slice3A_4 : vector<512x1x64xf32> to vector<512x64xf32>
    %swap3A_6 = arith.constant 0 : index
    %swap3A_7 = arith.constant 64 : index
    %swap3A_8 = vector.load %arg2[%swap3A_6, %swap3A_7] : memref<512x128xf32, #tpu.memory_space<vmem>>, vector<512x64xf32>
    tpu.vector_store %arg2[%swap3A_6, %swap3A_7], %squeeze3A_5 {strides = array<i32>} : memref<512x128xf32, #tpu.memory_space<vmem>>, vector<512x64xf32>,
    return
  }
  func.func @transform_0(%arg0: i32) -> (i32, i32) {
    %c0_i32 = arith.constant 0 : i32
    %c0_i32_0 = arith.constant 0 : i32
    return %c0_i32, %arg0 : i32, i32
  }
  func.func @transform_1(%arg0: i32) -> (i32, i32) {
    %c0_i32 = arith.constant 0 : i32
    %c0_i32_0 = arith.constant 0 : i32
    return %arg0, %c0_i32 : i32, i32
  }
}

</mosaic_0001>

<sc_bundles>
// kernel: kernel.4.cloned.1.call-start
scs
__scs_entry_jumppad:
0x0: {  	(pc) =	sbr.rel $0x88, $3  }
0x1: {  	(tag) =	ssettag $0x0;
	lr =	simm.s32 $0x1  }
0x2: {  	[smem:$0x3F9F] =	sst lr;
	_ =	strace $0xD0000000  }
0x3: {  	_ = 	snop  }
0x4: {  	_ = 	snop  }
0x5: {  	_ = 	snop  }
0x6: {  	_ = 	snop  }
0x7: {  	_ = 	snop  }
__scs_overlays_trampoline_lowered:
0x8: {  	[smem:$0x3FAE] =	sst s0  }
0x9: {  	[smem:$0x3FAF] =	sst s1  }
0xa: {  	[smem:$0x3FB0] =	sst s2  }
0xb: {  	[smem:$0x3FB1] =	sst s3  }
0xc: {  	[smem:$0x3FB2] =	sst s4  }
0xd: {  	[smem:$0x3FB3] =	sst s5  }
0xe: {  	[smem:$0x3FB4] =	sst s6  }
0xf: {  	[smem:$0x3FB5] =	sst s7  }
0x10: {  	[smem:$0x3FB6] =	sst s8  }
0x11: {  	[smem:$0x3FB7] =	sst s9;
	s0 =	simm.s32 @!p0 $0x0  }
0x12: {  	s1 =	sld [smem:$0x3F9D];
	s0 =	simm.s32 @p0 $0x1  }
0x13: {  	[smem:$0x3FB8] =	sst s0;
	s0 =	simm.s32 @!p1 $0x0  }
0x14: {  	s2 =	sld [smem:$0x3F9C];
	s0 =	simm.s32 @p1 $0x1  }
0x15: {  	[smem:$0x3FB9] =	sst s0;
	s0 =	simm.s32 @!p2 $0x0  }
0x16: {  	s3 =	sld [smem:$0x3FDB];
	s0 =	simm.s32 @p2 $0x1  }
0x17: {  	s4 =	simm.s32 $0x1BF5;
	[smem:$0x3FBB] =	sst s0  }
0x18: {  	s0 =	sld [smem:$0x3F9E];
	_ =	swait.ge [sflag:s4], $0x0  }
0x19: {  	s7 =	sld [smem:$0x3F9F]  }
0x1a: {  	s8 =	sadd.s32 $0xFFFFE003, lr  }
0x1b: {  	s9 =	sadd.s32 $0xFFFFFEF7, lr;
	s5 =	simm.s32 $0xFFFFFFFF;
	p2 =	slt.u32 s8, $0xFFFFF086  }
0x1c: {  	p1 =	slt.u32 s9, $0xF7A;
	s5 =	simm.s32 @!p2 $0x0  }
0x1d: {  	s5 =	simm.s32 @p1 $0x1;
	p0 =	seq.s32 s7, s2  }
0x1e: {  	s7 =	smul.u32 @!p0 $0xF7A, s2;
	p2 =	seq.s32 @!p0 s5, $0x0  }
0x1f: {  	s9 =	smul.u32 $0xF7A, s1;
	s8 =	simm.s32 @!p0 $0x1BF5;
	p2 =	por !p2, p0  }
0x20: {  	[sflag:s8] =	ssyncset.s32 @!p0 $0xFFFFF086;
	s6 =	sadd.s32 @!p0 s3, s7;
	s7 =	simm.s32 @!p0 $0x108  }
0x21: {  	s3 =	sadd.s32 s3, s9;
	s6 =	sadd.s32 @!p0 $0x88, s6;
	s7 =	simm.s32 @p2 $0x1082  }
0x22: {  	[simem:s7], [sflag:s8] =	dma.local @!p0 [hbm:s6], $0xF7A  }
0x23: {  	s9 =	sor.u32 $0xD0000000, s2;
	s6 =	simm.s32 $0x108;
	_ =	swait.ge @!p0 [sflag:s8], $0x0  }
0x24: {  	s3 =	sadd.s32 $0x88, s3;
	s6 =	simm.s32 @!p1 $0x1082;
	[sflag:s4] =	ssyncset.s32 $0xFFFFF086  }
0x25: {  	[simem:s6], [sflag:s4] =	dma.local [hbm:s3], $0xF7A  }
0x26: {  	[smem:$0x3F9F] =	sst s1;
	(tag) =	ssettag s2;
	_ =	strace s9  }
0x27: {  	s1 =	sld [smem:$0x3FAF]  }
0x28: {  	s2 =	sld [smem:$0x3FB0]  }
0x29: {  	s4 =	sld [smem:$0x3FB2]  }
0x2a: {  	p0 =	seq.s32 s5, $0x0;
	s5 =	sld [smem:$0x3FB3]  }
0x2b: {  	s6 =	sld [smem:$0x3FB4]  }
0x2c: {  	s7 =	sld [smem:$0x3FB5]  }
0x2d: {  	s3 =	simm.s32 $0x108;
	s8 =	sld [smem:$0x3FB6]  }
0x2e: {  	s3 =	simm.s32 @!p0 $0x1082;
	s9 =	sld [smem:$0x3FB7]  }
0x2f: {  	lr =	sadd.s32 s0, s3;
	s0 =	sld [smem:$0x3FAE]  }
0x30: {  	s3 =	sld [smem:$0x3FB1]  }
0x31: {  	[smem:$0x3FBA] =	sst s10  }
0x32: {  	s10 =	sld [smem:$0x3FB8];
	_ =	sdelay $0x3  }
0x33: {  	p0 =	seq.s32 s10, $0x1;
	s10 =	sld [smem:$0x3FBA];
	_ =	sdelay $0x3  }
0x34: {  	[smem:$0x3FBA] =	sst s10  }
0x35: {  	s10 =	sld [smem:$0x3FB9];
	_ =	sdelay $0x3  }
0x36: {  	p1 =	seq.s32 s10, $0x1;
	s10 =	sld [smem:$0x3FBA];
	_ =	sdelay $0x3  }
0x37: {  	[smem:$0x3FBA] =	sst s10  }
0x38: {  	s10 =	sld [smem:$0x3FBB]  }
0x39: {  	_ = 	snop;
	(pc) =	sbr.ind lr, $3  }
0x3a: {  	_ = 	snop  }
0x3b: {  	_ = 	snop  }
0x3c: {  	p2 =	seq.s32 s10, $0x1;
	s10 =	sld [smem:$0x3FBA]  }
0x3d: {  	_ =	shalt  }
0x3e: {  	_ =	shalt  }
0x3f: {  	_ =	shalt  }
0x40: {  	_ =	shalt  }
0x41: {  	_ =	shalt  }
0x42: {  	_ =	shalt  }
0x43: {  	_ =	shalt  }
0x44: {  	_ =	shalt  }
0x45: {  	_ =	shalt  }
0x46: {  	_ =	shalt  }
0x47: {  	_ =	shalt  }
0x48: {  	_ =	shalt  }
0x49: {  	_ =	shalt  }
0x4a: {  	_ =	shalt  }
0x4b: {  	_ =	shalt  }
0x4c: {  	_ =	shalt  }
0x4d: {  	_ =	shalt  }
0x4e: {  	_ =	shalt  }
0x4f: {  	_ =	shalt  }
0x50: {  	_ =	shalt  }
0x51: {  	_ =	shalt  }
0x52: {  	_ =	shalt  }
0x53: {  	_ =	shalt  }
0x54: {  	_ =	shalt  }
0x55: {  	_ =	shalt  }
0x56: {  	_ =	shalt  }
0x57: {  	_ =	shalt  }
0x58: {  	_ =	shalt  }
0x59: {  	_ =	shalt  }
0x5a: {  	_ =	shalt  }
0x5b: {  	_ =	shalt  }
0x5c: {  	_ =	shalt  }
0x5d: {  	_ =	shalt  }
0x5e: {  	_ =	shalt  }
0x5f: {  	_ =	shalt  }
0x60: {  	_ =	shalt  }
0x61: {  	_ =	shalt  }
0x62: {  	_ =	shalt  }
0x63: {  	_ =	shalt  }
0x64: {  	_ =	shalt  }
0x65: {  	_ =	shalt  }
0x66: {  	_ =	shalt  }
0x67: {  	_ =	shalt  }
0x68: {  	_ =	shalt  }
0x69: {  	_ =	shalt  }
0x6a: {  	_ =	shalt  }
0x6b: {  	_ =	shalt  }
0x6c: {  	_ =	shalt  }
0x6d: {  	_ =	shalt  }
0x6e: {  	_ =	shalt  }
0x6f: {  	_ =	shalt  }
0x70: {  	_ =	shalt  }
0x71: {  	_ =	shalt  }
0x72: {  	_ =	shalt  }
0x73: {  	_ =	shalt  }
0x74: {  	_ =	shalt  }
0x75: {  	_ =	shalt  }
0x76: {  	_ =	shalt  }
0x77: {  	_ =	shalt  }
0x78: {  	_ =	shalt  }
0x79: {  	_ =	shalt  }
0x7a: {  	_ =	shalt  }
0x7b: {  	_ =	shalt  }
0x7c: {  	_ =	shalt  }
0x7d: {  	_ =	shalt  }
0x7e: {  	_ =	shalt  }
0x7f: {  	_ =	shalt  }
0x80: {  	_ =	shalt  }
0x81: {  	_ =	shalt  }
0x82: {  	_ =	shalt  }
0x83: {  	_ =	shalt  }
0x84: {  	_ =	shalt  }
0x85: {  	_ =	shalt  }
0x86: {  	_ =	shalt  }
0x87: {  	_ =	shalt  }
.Lfunc_end0:
.L_simem_size_0:
called_computation_lowered:
.L_overlay_start_0:
0x88: {  	s2 =	sld [smem:$0x3FD9]  }
0x89: {  	s3 =	sld [smem:$0x3FFE];
	_ =	sdelay $0x1  }
0x8a: {  	s1 =	srdreg.scid  }
0x8b: {  	s0 =	sand.u32 $0x1, s1  }
0x8c: {  	s17 =	sshll.u32 s0, $0xA;
	s2 =	sadd.s32 s3, s2  }
0x8d: {  	s2 =	sadd.s32 s2, s17  }
0x8e: {  	[smem:$0x3FC6] =	sst s2  }
0x8f: {  	_ = 	snop  }
0x90: {  	s2 =	sld [smem:$0x3FC9]  }
0x91: {  	s18 =	sld [smem:$0x3FD0];
	(tm) =	ssettm $0x1  }
0x92: {  	s4 =	sld [smem:$0x3FFB];
	_ =	sdelay $0x3  }
0x93: {  	_ =	strace s4  }
0x94: {  	s4 =	sld [smem:$0x3FFC];
	_ =	sdelay $0x3  }
0x95: {  	_ =	strace s4  }
0x96: {  	s4 =	sld [smem:$0x3FFD];
	_ =	sdelay $0x3  }
0x97: {  	_ =	strace s4  }
0x98: {  	_ =	strace $0x8FFFFFFF  }
0x99: {  	s19 =	sld [smem:$0x3FDB];
	_ =	sdelay $0x1  }
0x9a: {  	s5 =	simm.s32 $_scs_section_size  }
0x9b: {  	s6 =	simm.s32 $_size__tile_overlayer_lowered;
	s7 =	simm.s32 $_tile_overlayer_lowered  }
0x9c: {  	s22 =	simm.s32 $0x1BFF;
	s21 =	sshll.u32 s7, $0x1;
	s4 =	sadd.s32 s5, s19  }
0x9d: {  	s8 =	simm.s32 $0x0;
	s20 =	sshll.u32 s6, $0x1;
	s6 =	sadd.s32 s21, s4  }
0x9e: {  	[timem:s8], [sflag:s22] =	dma.local [hbm:s6], s20  }
0x9f: {  	_ =	swait.ge [sflag:s22], s20  }
0xa0: {  	s5 =	ssub.s32 $0x0, s20;
	[sflag:s22] =	ssyncset.done $0x0  }
0xa1: {  	[sflag:s22] =	ssyncadd.s32 s5;
	_ =	sdelay $0x1  }
0xa2: {  	s23 =	simm.s32 $0x1B8B  }
0xa3: {  	_ =	swait.ge [sflag:s23], $0x1  }
0xa4: {  	[sflag:s23] =	ssyncset.done $0x0  }
0xa5: {  	s25 =	simm.s32 $0x1B8E;
	s24 =	sld [smem:$0x3FFE];
	[sflag:s23] =	ssyncadd.s32 $0xFFFFFFFF  }
0xa6: {  	s26 =	simm.s32 $execute0_lowered;
	[smem:$0x3FD2] =	sst s25  }
0xa7: {  	s6 =	sshll.u32 s26, $0x1;
	_ =	strace $0x80000046;
	[dreg:$0x1] =	wrdreg $0xFFFFFFFF  }
0xa8: {  	s28 =	simm.s32 $_size_execute0_lowered;
	s4 =	sadd.s32 s4, s6;
	[dreg:$0x0] =	wrdreg $0x0  }
0xa9: {  	s6 =	sshll.u32 s28, $0x1;
	[dreg:$0x2] =	wrdreg s4  }
0xaa: {  	[dreg:$0x3] =	wrdreg s6  }
0xab: {  	[dreg:$0x4] =	wrdreg $0xC0  }
0xac: {  	_ =	task [dreg:s8], $0x5FFFF  }
0xad: {  	[dreg:$0x1] =	wrdreg $0xFFFFFFFF  }
0xae: {  	[dreg:$0x0] =	wrdreg $0x60  }
0xaf: {  	[dreg:$0x2] =	wrdreg s2  }
0xb0: {  	[dreg:$0x3] =	wrdreg s24  }
0xb1: {  	[dreg:$0x4] =	wrdreg s18  }
0xb2: {  	[dreg:$0x5] =	wrdreg $0x9  }
0xb3: {  	_ =	task.clear_ibuf [dreg:s8], $0x6FFFF;
	_ =	strace $0x90000046  }
0xb4: {  	s29 =	simm.s32 $0x9;
	_ =	strace $0x80000048  }
0xb5: {  	_ =	swait.ge [sflag:s29], $0x1  }
0xb6: {  	[sflag:s29] =	ssyncadd.s32 $0xFFFFFFFF  }
0xb7: {  	_ =	strace $0x90000048  }
0xb8: {  	_ =	sfence  }
0xb9: {  	s30 =	sld [smem:$0x0];
	_ =	sdelay $0x2  }
0xba: {  	s31 =	sshll.u32 s1, $0xD;
	s1 =	sshrl.u32 s1, $0x2  }
0xbb: {  	s3 =	sand.u32 $0x4000, s31;
	s1 =	sadd.s32 s1, s30  }
0xbc: {  	s0 =	sor.u32 s3, s0;
	s1 =	sshll.u32 s1, $0x11  }
0xbd: {  	s0 =	sor.u32 s1, s0  }
0xbe: {  	s0 =	sadd.s32 $0x8F2B, s0  }
0xbf: {  	[sflag:s0] =	ssyncadd.remote.s32 $0x1  }
0xc0: {  	_ =	sfence.sel $0xFFFF  }
0xc1: {  	[dreg:$0x0] =	wrdreg $0xFFFFFFFF;
	(pc) =	sbr.abs _section_cstart, $3  }
0xc2: {  	[dreg:$0x1] =	wrdreg $0xFFFFFFFF  }
0xc3: {  	_ =	task.clear_ibuf [dreg:s8], $0x2FFFF;
	_ =	strace $0x9FFFFFFF  }
0xc4: {  	(tm) =	ssettm $0x7FFFFFFF  }
0xc5: {  	_ =	shalt  }
tec
execute0_lowered:
.L_overlay_start_1:
0x0: {  	(tag) =	ssettag $0x1  }
0x1: {  	s6 =	rddreg [dreg:$0x0]  }
0x2: {  	s5 =	rddreg [dreg:$0x1]  }
0x3: {  	s2 =	rddreg [dreg:$0x2];
	s3 =	srdreg.scid  }
0x4: {  	s0 =	rddreg [dreg:$0x3];
	s1 =	stileid.u32;
	s10 =	simm.s32 $0x8000  }
0x5: {  	s11 =	simm.s32 $0x1800;
	s12 =	simm.s32 $0x5;
	s13 =	simm.s32 $0x80  }
0x6: {  	s14 =	simm.s32 $0x1C00;
	s15 =	simm.s32 $0x1E00;
	s16 =	simm.s32 $0x1C80  }
0x7: {  	s17 =	simm.s32 $0x5E00;
	s18 =	simm.s32 $0x1;
	s19 =	simm.s32 $0x9E00  }
0x8: {  	s20 =	simm.s32 $0x2;
	s21 =	simm.s32 $0x4;
	s22 =	simm.s32 $0xBE00  }
0x9: {  	v0 =	vlaneseq.u32;
	s23 =	simm.s32 $0x3;
	s24 =	simm.s32 $0x0;
	s4 =	sand.u32 $0x1, s3  }
0xa: {  	s3 =	simm.s32 $0x0;
	s7 =	sshll.u32 s1, $0xB;
	v1 =	vmul.u32 $0x80, v0;
	v3 =	vor.u32 $0x10, v0;
	v5 =	vor.u32 $0x20, v0;
	s8 =	sshll.u32 s4, $0xA  }
0xb: {  	s5 =	sadd.s32 $0x400, s5;
	v7 =	vor.u32 $0x30, v0;
	v9 =	vor.u32 $0x40, v0;
	v11 =	vor.u32 $0x50, v0;
	s9 =	ssub.s32 $0x2, s4;
	s4 =	sor.u32 s8, s7  }
0xc: {  	v13 =	vor.u32 $0x60, v0;
	v15 =	vor.u32 $0x70, v0;
	[smem:$0x7FF] =	sst s3;
	s31 =	sshrl.u32 s9, $0x1;
	v2 =	vor.u32 $0x800, v1;
	s8 =	sshrl.u32 s4, $0x3  }
0xd: {  	_ =	strace $0x80000047;
	v4 =	vor.u32 $0x1000, v1;
	v6 =	vor.u32 $0x1800, v1;
	v8 =	vor.u32 $0x2000, v1;
	s9 =	ssub.s32 s9, s31;
	s6 =	sadd.s32 s6, s8  }
0xe: {  	v10 =	vor.u32 $0x2800, v1;
	v12 =	vor.u32 $0x3000, v1;
	v14 =	vor.u32 $0x3800, v1;
	s8 =	smax.u32 s9, $0x1;
	s9 =	simm.s32 $0x400;
	s7 =	sadd.s32 $0x6000, s6  }
.LBB2_1:
0xf: {  	[tilespmem:s3], [sflag:$0x5] =	stream.strided.gather [hbm4b:s6+s9], $0x1800, s10, s9, $0x38;
	[tilespmem:$0xDE00] =	vst v63  }
0x10: {  	_ = 	snop  }
0x11: {  	[tilespmem:s11], [sflag:$0x5] =	stream.linear.gather [hbm4b:s7+s3], $0x100, $0x38;
	[tilespmem:$0xDE00] =	vst v63  }
0x12: {  	_ =	swait.ge [sflag:s12], $0x1900  }
0x13: {  	[sflag:s12] =	ssyncset.done $0x0  }
0x14: {  	[sflag:s12] =	ssyncadd.s32 $0xFFFFE700  }
0x15: {  	v16 =	vld [tilespmem:$0x0];
	_ =	sdelay $0x1  }
0x16: {  	v17 =	vld [tilespmem:$0x10];
	_ =	sdelay $0x1  }
0x17: {  	v18 =	vld [tilespmem:$0x20]  }
0x18: {  	v19 =	vshrl.u32 v16, $0x1;
	v16 =	vshll.u32 v16, $0x6  }
0x19: {  	v60 =	vld [tilespmem:$0x30];
	[tilespmem:$0x1C00] =	vst v19;
	v16 =	vand.u32 $0x40, v16  }
0x1a: {  	[tilespmem:$0x1D00] =	vst v16;
	v16 =	vshrl.u32 v17, $0x1;
	v17 =	vshll.u32 v17, $0x6  }
0x1b: {  	[tilespmem:$0x1C10] =	vst v16;
	v16 =	vand.u32 $0x40, v17;
	v17 =	vld [tilespmem:$0x40]  }
0x1c: {  	[tilespmem:$0x1D10] =	vst v16;
	v16 =	vshrl.u32 v18, $0x1;
	v18 =	vshll.u32 v18, $0x6  }
0x1d: {  	v61 =	vld [tilespmem:$0x50];
	[tilespmem:$0x1C20] =	vst v16;
	v16 =	vand.u32 $0x40, v18  }
0x1e: {  	v19 =	vshll.u32 v60, $0x6;
	[tilespmem:$0x1D20] =	vst v16;
	v16 =	vshrl.u32 v60, $0x1  }
0x1f: {  	v62 =	vld [tilespmem:$0x60];
	[tilespmem:$0x1C30] =	vst v16;
	v16 =	vand.u32 $0x40, v19  }
0x20: {  	[tilespmem:$0x1D30] =	vst v16;
	v16 =	vshrl.u32 v17, $0x1;
	v17 =	vshll.u32 v17, $0x6  }
0x21: {  	[tilespmem:$0x1C40] =	vst v16;
	v16 =	vand.u32 $0x40, v17;
	v17 =	vld [tilespmem:$0x70]  }
0x22: {  	v18 =	vshll.u32 v61, $0x6;
	[tilespmem:$0x1D40] =	vst v16;
	v16 =	vshrl.u32 v61, $0x1  }
0x23: {  	[tilespmem:$0x1C50] =	vst v16;
	v16 =	vand.u32 $0x40, v18  }
0x24: {  	v63 =	vshll.u32 v62, $0x6;
	[tilespmem:$0x1D50] =	vst v16;
	v16 =	vshrl.u32 v62, $0x1  }
0x25: {  	[tilespmem:$0x1C60] =	vst v16;
	v16 =	vand.u32 $0x40, v63  }
0x26: {  	[tilespmem:$0x1D60] =	vst v16;
	v16 =	vshrl.u32 v17, $0x1;
	v17 =	vshll.u32 v17, $0x6  }
0x27: {  	[tilespmem:$0x1C70] =	vst v16;
	v16 =	vand.u32 $0x40, v17  }
0x28: {  	s25 =	simm.s32 $0x0;
	[tilespmem:$0x1D70] =	vst v16  }
0x29: {  	[tilespmem:s15], [sflag:$0x1] =	stream.indirect.gather [hbm4b:s5+s13], $0x80, s14, s13, $0xb8;
	[tilespmem:$0xDE00] =	vst v63  }
.LBB2_2:
0x2a: {  	s26 =	sshllo.u32 s25, $0x1  }
0x2b: {  	s28 =	sshll.u32 s26, $0x7  }
0x2c: {  	s28 =	sand.u32 $0x3FFFFF80, s28  }
0x2d: {  	v16 =	vld [tilespmem:s28+$0x0];
	_ =	sdelay $0x4  }
0x2e: {  	v17 =	vshrl.u32 v16, $0x1;
	v16 =	vshll.u32 v16, $0x6  }
0x2f: {  	[tilespmem:$0x1C80] =	vst v17;
	v16 =	vand.u32 $0x40, v16  }
0x30: {  	[tilespmem:$0x1D80] =	vst v16  }
0x31: {  	v16 =	vld [tilespmem:s28+$0x10];
	_ =	sdelay $0x4  }
0x32: {  	v17 =	vshrl.u32 v16, $0x1;
	v16 =	vshll.u32 v16, $0x6  }
0x33: {  	[tilespmem:$0x1C90] =	vst v17;
	v16 =	vand.u32 $0x40, v16  }
0x34: {  	[tilespmem:$0x1D90] =	vst v16  }
0x35: {  	v16 =	vld [tilespmem:s28+$0x20];
	_ =	sdelay $0x4  }
0x36: {  	v17 =	vshrl.u32 v16, $0x1;
	v16 =	vshll.u32 v16, $0x6  }
0x37: {  	[tilespmem:$0x1CA0] =	vst v17;
	v16 =	vand.u32 $0x40, v16  }
0x38: {  	[tilespmem:$0x1DA0] =	vst v16  }
0x39: {  	v16 =	vld [tilespmem:s28+$0x30];
	_ =	sdelay $0x4  }
0x3a: {  	v17 =	vshrl.u32 v16, $0x1;
	v16 =	vshll.u32 v16, $0x6  }
0x3b: {  	[tilespmem:$0x1CB0] =	vst v17;
	v16 =	vand.u32 $0x40, v16  }
0x3c: {  	[tilespmem:$0x1DB0] =	vst v16  }
0x3d: {  	v16 =	vld [tilespmem:s28+$0x40];
	_ =	sdelay $0x4  }
0x3e: {  	v17 =	vshrl.u32 v16, $0x1;
	v16 =	vshll.u32 v16, $0x6  }
0x3f: {  	[tilespmem:$0x1CC0] =	vst v17;
	v16 =	vand.u32 $0x40, v16  }
0x40: {  	[tilespmem:$0x1DC0] =	vst v16  }
0x41: {  	v16 =	vld [tilespmem:s28+$0x50];
	_ =	sdelay $0x4  }
0x42: {  	v17 =	vshrl.u32 v16, $0x1;
	v16 =	vshll.u32 v16, $0x6  }
0x43: {  	[tilespmem:$0x1CD0] =	vst v17;
	v16 =	vand.u32 $0x40, v16  }
0x44: {  	[tilespmem:$0x1DD0] =	vst v16  }
0x45: {  	v16 =	vld [tilespmem:s28+$0x60];
	_ =	sdelay $0x4  }
0x46: {  	v17 =	vshrl.u32 v16, $0x1;
	v16 =	vshll.u32 v16, $0x6  }
0x47: {  	[tilespmem:$0x1CE0] =	vst v17;
	v16 =	vand.u32 $0x40, v16  }
0x48: {  	[tilespmem:$0x1DE0] =	vst v16  }
0x49: {  	v16 =	vld [tilespmem:s28+$0x70];
	_ =	sdelay $0x4  }
0x4a: {  	v17 =	vshrl.u32 v16, $0x1;
	v16 =	vshll.u32 v16, $0x6  }
0x4b: {  	[tilespmem:$0x1CF0] =	vst v17;
	v16 =	vand.u32 $0x40, v16  }
0x4c: {  	[tilespmem:$0x1DF0] =	vst v16  }
0x4d: {  	[tilespmem:s17], [sflag:$0x2] =	stream.indirect.gather [hbm4b:s5+s13], $0x80, s16, s13, $0xb8;
	[tilespmem:$0xDE00] =	vst v63  }
0x4e: {  	_ =	swait.ge [sflag:s18], $0x4000  }
0x4f: {  	p0 =	seq.s32 s25, $0x0;
	[sflag:s18] =	ssyncset.done $0x0  }
0x50: {  	s28 =	simm.s32 @!p0 $0x3;
	[sflag:s18] =	ssyncadd.s32 $0xFFFFC000  }
0x51: {  	_ =	swait.ge @!p0 [sflag:s28], $0x2000  }
0x52: {  	[sflag:s28] =	ssyncset.done @!p0 $0x0  }
0x53: {  	[sflag:s28] =	ssyncadd.s32 @!p0 $0xFFFFE000  }
0x54: {  	v23 =	vld [tilespmem:$0x1D00];
	_ =	sdelay $0x1  }
0x55: {  	s28 =	simm.s32 $0x0  }
0x56: {  	v16 =	vadd.s32 s28, v0  }
0x57: {  	v24 =	vand.u32 $0x3F, v16  }
0x58: {  	v16 =	vadd.s32 v23, v24  }
0x59: {  	v22 =	vld [tilespmem:$0x1D10];
	v16 =	vadd.s32 v1, v16;
	_ =	sdelay $0x3  }
0x5a: {  	v21 =	vld [tilespmem:$0x1D20];
	v25 =	vshll.u32 v24, $0x7  }
0x5b: {  	v27 =	vor.u32 v0, v25;
	v26 =	vld.idx.msk [tilespmem:v16+s15+$0x0], $0xffff;
	v16 =	vadd.s32 v22, v24  }
0x5c: {  	v19 =	vld [tilespmem:$0x1D30];
	v28 =	vadd.s32 v2, v16  }
0x5d: {  	v20 =	vld [tilespmem:$0x1D40]  }
0x5e: {  	v18 =	vld [tilespmem:$0x1D50]  }
0x5f: {  	v17 =	vld [tilespmem:$0x1D60]  }
0x60: {  	v16 =	vld [tilespmem:$0x1D70];
	[tilespmem:v27+s19+$0x0] =	vst.idx.msk $0xffff, v26  }
0x61: {  	v48 =	vadd.s32 v21, v24;
	v27 =	vor.u32 v3, v25;
	v26 =	vld.idx.msk [tilespmem:v28+s15+$0x0], $0xffff  }
0x62: {  	v28 =	vadd.s32 v4, v48;
	_ =	sdelay $0x3  }
0x63: {  	[tilespmem:v27+s19+$0x0] =	vst.idx.msk $0xffff, v26  }
0x64: {  	v49 =	vadd.s32 v19, v24;
	v27 =	vor.u32 v5, v25;
	v26 =	vld.idx.msk [tilespmem:v28+s15+$0x0], $0xffff  }
0x65: {  	v28 =	vadd.s32 v6, v49;
	_ =	sdelay $0x3  }
0x66: {  	[tilespmem:v27+s19+$0x0] =	vst.idx.msk $0xffff, v26  }
0x67: {  	v50 =	vadd.s32 v20, v24;
	v27 =	vor.u32 v7, v25;
	v26 =	vld.idx.msk [tilespmem:v28+s15+$0x0], $0xffff  }
0x68: {  	v28 =	vadd.s32 v8, v50;
	_ =	sdelay $0x3  }
0x69: {  	[tilespmem:v27+s19+$0x0] =	vst.idx.msk $0xffff, v26  }
0x6a: {  	v51 =	vadd.s32 v18, v24;
	v27 =	vor.u32 v9, v25;
	v26 =	vld.idx.msk [tilespmem:v28+s15+$0x0], $0xffff  }
0x6b: {  	v28 =	vadd.s32 v10, v51;
	_ =	sdelay $0x3  }
0x6c: {  	[tilespmem:v27+s19+$0x0] =	vst.idx.msk $0xffff, v26  }
0x6d: {  	v52 =	vadd.s32 v17, v24;
	v27 =	vor.u32 v11, v25;
	v26 =	vld.idx.msk [tilespmem:v28+s15+$0x0], $0xffff  }
0x6e: {  	v28 =	vadd.s32 v12, v52;
	_ =	sdelay $0x3  }
0x6f: {  	[tilespmem:v27+s19+$0x0] =	vst.idx.msk $0xffff, v26  }
0x70: {  	v24 =	vadd.s32 v16, v24;
	v27 =	vor.u32 v13, v25;
	v26 =	vld.idx.msk [tilespmem:v28+s15+$0x0], $0xffff  }
0x71: {  	v24 =	vadd.s32 v14, v24;
	_ =	sdelay $0x1  }
0x72: {  	s28 =	simm.s32 $0x1  }
0x73: {  	v53 =	vadd.s32 s28, v0  }
0x74: {  	[tilespmem:v27+s19+$0x0] =	vst.idx.msk $0xffff, v26;
	v26 =	vand.u32 $0x3F, v53  }
0x75: {  	v25 =	vor.u32 v15, v25;
	v24 =	vld.idx.msk [tilespmem:v24+s15+$0x0], $0xffff;
	v27 =	vadd.s32 v23, v26  }
0x76: {  	v27 =	vadd.s32 v1, v27;
	_ =	sdelay $0x3  }
0x77: {  	[tilespmem:v25+s19+$0x0] =	vst.idx.msk $0xffff, v24;
	v24 =	vshll.u32 v26, $0x7  }
0x78: {  	v28 =	vadd.s32 v22, v26;
	v25 =	vld.idx.msk [tilespmem:v27+s15+$0x0], $0xffff;
	v27 =	vor.u32 v0, v24  }
0x79: {  	v28 =	vadd.s32 v2, v28;
	_ =	sdelay $0x3  }
0x7a: {  	[tilespmem:v27+s19+$0x0] =	vst.idx.msk $0xffff, v25  }
0x7b: {  	v54 =	vadd.s32 v21, v26;
	v27 =	vor.u32 v3, v24;
	v25 =	vld.idx.msk [tilespmem:v28+s15+$0x0], $0xffff  }
0x7c: {  	v28 =	vadd.s32 v4, v54;
	_ =	sdelay $0x3  }
0x7d: {  	[tilespmem:v27+s19+$0x0] =	vst.idx.msk $0xffff, v25  }
0x7e: {  	v55 =	vadd.s32 v19, v26;
	v27 =	vor.u32 v5, v24;
	v25 =	vld.idx.msk [tilespmem:v28+s15+$0x0], $0xffff  }
0x7f: {  	v28 =	vadd.s32 v6, v55;
	_ =	sdelay $0x3  }
0x80: {  	[tilespmem:v27+s19+$0x0] =	vst.idx.msk $0xffff, v25  }
0x81: {  	v56 =	vadd.s32 v20, v26;
	v27 =	vor.u32 v7, v24;
	v25 =	vld.idx.msk [tilespmem:v28+s15+$0x0], $0xffff  }
0x82: {  	v28 =	vadd.s32 v8, v56;
	_ =	sdelay $0x3  }
0x83: {  	[tilespmem:v27+s19+$0x0] =	vst.idx.msk $0xffff, v25  }
0x84: {  	v57 =	vadd.s32 v18, v26;
	v27 =	vor.u32 v9, v24;
	v25 =	vld.idx.msk [tilespmem:v28+s15+$0x0], $0xffff  }
0x85: {  	v28 =	vadd.s32 v10, v57;
	_ =	sdelay $0x3  }
0x86: {  	[tilespmem:v27+s19+$0x0] =	vst.idx.msk $0xffff, v25  }
0x87: {  	v58 =	vadd.s32 v17, v26;
	v27 =	vor.u32 v11, v24;
	v25 =	vld.idx.msk [tilespmem:v28+s15+$0x0], $0xffff  }
0x88: {  	v28 =	vadd.s32 v12, v58;
	_ =	sdelay $0x3  }
0x89: {  	[tilespmem:v27+s19+$0x0] =	vst.idx.msk $0xffff, v25  }
0x8a: {  	v26 =	vadd.s32 v16, v26;
	v27 =	vor.u32 v13, v24;
	v25 =	vld.idx.msk [tilespmem:v28+s15+$0x0], $0xffff  }
0x8b: {  	v26 =	vadd.s32 v14, v26;
	_ =	sdelay $0x1  }
0x8c: {  	s28 =	simm.s32 $0x2  }
0x8d: {  	v59 =	vadd.s32 s28, v0  }
0x8e: {  	[tilespmem:v27+s19+$0x0] =	vst.idx.msk $0xffff, v25;
	v25 =	vand.u32 $0x3F, v59  }
0x8f: {  	v24 =	vor.u32 v15, v24;
	v26 =	vld.idx.msk [tilespmem:v26+s15+$0x0], $0xffff;
	v27 =	vadd.s32 v23, v25  }
0x90: {  	v27 =	vadd.s32 v1, v27;
	_ =	sdelay $0x3  }
0x91: {  	[tilespmem:v24+s19+$0x0] =	vst.idx.msk $0xffff, v26;
	v24 =	vshll.u32 v25, $0x7  }
0x92: {  	v28 =	vadd.s32 v22, v25;
	v26 =	vld.idx.msk [tilespmem:v27+s15+$0x0], $0xffff;
	v27 =	vor.u32 v0, v24  }
0x93: {  	v28 =	vadd.s32 v2, v28;
	_ =	sdelay $0x3  }
0x94: {  	[tilespmem:v27+s19+$0x0] =	vst.idx.msk $0xffff, v26  }
0x95: {  	v60 =	vadd.s32 v21, v25;
	v27 =	vor.u32 v3, v24;
	v26 =	vld.idx.msk [tilespmem:v28+s15+$0x0], $0xffff  }
0x96: {  	v28 =	vadd.s32 v4, v60;
	_ =	sdelay $0x3  }
0x97: {  	[tilespmem:v27+s19+$0x0] =	vst.idx.msk $0xffff, v26  }
0x98: {  	v61 =	vadd.s32 v19, v25;
	v27 =	vor.u32 v5, v24;
	v26 =	vld.idx.msk [tilespmem:v28+s15+$0x0], $0xffff  }
0x99: {  	v28 =	vadd.s32 v6, v61;
	_ =	sdelay $0x3  }
0x9a: {  	[tilespmem:v27+s19+$0x0] =	vst.idx.msk $0xffff, v26  }
0x9b: {  	v62 =	vadd.s32 v20, v25;
	v27 =	vor.u32 v7, v24;
	v26 =	vld.idx.msk [tilespmem:v28+s15+$0x0], $0xffff  }
0x9c: {  	v28 =	vadd.s32 v8, v62;
	_ =	sdelay $0x3  }
0x9d: {  	[tilespmem:v27+s19+$0x0] =	vst.idx.msk $0xffff, v26  }
0x9e: {  	v63 =	vadd.s32 v18, v25;
	v27 =	vor.u32 v9, v24;
	v26 =	vld.idx.msk [tilespmem:v28+s15+$0x0], $0xffff  }
0x9f: {  	v28 =	vadd.s32 v10, v63;
	_ =	sdelay $0x3  }
0xa0: {  	[tilespmem:v27+s19+$0x0] =	vst.idx.msk $0xffff, v26  }
0xa1: {  	v32 =	vadd.s32 v17, v25;
	v27 =	vor.u32 v11, v24;
	v26 =	vld.idx.msk [tilespmem:v28+s15+$0x0], $0xffff  }
0xa2: {  	v28 =	vadd.s32 v12, v32;
	_ =	sdelay $0x3  }
0xa3: {  	[tilespmem:v27+s19+$0x0] =	vst.idx.msk $0xffff, v26  }
0xa4: {  	v25 =	vadd.s32 v16, v25;
	v27 =	vor.u32 v13, v24;
	v26 =	vld.idx.msk [tilespmem:v28+s15+$0x0], $0xffff  }
0xa5: {  	v25 =	vadd.s32 v14, v25;
	_ =	sdelay $0x1  }
0xa6: {  	s28 =	simm.s32 $0x3  }
0xa7: {  	v33 =	vadd.s32 s28, v0  }
0xa8: {  	[tilespmem:v27+s19+$0x0] =	vst.idx.msk $0xffff, v26;
	v26 =	vand.u32 $0x3F, v33  }
0xa9: {  	v24 =	vor.u32 v15, v24;
	v25 =	vld.idx.msk [tilespmem:v25+s15+$0x0], $0xffff;
	v27 =	vadd.s32 v23, v26  }
0xaa: {  	v27 =	vadd.s32 v1, v27;
	_ =	sdelay $0x3  }
0xab: {  	[tilespmem:v24+s19+$0x0] =	vst.idx.msk $0xffff, v25;
	v24 =	vshll.u32 v26, $0x7  }
0xac: {  	v28 =	vadd.s32 v22, v26;
	v25 =	vld.idx.msk [tilespmem:v27+s15+$0x0], $0xffff;
	v27 =	vor.u32 v0, v24  }
0xad: {  	v28 =	vadd.s32 v2, v28;
	_ =	sdelay $0x3  }
0xae: {  	[tilespmem:v27+s19+$0x0] =	vst.idx.msk $0xffff, v25  }
0xaf: {  	v34 =	vadd.s32 v21, v26;
	v27 =	vor.u32 v3, v24;
	v25 =	vld.idx.msk [tilespmem:v28+s15+$0x0], $0xffff  }
0xb0: {  	v28 =	vadd.s32 v4, v34;
	_ =	sdelay $0x3  }
0xb1: {  	[tilespmem:v27+s19+$0x0] =	vst.idx.msk $0xffff, v25  }
0xb2: {  	v35 =	vadd.s32 v19, v26;
	v27 =	vor.u32 v5, v24;
	v25 =	vld.idx.msk [tilespmem:v28+s15+$0x0], $0xffff  }
0xb3: {  	v28 =	vadd.s32 v6, v35;
	_ =	sdelay $0x3  }
0xb4: {  	[tilespmem:v27+s19+$0x0] =	vst.idx.msk $0xffff, v25  }
0xb5: {  	v36 =	vadd.s32 v20, v26;
	v27 =	vor.u32 v7, v24;
	v25 =	vld.idx.msk [tilespmem:v28+s15+$0x0], $0xffff  }
0xb6: {  	v28 =	vadd.s32 v8, v36;
	_ =	sdelay $0x3  }
0xb7: {  	[tilespmem:v27+s19+$0x0] =	vst.idx.msk $0xffff, v25  }
0xb8: {  	v37 =	vadd.s32 v18, v26;
	v27 =	vor.u32 v9, v24;
	v25 =	vld.idx.msk [tilespmem:v28+s15+$0x0], $0xffff  }
0xb9: {  	v28 =	vadd.s32 v10, v37;
	_ =	sdelay $0x3  }
0xba: {  	[tilespmem:v27+s19+$0x0] =	vst.idx.msk $0xffff, v25  }
0xbb: {  	v38 =	vadd.s32 v17, v26;
	v27 =	vor.u32 v11, v24;
	v25 =	vld.idx.msk [tilespmem:v28+s15+$0x0], $0xffff  }
0xbc: {  	v28 =	vadd.s32 v12, v38;
	_ =	sdelay $0x3  }
0xbd: {  	[tilespmem:v27+s19+$0x0] =	vst.idx.msk $0xffff, v25  }
0xbe: {  	v26 =	vadd.s32 v16, v26;
	v27 =	vor.u32 v13, v24;
	v25 =	vld.idx.msk [tilespmem:v28+s15+$0x0], $0xffff  }
0xbf: {  	v26 =	vadd.s32 v14, v26;
	_ =	sdelay $0x1  }
0xc0: {  	s28 =	simm.s32 $0x4  }
0xc1: {  	v39 =	vadd.s32 s28, v0  }
0xc2: {  	[tilespmem:v27+s19+$0x0] =	vst.idx.msk $0xffff, v25;
	v25 =	vand.u32 $0x3F, v39  }
0xc3: {  	v24 =	vor.u32 v15, v24;
	v26 =	vld.idx.msk [tilespmem:v26+s15+$0x0], $0xffff;
	v27 =	vadd.s32 v23, v25  }
0xc4: {  	v27 =	vadd.s32 v1, v27;
	_ =	sdelay $0x3  }
0xc5: {  	[tilespmem:v24+s19+$0x0] =	vst.idx.msk $0xffff, v26;
	v24 =	vshll.u32 v25, $0x7  }
0xc6: {  	v28 =	vadd.s32 v22, v25;
	v26 =	vld.idx.msk [tilespmem:v27+s15+$0x0], $0xffff;
	v27 =	vor.u32 v0, v24  }
0xc7: {  	v28 =	vadd.s32 v2, v28;
	_ =	sdelay $0x3  }
0xc8: {  	[tilespmem:v27+s19+$0x0] =	vst.idx.msk $0xffff, v26  }
0xc9: {  	v40 =	vadd.s32 v21, v25;
	v27 =	vor.u32 v3, v24;
	v26 =	vld.idx.msk [tilespmem:v28+s15+$0x0], $0xffff  }
0xca: {  	v28 =	vadd.s32 v4, v40;
	_ =	sdelay $0x3  }
0xcb: {  	[tilespmem:v27+s19+$0x0] =	vst.idx.msk $0xffff, v26  }
0xcc: {  	v41 =	vadd.s32 v19, v25;
	v27 =	vor.u32 v5, v24;
	v26 =	vld.idx.msk [tilespmem:v28+s15+$0x0], $0xffff  }
0xcd: {  	v28 =	vadd.s32 v6, v41;
	_ =	sdelay $0x3  }
0xce: {  	[tilespmem:v27+s19+$0x0] =	vst.idx.msk $0xffff, v26  }
0xcf: {  	v42 =	vadd.s32 v20, v25;
	v27 =	vor.u32 v7, v24;
	v26 =	vld.idx.msk [tilespmem:v28+s15+$0x0], $0xffff  }
0xd0: {  	v28 =	vadd.s32 v8, v42;
	_ =	sdelay $0x3  }
0xd1: {  	[tilespmem:v27+s19+$0x0] =	vst.idx.msk $0xffff, v26  }
0xd2: {  	v43 =	vadd.s32 v18, v25;
	v27 =	vor.u32 v9, v24;
	v26 =	vld.idx.msk [tilespmem:v28+s15+$0x0], $0xffff  }
0xd3: {  	v28 =	vadd.s32 v10, v43;
	_ =	sdelay $0x3  }
0xd4: {  	[tilespmem:v27+s19+$0x0] =	vst.idx.msk $0xffff, v26  }
0xd5: {  	v44 =	vadd.s32 v17, v25;
	v27 =	vor.u32 v11, v24;
	v26 =	vld.idx.msk [tilespmem:v28+s15+$0x0], $0xffff  }
0xd6: {  	v28 =	vadd.s32 v12, v44;
	_ =	sdelay $0x3  }
0xd7: {  	[tilespmem:v27+s19+$0x0] =	vst.idx.msk $0xffff, v26  }
0xd8: {  	v25 =	vadd.s32 v16, v25;
	v27 =	vor.u32 v13, v24;
	v26 =	vld.idx.msk [tilespmem:v28+s15+$0x0], $0xffff  }
0xd9: {  	v25 =	vadd.s32 v14, v25;
	_ =	sdelay $0x1  }
0xda: {  	s28 =	simm.s32 $0x5  }
0xdb: {  	v45 =	vadd.s32 s28, v0  }
0xdc: {  	[tilespmem:v27+s19+$0x0] =	vst.idx.msk $0xffff, v26;
	v26 =	vand.u32 $0x3F, v45  }
0xdd: {  	v24 =	vor.u32 v15, v24;
	v25 =	vld.idx.msk [tilespmem:v25+s15+$0x0], $0xffff;
	v27 =	vadd.s32 v23, v26  }
0xde: {  	v27 =	vadd.s32 v1, v27;
	_ =	sdelay $0x3  }
0xdf: {  	[tilespmem:v24+s19+$0x0] =	vst.idx.msk $0xffff, v25;
	v24 =	vshll.u32 v26, $0x7  }
0xe0: {  	v28 =	vadd.s32 v22, v26;
	v25 =	vld.idx.msk [tilespmem:v27+s15+$0x0], $0xffff;
	v27 =	vor.u32 v0, v24  }
0xe1: {  	v28 =	vadd.s32 v2, v28;
	_ =	sdelay $0x3  }
0xe2: {  	[tilespmem:v27+s19+$0x0] =	vst.idx.msk $0xffff, v25  }
0xe3: {  	v46 =	vadd.s32 v21, v26;
	v27 =	vor.u32 v3, v24;
	v25 =	vld.idx.msk [tilespmem:v28+s15+$0x0], $0xffff  }
0xe4: {  	v28 =	vadd.s32 v4, v46;
	_ =	sdelay $0x3  }
0xe5: {  	[tilespmem:v27+s19+$0x0] =	vst.idx.msk $0xffff, v25  }
0xe6: {  	v47 =	vadd.s32 v19, v26;
	v27 =	vor.u32 v5, v24;
	v25 =	vld.idx.msk [tilespmem:v28+s15+$0x0], $0xffff  }
0xe7: {  	v28 =	vadd.s32 v6, v47;
	_ =	sdelay $0x3  }
0xe8: {  	[tilespmem:v27+s19+$0x0] =	vst.idx.msk $0xffff, v25  }
0xe9: {  	v48 =	vadd.s32 v20, v26;
	v27 =	vor.u32 v7, v24;
	v25 =	vld.idx.msk [tilespmem:v28+s15+$0x0], $0xffff  }
0xea: {  	v28 =	vadd.s32 v8, v48;
	_ =	sdelay $0x3  }
0xeb: {  	[tilespmem:v27+s19+$0x0] =	vst.idx.msk $0xffff, v25  }
0xec: {  	v49 =	vadd.s32 v18, v26;
	v27 =	vor.u32 v9, v24;
	v25 =	vld.idx.msk [tilespmem:v28+s15+$0x0], $0xffff  }
0xed: {  	v28 =	vadd.s32 v10, v49;
	_ =	sdelay $0x3  }
0xee: {  	[tilespmem:v27+s19+$0x0] =	vst.idx.msk $0xffff, v25  }
0xef: {  	v50 =	vadd.s32 v17, v26;
	v27 =	vor.u32 v11, v24;
	v25 =	vld.idx.msk [tilespmem:v28+s15+$0x0], $0xffff  }
0xf0: {  	v28 =	vadd.s32 v12, v50;
	_ =	sdelay $0x3  }
0xf1: {  	[tilespmem:v27+s19+$0x0] =	vst.idx.msk $0xffff, v25  }
0xf2: {  	v26 =	vadd.s32 v16, v26;
	v27 =	vor.u32 v13, v24;
	v25 =	vld.idx.msk [tilespmem:v28+s15+$0x0], $0xffff  }
0xf3: {  	v26 =	vadd.s32 v14, v26;
	_ =	sdelay $0x1  }
0xf4: {  	s28 =	simm.s32 $0x6  }
0xf5: {  	v51 =	vadd.s32 s28, v0  }
0xf6: {  	[tilespmem:v27+s19+$0x0] =	vst.idx.msk $0xffff, v25;
	v25 =	vand.u32 $0x3F, v51  }
0xf7: {  	v24 =	vor.u32 v15, v24;
	v26 =	vld.idx.msk [tilespmem:v26+s15+$0x0], $0xffff;
	v27 =	vadd.s32 v23, v25  }
0xf8: {  	v27 =	vadd.s32 v1, v27;
	_ =	sdelay $0x3  }
0xf9: {  	[tilespmem:v24+s19+$0x0] =	vst.idx.msk $0xffff, v26;
	v24 =	vshll.u32 v25, $0x7  }
0xfa: {  	v28 =	vadd.s32 v22, v25;
	v26 =	vld.idx.msk [tilespmem:v27+s15+$0x0], $0xffff;
	v27 =	vor.u32 v0, v24  }
0xfb: {  	v28 =	vadd.s32 v2, v28;
	_ =	sdelay $0x3  }
0xfc: {  	[tilespmem:v27+s19+$0x0] =	vst.idx.msk $0xffff, v26  }
0xfd: {  	v52 =	vadd.s32 v21, v25;
	v27 =	vor.u32 v3, v24;
	v26 =	vld.idx.msk [tilespmem:v28+s15+$0x0], $0xffff  }
0xfe: {  	v28 =	vadd.s32 v4, v52;
	_ =	sdelay $0x3  }
0xff: {  	[tilespmem:v27+s19+$0x0] =	vst.idx.msk $0xffff, v26  }
0x100: {  	v53 =	vadd.s32 v19, v25;
	v27 =	vor.u32 v5, v24;
	v26 =	vld.idx.msk [tilespmem:v28+s15+$0x0], $0xffff  }
0x101: {  	v28 =	vadd.s32 v6, v53;
	_ =	sdelay $0x3  }
0x102: {  	[tilespmem:v27+s19+$0x0] =	vst.idx.msk $0xffff, v26  }
0x103: {  	v54 =	vadd.s32 v20, v25;
	v27 =	vor.u32 v7, v24;
	v26 =	vld.idx.msk [tilespmem:v28+s15+$0x0], $0xffff  }
0x104: {  	v28 =	vadd.s32 v8, v54;
	_ =	sdelay $0x3  }
0x105: {  	[tilespmem:v27+s19+$0x0] =	vst.idx.msk $0xffff, v26  }
0x106: {  	v55 =	vadd.s32 v18, v25;
	v27 =	vor.u32 v9, v24;
	v26 =	vld.idx.msk [tilespmem:v28+s15+$0x0], $0xffff  }
0x107: {  	v28 =	vadd.s32 v10, v55;
	_ =	sdelay $0x3  }
0x108: {  	[tilespmem:v27+s19+$0x0] =	vst.idx.msk $0xffff, v26  }
0x109: {  	v56 =	vadd.s32 v17, v25;
	v27 =	vor.u32 v11, v24;
	v26 =	vld.idx.msk [tilespmem:v28+s15+$0x0], $0xffff  }
0x10a: {  	v28 =	vadd.s32 v12, v56;
	_ =	sdelay $0x3  }
0x10b: {  	[tilespmem:v27+s19+$0x0] =	vst.idx.msk $0xffff, v26  }
0x10c: {  	v25 =	vadd.s32 v16, v25;
	v27 =	vor.u32 v13, v24;
	v26 =	vld.idx.msk [tilespmem:v28+s15+$0x0], $0xffff  }
0x10d: {  	v25 =	vadd.s32 v14, v25;
	_ =	sdelay $0x1  }
0x10e: {  	s28 =	simm.s32 $0x7  }
0x10f: {  	v57 =	vadd.s32 s28, v0  }
0x110: {  	[tilespmem:v27+s19+$0x0] =	vst.idx.msk $0xffff, v26;
	v26 =	vand.u32 $0x3F, v57  }
0x111: {  	v24 =	vor.u32 v15, v24;
	v25 =	vld.idx.msk [tilespmem:v25+s15+$0x0], $0xffff;
	v27 =	vadd.s32 v23, v26  }
0x112: {  	v27 =	vadd.s32 v1, v27;
	_ =	sdelay $0x3  }
0x113: {  	[tilespmem:v24+s19+$0x0] =	vst.idx.msk $0xffff, v25;
	v24 =	vshll.u32 v26, $0x7  }
0x114: {  	v28 =	vadd.s32 v22, v26;
	v25 =	vld.idx.msk [tilespmem:v27+s15+$0x0], $0xffff;
	v27 =	vor.u32 v0, v24  }
0x115: {  	v28 =	vadd.s32 v2, v28;
	_ =	sdelay $0x3  }
0x116: {  	[tilespmem:v27+s19+$0x0] =	vst.idx.msk $0xffff, v25  }
0x117: {  	v58 =	vadd.s32 v21, v26;
	v27 =	vor.u32 v3, v24;
	v25 =	vld.idx.msk [tilespmem:v28+s15+$0x0], $0xffff  }
0x118: {  	v28 =	vadd.s32 v4, v58;
	_ =	sdelay $0x3  }
0x119: {  	[tilespmem:v27+s19+$0x0] =	vst.idx.msk $0xffff, v25  }
0x11a: {  	v59 =	vadd.s32 v19, v26;
	v27 =	vor.u32 v5, v24;
	v25 =	vld.idx.msk [tilespmem:v28+s15+$0x0], $0xffff  }
0x11b: {  	v28 =	vadd.s32 v6, v59;
	_ =	sdelay $0x3  }
0x11c: {  	[tilespmem:v27+s19+$0x0] =	vst.idx.msk $0xffff, v25  }
0x11d: {  	v60 =	vadd.s32 v20, v26;
	v27 =	vor.u32 v7, v24;
	v25 =	vld.idx.msk [tilespmem:v28+s15+$0x0], $0xffff  }
0x11e: {  	v28 =	vadd.s32 v8, v60;
	_ =	sdelay $0x3  }
0x11f: {  	[tilespmem:v27+s19+$0x0] =	vst.idx.msk $0xffff, v25  }
0x120: {  	v61 =	vadd.s32 v18, v26;
	v27 =	vor.u32 v9, v24;
	v25 =	vld.idx.msk [tilespmem:v28+s15+$0x0], $0xffff  }
0x121: {  	v28 =	vadd.s32 v10, v61;
	_ =	sdelay $0x3  }
0x122: {  	[tilespmem:v27+s19+$0x0] =	vst.idx.msk $0xffff, v25  }
0x123: {  	v62 =	vadd.s32 v17, v26;
	v27 =	vor.u32 v11, v24;
	v25 =	vld.idx.msk [tilespmem:v28+s15+$0x0], $0xffff  }
0x124: {  	v28 =	vadd.s32 v12, v62;
	_ =	sdelay $0x3  }
0x125: {  	[tilespmem:v27+s19+$0x0] =	vst.idx.msk $0xffff, v25  }
0x126: {  	v63 =	vor.u32 v13, v24;
	v25 =	vadd.s32 v16, v26;
	v27 =	vld.idx.msk [tilespmem:v28+s15+$0x0], $0xffff  }
0x127: {  	v25 =	vadd.s32 v14, v25;
	_ =	sdelay $0x2  }
0x128: {  	s28 =	simm.s32 $0x8  }
0x129: {  	s29 =	simm.s32 $0x10;
	v26 =	vadd.s32 s28, v0;
	[tilespmem:v63+s19+$0x0] =	vst.idx.msk $0xffff, v27  }
.LBB2_3:
0x12a: {  	p1 =	slt.u32 s29, $0x38;
	v26 =	vand.u32 $0x3F, v26;
	v25 =	vld.idx.msk [tilespmem:v25+s15+$0x0], $0xffff  }
0x12b: {  	v24 =	vor.u32 v15, v24;
	v27 =	vadd.s32 v23, v26  }
0x12c: {  	v27 =	vadd.s32 v1, v27;
	_ =	sdelay $0x3  }
0x12d: {  	[tilespmem:v24+s19+$0x0] =	vst.idx.msk $0xffff, v25  }
0x12e: {  	v25 =	vshll.u32 v26, $0x7;
	v24 =	vld.idx.msk [tilespmem:v27+s15+$0x0], $0xffff  }
0x12f: {  	v28 =	vadd.s32 v22, v26;
	v27 =	vor.u32 v0, v25  }
0x130: {  	v28 =	vadd.s32 v2, v28;
	_ =	sdelay $0x3  }
0x131: {  	[tilespmem:v27+s19+$0x0] =	vst.idx.msk $0xffff, v24  }
0x132: {  	v24 =	vld.idx.msk [tilespmem:v28+s15+$0x0], $0xffff  }
0x133: {  	v27 =	vor.u32 v3, v25;
	v28 =	vadd.s32 v21, v26  }
0x134: {  	v28 =	vadd.s32 v4, v28;
	_ =	sdelay $0x3  }
0x135: {  	[tilespmem:v27+s19+$0x0] =	vst.idx.msk $0xffff, v24  }
0x136: {  	v24 =	vld.idx.msk [tilespmem:v28+s15+$0x0], $0xffff  }
0x137: {  	v27 =	vor.u32 v5, v25;
	v28 =	vadd.s32 v19, v26  }
0x138: {  	v28 =	vadd.s32 v6, v28;
	_ =	sdelay $0x3  }
0x139: {  	[tilespmem:v27+s19+$0x0] =	vst.idx.msk $0xffff, v24  }
0x13a: {  	v24 =	vld.idx.msk [tilespmem:v28+s15+$0x0], $0xffff  }
0x13b: {  	v27 =	vor.u32 v7, v25;
	v28 =	vadd.s32 v20, v26  }
0x13c: {  	v28 =	vadd.s32 v8, v28;
	_ =	sdelay $0x3  }
0x13d: {  	[tilespmem:v27+s19+$0x0] =	vst.idx.msk $0xffff, v24  }
0x13e: {  	v24 =	vld.idx.msk [tilespmem:v28+s15+$0x0], $0xffff  }
0x13f: {  	v27 =	vor.u32 v9, v25;
	v28 =	vadd.s32 v18, v26  }
0x140: {  	v28 =	vadd.s32 v10, v28;
	_ =	sdelay $0x3  }
0x141: {  	[tilespmem:v27+s19+$0x0] =	vst.idx.msk $0xffff, v24  }
0x142: {  	v24 =	vld.idx.msk [tilespmem:v28+s15+$0x0], $0xffff  }
0x143: {  	v27 =	vor.u32 v11, v25;
	v28 =	vadd.s32 v17, v26  }
0x144: {  	v28 =	vadd.s32 v12, v28;
	_ =	sdelay $0x3  }
0x145: {  	[tilespmem:v27+s19+$0x0] =	vst.idx.msk $0xffff, v24  }
0x146: {  	v24 =	vld.idx.msk [tilespmem:v28+s15+$0x0], $0xffff  }
0x147: {  	v26 =	vadd.s32 v16, v26;
	v27 =	vor.u32 v13, v25  }
0x148: {  	v26 =	vadd.s32 v14, v26;
	_ =	sdelay $0x2  }
0x149: {  	s30 =	sadd.s32 $0x1, s28  }
0x14a: {  	[tilespmem:v27+s19+$0x0] =	vst.idx.msk $0xffff, v24;
	v24 =	vadd.s32 s30, v0  }
0x14b: {  	v26 =	vld.idx.msk [tilespmem:v26+s15+$0x0], $0xffff;
	v24 =	vand.u32 $0x3F, v24  }
0x14c: {  	v25 =	vor.u32 v15, v25;
	v27 =	vadd.s32 v23, v24  }
0x14d: {  	v27 =	vadd.s32 v1, v27;
	_ =	sdelay $0x3  }
0x14e: {  	[tilespmem:v25+s19+$0x0] =	vst.idx.msk $0xffff, v26  }
0x14f: {  	v26 =	vshll.u32 v24, $0x7;
	v25 =	vld.idx.msk [tilespmem:v27+s15+$0x0], $0xffff  }
0x150: {  	v28 =	vadd.s32 v22, v24;
	v27 =	vor.u32 v0, v26  }
0x151: {  	v28 =	vadd.s32 v2, v28;
	_ =	sdelay $0x3  }
0x152: {  	[tilespmem:v27+s19+$0x0] =	vst.idx.msk $0xffff, v25  }
0x153: {  	v25 =	vld.idx.msk [tilespmem:v28+s15+$0x0], $0xffff  }
0x154: {  	v27 =	vor.u32 v3, v26;
	v28 =	vadd.s32 v21, v24  }
0x155: {  	v28 =	vadd.s32 v4, v28;
	_ =	sdelay $0x3  }
0x156: {  	[tilespmem:v27+s19+$0x0] =	vst.idx.msk $0xffff, v25  }
0x157: {  	v25 =	vld.idx.msk [tilespmem:v28+s15+$0x0], $0xffff  }
0x158: {  	v27 =	vor.u32 v5, v26;
	v28 =	vadd.s32 v19, v24  }
0x159: {  	v28 =	vadd.s32 v6, v28;
	_ =	sdelay $0x3  }
0x15a: {  	[tilespmem:v27+s19+$0x0] =	vst.idx.msk $0xffff, v25  }
0x15b: {  	v25 =	vld.idx.msk [tilespmem:v28+s15+$0x0], $0xffff  }
0x15c: {  	v27 =	vor.u32 v7, v26;
	v28 =	vadd.s32 v20, v24  }
0x15d: {  	v28 =	vadd.s32 v8, v28;
	_ =	sdelay $0x3  }
0x15e: {  	[tilespmem:v27+s19+$0x0] =	vst.idx.msk $0xffff, v25  }
0x15f: {  	v25 =	vld.idx.msk [tilespmem:v28+s15+$0x0], $0xffff  }
0x160: {  	v27 =	vor.u32 v9, v26;
	v28 =	vadd.s32 v18, v24  }
0x161: {  	v28 =	vadd.s32 v10, v28;
	_ =	sdelay $0x3  }
0x162: {  	[tilespmem:v27+s19+$0x0] =	vst.idx.msk $0xffff, v25  }
0x163: {  	v25 =	vld.idx.msk [tilespmem:v28+s15+$0x0], $0xffff  }
0x164: {  	v27 =	vor.u32 v11, v26;
	v28 =	vadd.s32 v17, v24  }
0x165: {  	v28 =	vadd.s32 v12, v28;
	_ =	sdelay $0x3  }
0x166: {  	[tilespmem:v27+s19+$0x0] =	vst.idx.msk $0xffff, v25  }
0x167: {  	v25 =	vld.idx.msk [tilespmem:v28+s15+$0x0], $0xffff  }
0x168: {  	v24 =	vadd.s32 v16, v24;
	v27 =	vor.u32 v13, v26  }
0x169: {  	v24 =	vadd.s32 v14, v24;
	_ =	sdelay $0x2  }
0x16a: {  	s30 =	sadd.s32 $0x2, s28  }
0x16b: {  	[tilespmem:v27+s19+$0x0] =	vst.idx.msk $0xffff, v25;
	v25 =	vadd.s32 s30, v0  }
0x16c: {  	v24 =	vld.idx.msk [tilespmem:v24+s15+$0x0], $0xffff;
	v25 =	vand.u32 $0x3F, v25  }
0x16d: {  	v26 =	vor.u32 v15, v26;
	v27 =	vadd.s32 v23, v25  }
0x16e: {  	v27 =	vadd.s32 v1, v27;
	_ =	sdelay $0x3  }
0x16f: {  	[tilespmem:v26+s19+$0x0] =	vst.idx.msk $0xffff, v24  }
0x170: {  	v26 =	vshll.u32 v25, $0x7;
	v24 =	vld.idx.msk [tilespmem:v27+s15+$0x0], $0xffff  }
0x171: {  	v28 =	vadd.s32 v22, v25;
	v27 =	vor.u32 v0, v26  }
0x172: {  	v28 =	vadd.s32 v2, v28;
	_ =	sdelay $0x3  }
0x173: {  	[tilespmem:v27+s19+$0x0] =	vst.idx.msk $0xffff, v24  }
0x174: {  	v24 =	vld.idx.msk [tilespmem:v28+s15+$0x0], $0xffff  }
0x175: {  	v27 =	vor.u32 v3, v26;
	v28 =	vadd.s32 v21, v25  }
0x176: {  	v28 =	vadd.s32 v4, v28;
	_ =	sdelay $0x3  }
0x177: {  	[tilespmem:v27+s19+$0x0] =	vst.idx.msk $0xffff, v24  }
0x178: {  	v24 =	vld.idx.msk [tilespmem:v28+s15+$0x0], $0xffff  }
0x179: {  	v27 =	vor.u32 v5, v26;
	v28 =	vadd.s32 v19, v25  }
0x17a: {  	v28 =	vadd.s32 v6, v28;
	_ =	sdelay $0x3  }
0x17b: {  	[tilespmem:v27+s19+$0x0] =	vst.idx.msk $0xffff, v24  }
0x17c: {  	v24 =	vld.idx.msk [tilespmem:v28+s15+$0x0], $0xffff  }
0x17d: {  	v27 =	vor.u32 v7, v26;
	v28 =	vadd.s32 v20, v25  }
0x17e: {  	v28 =	vadd.s32 v8, v28;
	_ =	sdelay $0x3  }
0x17f: {  	[tilespmem:v27+s19+$0x0] =	vst.idx.msk $0xffff, v24  }
0x180: {  	v24 =	vld.idx.msk [tilespmem:v28+s15+$0x0], $0xffff  }
0x181: {  	v27 =	vor.u32 v9, v26;
	v28 =	vadd.s32 v18, v25  }
0x182: {  	v28 =	vadd.s32 v10, v28;
	_ =	sdelay $0x3  }
0x183: {  	[tilespmem:v27+s19+$0x0] =	vst.idx.msk $0xffff, v24  }
0x184: {  	v24 =	vld.idx.msk [tilespmem:v28+s15+$0x0], $0xffff  }
0x185: {  	v27 =	vor.u32 v11, v26;
	v28 =	vadd.s32 v17, v25  }
0x186: {  	v28 =	vadd.s32 v12, v28;
	_ =	sdelay $0x3  }
0x187: {  	[tilespmem:v27+s19+$0x0] =	vst.idx.msk $0xffff, v24  }
0x188: {  	v24 =	vld.idx.msk [tilespmem:v28+s15+$0x0], $0xffff  }
0x189: {  	v25 =	vadd.s32 v16, v25;
	v27 =	vor.u32 v13, v26  }
0x18a: {  	v25 =	vadd.s32 v14, v25;
	_ =	sdelay $0x2  }
0x18b: {  	s30 =	sadd.s32 $0x3, s28  }
0x18c: {  	[tilespmem:v27+s19+$0x0] =	vst.idx.msk $0xffff, v24;
	v24 =	vadd.s32 s30, v0  }
0x18d: {  	v25 =	vld.idx.msk [tilespmem:v25+s15+$0x0], $0xffff;
	v24 =	vand.u32 $0x3F, v24  }
0x18e: {  	v26 =	vor.u32 v15, v26;
	v27 =	vadd.s32 v23, v24  }
0x18f: {  	v27 =	vadd.s32 v1, v27;
	_ =	sdelay $0x3  }
0x190: {  	[tilespmem:v26+s19+$0x0] =	vst.idx.msk $0xffff, v25  }
0x191: {  	v26 =	vshll.u32 v24, $0x7;
	v25 =	vld.idx.msk [tilespmem:v27+s15+$0x0], $0xffff  }
0x192: {  	v28 =	vadd.s32 v22, v24;
	v27 =	vor.u32 v0, v26  }
0x193: {  	v28 =	vadd.s32 v2, v28;
	_ =	sdelay $0x3  }
0x194: {  	[tilespmem:v27+s19+$0x0] =	vst.idx.msk $0xffff, v25  }
0x195: {  	v25 =	vld.idx.msk [tilespmem:v28+s15+$0x0], $0xffff  }
0x196: {  	v27 =	vor.u32 v3, v26;
	v28 =	vadd.s32 v21, v24  }
0x197: {  	v28 =	vadd.s32 v4, v28;
	_ =	sdelay $0x3  }
0x198: {  	[tilespmem:v27+s19+$0x0] =	vst.idx.msk $0xffff, v25  }
0x199: {  	v25 =	vld.idx.msk [tilespmem:v28+s15+$0x0], $0xffff  }
0x19a: {  	v27 =	vor.u32 v5, v26;
	v28 =	vadd.s32 v19, v24  }
0x19b: {  	v28 =	vadd.s32 v6, v28;
	_ =	sdelay $0x3  }
0x19c: {  	[tilespmem:v27+s19+$0x0] =	vst.idx.msk $0xffff, v25  }
0x19d: {  	v25 =	vld.idx.msk [tilespmem:v28+s15+$0x0], $0xffff  }
0x19e: {  	v27 =	vor.u32 v7, v26;
	v28 =	vadd.s32 v20, v24  }
0x19f: {  	v28 =	vadd.s32 v8, v28;
	_ =	sdelay $0x3  }
0x1a0: {  	[tilespmem:v27+s19+$0x0] =	vst.idx.msk $0xffff, v25  }
0x1a1: {  	v25 =	vld.idx.msk [tilespmem:v28+s15+$0x0], $0xffff  }
0x1a2: {  	v27 =	vor.u32 v9, v26;
	v28 =	vadd.s32 v18, v24  }
0x1a3: {  	v28 =	vadd.s32 v10, v28;
	_ =	sdelay $0x3  }
0x1a4: {  	[tilespmem:v27+s19+$0x0] =	vst.idx.msk $0xffff, v25  }
0x1a5: {  	v25 =	vld.idx.msk [tilespmem:v28+s15+$0x0], $0xffff  }
0x1a6: {  	v27 =	vor.u32 v11, v26;
	v28 =	vadd.s32 v17, v24  }
0x1a7: {  	v28 =	vadd.s32 v12, v28;
	_ =	sdelay $0x3  }
0x1a8: {  	[tilespmem:v27+s19+$0x0] =	vst.idx.msk $0xffff, v25  }
0x1a9: {  	v25 =	vld.idx.msk [tilespmem:v28+s15+$0x0], $0xffff  }
0x1aa: {  	v24 =	vadd.s32 v16, v24;
	v27 =	vor.u32 v13, v26  }
0x1ab: {  	v24 =	vadd.s32 v14, v24;
	_ =	sdelay $0x2  }
0x1ac: {  	s30 =	sadd.s32 $0x4, s28  }
0x1ad: {  	[tilespmem:v27+s19+$0x0] =	vst.idx.msk $0xffff, v25;
	v25 =	vadd.s32 s30, v0  }
0x1ae: {  	v24 =	vld.idx.msk [tilespmem:v24+s15+$0x0], $0xffff;
	v25 =	vand.u32 $0x3F, v25  }
0x1af: {  	v26 =	vor.u32 v15, v26;
	v27 =	vadd.s32 v23, v25  }
0x1b0: {  	v27 =	vadd.s32 v1, v27;
	_ =	sdelay $0x3  }
0x1b1: {  	[tilespmem:v26+s19+$0x0] =	vst.idx.msk $0xffff, v24  }
0x1b2: {  	v26 =	vshll.u32 v25, $0x7;
	v24 =	vld.idx.msk [tilespmem:v27+s15+$0x0], $0xffff  }
0x1b3: {  	v28 =	vadd.s32 v22, v25;
	v27 =	vor.u32 v0, v26  }
0x1b4: {  	v28 =	vadd.s32 v2, v28;
	_ =	sdelay $0x3  }
0x1b5: {  	[tilespmem:v27+s19+$0x0] =	vst.idx.msk $0xffff, v24  }
0x1b6: {  	v24 =	vld.idx.msk [tilespmem:v28+s15+$0x0], $0xffff  }
0x1b7: {  	v27 =	vor.u32 v3, v26;
	v28 =	vadd.s32 v21, v25  }
0x1b8: {  	v28 =	vadd.s32 v4, v28;
	_ =	sdelay $0x3  }
0x1b9: {  	[tilespmem:v27+s19+$0x0] =	vst.idx.msk $0xffff, v24  }
0x1ba: {  	v24 =	vld.idx.msk [tilespmem:v28+s15+$0x0], $0xffff  }
0x1bb: {  	v27 =	vor.u32 v5, v26;
	v28 =	vadd.s32 v19, v25  }
0x1bc: {  	v28 =	vadd.s32 v6, v28;
	_ =	sdelay $0x3  }
0x1bd: {  	[tilespmem:v27+s19+$0x0] =	vst.idx.msk $0xffff, v24  }
0x1be: {  	v24 =	vld.idx.msk [tilespmem:v28+s15+$0x0], $0xffff  }
0x1bf: {  	v27 =	vor.u32 v7, v26;
	v28 =	vadd.s32 v20, v25  }
0x1c0: {  	v28 =	vadd.s32 v8, v28;
	_ =	sdelay $0x3  }
0x1c1: {  	[tilespmem:v27+s19+$0x0] =	vst.idx.msk $0xffff, v24  }
0x1c2: {  	v24 =	vld.idx.msk [tilespmem:v28+s15+$0x0], $0xffff  }
0x1c3: {  	v27 =	vor.u32 v9, v26;
	v28 =	vadd.s32 v18, v25  }
0x1c4: {  	v28 =	vadd.s32 v10, v28;
	_ =	sdelay $0x3  }
0x1c5: {  	[tilespmem:v27+s19+$0x0] =	vst.idx.msk $0xffff, v24  }
0x1c6: {  	v24 =	vld.idx.msk [tilespmem:v28+s15+$0x0], $0xffff  }
0x1c7: {  	v27 =	vor.u32 v11, v26;
	v28 =	vadd.s32 v17, v25  }
0x1c8: {  	v28 =	vadd.s32 v12, v28;
	_ =	sdelay $0x3  }
0x1c9: {  	[tilespmem:v27+s19+$0x0] =	vst.idx.msk $0xffff, v24  }
0x1ca: {  	v24 =	vld.idx.msk [tilespmem:v28+s15+$0x0], $0xffff  }
0x1cb: {  	v25 =	vadd.s32 v16, v25;
	v27 =	vor.u32 v13, v26  }
0x1cc: {  	v25 =	vadd.s32 v14, v25;
	_ =	sdelay $0x2  }
0x1cd: {  	s30 =	sadd.s32 $0x5, s28  }
0x1ce: {  	[tilespmem:v27+s19+$0x0] =	vst.idx.msk $0xffff, v24;
	v24 =	vadd.s32 s30, v0  }
0x1cf: {  	v25 =	vld.idx.msk [tilespmem:v25+s15+$0x0], $0xffff;
	v24 =	vand.u32 $0x3F, v24  }
0x1d0: {  	v26 =	vor.u32 v15, v26;
	v27 =	vadd.s32 v23, v24  }
0x1d1: {  	v27 =	vadd.s32 v1, v27;
	_ =	sdelay $0x3  }
0x1d2: {  	[tilespmem:v26+s19+$0x0] =	vst.idx.msk $0xffff, v25  }
0x1d3: {  	v26 =	vshll.u32 v24, $0x7;
	v25 =	vld.idx.msk [tilespmem:v27+s15+$0x0], $0xffff  }
0x1d4: {  	v28 =	vadd.s32 v22, v24;
	v27 =	vor.u32 v0, v26  }
0x1d5: {  	v28 =	vadd.s32 v2, v28;
	_ =	sdelay $0x3  }
0x1d6: {  	[tilespmem:v27+s19+$0x0] =	vst.idx.msk $0xffff, v25  }
0x1d7: {  	v25 =	vld.idx.msk [tilespmem:v28+s15+$0x0], $0xffff  }
0x1d8: {  	v27 =	vor.u32 v3, v26;
	v28 =	vadd.s32 v21, v24  }
0x1d9: {  	v28 =	vadd.s32 v4, v28;
	_ =	sdelay $0x3  }
0x1da: {  	[tilespmem:v27+s19+$0x0] =	vst.idx.msk $0xffff, v25  }
0x1db: {  	v25 =	vld.idx.msk [tilespmem:v28+s15+$0x0], $0xffff  }
0x1dc: {  	v27 =	vor.u32 v5, v26;
	v28 =	vadd.s32 v19, v24  }
0x1dd: {  	v28 =	vadd.s32 v6, v28;
	_ =	sdelay $0x3  }
0x1de: {  	[tilespmem:v27+s19+$0x0] =	vst.idx.msk $0xffff, v25  }
0x1df: {  	v25 =	vld.idx.msk [tilespmem:v28+s15+$0x0], $0xffff  }
0x1e0: {  	v27 =	vor.u32 v7, v26;
	v28 =	vadd.s32 v20, v24  }
0x1e1: {  	v28 =	vadd.s32 v8, v28;
	_ =	sdelay $0x3  }
0x1e2: {  	[tilespmem:v27+s19+$0x0] =	vst.idx.msk $0xffff, v25  }
0x1e3: {  	v25 =	vld.idx.msk [tilespmem:v28+s15+$0x0], $0xffff  }
0x1e4: {  	v27 =	vor.u32 v9, v26;
	v28 =	vadd.s32 v18, v24  }
0x1e5: {  	v28 =	vadd.s32 v10, v28;
	_ =	sdelay $0x3  }
0x1e6: {  	[tilespmem:v27+s19+$0x0] =	vst.idx.msk $0xffff, v25  }
0x1e7: {  	v25 =	vld.idx.msk [tilespmem:v28+s15+$0x0], $0xffff  }
0x1e8: {  	v27 =	vor.u32 v11, v26;
	v28 =	vadd.s32 v17, v24  }
0x1e9: {  	v28 =	vadd.s32 v12, v28;
	_ =	sdelay $0x3  }
0x1ea: {  	[tilespmem:v27+s19+$0x0] =	vst.idx.msk $0xffff, v25  }
0x1eb: {  	v25 =	vld.idx.msk [tilespmem:v28+s15+$0x0], $0xffff  }
0x1ec: {  	v24 =	vadd.s32 v16, v24;
	v27 =	vor.u32 v13, v26  }
0x1ed: {  	v24 =	vadd.s32 v14, v24;
	_ =	sdelay $0x2  }
0x1ee: {  	s30 =	sadd.s32 $0x6, s28  }
0x1ef: {  	[tilespmem:v27+s19+$0x0] =	vst.idx.msk $0xffff, v25;
	v25 =	vadd.s32 s30, v0  }
0x1f0: {  	v24 =	vld.idx.msk [tilespmem:v24+s15+$0x0], $0xffff;
	v25 =	vand.u32 $0x3F, v25  }
0x1f1: {  	v26 =	vor.u32 v15, v26;
	v27 =	vadd.s32 v23, v25  }
0x1f2: {  	v27 =	vadd.s32 v1, v27;
	_ =	sdelay $0x3  }
0x1f3: {  	[tilespmem:v26+s19+$0x0] =	vst.idx.msk $0xffff, v24  }
0x1f4: {  	v26 =	vshll.u32 v25, $0x7;
	v24 =	vld.idx.msk [tilespmem:v27+s15+$0x0], $0xffff  }
0x1f5: {  	v28 =	vadd.s32 v22, v25;
	v27 =	vor.u32 v0, v26  }
0x1f6: {  	v28 =	vadd.s32 v2, v28;
	_ =	sdelay $0x3  }
0x1f7: {  	[tilespmem:v27+s19+$0x0] =	vst.idx.msk $0xffff, v24  }
0x1f8: {  	v24 =	vld.idx.msk [tilespmem:v28+s15+$0x0], $0xffff  }
0x1f9: {  	v27 =	vor.u32 v3, v26;
	v28 =	vadd.s32 v21, v25  }
0x1fa: {  	v28 =	vadd.s32 v4, v28;
	_ =	sdelay $0x3  }
0x1fb: {  	[tilespmem:v27+s19+$0x0] =	vst.idx.msk $0xffff, v24  }
0x1fc: {  	v24 =	vld.idx.msk [tilespmem:v28+s15+$0x0], $0xffff  }
0x1fd: {  	v27 =	vor.u32 v5, v26;
	v28 =	vadd.s32 v19, v25  }
0x1fe: {  	v28 =	vadd.s32 v6, v28;
	_ =	sdelay $0x3  }
0x1ff: {  	[tilespmem:v27+s19+$0x0] =	vst.idx.msk $0xffff, v24  }
0x200: {  	v24 =	vld.idx.msk [tilespmem:v28+s15+$0x0], $0xffff  }
0x201: {  	v27 =	vor.u32 v7, v26;
	v28 =	vadd.s32 v20, v25  }
0x202: {  	v28 =	vadd.s32 v8, v28;
	_ =	sdelay $0x3  }
0x203: {  	[tilespmem:v27+s19+$0x0] =	vst.idx.msk $0xffff, v24  }
0x204: {  	v24 =	vld.idx.msk [tilespmem:v28+s15+$0x0], $0xffff  }
0x205: {  	v27 =	vor.u32 v9, v26;
	v28 =	vadd.s32 v18, v25  }
0x206: {  	v28 =	vadd.s32 v10, v28;
	_ =	sdelay $0x3  }
0x207: {  	[tilespmem:v27+s19+$0x0] =	vst.idx.msk $0xffff, v24  }
0x208: {  	v24 =	vld.idx.msk [tilespmem:v28+s15+$0x0], $0xffff  }
0x209: {  	v27 =	vor.u32 v11, v26;
	v28 =	vadd.s32 v17, v25  }
0x20a: {  	v28 =	vadd.s32 v12, v28;
	_ =	sdelay $0x3  }
0x20b: {  	[tilespmem:v27+s19+$0x0] =	vst.idx.msk $0xffff, v24  }
0x20c: {  	v24 =	vld.idx.msk [tilespmem:v28+s15+$0x0], $0xffff  }
0x20d: {  	v25 =	vadd.s32 v16, v25;
	v27 =	vor.u32 v13, v26  }
0x20e: {  	v25 =	vadd.s32 v14, v25;
	_ =	sdelay $0x2  }
0x20f: {  	s30 =	sadd.s32 $0x7, s28;
	s28 =	smov.u32 s29  }
0x210: {  	[tilespmem:v27+s19+$0x0] =	vst.idx.msk $0xffff, v24;
	v24 =	vadd.s32 s30, v0  }
0x211: {  	v25 =	vld.idx.msk [tilespmem:v25+s15+$0x0], $0xffff;
	v27 =	vand.u32 $0x3F, v24  }
0x212: {  	v24 =	vor.u32 v15, v26;
	v26 =	vadd.s32 v23, v27  }
0x213: {  	v26 =	vadd.s32 v1, v26;
	_ =	sdelay $0x3  }
0x214: {  	[tilespmem:v24+s19+$0x0] =	vst.idx.msk $0xffff, v25  }
0x215: {  	v24 =	vshll.u32 v27, $0x7;
	v25 =	vld.idx.msk [tilespmem:v26+s15+$0x0], $0xffff  }
0x216: {  	v28 =	vadd.s32 v22, v27;
	v26 =	vor.u32 v0, v24  }
0x217: {  	v28 =	vadd.s32 v2, v28;
	_ =	sdelay $0x3  }
0x218: {  	[tilespmem:v26+s19+$0x0] =	vst.idx.msk $0xffff, v25  }
0x219: {  	v25 =	vld.idx.msk [tilespmem:v28+s15+$0x0], $0xffff  }
0x21a: {  	v26 =	vor.u32 v3, v24;
	v28 =	vadd.s32 v21, v27  }
0x21b: {  	v28 =	vadd.s32 v4, v28;
	_ =	sdelay $0x3  }
0x21c: {  	[tilespmem:v26+s19+$0x0] =	vst.idx.msk $0xffff, v25  }
0x21d: {  	v25 =	vld.idx.msk [tilespmem:v28+s15+$0x0], $0xffff  }
0x21e: {  	v26 =	vor.u32 v5, v24;
	v28 =	vadd.s32 v19, v27  }
0x21f: {  	v28 =	vadd.s32 v6, v28;
	_ =	sdelay $0x3  }
0x220: {  	[tilespmem:v26+s19+$0x0] =	vst.idx.msk $0xffff, v25  }
0x221: {  	v25 =	vld.idx.msk [tilespmem:v28+s15+$0x0], $0xffff  }
0x222: {  	v26 =	vor.u32 v7, v24;
	v28 =	vadd.s32 v20, v27  }
0x223: {  	v28 =	vadd.s32 v8, v28;
	_ =	sdelay $0x3  }
0x224: {  	[tilespmem:v26+s19+$0x0] =	vst.idx.msk $0xffff, v25  }
0x225: {  	v25 =	vld.idx.msk [tilespmem:v28+s15+$0x0], $0xffff  }
0x226: {  	v26 =	vor.u32 v9, v24;
	v28 =	vadd.s32 v18, v27  }
0x227: {  	v28 =	vadd.s32 v10, v28;
	_ =	sdelay $0x3  }
0x228: {  	[tilespmem:v26+s19+$0x0] =	vst.idx.msk $0xffff, v25  }
0x229: {  	v25 =	vld.idx.msk [tilespmem:v28+s15+$0x0], $0xffff  }
0x22a: {  	v26 =	vor.u32 v11, v24;
	v28 =	vadd.s32 v17, v27  }
0x22b: {  	v28 =	vadd.s32 v12, v28;
	_ =	sdelay $0x3  }
0x22c: {  	[tilespmem:v26+s19+$0x0] =	vst.idx.msk $0xffff, v25  }
0x22d: {  	v28 =	vld.idx.msk [tilespmem:v28+s15+$0x0], $0xffff  }
0x22e: {  	v29 =	vor.u32 v13, v24;
	v25 =	vadd.s32 v16, v27  }
.Ltmp0:
0x22f: {  	v25 =	vadd.s32 v14, v25;
	(pc) =	sbr.rel @p1 .LBB2_3-.Ltmp0, $2  }
0x230: {  	_ =	sdelay $0x2  }
0x231: {  	s29 =	sadd.s32 $0x8, s29;
	v26 =	vadd.s32 s28, v0;
	[tilespmem:v29+s19+$0x0] =	vst.idx.msk $0xffff, v28  }
0x232: {  	_ =	sdelay $0x2  }
0x233: {  	v26 =	vand.u32 $0x3F, v26  }
0x234: {  	v25 =	vld.idx.msk [tilespmem:v25+s15+$0x0], $0xffff;
	v24 =	vor.u32 v15, v24;
	v27 =	vadd.s32 v23, v26  }
0x235: {  	v27 =	vadd.s32 v1, v27;
	_ =	sdelay $0x3  }
0x236: {  	v35 =	vshll.u32 v26, $0x7;
	[tilespmem:v24+s19+$0x0] =	vst.idx.msk $0xffff, v25  }
0x237: {  	v28 =	vadd.s32 v22, v26;
	v36 =	vor.u32 v0, v35;
	v25 =	vld.idx.msk [tilespmem:v27+s15+$0x0], $0xffff  }
0x238: {  	v28 =	vadd.s32 v2, v28;
	_ =	sdelay $0x3  }
0x239: {  	[tilespmem:v36+s19+$0x0] =	vst.idx.msk $0xffff, v25  }
0x23a: {  	v38 =	vadd.s32 v21, v26;
	v37 =	vor.u32 v3, v35;
	v25 =	vld.idx.msk [tilespmem:v28+s15+$0x0], $0xffff  }
0x23b: {  	v28 =	vadd.s32 v4, v38;
	_ =	sdelay $0x3  }
0x23c: {  	[tilespmem:v37+s19+$0x0] =	vst.idx.msk $0xffff, v25  }
0x23d: {  	v40 =	vadd.s32 v19, v26;
	v39 =	vor.u32 v5, v35;
	v25 =	vld.idx.msk [tilespmem:v28+s15+$0x0], $0xffff  }
0x23e: {  	v28 =	vadd.s32 v6, v40;
	_ =	sdelay $0x3  }
0x23f: {  	[tilespmem:v39+s19+$0x0] =	vst.idx.msk $0xffff, v25  }
0x240: {  	v42 =	vadd.s32 v20, v26;
	v41 =	vor.u32 v7, v35;
	v25 =	vld.idx.msk [tilespmem:v28+s15+$0x0], $0xffff  }
0x241: {  	v28 =	vadd.s32 v8, v42;
	_ =	sdelay $0x3  }
0x242: {  	[tilespmem:v41+s19+$0x0] =	vst.idx.msk $0xffff, v25  }
0x243: {  	v44 =	vadd.s32 v18, v26;
	v43 =	vor.u32 v9, v35;
	v25 =	vld.idx.msk [tilespmem:v28+s15+$0x0], $0xffff  }
0x244: {  	v28 =	vadd.s32 v10, v44;
	_ =	sdelay $0x3  }
0x245: {  	[tilespmem:v43+s19+$0x0] =	vst.idx.msk $0xffff, v25  }
0x246: {  	v46 =	vadd.s32 v17, v26;
	v45 =	vor.u32 v11, v35;
	v25 =	vld.idx.msk [tilespmem:v28+s15+$0x0], $0xffff  }
0x247: {  	v28 =	vadd.s32 v12, v46;
	_ =	sdelay $0x3  }
0x248: {  	[tilespmem:v45+s19+$0x0] =	vst.idx.msk $0xffff, v25  }
0x249: {  	v26 =	vadd.s32 v16, v26;
	v47 =	vor.u32 v13, v35;
	v25 =	vld.idx.msk [tilespmem:v28+s15+$0x0], $0xffff  }
0x24a: {  	v26 =	vadd.s32 v14, v26;
	_ =	sdelay $0x1  }
0x24b: {  	s29 =	sadd.s32 $0x1, s28  }
0x24c: {  	v48 =	vadd.s32 s29, v0  }
0x24d: {  	v49 =	vand.u32 $0x3F, v48;
	[tilespmem:v47+s19+$0x0] =	vst.idx.msk $0xffff, v25  }
0x24e: {  	v50 =	vadd.s32 v23, v49;
	v24 =	vor.u32 v15, v35;
	v26 =	vld.idx.msk [tilespmem:v26+s15+$0x0], $0xffff  }
0x24f: {  	v27 =	vadd.s32 v1, v50;
	_ =	sdelay $0x3  }
0x250: {  	v51 =	vshll.u32 v49, $0x7;
	[tilespmem:v24+s19+$0x0] =	vst.idx.msk $0xffff, v26  }
0x251: {  	v52 =	vor.u32 v0, v51;
	v28 =	vadd.s32 v22, v49;
	v26 =	vld.idx.msk [tilespmem:v27+s15+$0x0], $0xffff  }
0x252: {  	v28 =	vadd.s32 v2, v28;
	_ =	sdelay $0x3  }
0x253: {  	[tilespmem:v52+s19+$0x0] =	vst.idx.msk $0xffff, v26  }
0x254: {  	v54 =	vadd.s32 v21, v49;
	v53 =	vor.u32 v3, v51;
	v26 =	vld.idx.msk [tilespmem:v28+s15+$0x0], $0xffff  }
0x255: {  	v28 =	vadd.s32 v4, v54;
	_ =	sdelay $0x3  }
0x256: {  	[tilespmem:v53+s19+$0x0] =	vst.idx.msk $0xffff, v26  }
0x257: {  	v56 =	vadd.s32 v19, v49;
	v55 =	vor.u32 v5, v51;
	v26 =	vld.idx.msk [tilespmem:v28+s15+$0x0], $0xffff  }
0x258: {  	v28 =	vadd.s32 v6, v56;
	_ =	sdelay $0x3  }
0x259: {  	[tilespmem:v55+s19+$0x0] =	vst.idx.msk $0xffff, v26  }
0x25a: {  	v58 =	vadd.s32 v20, v49;
	v57 =	vor.u32 v7, v51;
	v26 =	vld.idx.msk [tilespmem:v28+s15+$0x0], $0xffff  }
0x25b: {  	v28 =	vadd.s32 v8, v58;
	_ =	sdelay $0x3  }
0x25c: {  	[tilespmem:v57+s19+$0x0] =	vst.idx.msk $0xffff, v26  }
0x25d: {  	v60 =	vadd.s32 v18, v49;
	v59 =	vor.u32 v9, v51;
	v26 =	vld.idx.msk [tilespmem:v28+s15+$0x0], $0xffff  }
0x25e: {  	v28 =	vadd.s32 v10, v60;
	_ =	sdelay $0x3  }
0x25f: {  	[tilespmem:v59+s19+$0x0] =	vst.idx.msk $0xffff, v26  }
0x260: {  	v62 =	vadd.s32 v17, v49;
	v61 =	vor.u32 v11, v51;
	v26 =	vld.idx.msk [tilespmem:v28+s15+$0x0], $0xffff  }
0x261: {  	v28 =	vadd.s32 v12, v62;
	_ =	sdelay $0x3  }
0x262: {  	[tilespmem:v61+s19+$0x0] =	vst.idx.msk $0xffff, v26  }
0x263: {  	v63 =	vor.u32 v13, v51;
	v25 =	vadd.s32 v16, v49;
	v26 =	vld.idx.msk [tilespmem:v28+s15+$0x0], $0xffff  }
0x264: {  	v25 =	vadd.s32 v14, v25;
	_ =	sdelay $0x1  }
0x265: {  	s31 =	sadd.s32 $0x2, s28  }
0x266: {  	v32 =	vadd.s32 s31, v0  }
0x267: {  	v33 =	vand.u32 $0x3F, v32;
	[tilespmem:v63+s19+$0x0] =	vst.idx.msk $0xffff, v26  }
0x268: {  	v34 =	vadd.s32 v23, v33;
	v24 =	vor.u32 v15, v51;
	v25 =	vld.idx.msk [tilespmem:v25+s15+$0x0], $0xffff  }
0x269: {  	v27 =	vadd.s32 v1, v34;
	_ =	sdelay $0x3  }
0x26a: {  	v35 =	vshll.u32 v33, $0x7;
	[tilespmem:v24+s19+$0x0] =	vst.idx.msk $0xffff, v25  }
0x26b: {  	v36 =	vor.u32 v0, v35;
	v28 =	vadd.s32 v22, v33;
	v25 =	vld.idx.msk [tilespmem:v27+s15+$0x0], $0xffff  }
0x26c: {  	v28 =	vadd.s32 v2, v28;
	_ =	sdelay $0x3  }
0x26d: {  	[tilespmem:v36+s19+$0x0] =	vst.idx.msk $0xffff, v25  }
0x26e: {  	v38 =	vadd.s32 v21, v33;
	v37 =	vor.u32 v3, v35;
	v25 =	vld.idx.msk [tilespmem:v28+s15+$0x0], $0xffff  }
0x26f: {  	v28 =	vadd.s32 v4, v38;
	_ =	sdelay $0x3  }
0x270: {  	[tilespmem:v37+s19+$0x0] =	vst.idx.msk $0xffff, v25  }
0x271: {  	v40 =	vadd.s32 v19, v33;
	v39 =	vor.u32 v5, v35;
	v25 =	vld.idx.msk [tilespmem:v28+s15+$0x0], $0xffff  }
0x272: {  	v28 =	vadd.s32 v6, v40;
	_ =	sdelay $0x3  }
0x273: {  	[tilespmem:v39+s19+$0x0] =	vst.idx.msk $0xffff, v25  }
0x274: {  	v42 =	vadd.s32 v20, v33;
	v41 =	vor.u32 v7, v35;
	v25 =	vld.idx.msk [tilespmem:v28+s15+$0x0], $0xffff  }
0x275: {  	v28 =	vadd.s32 v8, v42;
	_ =	sdelay $0x3  }
0x276: {  	[tilespmem:v41+s19+$0x0] =	vst.idx.msk $0xffff, v25  }
0x277: {  	v44 =	vadd.s32 v18, v33;
	v43 =	vor.u32 v9, v35;
	v25 =	vld.idx.msk [tilespmem:v28+s15+$0x0], $0xffff  }
0x278: {  	v28 =	vadd.s32 v10, v44;
	_ =	sdelay $0x3  }
0x279: {  	[tilespmem:v43+s19+$0x0] =	vst.idx.msk $0xffff, v25  }
0x27a: {  	v46 =	vadd.s32 v17, v33;
	v45 =	vor.u32 v11, v35;
	v25 =	vld.idx.msk [tilespmem:v28+s15+$0x0], $0xffff  }
0x27b: {  	v28 =	vadd.s32 v12, v46;
	_ =	sdelay $0x3  }
0x27c: {  	[tilespmem:v45+s19+$0x0] =	vst.idx.msk $0xffff, v25  }
0x27d: {  	v47 =	vor.u32 v13, v35;
	v26 =	vadd.s32 v16, v33;
	v25 =	vld.idx.msk [tilespmem:v28+s15+$0x0], $0xffff  }
0x27e: {  	v26 =	vadd.s32 v14, v26;
	_ =	sdelay $0x1  }
0x27f: {  	s30 =	sadd.s32 $0x3, s28  }
0x280: {  	v48 =	vadd.s32 s30, v0  }
0x281: {  	v49 =	vand.u32 $0x3F, v48;
	[tilespmem:v47+s19+$0x0] =	vst.idx.msk $0xffff, v25  }
0x282: {  	v50 =	vadd.s32 v23, v49;
	v24 =	vor.u32 v15, v35;
	v26 =	vld.idx.msk [tilespmem:v26+s15+$0x0], $0xffff  }
0x283: {  	v27 =	vadd.s32 v1, v50;
	_ =	sdelay $0x3  }
0x284: {  	v51 =	vshll.u32 v49, $0x7;
	[tilespmem:v24+s19+$0x0] =	vst.idx.msk $0xffff, v26  }
0x285: {  	v52 =	vor.u32 v0, v51;
	v28 =	vadd.s32 v22, v49;
	v26 =	vld.idx.msk [tilespmem:v27+s15+$0x0], $0xffff  }
0x286: {  	v28 =	vadd.s32 v2, v28;
	_ =	sdelay $0x3  }
0x287: {  	[tilespmem:v52+s19+$0x0] =	vst.idx.msk $0xffff, v26  }
0x288: {  	v54 =	vadd.s32 v21, v49;
	v53 =	vor.u32 v3, v51;
	v26 =	vld.idx.msk [tilespmem:v28+s15+$0x0], $0xffff  }
0x289: {  	v28 =	vadd.s32 v4, v54;
	_ =	sdelay $0x3  }
0x28a: {  	[tilespmem:v53+s19+$0x0] =	vst.idx.msk $0xffff, v26  }
0x28b: {  	v56 =	vadd.s32 v19, v49;
	v55 =	vor.u32 v5, v51;
	v26 =	vld.idx.msk [tilespmem:v28+s15+$0x0], $0xffff  }
0x28c: {  	v28 =	vadd.s32 v6, v56;
	_ =	sdelay $0x3  }
0x28d: {  	[tilespmem:v55+s19+$0x0] =	vst.idx.msk $0xffff, v26  }
0x28e: {  	v58 =	vadd.s32 v20, v49;
	v57 =	vor.u32 v7, v51;
	v26 =	vld.idx.msk [tilespmem:v28+s15+$0x0], $0xffff  }
0x28f: {  	v28 =	vadd.s32 v8, v58;
	_ =	sdelay $0x3  }
0x290: {  	[tilespmem:v57+s19+$0x0] =	vst.idx.msk $0xffff, v26  }
0x291: {  	v60 =	vadd.s32 v18, v49;
	v59 =	vor.u32 v9, v51;
	v26 =	vld.idx.msk [tilespmem:v28+s15+$0x0], $0xffff  }
0x292: {  	v28 =	vadd.s32 v10, v60;
	_ =	sdelay $0x3  }
0x293: {  	[tilespmem:v59+s19+$0x0] =	vst.idx.msk $0xffff, v26  }
0x294: {  	v62 =	vadd.s32 v17, v49;
	v61 =	vor.u32 v11, v51;
	v26 =	vld.idx.msk [tilespmem:v28+s15+$0x0], $0xffff  }
0x295: {  	v28 =	vadd.s32 v12, v62;
	_ =	sdelay $0x3  }
0x296: {  	[tilespmem:v61+s19+$0x0] =	vst.idx.msk $0xffff, v26  }
0x297: {  	v63 =	vor.u32 v13, v51;
	v25 =	vadd.s32 v16, v49;
	v26 =	vld.idx.msk [tilespmem:v28+s15+$0x0], $0xffff  }
0x298: {  	v25 =	vadd.s32 v14, v25;
	_ =	sdelay $0x1  }
0x299: {  	s31 =	sadd.s32 $0x4, s28  }
0x29a: {  	v32 =	vadd.s32 s31, v0  }
0x29b: {  	v33 =	vand.u32 $0x3F, v32;
	[tilespmem:v63+s19+$0x0] =	vst.idx.msk $0xffff, v26  }
0x29c: {  	v34 =	vadd.s32 v23, v33;
	v24 =	vor.u32 v15, v51;
	v25 =	vld.idx.msk [tilespmem:v25+s15+$0x0], $0xffff  }
0x29d: {  	v27 =	vadd.s32 v1, v34;
	_ =	sdelay $0x3  }
0x29e: {  	v35 =	vshll.u32 v33, $0x7;
	[tilespmem:v24+s19+$0x0] =	vst.idx.msk $0xffff, v25  }
0x29f: {  	v36 =	vor.u32 v0, v35;
	v28 =	vadd.s32 v22, v33;
	v25 =	vld.idx.msk [tilespmem:v27+s15+$0x0], $0xffff  }
0x2a0: {  	v28 =	vadd.s32 v2, v28;
	_ =	sdelay $0x3  }
0x2a1: {  	[tilespmem:v36+s19+$0x0] =	vst.idx.msk $0xffff, v25  }
0x2a2: {  	v38 =	vadd.s32 v21, v33;
	v37 =	vor.u32 v3, v35;
	v25 =	vld.idx.msk [tilespmem:v28+s15+$0x0], $0xffff  }
0x2a3: {  	v28 =	vadd.s32 v4, v38;
	_ =	sdelay $0x3  }
0x2a4: {  	[tilespmem:v37+s19+$0x0] =	vst.idx.msk $0xffff, v25  }
0x2a5: {  	v40 =	vadd.s32 v19, v33;
	v39 =	vor.u32 v5, v35;
	v25 =	vld.idx.msk [tilespmem:v28+s15+$0x0], $0xffff  }
0x2a6: {  	v28 =	vadd.s32 v6, v40;
	_ =	sdelay $0x3  }
0x2a7: {  	[tilespmem:v39+s19+$0x0] =	vst.idx.msk $0xffff, v25  }
0x2a8: {  	v42 =	vadd.s32 v20, v33;
	v41 =	vor.u32 v7, v35;
	v25 =	vld.idx.msk [tilespmem:v28+s15+$0x0], $0xffff  }
0x2a9: {  	v28 =	vadd.s32 v8, v42;
	_ =	sdelay $0x3  }
0x2aa: {  	[tilespmem:v41+s19+$0x0] =	vst.idx.msk $0xffff, v25  }
0x2ab: {  	v44 =	vadd.s32 v18, v33;
	v43 =	vor.u32 v9, v35;
	v25 =	vld.idx.msk [tilespmem:v28+s15+$0x0], $0xffff  }
0x2ac: {  	v28 =	vadd.s32 v10, v44;
	_ =	sdelay $0x3  }
0x2ad: {  	[tilespmem:v43+s19+$0x0] =	vst.idx.msk $0xffff, v25  }
0x2ae: {  	v46 =	vadd.s32 v17, v33;
	v45 =	vor.u32 v11, v35;
	v25 =	vld.idx.msk [tilespmem:v28+s15+$0x0], $0xffff  }
0x2af: {  	v28 =	vadd.s32 v12, v46;
	_ =	sdelay $0x3  }
0x2b0: {  	[tilespmem:v45+s19+$0x0] =	vst.idx.msk $0xffff, v25  }
0x2b1: {  	v47 =	vor.u32 v13, v35;
	v26 =	vadd.s32 v16, v33;
	v25 =	vld.idx.msk [tilespmem:v28+s15+$0x0], $0xffff  }
0x2b2: {  	v26 =	vadd.s32 v14, v26;
	_ =	sdelay $0x1  }
0x2b3: {  	s30 =	sadd.s32 $0x5, s28  }
0x2b4: {  	v48 =	vadd.s32 s30, v0  }
0x2b5: {  	v49 =	vand.u32 $0x3F, v48;
	[tilespmem:v47+s19+$0x0] =	vst.idx.msk $0xffff, v25  }
0x2b6: {  	v50 =	vadd.s32 v23, v49;
	v24 =	vor.u32 v15, v35;
	v26 =	vld.idx.msk [tilespmem:v26+s15+$0x0], $0xffff  }
0x2b7: {  	v27 =	vadd.s32 v1, v50;
	_ =	sdelay $0x3  }
0x2b8: {  	v51 =	vshll.u32 v49, $0x7;
	[tilespmem:v24+s19+$0x0] =	vst.idx.msk $0xffff, v26  }
0x2b9: {  	v52 =	vor.u32 v0, v51;
	v28 =	vadd.s32 v22, v49;
	v26 =	vld.idx.msk [tilespmem:v27+s15+$0x0], $0xffff  }
0x2ba: {  	v28 =	vadd.s32 v2, v28;
	_ =	sdelay $0x3  }
0x2bb: {  	[tilespmem:v52+s19+$0x0] =	vst.idx.msk $0xffff, v26  }
0x2bc: {  	v54 =	vadd.s32 v21, v49;
	v53 =	vor.u32 v3, v51;
	v26 =	vld.idx.msk [tilespmem:v28+s15+$0x0], $0xffff  }
0x2bd: {  	v28 =	vadd.s32 v4, v54;
	_ =	sdelay $0x3  }
0x2be: {  	[tilespmem:v53+s19+$0x0] =	vst.idx.msk $0xffff, v26  }
0x2bf: {  	v56 =	vadd.s32 v19, v49;
	v55 =	vor.u32 v5, v51;
	v26 =	vld.idx.msk [tilespmem:v28+s15+$0x0], $0xffff  }
0x2c0: {  	v28 =	vadd.s32 v6, v56;
	_ =	sdelay $0x3  }
0x2c1: {  	[tilespmem:v55+s19+$0x0] =	vst.idx.msk $0xffff, v26  }
0x2c2: {  	v58 =	vadd.s32 v20, v49;
	v57 =	vor.u32 v7, v51;
	v26 =	vld.idx.msk [tilespmem:v28+s15+$0x0], $0xffff  }
0x2c3: {  	v28 =	vadd.s32 v8, v58;
	_ =	sdelay $0x3  }
0x2c4: {  	[tilespmem:v57+s19+$0x0] =	vst.idx.msk $0xffff, v26  }
0x2c5: {  	v60 =	vadd.s32 v18, v49;
	v59 =	vor.u32 v9, v51;
	v26 =	vld.idx.msk [tilespmem:v28+s15+$0x0], $0xffff  }
0x2c6: {  	v28 =	vadd.s32 v10, v60;
	_ =	sdelay $0x3  }
0x2c7: {  	[tilespmem:v59+s19+$0x0] =	vst.idx.msk $0xffff, v26  }
0x2c8: {  	v62 =	vadd.s32 v17, v49;
	v61 =	vor.u32 v11, v51;
	v26 =	vld.idx.msk [tilespmem:v28+s15+$0x0], $0xffff  }
0x2c9: {  	v28 =	vadd.s32 v12, v62;
	_ =	sdelay $0x3  }
0x2ca: {  	[tilespmem:v61+s19+$0x0] =	vst.idx.msk $0xffff, v26  }
0x2cb: {  	v63 =	vor.u32 v13, v51;
	v25 =	vadd.s32 v16, v49;
	v26 =	vld.idx.msk [tilespmem:v28+s15+$0x0], $0xffff  }
0x2cc: {  	v25 =	vadd.s32 v14, v25;
	_ =	sdelay $0x1  }
0x2cd: {  	s31 =	sadd.s32 $0x6, s28  }
0x2ce: {  	v32 =	vadd.s32 s31, v0  }
0x2cf: {  	v33 =	vand.u32 $0x3F, v32;
	[tilespmem:v63+s19+$0x0] =	vst.idx.msk $0xffff, v26  }
0x2d0: {  	v34 =	vadd.s32 v23, v33;
	v24 =	vor.u32 v15, v51;
	v25 =	vld.idx.msk [tilespmem:v25+s15+$0x0], $0xffff  }
0x2d1: {  	v27 =	vadd.s32 v1, v34;
	_ =	sdelay $0x3  }
0x2d2: {  	v35 =	vshll.u32 v33, $0x7;
	[tilespmem:v24+s19+$0x0] =	vst.idx.msk $0xffff, v25  }
0x2d3: {  	v36 =	vor.u32 v0, v35;
	v28 =	vadd.s32 v22, v33;
	v25 =	vld.idx.msk [tilespmem:v27+s15+$0x0], $0xffff  }
0x2d4: {  	v28 =	vadd.s32 v2, v28;
	_ =	sdelay $0x3  }
0x2d5: {  	[tilespmem:v36+s19+$0x0] =	vst.idx.msk $0xffff, v25  }
0x2d6: {  	v38 =	vadd.s32 v21, v33;
	v37 =	vor.u32 v3, v35;
	v25 =	vld.idx.msk [tilespmem:v28+s15+$0x0], $0xffff  }
0x2d7: {  	v28 =	vadd.s32 v4, v38;
	_ =	sdelay $0x3  }
0x2d8: {  	[tilespmem:v37+s19+$0x0] =	vst.idx.msk $0xffff, v25  }
0x2d9: {  	v40 =	vadd.s32 v19, v33;
	v39 =	vor.u32 v5, v35;
	v25 =	vld.idx.msk [tilespmem:v28+s15+$0x0], $0xffff  }
0x2da: {  	v28 =	vadd.s32 v6, v40;
	_ =	sdelay $0x3  }
0x2db: {  	[tilespmem:v39+s19+$0x0] =	vst.idx.msk $0xffff, v25  }
0x2dc: {  	v42 =	vadd.s32 v20, v33;
	v41 =	vor.u32 v7, v35;
	v25 =	vld.idx.msk [tilespmem:v28+s15+$0x0], $0xffff  }
0x2dd: {  	v28 =	vadd.s32 v8, v42;
	_ =	sdelay $0x3  }
0x2de: {  	[tilespmem:v41+s19+$0x0] =	vst.idx.msk $0xffff, v25  }
0x2df: {  	v44 =	vadd.s32 v18, v33;
	v43 =	vor.u32 v9, v35;
	v25 =	vld.idx.msk [tilespmem:v28+s15+$0x0], $0xffff  }
0x2e0: {  	v28 =	vadd.s32 v10, v44;
	_ =	sdelay $0x3  }
0x2e1: {  	[tilespmem:v43+s19+$0x0] =	vst.idx.msk $0xffff, v25  }
0x2e2: {  	v46 =	vadd.s32 v17, v33;
	v45 =	vor.u32 v11, v35;
	v25 =	vld.idx.msk [tilespmem:v28+s15+$0x0], $0xffff  }
0x2e3: {  	v28 =	vadd.s32 v12, v46;
	_ =	sdelay $0x3  }
0x2e4: {  	[tilespmem:v45+s19+$0x0] =	vst.idx.msk $0xffff, v25  }
0x2e5: {  	v47 =	vor.u32 v13, v35;
	v26 =	vadd.s32 v16, v33;
	v25 =	vld.idx.msk [tilespmem:v28+s15+$0x0], $0xffff  }
0x2e6: {  	v26 =	vadd.s32 v14, v26;
	_ =	sdelay $0x1  }
0x2e7: {  	s30 =	sadd.s32 $0x7, s28  }
0x2e8: {  	v48 =	vadd.s32 s30, v0  }
0x2e9: {  	v49 =	vand.u32 $0x3F, v48;
	[tilespmem:v47+s19+$0x0] =	vst.idx.msk $0xffff, v25  }
0x2ea: {  	v50 =	vadd.s32 v23, v49;
	v24 =	vor.u32 v15, v35;
	v26 =	vld.idx.msk [tilespmem:v26+s15+$0x0], $0xffff  }
0x2eb: {  	v23 =	vadd.s32 v1, v50;
	_ =	sdelay $0x3  }
0x2ec: {  	v51 =	vshll.u32 v49, $0x7;
	[tilespmem:v24+s19+$0x0] =	vst.idx.msk $0xffff, v26  }
0x2ed: {  	v52 =	vor.u32 v0, v51;
	v53 =	vadd.s32 v22, v49;
	v23 =	vld.idx.msk [tilespmem:v23+s15+$0x0], $0xffff  }
0x2ee: {  	v22 =	vadd.s32 v2, v53;
	_ =	sdelay $0x3  }
0x2ef: {  	[tilespmem:v52+s19+$0x0] =	vst.idx.msk $0xffff, v23  }
0x2f0: {  	v54 =	vor.u32 v3, v51;
	v55 =	vadd.s32 v21, v49;
	v22 =	vld.idx.msk [tilespmem:v22+s15+$0x0], $0xffff  }
0x2f1: {  	v21 =	vadd.s32 v4, v55;
	_ =	sdelay $0x3  }
0x2f2: {  	[tilespmem:v54+s19+$0x0] =	vst.idx.msk $0xffff, v22  }
0x2f3: {  	v56 =	vor.u32 v5, v51;
	v57 =	vadd.s32 v19, v49;
	v21 =	vld.idx.msk [tilespmem:v21+s15+$0x0], $0xffff  }
0x2f4: {  	v19 =	vadd.s32 v6, v57;
	_ =	sdelay $0x3  }
0x2f5: {  	[tilespmem:v56+s19+$0x0] =	vst.idx.msk $0xffff, v21  }
0x2f6: {  	v58 =	vor.u32 v7, v51;
	v59 =	vadd.s32 v20, v49;
	v19 =	vld.idx.msk [tilespmem:v19+s15+$0x0], $0xffff  }
0x2f7: {  	v20 =	vadd.s32 v8, v59;
	_ =	sdelay $0x3  }
0x2f8: {  	[tilespmem:v58+s19+$0x0] =	vst.idx.msk $0xffff, v19  }
0x2f9: {  	v60 =	vor.u32 v9, v51;
	v61 =	vadd.s32 v18, v49;
	v19 =	vld.idx.msk [tilespmem:v20+s15+$0x0], $0xffff  }
0x2fa: {  	v18 =	vadd.s32 v10, v61;
	_ =	sdelay $0x3  }
0x2fb: {  	[tilespmem:v60+s19+$0x0] =	vst.idx.msk $0xffff, v19  }
0x2fc: {  	v17 =	vadd.s32 v17, v49;
	v62 =	vor.u32 v11, v51;
	v18 =	vld.idx.msk [tilespmem:v18+s15+$0x0], $0xffff  }
0x2fd: {  	v17 =	vadd.s32 v12, v17;
	_ =	sdelay $0x3  }
0x2fe: {  	[tilespmem:v62+s19+$0x0] =	vst.idx.msk $0xffff, v18  }
0x2ff: {  	v63 =	vor.u32 v13, v51;
	v16 =	vadd.s32 v16, v49;
	v17 =	vld.idx.msk [tilespmem:v17+s15+$0x0], $0xffff  }
0x300: {  	v16 =	vadd.s32 v14, v16;
	_ =	sdelay $0x3  }
0x301: {  	[tilespmem:v63+s19+$0x0] =	vst.idx.msk $0xffff, v17  }
0x302: {  	v17 =	vor.u32 v15, v51;
	v16 =	vld.idx.msk [tilespmem:v16+s15+$0x0], $0xffff  }
0x303: {  	p1 =	sne.s32 s25, $0x18  }
.Ltmp1:
0x304: {  	s31 =	sshll.u32 s25, $0x13;
	(pc) =	sbr.rel @p1 .LBB2_6-.Ltmp1, $4  }
0x305: {  	s28 =	sor.u32 s4, s31  }
0x306: {  	s28 =	sshrl.u32 s28, $0x3  }
0x307: {  	s28 =	sadd.s32 s2, s28;
	[tilespmem:v17+s19+$0x0] =	vst.idx.msk $0xffff, v16  }
0x308: {  	[hbm4b:s28+s9] =	stream.strided.scatter [tilespmem:s19], [sflag:$0x3], $0x2000, s10, s9, $0x38;
	[tilespmem:$0xDE00] =	vst v63  }
.Ltmp2:
0x309: {  	(pc) =	sbr.rel .LBB2_7-.Ltmp2, $4  }
0x30a: {  	_ = 	snop  }
0x30b: {  	_ =	swait.ge [sflag:s20], $0x4000  }
0x30c: {  	[sflag:s20] =	ssyncset.done $0x0  }
0x30d: {  	[sflag:s20] =	ssyncadd.s32 $0xFFFFC000  }
.LBB2_6:
0x30e: {  	s28 =	sshll.u32 s25, $0x8  }
0x30f: {  	s28 =	sand.u32 $0x3FFFFF00, s28  }
0x310: {  	v16 =	vld [tilespmem:s28+$0x100];
	_ =	sdelay $0x4  }
0x311: {  	v17 =	vshrl.u32 v16, $0x1;
	v16 =	vshll.u32 v16, $0x6  }
0x312: {  	[tilespmem:$0x1C00] =	vst v17;
	v16 =	vand.u32 $0x40, v16  }
0x313: {  	[tilespmem:$0x1D00] =	vst v16  }
0x314: {  	v16 =	vld [tilespmem:s28+$0x110];
	_ =	sdelay $0x4  }
0x315: {  	v17 =	vshrl.u32 v16, $0x1;
	v16 =	vshll.u32 v16, $0x6  }
0x316: {  	[tilespmem:$0x1C10] =	vst v17;
	v16 =	vand.u32 $0x40, v16  }
0x317: {  	[tilespmem:$0x1D10] =	vst v16  }
0x318: {  	v16 =	vld [tilespmem:s28+$0x120];
	_ =	sdelay $0x4  }
0x319: {  	v17 =	vshrl.u32 v16, $0x1;
	v16 =	vshll.u32 v16, $0x6  }
0x31a: {  	[tilespmem:$0x1C20] =	vst v17;
	v16 =	vand.u32 $0x40, v16  }
0x31b: {  	[tilespmem:$0x1D20] =	vst v16  }
0x31c: {  	v16 =	vld [tilespmem:s28+$0x130];
	_ =	sdelay $0x4  }
0x31d: {  	v17 =	vshrl.u32 v16, $0x1;
	v16 =	vshll.u32 v16, $0x6  }
0x31e: {  	[tilespmem:$0x1C30] =	vst v17;
	v16 =	vand.u32 $0x40, v16  }
0x31f: {  	[tilespmem:$0x1D30] =	vst v16  }
0x320: {  	v16 =	vld [tilespmem:s28+$0x140];
	_ =	sdelay $0x4  }
0x321: {  	v17 =	vshrl.u32 v16, $0x1;
	v16 =	vshll.u32 v16, $0x6  }
0x322: {  	[tilespmem:$0x1C40] =	vst v17;
	v16 =	vand.u32 $0x40, v16  }
0x323: {  	[tilespmem:$0x1D40] =	vst v16  }
0x324: {  	v16 =	vld [tilespmem:s28+$0x150];
	_ =	sdelay $0x4  }
0x325: {  	v17 =	vshrl.u32 v16, $0x1;
	v16 =	vshll.u32 v16, $0x6  }
0x326: {  	[tilespmem:$0x1C50] =	vst v17;
	v16 =	vand.u32 $0x40, v16  }
0x327: {  	[tilespmem:$0x1D50] =	vst v16  }
0x328: {  	v16 =	vld [tilespmem:s28+$0x160];
	_ =	sdelay $0x4  }
0x329: {  	v17 =	vshrl.u32 v16, $0x1;
	v16 =	vshll.u32 v16, $0x6  }
0x32a: {  	[tilespmem:$0x1C60] =	vst v17;
	v16 =	vand.u32 $0x40, v16  }
0x32b: {  	[tilespmem:$0x1D60] =	vst v16  }
0x32c: {  	v16 =	vld [tilespmem:s28+$0x170];
	_ =	sdelay $0x4  }
0x32d: {  	v17 =	vshrl.u32 v16, $0x1;
	v16 =	vshll.u32 v16, $0x6  }
0x32e: {  	[tilespmem:$0x1C70] =	vst v17;
	v16 =	vand.u32 $0x40, v16  }
.Ltmp3:
0x32f: {  	[tilespmem:$0x1D70] =	vst v16;
	(pc) =	sbr.rel @p0 .LBB2_8-.Ltmp3, $4  }
0x330: {  	[tilespmem:s15], [sflag:$0x1] =	stream.indirect.gather [hbm4b:s5+s13], $0x80, s14, s13, $0xb8;
	[tilespmem:$0xDE00] =	vst v63  }
0x331: {  	_ =	swait.ge [sflag:s20], $0x4000  }
0x332: {  	[sflag:s20] =	ssyncset.done $0x0  }
0x333: {  	[sflag:s20] =	ssyncadd.s32 $0xFFFFC000  }
.LBB2_7:
0x334: {  	_ =	swait.ge [sflag:s21], $0x2000  }
0x335: {  	[sflag:s21] =	ssyncset.done $0x0  }
0x336: {  	[sflag:s21] =	ssyncadd.s32 $0xFFFFE000  }
.LBB2_8:
0x337: {  	v23 =	vld [tilespmem:$0x1D80];
	_ =	sdelay $0x1  }
0x338: {  	s28 =	simm.s32 $0x0  }
0x339: {  	v16 =	vadd.s32 s28, v0  }
0x33a: {  	v24 =	vand.u32 $0x3F, v16  }
0x33b: {  	v16 =	vadd.s32 v23, v24  }
0x33c: {  	v22 =	vld [tilespmem:$0x1D90];
	v16 =	vadd.s32 v1, v16;
	_ =	sdelay $0x3  }
0x33d: {  	v21 =	vld [tilespmem:$0x1DA0];
	v25 =	vshll.u32 v24, $0x7  }
0x33e: {  	v27 =	vor.u32 v0, v25;
	v26 =	vld.idx.msk [tilespmem:v16+s17+$0x0], $0xffff;
	v16 =	vadd.s32 v22, v24  }
0x33f: {  	v19 =	vld [tilespmem:$0x1DB0];
	v28 =	vadd.s32 v2, v16  }
0x340: {  	v20 =	vld [tilespmem:$0x1DC0]  }
0x341: {  	v18 =	vld [tilespmem:$0x1DD0]  }
0x342: {  	v17 =	vld [tilespmem:$0x1DE0]  }
0x343: {  	v16 =	vld [tilespmem:$0x1DF0];
	[tilespmem:v27+s22+$0x0] =	vst.idx.msk $0xffff, v26  }
0x344: {  	v48 =	vadd.s32 v21, v24;
	v27 =	vor.u32 v3, v25;
	v26 =	vld.idx.msk [tilespmem:v28+s17+$0x0], $0xffff  }
0x345: {  	v28 =	vadd.s32 v4, v48;
	_ =	sdelay $0x3  }
0x346: {  	[tilespmem:v27+s22+$0x0] =	vst.idx.msk $0xffff, v26  }
0x347: {  	v49 =	vadd.s32 v19, v24;
	v27 =	vor.u32 v5, v25;
	v26 =	vld.idx.msk [tilespmem:v28+s17+$0x0], $0xffff  }
0x348: {  	v28 =	vadd.s32 v6, v49;
	_ =	sdelay $0x3  }
0x349: {  	[tilespmem:v27+s22+$0x0] =	vst.idx.msk $0xffff, v26  }
0x34a: {  	v50 =	vadd.s32 v20, v24;
	v27 =	vor.u32 v7, v25;
	v26 =	vld.idx.msk [tilespmem:v28+s17+$0x0], $0xffff  }
0x34b: {  	v28 =	vadd.s32 v8, v50;
	_ =	sdelay $0x3  }
0x34c: {  	[tilespmem:v27+s22+$0x0] =	vst.idx.msk $0xffff, v26  }
0x34d: {  	v51 =	vadd.s32 v18, v24;
	v27 =	vor.u32 v9, v25;
	v26 =	vld.idx.msk [tilespmem:v28+s17+$0x0], $0xffff  }
0x34e: {  	v28 =	vadd.s32 v10, v51;
	_ =	sdelay $0x3  }
0x34f: {  	[tilespmem:v27+s22+$0x0] =	vst.idx.msk $0xffff, v26  }
0x350: {  	v52 =	vadd.s32 v17, v24;
	v27 =	vor.u32 v11, v25;
	v26 =	vld.idx.msk [tilespmem:v28+s17+$0x0], $0xffff  }
0x351: {  	v28 =	vadd.s32 v12, v52;
	_ =	sdelay $0x3  }
0x352: {  	[tilespmem:v27+s22+$0x0] =	vst.idx.msk $0xffff, v26  }
0x353: {  	v24 =	vadd.s32 v16, v24;
	v27 =	vor.u32 v13, v25;
	v26 =	vld.idx.msk [tilespmem:v28+s17+$0x0], $0xffff  }
0x354: {  	v24 =	vadd.s32 v14, v24;
	_ =	sdelay $0x1  }
0x355: {  	s28 =	simm.s32 $0x1  }
0x356: {  	v53 =	vadd.s32 s28, v0  }
0x357: {  	[tilespmem:v27+s22+$0x0] =	vst.idx.msk $0xffff, v26;
	v26 =	vand.u32 $0x3F, v53  }
0x358: {  	v25 =	vor.u32 v15, v25;
	v24 =	vld.idx.msk [tilespmem:v24+s17+$0x0], $0xffff;
	v27 =	vadd.s32 v23, v26  }
0x359: {  	v27 =	vadd.s32 v1, v27;
	_ =	sdelay $0x3  }
0x35a: {  	[tilespmem:v25+s22+$0x0] =	vst.idx.msk $0xffff, v24;
	v24 =	vshll.u32 v26, $0x7  }
0x35b: {  	v28 =	vadd.s32 v22, v26;
	v25 =	vld.idx.msk [tilespmem:v27+s17+$0x0], $0xffff;
	v27 =	vor.u32 v0, v24  }
0x35c: {  	v28 =	vadd.s32 v2, v28;
	_ =	sdelay $0x3  }
0x35d: {  	[tilespmem:v27+s22+$0x0] =	vst.idx.msk $0xffff, v25  }
0x35e: {  	v54 =	vadd.s32 v21, v26;
	v27 =	vor.u32 v3, v24;
	v25 =	vld.idx.msk [tilespmem:v28+s17+$0x0], $0xffff  }
0x35f: {  	v28 =	vadd.s32 v4, v54;
	_ =	sdelay $0x3  }
0x360: {  	[tilespmem:v27+s22+$0x0] =	vst.idx.msk $0xffff, v25  }
0x361: {  	v55 =	vadd.s32 v19, v26;
	v27 =	vor.u32 v5, v24;
	v25 =	vld.idx.msk [tilespmem:v28+s17+$0x0], $0xffff  }
0x362: {  	v28 =	vadd.s32 v6, v55;
	_ =	sdelay $0x3  }
0x363: {  	[tilespmem:v27+s22+$0x0] =	vst.idx.msk $0xffff, v25  }
0x364: {  	v56 =	vadd.s32 v20, v26;
	v27 =	vor.u32 v7, v24;
	v25 =	vld.idx.msk [tilespmem:v28+s17+$0x0], $0xffff  }
0x365: {  	v28 =	vadd.s32 v8, v56;
	_ =	sdelay $0x3  }
0x366: {  	[tilespmem:v27+s22+$0x0] =	vst.idx.msk $0xffff, v25  }
0x367: {  	v57 =	vadd.s32 v18, v26;
	v27 =	vor.u32 v9, v24;
	v25 =	vld.idx.msk [tilespmem:v28+s17+$0x0], $0xffff  }
0x368: {  	v28 =	vadd.s32 v10, v57;
	_ =	sdelay $0x3  }
0x369: {  	[tilespmem:v27+s22+$0x0] =	vst.idx.msk $0xffff, v25  }
0x36a: {  	v58 =	vadd.s32 v17, v26;
	v27 =	vor.u32 v11, v24;
	v25 =	vld.idx.msk [tilespmem:v28+s17+$0x0], $0xffff  }
0x36b: {  	v28 =	vadd.s32 v12, v58;
	_ =	sdelay $0x3  }
0x36c: {  	[tilespmem:v27+s22+$0x0] =	vst.idx.msk $0xffff, v25  }
0x36d: {  	v26 =	vadd.s32 v16, v26;
	v27 =	vor.u32 v13, v24;
	v25 =	vld.idx.msk [tilespmem:v28+s17+$0x0], $0xffff  }
0x36e: {  	v26 =	vadd.s32 v14, v26;
	_ =	sdelay $0x1  }
0x36f: {  	s28 =	simm.s32 $0x2  }
0x370: {  	v59 =	vadd.s32 s28, v0  }
0x371: {  	[tilespmem:v27+s22+$0x0] =	vst.idx.msk $0xffff, v25;
	v25 =	vand.u32 $0x3F, v59  }
0x372: {  	v24 =	vor.u32 v15, v24;
	v26 =	vld.idx.msk [tilespmem:v26+s17+$0x0], $0xffff;
	v27 =	vadd.s32 v23, v25  }
0x373: {  	v27 =	vadd.s32 v1, v27;
	_ =	sdelay $0x3  }
0x374: {  	[tilespmem:v24+s22+$0x0] =	vst.idx.msk $0xffff, v26;
	v24 =	vshll.u32 v25, $0x7  }
0x375: {  	v28 =	vadd.s32 v22, v25;
	v26 =	vld.idx.msk [tilespmem:v27+s17+$0x0], $0xffff;
	v27 =	vor.u32 v0, v24  }
0x376: {  	v28 =	vadd.s32 v2, v28;
	_ =	sdelay $0x3  }
0x377: {  	[tilespmem:v27+s22+$0x0] =	vst.idx.msk $0xffff, v26  }
0x378: {  	v60 =	vadd.s32 v21, v25;
	v27 =	vor.u32 v3, v24;
	v26 =	vld.idx.msk [tilespmem:v28+s17+$0x0], $0xffff  }
0x379: {  	v28 =	vadd.s32 v4, v60;
	_ =	sdelay $0x3  }
0x37a: {  	[tilespmem:v27+s22+$0x0] =	vst.idx.msk $0xffff, v26  }
0x37b: {  	v61 =	vadd.s32 v19, v25;
	v27 =	vor.u32 v5, v24;
	v26 =	vld.idx.msk [tilespmem:v28+s17+$0x0], $0xffff  }
0x37c: {  	v28 =	vadd.s32 v6, v61;
	_ =	sdelay $0x3  }
0x37d: {  	[tilespmem:v27+s22+$0x0] =	vst.idx.msk $0xffff, v26  }
0x37e: {  	v62 =	vadd.s32 v20, v25;
	v27 =	vor.u32 v7, v24;
	v26 =	vld.idx.msk [tilespmem:v28+s17+$0x0], $0xffff  }
0x37f: {  	v28 =	vadd.s32 v8, v62;
	_ =	sdelay $0x3  }
0x380: {  	[tilespmem:v27+s22+$0x0] =	vst.idx.msk $0xffff, v26  }
0x381: {  	v63 =	vadd.s32 v18, v25;
	v27 =	vor.u32 v9, v24;
	v26 =	vld.idx.msk [tilespmem:v28+s17+$0x0], $0xffff  }
0x382: {  	v28 =	vadd.s32 v10, v63;
	_ =	sdelay $0x3  }
0x383: {  	[tilespmem:v27+s22+$0x0] =	vst.idx.msk $0xffff, v26  }
0x384: {  	v32 =	vadd.s32 v17, v25;
	v27 =	vor.u32 v11, v24;
	v26 =	vld.idx.msk [tilespmem:v28+s17+$0x0], $0xffff  }
0x385: {  	v28 =	vadd.s32 v12, v32;
	_ =	sdelay $0x3  }
0x386: {  	[tilespmem:v27+s22+$0x0] =	vst.idx.msk $0xffff, v26  }
0x387: {  	v25 =	vadd.s32 v16, v25;
	v27 =	vor.u32 v13, v24;
	v26 =	vld.idx.msk [tilespmem:v28+s17+$0x0], $0xffff  }
0x388: {  	v25 =	vadd.s32 v14, v25;
	_ =	sdelay $0x1  }
0x389: {  	s28 =	simm.s32 $0x3  }
0x38a: {  	v33 =	vadd.s32 s28, v0  }
0x38b: {  	[tilespmem:v27+s22+$0x0] =	vst.idx.msk $0xffff, v26;
	v26 =	vand.u32 $0x3F, v33  }
0x38c: {  	v24 =	vor.u32 v15, v24;
	v25 =	vld.idx.msk [tilespmem:v25+s17+$0x0], $0xffff;
	v27 =	vadd.s32 v23, v26  }
0x38d: {  	v27 =	vadd.s32 v1, v27;
	_ =	sdelay $0x3  }
0x38e: {  	[tilespmem:v24+s22+$0x0] =	vst.idx.msk $0xffff, v25;
	v24 =	vshll.u32 v26, $0x7  }
0x38f: {  	v28 =	vadd.s32 v22, v26;
	v25 =	vld.idx.msk [tilespmem:v27+s17+$0x0], $0xffff;
	v27 =	vor.u32 v0, v24  }
0x390: {  	v28 =	vadd.s32 v2, v28;
	_ =	sdelay $0x3  }
0x391: {  	[tilespmem:v27+s22+$0x0] =	vst.idx.msk $0xffff, v25  }
0x392: {  	v34 =	vadd.s32 v21, v26;
	v27 =	vor.u32 v3, v24;
	v25 =	vld.idx.msk [tilespmem:v28+s17+$0x0], $0xffff  }
0x393: {  	v28 =	vadd.s32 v4, v34;
	_ =	sdelay $0x3  }
0x394: {  	[tilespmem:v27+s22+$0x0] =	vst.idx.msk $0xffff, v25  }
0x395: {  	v35 =	vadd.s32 v19, v26;
	v27 =	vor.u32 v5, v24;
	v25 =	vld.idx.msk [tilespmem:v28+s17+$0x0], $0xffff  }
0x396: {  	v28 =	vadd.s32 v6, v35;
	_ =	sdelay $0x3  }
0x397: {  	[tilespmem:v27+s22+$0x0] =	vst.idx.msk $0xffff, v25  }
0x398: {  	v36 =	vadd.s32 v20, v26;
	v27 =	vor.u32 v7, v24;
	v25 =	vld.idx.msk [tilespmem:v28+s17+$0x0], $0xffff  }
0x399: {  	v28 =	vadd.s32 v8, v36;
	_ =	sdelay $0x3  }
0x39a: {  	[tilespmem:v27+s22+$0x0] =	vst.idx.msk $0xffff, v25  }
0x39b: {  	v37 =	vadd.s32 v18, v26;
	v27 =	vor.u32 v9, v24;
	v25 =	vld.idx.msk [tilespmem:v28+s17+$0x0], $0xffff  }
0x39c: {  	v28 =	vadd.s32 v10, v37;
	_ =	sdelay $0x3  }
0x39d: {  	[tilespmem:v27+s22+$0x0] =	vst.idx.msk $0xffff, v25  }
0x39e: {  	v38 =	vadd.s32 v17, v26;
	v27 =	vor.u32 v11, v24;
	v25 =	vld.idx.msk [tilespmem:v28+s17+$0x0], $0xffff  }
0x39f: {  	v28 =	vadd.s32 v12, v38;
	_ =	sdelay $0x3  }
0x3a0: {  	[tilespmem:v27+s22+$0x0] =	vst.idx.msk $0xffff, v25  }
0x3a1: {  	v26 =	vadd.s32 v16, v26;
	v27 =	vor.u32 v13, v24;
	v25 =	vld.idx.msk [tilespmem:v28+s17+$0x0], $0xffff  }
0x3a2: {  	v26 =	vadd.s32 v14, v26;
	_ =	sdelay $0x1  }
0x3a3: {  	s28 =	simm.s32 $0x4  }
0x3a4: {  	v39 =	vadd.s32 s28, v0  }
0x3a5: {  	[tilespmem:v27+s22+$0x0] =	vst.idx.msk $0xffff, v25;
	v25 =	vand.u32 $0x3F, v39  }
0x3a6: {  	v24 =	vor.u32 v15, v24;
	v26 =	vld.idx.msk [tilespmem:v26+s17+$0x0], $0xffff;
	v27 =	vadd.s32 v23, v25  }
0x3a7: {  	v27 =	vadd.s32 v1, v27;
	_ =	sdelay $0x3  }
0x3a8: {  	[tilespmem:v24+s22+$0x0] =	vst.idx.msk $0xffff, v26;
	v24 =	vshll.u32 v25, $0x7  }
0x3a9: {  	v28 =	vadd.s32 v22, v25;
	v26 =	vld.idx.msk [tilespmem:v27+s17+$0x0], $0xffff;
	v27 =	vor.u32 v0, v24  }
0x3aa: {  	v28 =	vadd.s32 v2, v28;
	_ =	sdelay $0x3  }
0x3ab: {  	[tilespmem:v27+s22+$0x0] =	vst.idx.msk $0xffff, v26  }
0x3ac: {  	v40 =	vadd.s32 v21, v25;
	v27 =	vor.u32 v3, v24;
	v26 =	vld.idx.msk [tilespmem:v28+s17+$0x0], $0xffff  }
0x3ad: {  	v28 =	vadd.s32 v4, v40;
	_ =	sdelay $0x3  }
0x3ae: {  	[tilespmem:v27+s22+$0x0] =	vst.idx.msk $0xffff, v26  }
0x3af: {  	v41 =	vadd.s32 v19, v25;
	v27 =	vor.u32 v5, v24;
	v26 =	vld.idx.msk [tilespmem:v28+s17+$0x0], $0xffff  }
0x3b0: {  	v28 =	vadd.s32 v6, v41;
	_ =	sdelay $0x3  }
0x3b1: {  	[tilespmem:v27+s22+$0x0] =	vst.idx.msk $0xffff, v26  }
0x3b2: {  	v42 =	vadd.s32 v20, v25;
	v27 =	vor.u32 v7, v24;
	v26 =	vld.idx.msk [tilespmem:v28+s17+$0x0], $0xffff  }
0x3b3: {  	v28 =	vadd.s32 v8, v42;
	_ =	sdelay $0x3  }
0x3b4: {  	[tilespmem:v27+s22+$0x0] =	vst.idx.msk $0xffff, v26  }
0x3b5: {  	v43 =	vadd.s32 v18, v25;
	v27 =	vor.u32 v9, v24;
	v26 =	vld.idx.msk [tilespmem:v28+s17+$0x0], $0xffff  }
0x3b6: {  	v28 =	vadd.s32 v10, v43;
	_ =	sdelay $0x3  }
0x3b7: {  	[tilespmem:v27+s22+$0x0] =	vst.idx.msk $0xffff, v26  }
0x3b8: {  	v44 =	vadd.s32 v17, v25;
	v27 =	vor.u32 v11, v24;
	v26 =	vld.idx.msk [tilespmem:v28+s17+$0x0], $0xffff  }
0x3b9: {  	v28 =	vadd.s32 v12, v44;
	_ =	sdelay $0x3  }
0x3ba: {  	[tilespmem:v27+s22+$0x0] =	vst.idx.msk $0xffff, v26  }
0x3bb: {  	v25 =	vadd.s32 v16, v25;
	v27 =	vor.u32 v13, v24;
	v26 =	vld.idx.msk [tilespmem:v28+s17+$0x0], $0xffff  }
0x3bc: {  	v25 =	vadd.s32 v14, v25;
	_ =	sdelay $0x1  }
0x3bd: {  	s28 =	simm.s32 $0x5  }
0x3be: {  	v45 =	vadd.s32 s28, v0  }
0x3bf: {  	[tilespmem:v27+s22+$0x0] =	vst.idx.msk $0xffff, v26;
	v26 =	vand.u32 $0x3F, v45  }
0x3c0: {  	v24 =	vor.u32 v15, v24;
	v25 =	vld.idx.msk [tilespmem:v25+s17+$0x0], $0xffff;
	v27 =	vadd.s32 v23, v26  }
0x3c1: {  	v27 =	vadd.s32 v1, v27;
	_ =	sdelay $0x3  }
0x3c2: {  	[tilespmem:v24+s22+$0x0] =	vst.idx.msk $0xffff, v25;
	v24 =	vshll.u32 v26, $0x7  }
0x3c3: {  	v28 =	vadd.s32 v22, v26;
	v25 =	vld.idx.msk [tilespmem:v27+s17+$0x0], $0xffff;
	v27 =	vor.u32 v0, v24  }
0x3c4: {  	v28 =	vadd.s32 v2, v28;
	_ =	sdelay $0x3  }
0x3c5: {  	[tilespmem:v27+s22+$0x0] =	vst.idx.msk $0xffff, v25  }
0x3c6: {  	v46 =	vadd.s32 v21, v26;
	v27 =	vor.u32 v3, v24;
	v25 =	vld.idx.msk [tilespmem:v28+s17+$0x0], $0xffff  }
0x3c7: {  	v28 =	vadd.s32 v4, v46;
	_ =	sdelay $0x3  }
0x3c8: {  	[tilespmem:v27+s22+$0x0] =	vst.idx.msk $0xffff, v25  }
0x3c9: {  	v47 =	vadd.s32 v19, v26;
	v27 =	vor.u32 v5, v24;
	v25 =	vld.idx.msk [tilespmem:v28+s17+$0x0], $0xffff  }
0x3ca: {  	v28 =	vadd.s32 v6, v47;
	_ =	sdelay $0x3  }
0x3cb: {  	[tilespmem:v27+s22+$0x0] =	vst.idx.msk $0xffff, v25  }
0x3cc: {  	v48 =	vadd.s32 v20, v26;
	v27 =	vor.u32 v7, v24;
	v25 =	vld.idx.msk [tilespmem:v28+s17+$0x0], $0xffff  }
0x3cd: {  	v28 =	vadd.s32 v8, v48;
	_ =	sdelay $0x3  }
0x3ce: {  	[tilespmem:v27+s22+$0x0] =	vst.idx.msk $0xffff, v25  }
0x3cf: {  	v49 =	vadd.s32 v18, v26;
	v27 =	vor.u32 v9, v24;
	v25 =	vld.idx.msk [tilespmem:v28+s17+$0x0], $0xffff  }
0x3d0: {  	v28 =	vadd.s32 v10, v49;
	_ =	sdelay $0x3  }
0x3d1: {  	[tilespmem:v27+s22+$0x0] =	vst.idx.msk $0xffff, v25  }
0x3d2: {  	v50 =	vadd.s32 v17, v26;
	v27 =	vor.u32 v11, v24;
	v25 =	vld.idx.msk [tilespmem:v28+s17+$0x0], $0xffff  }
0x3d3: {  	v28 =	vadd.s32 v12, v50;
	_ =	sdelay $0x3  }
0x3d4: {  	[tilespmem:v27+s22+$0x0] =	vst.idx.msk $0xffff, v25  }
0x3d5: {  	v26 =	vadd.s32 v16, v26;
	v27 =	vor.u32 v13, v24;
	v25 =	vld.idx.msk [tilespmem:v28+s17+$0x0], $0xffff  }
0x3d6: {  	v26 =	vadd.s32 v14, v26;
	_ =	sdelay $0x1  }
0x3d7: {  	s28 =	simm.s32 $0x6  }
0x3d8: {  	v51 =	vadd.s32 s28, v0  }
0x3d9: {  	[tilespmem:v27+s22+$0x0] =	vst.idx.msk $0xffff, v25;
	v25 =	vand.u32 $0x3F, v51  }
0x3da: {  	v24 =	vor.u32 v15, v24;
	v26 =	vld.idx.msk [tilespmem:v26+s17+$0x0], $0xffff;
	v27 =	vadd.s32 v23, v25  }
0x3db: {  	v27 =	vadd.s32 v1, v27;
	_ =	sdelay $0x3  }
0x3dc: {  	[tilespmem:v24+s22+$0x0] =	vst.idx.msk $0xffff, v26;
	v24 =	vshll.u32 v25, $0x7  }
0x3dd: {  	v28 =	vadd.s32 v22, v25;
	v26 =	vld.idx.msk [tilespmem:v27+s17+$0x0], $0xffff;
	v27 =	vor.u32 v0, v24  }
0x3de: {  	v28 =	vadd.s32 v2, v28;
	_ =	sdelay $0x3  }
0x3df: {  	[tilespmem:v27+s22+$0x0] =	vst.idx.msk $0xffff, v26  }
0x3e0: {  	v52 =	vadd.s32 v21, v25;
	v27 =	vor.u32 v3, v24;
	v26 =	vld.idx.msk [tilespmem:v28+s17+$0x0], $0xffff  }
0x3e1: {  	v28 =	vadd.s32 v4, v52;
	_ =	sdelay $0x3  }
0x3e2: {  	[tilespmem:v27+s22+$0x0] =	vst.idx.msk $0xffff, v26  }
0x3e3: {  	v53 =	vadd.s32 v19, v25;
	v27 =	vor.u32 v5, v24;
	v26 =	vld.idx.msk [tilespmem:v28+s17+$0x0], $0xffff  }
0x3e4: {  	v28 =	vadd.s32 v6, v53;
	_ =	sdelay $0x3  }
0x3e5: {  	[tilespmem:v27+s22+$0x0] =	vst.idx.msk $0xffff, v26  }
0x3e6: {  	v54 =	vadd.s32 v20, v25;
	v27 =	vor.u32 v7, v24;
	v26 =	vld.idx.msk [tilespmem:v28+s17+$0x0], $0xffff  }
0x3e7: {  	v28 =	vadd.s32 v8, v54;
	_ =	sdelay $0x3  }
0x3e8: {  	[tilespmem:v27+s22+$0x0] =	vst.idx.msk $0xffff, v26  }
0x3e9: {  	v55 =	vadd.s32 v18, v25;
	v27 =	vor.u32 v9, v24;
	v26 =	vld.idx.msk [tilespmem:v28+s17+$0x0], $0xffff  }
0x3ea: {  	v28 =	vadd.s32 v10, v55;
	_ =	sdelay $0x3  }
0x3eb: {  	[tilespmem:v27+s22+$0x0] =	vst.idx.msk $0xffff, v26  }
0x3ec: {  	v56 =	vadd.s32 v17, v25;
	v27 =	vor.u32 v11, v24;
	v26 =	vld.idx.msk [tilespmem:v28+s17+$0x0], $0xffff  }
0x3ed: {  	v28 =	vadd.s32 v12, v56;
	_ =	sdelay $0x3  }
0x3ee: {  	[tilespmem:v27+s22+$0x0] =	vst.idx.msk $0xffff, v26  }
0x3ef: {  	v25 =	vadd.s32 v16, v25;
	v27 =	vor.u32 v13, v24;
	v26 =	vld.idx.msk [tilespmem:v28+s17+$0x0], $0xffff  }
0x3f0: {  	v25 =	vadd.s32 v14, v25;
	_ =	sdelay $0x1  }
0x3f1: {  	s28 =	simm.s32 $0x7  }
0x3f2: {  	v57 =	vadd.s32 s28, v0  }
0x3f3: {  	[tilespmem:v27+s22+$0x0] =	vst.idx.msk $0xffff, v26;
	v26 =	vand.u32 $0x3F, v57  }
0x3f4: {  	v24 =	vor.u32 v15, v24;
	v25 =	vld.idx.msk [tilespmem:v25+s17+$0x0], $0xffff;
	v27 =	vadd.s32 v23, v26  }
0x3f5: {  	v27 =	vadd.s32 v1, v27;
	_ =	sdelay $0x3  }
0x3f6: {  	[tilespmem:v24+s22+$0x0] =	vst.idx.msk $0xffff, v25;
	v24 =	vshll.u32 v26, $0x7  }
0x3f7: {  	v28 =	vadd.s32 v22, v26;
	v25 =	vld.idx.msk [tilespmem:v27+s17+$0x0], $0xffff;
	v27 =	vor.u32 v0, v24  }
0x3f8: {  	v28 =	vadd.s32 v2, v28;
	_ =	sdelay $0x3  }
0x3f9: {  	[tilespmem:v27+s22+$0x0] =	vst.idx.msk $0xffff, v25  }
0x3fa: {  	v58 =	vadd.s32 v21, v26;
	v27 =	vor.u32 v3, v24;
	v25 =	vld.idx.msk [tilespmem:v28+s17+$0x0], $0xffff  }
0x3fb: {  	v28 =	vadd.s32 v4, v58;
	_ =	sdelay $0x3  }
0x3fc: {  	[tilespmem:v27+s22+$0x0] =	vst.idx.msk $0xffff, v25  }
0x3fd: {  	v59 =	vadd.s32 v19, v26;
	v27 =	vor.u32 v5, v24;
	v25 =	vld.idx.msk [tilespmem:v28+s17+$0x0], $0xffff  }
0x3fe: {  	v28 =	vadd.s32 v6, v59;
	_ =	sdelay $0x3  }
0x3ff: {  	[tilespmem:v27+s22+$0x0] =	vst.idx.msk $0xffff, v25  }
0x400: {  	v60 =	vadd.s32 v20, v26;
	v27 =	vor.u32 v7, v24;
	v25 =	vld.idx.msk [tilespmem:v28+s17+$0x0], $0xffff  }
0x401: {  	v28 =	vadd.s32 v8, v60;
	_ =	sdelay $0x3  }
0x402: {  	[tilespmem:v27+s22+$0x0] =	vst.idx.msk $0xffff, v25  }
0x403: {  	v61 =	vadd.s32 v18, v26;
	v27 =	vor.u32 v9, v24;
	v25 =	vld.idx.msk [tilespmem:v28+s17+$0x0], $0xffff  }
0x404: {  	v28 =	vadd.s32 v10, v61;
	_ =	sdelay $0x3  }
0x405: {  	[tilespmem:v27+s22+$0x0] =	vst.idx.msk $0xffff, v25  }
0x406: {  	v62 =	vadd.s32 v17, v26;
	v27 =	vor.u32 v11, v24;
	v25 =	vld.idx.msk [tilespmem:v28+s17+$0x0], $0xffff  }
0x407: {  	v28 =	vadd.s32 v12, v62;
	_ =	sdelay $0x3  }
0x408: {  	[tilespmem:v27+s22+$0x0] =	vst.idx.msk $0xffff, v25  }
0x409: {  	v63 =	vor.u32 v13, v24;
	v25 =	vadd.s32 v16, v26;
	v27 =	vld.idx.msk [tilespmem:v28+s17+$0x0], $0xffff  }
0x40a: {  	v25 =	vadd.s32 v14, v25;
	_ =	sdelay $0x2  }
0x40b: {  	s28 =	simm.s32 $0x8  }
0x40c: {  	s29 =	simm.s32 $0x10;
	v26 =	vadd.s32 s28, v0;
	[tilespmem:v63+s22+$0x0] =	vst.idx.msk $0xffff, v27  }
.LBB2_9:
0x40d: {  	p0 =	slt.u32 s29, $0x38;
	v26 =	vand.u32 $0x3F, v26;
	v25 =	vld.idx.msk [tilespmem:v25+s17+$0x0], $0xffff  }
0x40e: {  	v24 =	vor.u32 v15, v24;
	v27 =	vadd.s32 v23, v26  }
0x40f: {  	v27 =	vadd.s32 v1, v27;
	_ =	sdelay $0x3  }
0x410: {  	[tilespmem:v24+s22+$0x0] =	vst.idx.msk $0xffff, v25  }
0x411: {  	v25 =	vshll.u32 v26, $0x7;
	v24 =	vld.idx.msk [tilespmem:v27+s17+$0x0], $0xffff  }
0x412: {  	v28 =	vadd.s32 v22, v26;
	v27 =	vor.u32 v0, v25  }
0x413: {  	v28 =	vadd.s32 v2, v28;
	_ =	sdelay $0x3  }
0x414: {  	[tilespmem:v27+s22+$0x0] =	vst.idx.msk $0xffff, v24  }
0x415: {  	v24 =	vld.idx.msk [tilespmem:v28+s17+$0x0], $0xffff  }
0x416: {  	v27 =	vor.u32 v3, v25;
	v28 =	vadd.s32 v21, v26  }
0x417: {  	v28 =	vadd.s32 v4, v28;
	_ =	sdelay $0x3  }
0x418: {  	[tilespmem:v27+s22+$0x0] =	vst.idx.msk $0xffff, v24  }
0x419: {  	v24 =	vld.idx.msk [tilespmem:v28+s17+$0x0], $0xffff  }
0x41a: {  	v27 =	vor.u32 v5, v25;
	v28 =	vadd.s32 v19, v26  }
0x41b: {  	v28 =	vadd.s32 v6, v28;
	_ =	sdelay $0x3  }
0x41c: {  	[tilespmem:v27+s22+$0x0] =	vst.idx.msk $0xffff, v24  }
0x41d: {  	v24 =	vld.idx.msk [tilespmem:v28+s17+$0x0], $0xffff  }
0x41e: {  	v27 =	vor.u32 v7, v25;
	v28 =	vadd.s32 v20, v26  }
0x41f: {  	v28 =	vadd.s32 v8, v28;
	_ =	sdelay $0x3  }
0x420: {  	[tilespmem:v27+s22+$0x0] =	vst.idx.msk $0xffff, v24  }
0x421: {  	v24 =	vld.idx.msk [tilespmem:v28+s17+$0x0], $0xffff  }
0x422: {  	v27 =	vor.u32 v9, v25;
	v28 =	vadd.s32 v18, v26  }
0x423: {  	v28 =	vadd.s32 v10, v28;
	_ =	sdelay $0x3  }
0x424: {  	[tilespmem:v27+s22+$0x0] =	vst.idx.msk $0xffff, v24  }
0x425: {  	v24 =	vld.idx.msk [tilespmem:v28+s17+$0x0], $0xffff  }
0x426: {  	v27 =	vor.u32 v11, v25;
	v28 =	vadd.s32 v17, v26  }
0x427: {  	v28 =	vadd.s32 v12, v28;
	_ =	sdelay $0x3  }
0x428: {  	[tilespmem:v27+s22+$0x0] =	vst.idx.msk $0xffff, v24  }
0x429: {  	v24 =	vld.idx.msk [tilespmem:v28+s17+$0x0], $0xffff  }
0x42a: {  	v26 =	vadd.s32 v16, v26;
	v27 =	vor.u32 v13, v25  }
0x42b: {  	v26 =	vadd.s32 v14, v26;
	_ =	sdelay $0x2  }
0x42c: {  	s30 =	sadd.s32 $0x1, s28  }
0x42d: {  	[tilespmem:v27+s22+$0x0] =	vst.idx.msk $0xffff, v24;
	v24 =	vadd.s32 s30, v0  }
0x42e: {  	v26 =	vld.idx.msk [tilespmem:v26+s17+$0x0], $0xffff;
	v24 =	vand.u32 $0x3F, v24  }
0x42f: {  	v25 =	vor.u32 v15, v25;
	v27 =	vadd.s32 v23, v24  }
0x430: {  	v27 =	vadd.s32 v1, v27;
	_ =	sdelay $0x3  }
0x431: {  	[tilespmem:v25+s22+$0x0] =	vst.idx.msk $0xffff, v26  }
0x432: {  	v26 =	vshll.u32 v24, $0x7;
	v25 =	vld.idx.msk [tilespmem:v27+s17+$0x0], $0xffff  }
0x433: {  	v28 =	vadd.s32 v22, v24;
	v27 =	vor.u32 v0, v26  }
0x434: {  	v28 =	vadd.s32 v2, v28;
	_ =	sdelay $0x3  }
0x435: {  	[tilespmem:v27+s22+$0x0] =	vst.idx.msk $0xffff, v25  }
0x436: {  	v25 =	vld.idx.msk [tilespmem:v28+s17+$0x0], $0xffff  }
0x437: {  	v27 =	vor.u32 v3, v26;
	v28 =	vadd.s32 v21, v24  }
0x438: {  	v28 =	vadd.s32 v4, v28;
	_ =	sdelay $0x3  }
0x439: {  	[tilespmem:v27+s22+$0x0] =	vst.idx.msk $0xffff, v25  }
0x43a: {  	v25 =	vld.idx.msk [tilespmem:v28+s17+$0x0], $0xffff  }
0x43b: {  	v27 =	vor.u32 v5, v26;
	v28 =	vadd.s32 v19, v24  }
0x43c: {  	v28 =	vadd.s32 v6, v28;
	_ =	sdelay $0x3  }
0x43d: {  	[tilespmem:v27+s22+$0x0] =	vst.idx.msk $0xffff, v25  }
0x43e: {  	v25 =	vld.idx.msk [tilespmem:v28+s17+$0x0], $0xffff  }
0x43f: {  	v27 =	vor.u32 v7, v26;
	v28 =	vadd.s32 v20, v24  }
0x440: {  	v28 =	vadd.s32 v8, v28;
	_ =	sdelay $0x3  }
0x441: {  	[tilespmem:v27+s22+$0x0] =	vst.idx.msk $0xffff, v25  }
0x442: {  	v25 =	vld.idx.msk [tilespmem:v28+s17+$0x0], $0xffff  }
0x443: {  	v27 =	vor.u32 v9, v26;
	v28 =	vadd.s32 v18, v24  }
0x444: {  	v28 =	vadd.s32 v10, v28;
	_ =	sdelay $0x3  }
0x445: {  	[tilespmem:v27+s22+$0x0] =	vst.idx.msk $0xffff, v25  }
0x446: {  	v25 =	vld.idx.msk [tilespmem:v28+s17+$0x0], $0xffff  }
0x447: {  	v27 =	vor.u32 v11, v26;
	v28 =	vadd.s32 v17, v24  }
0x448: {  	v28 =	vadd.s32 v12, v28;
	_ =	sdelay $0x3  }
0x449: {  	[tilespmem:v27+s22+$0x0] =	vst.idx.msk $0xffff, v25  }
0x44a: {  	v25 =	vld.idx.msk [tilespmem:v28+s17+$0x0], $0xffff  }
0x44b: {  	v24 =	vadd.s32 v16, v24;
	v27 =	vor.u32 v13, v26  }
0x44c: {  	v24 =	vadd.s32 v14, v24;
	_ =	sdelay $0x2  }
0x44d: {  	s30 =	sadd.s32 $0x2, s28  }
0x44e: {  	[tilespmem:v27+s22+$0x0] =	vst.idx.msk $0xffff, v25;
	v25 =	vadd.s32 s30, v0  }
0x44f: {  	v24 =	vld.idx.msk [tilespmem:v24+s17+$0x0], $0xffff;
	v25 =	vand.u32 $0x3F, v25  }
0x450: {  	v26 =	vor.u32 v15, v26;
	v27 =	vadd.s32 v23, v25  }
0x451: {  	v27 =	vadd.s32 v1, v27;
	_ =	sdelay $0x3  }
0x452: {  	[tilespmem:v26+s22+$0x0] =	vst.idx.msk $0xffff, v24  }
0x453: {  	v26 =	vshll.u32 v25, $0x7;
	v24 =	vld.idx.msk [tilespmem:v27+s17+$0x0], $0xffff  }
0x454: {  	v28 =	vadd.s32 v22, v25;
	v27 =	vor.u32 v0, v26  }
0x455: {  	v28 =	vadd.s32 v2, v28;
	_ =	sdelay $0x3  }
0x456: {  	[tilespmem:v27+s22+$0x0] =	vst.idx.msk $0xffff, v24  }
0x457: {  	v24 =	vld.idx.msk [tilespmem:v28+s17+$0x0], $0xffff  }
0x458: {  	v27 =	vor.u32 v3, v26;
	v28 =	vadd.s32 v21, v25  }
0x459: {  	v28 =	vadd.s32 v4, v28;
	_ =	sdelay $0x3  }
0x45a: {  	[tilespmem:v27+s22+$0x0] =	vst.idx.msk $0xffff, v24  }
0x45b: {  	v24 =	vld.idx.msk [tilespmem:v28+s17+$0x0], $0xffff  }
0x45c: {  	v27 =	vor.u32 v5, v26;
	v28 =	vadd.s32 v19, v25  }
0x45d: {  	v28 =	vadd.s32 v6, v28;
	_ =	sdelay $0x3  }
0x45e: {  	[tilespmem:v27+s22+$0x0] =	vst.idx.msk $0xffff, v24  }
0x45f: {  	v24 =	vld.idx.msk [tilespmem:v28+s17+$0x0], $0xffff  }
0x460: {  	v27 =	vor.u32 v7, v26;
	v28 =	vadd.s32 v20, v25  }
0x461: {  	v28 =	vadd.s32 v8, v28;
	_ =	sdelay $0x3  }
0x462: {  	[tilespmem:v27+s22+$0x0] =	vst.idx.msk $0xffff, v24  }
0x463: {  	v24 =	vld.idx.msk [tilespmem:v28+s17+$0x0], $0xffff  }
0x464: {  	v27 =	vor.u32 v9, v26;
	v28 =	vadd.s32 v18, v25  }
0x465: {  	v28 =	vadd.s32 v10, v28;
	_ =	sdelay $0x3  }
0x466: {  	[tilespmem:v27+s22+$0x0] =	vst.idx.msk $0xffff, v24  }
0x467: {  	v24 =	vld.idx.msk [tilespmem:v28+s17+$0x0], $0xffff  }
0x468: {  	v27 =	vor.u32 v11, v26;
	v28 =	vadd.s32 v17, v25  }
0x469: {  	v28 =	vadd.s32 v12, v28;
	_ =	sdelay $0x3  }
0x46a: {  	[tilespmem:v27+s22+$0x0] =	vst.idx.msk $0xffff, v24  }
0x46b: {  	v24 =	vld.idx.msk [tilespmem:v28+s17+$0x0], $0xffff  }
0x46c: {  	v25 =	vadd.s32 v16, v25;
	v27 =	vor.u32 v13, v26  }
0x46d: {  	v25 =	vadd.s32 v14, v25;
	_ =	sdelay $0x2  }
0x46e: {  	s30 =	sadd.s32 $0x3, s28  }
0x46f: {  	[tilespmem:v27+s22+$0x0] =	vst.idx.msk $0xffff, v24;
	v24 =	vadd.s32 s30, v0  }
0x470: {  	v25 =	vld.idx.msk [tilespmem:v25+s17+$0x0], $0xffff;
	v24 =	vand.u32 $0x3F, v24  }
0x471: {  	v26 =	vor.u32 v15, v26;
	v27 =	vadd.s32 v23, v24  }
0x472: {  	v27 =	vadd.s32 v1, v27;
	_ =	sdelay $0x3  }
0x473: {  	[tilespmem:v26+s22+$0x0] =	vst.idx.msk $0xffff, v25  }
0x474: {  	v26 =	vshll.u32 v24, $0x7;
	v25 =	vld.idx.msk [tilespmem:v27+s17+$0x0], $0xffff  }
0x475: {  	v28 =	vadd.s32 v22, v24;
	v27 =	vor.u32 v0, v26  }
0x476: {  	v28 =	vadd.s32 v2, v28;
	_ =	sdelay $0x3  }
0x477: {  	[tilespmem:v27+s22+$0x0] =	vst.idx.msk $0xffff, v25  }
0x478: {  	v25 =	vld.idx.msk [tilespmem:v28+s17+$0x0], $0xffff  }
0x479: {  	v27 =	vor.u32 v3, v26;
	v28 =	vadd.s32 v21, v24  }
0x47a: {  	v28 =	vadd.s32 v4, v28;
	_ =	sdelay $0x3  }
0x47b: {  	[tilespmem:v27+s22+$0x0] =	vst.idx.msk $0xffff, v25  }
0x47c: {  	v25 =	vld.idx.msk [tilespmem:v28+s17+$0x0], $0xffff  }
0x47d: {  	v27 =	vor.u32 v5, v26;
	v28 =	vadd.s32 v19, v24  }
0x47e: {  	v28 =	vadd.s32 v6, v28;
	_ =	sdelay $0x3  }
0x47f: {  	[tilespmem:v27+s22+$0x0] =	vst.idx.msk $0xffff, v25  }
0x480: {  	v25 =	vld.idx.msk [tilespmem:v28+s17+$0x0], $0xffff  }
0x481: {  	v27 =	vor.u32 v7, v26;
	v28 =	vadd.s32 v20, v24  }
0x482: {  	v28 =	vadd.s32 v8, v28;
	_ =	sdelay $0x3  }
0x483: {  	[tilespmem:v27+s22+$0x0] =	vst.idx.msk $0xffff, v25  }
0x484: {  	v25 =	vld.idx.msk [tilespmem:v28+s17+$0x0], $0xffff  }
0x485: {  	v27 =	vor.u32 v9, v26;
	v28 =	vadd.s32 v18, v24  }
0x486: {  	v28 =	vadd.s32 v10, v28;
	_ =	sdelay $0x3  }
0x487: {  	[tilespmem:v27+s22+$0x0] =	vst.idx.msk $0xffff, v25  }
0x488: {  	v25 =	vld.idx.msk [tilespmem:v28+s17+$0x0], $0xffff  }
0x489: {  	v27 =	vor.u32 v11, v26;
	v28 =	vadd.s32 v17, v24  }
0x48a: {  	v28 =	vadd.s32 v12, v28;
	_ =	sdelay $0x3  }
0x48b: {  	[tilespmem:v27+s22+$0x0] =	vst.idx.msk $0xffff, v25  }
0x48c: {  	v25 =	vld.idx.msk [tilespmem:v28+s17+$0x0], $0xffff  }
0x48d: {  	v24 =	vadd.s32 v16, v24;
	v27 =	vor.u32 v13, v26  }
0x48e: {  	v24 =	vadd.s32 v14, v24;
	_ =	sdelay $0x2  }
0x48f: {  	s30 =	sadd.s32 $0x4, s28  }
0x490: {  	[tilespmem:v27+s22+$0x0] =	vst.idx.msk $0xffff, v25;
	v25 =	vadd.s32 s30, v0  }
0x491: {  	v24 =	vld.idx.msk [tilespmem:v24+s17+$0x0], $0xffff;
	v25 =	vand.u32 $0x3F, v25  }
0x492: {  	v26 =	vor.u32 v15, v26;
	v27 =	vadd.s32 v23, v25  }
0x493: {  	v27 =	vadd.s32 v1, v27;
	_ =	sdelay $0x3  }
0x494: {  	[tilespmem:v26+s22+$0x0] =	vst.idx.msk $0xffff, v24  }
0x495: {  	v26 =	vshll.u32 v25, $0x7;
	v24 =	vld.idx.msk [tilespmem:v27+s17+$0x0], $0xffff  }
0x496: {  	v28 =	vadd.s32 v22, v25;
	v27 =	vor.u32 v0, v26  }
0x497: {  	v28 =	vadd.s32 v2, v28;
	_ =	sdelay $0x3  }
0x498: {  	[tilespmem:v27+s22+$0x0] =	vst.idx.msk $0xffff, v24  }
0x499: {  	v24 =	vld.idx.msk [tilespmem:v28+s17+$0x0], $0xffff  }
0x49a: {  	v27 =	vor.u32 v3, v26;
	v28 =	vadd.s32 v21, v25  }
0x49b: {  	v28 =	vadd.s32 v4, v28;
	_ =	sdelay $0x3  }
0x49c: {  	[tilespmem:v27+s22+$0x0] =	vst.idx.msk $0xffff, v24  }
0x49d: {  	v24 =	vld.idx.msk [tilespmem:v28+s17+$0x0], $0xffff  }
0x49e: {  	v27 =	vor.u32 v5, v26;
	v28 =	vadd.s32 v19, v25  }
0x49f: {  	v28 =	vadd.s32 v6, v28;
	_ =	sdelay $0x3  }
0x4a0: {  	[tilespmem:v27+s22+$0x0] =	vst.idx.msk $0xffff, v24  }
0x4a1: {  	v24 =	vld.idx.msk [tilespmem:v28+s17+$0x0], $0xffff  }
0x4a2: {  	v27 =	vor.u32 v7, v26;
	v28 =	vadd.s32 v20, v25  }
0x4a3: {  	v28 =	vadd.s32 v8, v28;
	_ =	sdelay $0x3  }
0x4a4: {  	[tilespmem:v27+s22+$0x0] =	vst.idx.msk $0xffff, v24  }
0x4a5: {  	v24 =	vld.idx.msk [tilespmem:v28+s17+$0x0], $0xffff  }
0x4a6: {  	v27 =	vor.u32 v9, v26;
	v28 =	vadd.s32 v18, v25  }
0x4a7: {  	v28 =	vadd.s32 v10, v28;
	_ =	sdelay $0x3  }
0x4a8: {  	[tilespmem:v27+s22+$0x0] =	vst.idx.msk $0xffff, v24  }
0x4a9: {  	v24 =	vld.idx.msk [tilespmem:v28+s17+$0x0], $0xffff  }
0x4aa: {  	v27 =	vor.u32 v11, v26;
	v28 =	vadd.s32 v17, v25  }
0x4ab: {  	v28 =	vadd.s32 v12, v28;
	_ =	sdelay $0x3  }
0x4ac: {  	[tilespmem:v27+s22+$0x0] =	vst.idx.msk $0xffff, v24  }
0x4ad: {  	v24 =	vld.idx.msk [tilespmem:v28+s17+$0x0], $0xffff  }
0x4ae: {  	v25 =	vadd.s32 v16, v25;
	v27 =	vor.u32 v13, v26  }
0x4af: {  	v25 =	vadd.s32 v14, v25;
	_ =	sdelay $0x2  }
0x4b0: {  	s30 =	sadd.s32 $0x5, s28  }
0x4b1: {  	[tilespmem:v27+s22+$0x0] =	vst.idx.msk $0xffff, v24;
	v24 =	vadd.s32 s30, v0  }
0x4b2: {  	v25 =	vld.idx.msk [tilespmem:v25+s17+$0x0], $0xffff;
	v24 =	vand.u32 $0x3F, v24  }
0x4b3: {  	v26 =	vor.u32 v15, v26;
	v27 =	vadd.s32 v23, v24  }
0x4b4: {  	v27 =	vadd.s32 v1, v27;
	_ =	sdelay $0x3  }
0x4b5: {  	[tilespmem:v26+s22+$0x0] =	vst.idx.msk $0xffff, v25  }
0x4b6: {  	v26 =	vshll.u32 v24, $0x7;
	v25 =	vld.idx.msk [tilespmem:v27+s17+$0x0], $0xffff  }
0x4b7: {  	v28 =	vadd.s32 v22, v24;
	v27 =	vor.u32 v0, v26  }
0x4b8: {  	v28 =	vadd.s32 v2, v28;
	_ =	sdelay $0x3  }
0x4b9: {  	[tilespmem:v27+s22+$0x0] =	vst.idx.msk $0xffff, v25  }
0x4ba: {  	v25 =	vld.idx.msk [tilespmem:v28+s17+$0x0], $0xffff  }
0x4bb: {  	v27 =	vor.u32 v3, v26;
	v28 =	vadd.s32 v21, v24  }
0x4bc: {  	v28 =	vadd.s32 v4, v28;
	_ =	sdelay $0x3  }
0x4bd: {  	[tilespmem:v27+s22+$0x0] =	vst.idx.msk $0xffff, v25  }
0x4be: {  	v25 =	vld.idx.msk [tilespmem:v28+s17+$0x0], $0xffff  }
0x4bf: {  	v27 =	vor.u32 v5, v26;
	v28 =	vadd.s32 v19, v24  }
0x4c0: {  	v28 =	vadd.s32 v6, v28;
	_ =	sdelay $0x3  }
0x4c1: {  	[tilespmem:v27+s22+$0x0] =	vst.idx.msk $0xffff, v25  }
0x4c2: {  	v25 =	vld.idx.msk [tilespmem:v28+s17+$0x0], $0xffff  }
0x4c3: {  	v27 =	vor.u32 v7, v26;
	v28 =	vadd.s32 v20, v24  }
0x4c4: {  	v28 =	vadd.s32 v8, v28;
	_ =	sdelay $0x3  }
0x4c5: {  	[tilespmem:v27+s22+$0x0] =	vst.idx.msk $0xffff, v25  }
0x4c6: {  	v25 =	vld.idx.msk [tilespmem:v28+s17+$0x0], $0xffff  }
0x4c7: {  	v27 =	vor.u32 v9, v26;
	v28 =	vadd.s32 v18, v24  }
0x4c8: {  	v28 =	vadd.s32 v10, v28;
	_ =	sdelay $0x3  }
0x4c9: {  	[tilespmem:v27+s22+$0x0] =	vst.idx.msk $0xffff, v25  }
0x4ca: {  	v25 =	vld.idx.msk [tilespmem:v28+s17+$0x0], $0xffff  }
0x4cb: {  	v27 =	vor.u32 v11, v26;
	v28 =	vadd.s32 v17, v24  }
0x4cc: {  	v28 =	vadd.s32 v12, v28;
	_ =	sdelay $0x3  }
0x4cd: {  	[tilespmem:v27+s22+$0x0] =	vst.idx.msk $0xffff, v25  }
0x4ce: {  	v25 =	vld.idx.msk [tilespmem:v28+s17+$0x0], $0xffff  }
0x4cf: {  	v24 =	vadd.s32 v16, v24;
	v27 =	vor.u32 v13, v26  }
0x4d0: {  	v24 =	vadd.s32 v14, v24;
	_ =	sdelay $0x2  }
0x4d1: {  	s30 =	sadd.s32 $0x6, s28  }
0x4d2: {  	[tilespmem:v27+s22+$0x0] =	vst.idx.msk $0xffff, v25;
	v25 =	vadd.s32 s30, v0  }
0x4d3: {  	v24 =	vld.idx.msk [tilespmem:v24+s17+$0x0], $0xffff;
	v25 =	vand.u32 $0x3F, v25  }
0x4d4: {  	v26 =	vor.u32 v15, v26;
	v27 =	vadd.s32 v23, v25  }
0x4d5: {  	v27 =	vadd.s32 v1, v27;
	_ =	sdelay $0x3  }
0x4d6: {  	[tilespmem:v26+s22+$0x0] =	vst.idx.msk $0xffff, v24  }
0x4d7: {  	v26 =	vshll.u32 v25, $0x7;
	v24 =	vld.idx.msk [tilespmem:v27+s17+$0x0], $0xffff  }
0x4d8: {  	v28 =	vadd.s32 v22, v25;
	v27 =	vor.u32 v0, v26  }
0x4d9: {  	v28 =	vadd.s32 v2, v28;
	_ =	sdelay $0x3  }
0x4da: {  	[tilespmem:v27+s22+$0x0] =	vst.idx.msk $0xffff, v24  }
0x4db: {  	v24 =	vld.idx.msk [tilespmem:v28+s17+$0x0], $0xffff  }
0x4dc: {  	v27 =	vor.u32 v3, v26;
	v28 =	vadd.s32 v21, v25  }
0x4dd: {  	v28 =	vadd.s32 v4, v28;
	_ =	sdelay $0x3  }
0x4de: {  	[tilespmem:v27+s22+$0x0] =	vst.idx.msk $0xffff, v24  }
0x4df: {  	v24 =	vld.idx.msk [tilespmem:v28+s17+$0x0], $0xffff  }
0x4e0: {  	v27 =	vor.u32 v5, v26;
	v28 =	vadd.s32 v19, v25  }
0x4e1: {  	v28 =	vadd.s32 v6, v28;
	_ =	sdelay $0x3  }
0x4e2: {  	[tilespmem:v27+s22+$0x0] =	vst.idx.msk $0xffff, v24  }
0x4e3: {  	v24 =	vld.idx.msk [tilespmem:v28+s17+$0x0], $0xffff  }
0x4e4: {  	v27 =	vor.u32 v7, v26;
	v28 =	vadd.s32 v20, v25  }
0x4e5: {  	v28 =	vadd.s32 v8, v28;
	_ =	sdelay $0x3  }
0x4e6: {  	[tilespmem:v27+s22+$0x0] =	vst.idx.msk $0xffff, v24  }
0x4e7: {  	v24 =	vld.idx.msk [tilespmem:v28+s17+$0x0], $0xffff  }
0x4e8: {  	v27 =	vor.u32 v9, v26;
	v28 =	vadd.s32 v18, v25  }
0x4e9: {  	v28 =	vadd.s32 v10, v28;
	_ =	sdelay $0x3  }
0x4ea: {  	[tilespmem:v27+s22+$0x0] =	vst.idx.msk $0xffff, v24  }
0x4eb: {  	v24 =	vld.idx.msk [tilespmem:v28+s17+$0x0], $0xffff  }
0x4ec: {  	v27 =	vor.u32 v11, v26;
	v28 =	vadd.s32 v17, v25  }
0x4ed: {  	v28 =	vadd.s32 v12, v28;
	_ =	sdelay $0x3  }
0x4ee: {  	[tilespmem:v27+s22+$0x0] =	vst.idx.msk $0xffff, v24  }
0x4ef: {  	v24 =	vld.idx.msk [tilespmem:v28+s17+$0x0], $0xffff  }
0x4f0: {  	v25 =	vadd.s32 v16, v25;
	v27 =	vor.u32 v13, v26  }
0x4f1: {  	v25 =	vadd.s32 v14, v25;
	_ =	sdelay $0x2  }
0x4f2: {  	s30 =	sadd.s32 $0x7, s28;
	s28 =	smov.u32 s29  }
0x4f3: {  	[tilespmem:v27+s22+$0x0] =	vst.idx.msk $0xffff, v24;
	v24 =	vadd.s32 s30, v0  }
0x4f4: {  	v25 =	vld.idx.msk [tilespmem:v25+s17+$0x0], $0xffff;
	v27 =	vand.u32 $0x3F, v24  }
0x4f5: {  	v24 =	vor.u32 v15, v26;
	v26 =	vadd.s32 v23, v27  }
0x4f6: {  	v26 =	vadd.s32 v1, v26;
	_ =	sdelay $0x3  }
0x4f7: {  	[tilespmem:v24+s22+$0x0] =	vst.idx.msk $0xffff, v25  }
0x4f8: {  	v24 =	vshll.u32 v27, $0x7;
	v25 =	vld.idx.msk [tilespmem:v26+s17+$0x0], $0xffff  }
0x4f9: {  	v28 =	vadd.s32 v22, v27;
	v26 =	vor.u32 v0, v24  }
0x4fa: {  	v28 =	vadd.s32 v2, v28;
	_ =	sdelay $0x3  }
0x4fb: {  	[tilespmem:v26+s22+$0x0] =	vst.idx.msk $0xffff, v25  }
0x4fc: {  	v25 =	vld.idx.msk [tilespmem:v28+s17+$0x0], $0xffff  }
0x4fd: {  	v26 =	vor.u32 v3, v24;
	v28 =	vadd.s32 v21, v27  }
0x4fe: {  	v28 =	vadd.s32 v4, v28;
	_ =	sdelay $0x3  }
0x4ff: {  	[tilespmem:v26+s22+$0x0] =	vst.idx.msk $0xffff, v25  }
0x500: {  	v25 =	vld.idx.msk [tilespmem:v28+s17+$0x0], $0xffff  }
0x501: {  	v26 =	vor.u32 v5, v24;
	v28 =	vadd.s32 v19, v27  }
0x502: {  	v28 =	vadd.s32 v6, v28;
	_ =	sdelay $0x3  }
0x503: {  	[tilespmem:v26+s22+$0x0] =	vst.idx.msk $0xffff, v25  }
0x504: {  	v25 =	vld.idx.msk [tilespmem:v28+s17+$0x0], $0xffff  }
0x505: {  	v26 =	vor.u32 v7, v24;
	v28 =	vadd.s32 v20, v27  }
0x506: {  	v28 =	vadd.s32 v8, v28;
	_ =	sdelay $0x3  }
0x507: {  	[tilespmem:v26+s22+$0x0] =	vst.idx.msk $0xffff, v25  }
0x508: {  	v25 =	vld.idx.msk [tilespmem:v28+s17+$0x0], $0xffff  }
0x509: {  	v26 =	vor.u32 v9, v24;
	v28 =	vadd.s32 v18, v27  }
0x50a: {  	v28 =	vadd.s32 v10, v28;
	_ =	sdelay $0x3  }
0x50b: {  	[tilespmem:v26+s22+$0x0] =	vst.idx.msk $0xffff, v25  }
0x50c: {  	v25 =	vld.idx.msk [tilespmem:v28+s17+$0x0], $0xffff  }
0x50d: {  	v26 =	vor.u32 v11, v24;
	v28 =	vadd.s32 v17, v27  }
0x50e: {  	v28 =	vadd.s32 v12, v28;
	_ =	sdelay $0x3  }
0x50f: {  	[tilespmem:v26+s22+$0x0] =	vst.idx.msk $0xffff, v25  }
0x510: {  	v28 =	vld.idx.msk [tilespmem:v28+s17+$0x0], $0xffff  }
0x511: {  	v29 =	vor.u32 v13, v24;
	v25 =	vadd.s32 v16, v27  }
.Ltmp4:
0x512: {  	v25 =	vadd.s32 v14, v25;
	(pc) =	sbr.rel @p0 .LBB2_9-.Ltmp4, $2  }
0x513: {  	_ =	sdelay $0x2  }
0x514: {  	s29 =	sadd.s32 $0x8, s29;
	v26 =	vadd.s32 s28, v0;
	[tilespmem:v29+s22+$0x0] =	vst.idx.msk $0xffff, v28  }
0x515: {  	_ =	sdelay $0x2  }
0x516: {  	v26 =	vand.u32 $0x3F, v26  }
0x517: {  	v25 =	vld.idx.msk [tilespmem:v25+s17+$0x0], $0xffff;
	v24 =	vor.u32 v15, v24;
	v27 =	vadd.s32 v23, v26  }
0x518: {  	v27 =	vadd.s32 v1, v27;
	_ =	sdelay $0x3  }
0x519: {  	v35 =	vshll.u32 v26, $0x7;
	[tilespmem:v24+s22+$0x0] =	vst.idx.msk $0xffff, v25  }
0x51a: {  	v28 =	vadd.s32 v22, v26;
	v36 =	vor.u32 v0, v35;
	v25 =	vld.idx.msk [tilespmem:v27+s17+$0x0], $0xffff  }
0x51b: {  	v28 =	vadd.s32 v2, v28;
	_ =	sdelay $0x3  }
0x51c: {  	[tilespmem:v36+s22+$0x0] =	vst.idx.msk $0xffff, v25  }
0x51d: {  	v38 =	vadd.s32 v21, v26;
	v37 =	vor.u32 v3, v35;
	v25 =	vld.idx.msk [tilespmem:v28+s17+$0x0], $0xffff  }
0x51e: {  	v28 =	vadd.s32 v4, v38;
	_ =	sdelay $0x3  }
0x51f: {  	[tilespmem:v37+s22+$0x0] =	vst.idx.msk $0xffff, v25  }
0x520: {  	v40 =	vadd.s32 v19, v26;
	v39 =	vor.u32 v5, v35;
	v25 =	vld.idx.msk [tilespmem:v28+s17+$0x0], $0xffff  }
0x521: {  	v28 =	vadd.s32 v6, v40;
	_ =	sdelay $0x3  }
0x522: {  	[tilespmem:v39+s22+$0x0] =	vst.idx.msk $0xffff, v25  }
0x523: {  	v42 =	vadd.s32 v20, v26;
	v41 =	vor.u32 v7, v35;
	v25 =	vld.idx.msk [tilespmem:v28+s17+$0x0], $0xffff  }
0x524: {  	v28 =	vadd.s32 v8, v42;
	_ =	sdelay $0x3  }
0x525: {  	[tilespmem:v41+s22+$0x0] =	vst.idx.msk $0xffff, v25  }
0x526: {  	v44 =	vadd.s32 v18, v26;
	v43 =	vor.u32 v9, v35;
	v25 =	vld.idx.msk [tilespmem:v28+s17+$0x0], $0xffff  }
0x527: {  	v28 =	vadd.s32 v10, v44;
	_ =	sdelay $0x3  }
0x528: {  	[tilespmem:v43+s22+$0x0] =	vst.idx.msk $0xffff, v25  }
0x529: {  	v46 =	vadd.s32 v17, v26;
	v45 =	vor.u32 v11, v35;
	v25 =	vld.idx.msk [tilespmem:v28+s17+$0x0], $0xffff  }
0x52a: {  	v28 =	vadd.s32 v12, v46;
	_ =	sdelay $0x3  }
0x52b: {  	[tilespmem:v45+s22+$0x0] =	vst.idx.msk $0xffff, v25  }
0x52c: {  	v26 =	vadd.s32 v16, v26;
	v47 =	vor.u32 v13, v35;
	v25 =	vld.idx.msk [tilespmem:v28+s17+$0x0], $0xffff  }
0x52d: {  	v26 =	vadd.s32 v14, v26;
	_ =	sdelay $0x1  }
0x52e: {  	s29 =	sadd.s32 $0x1, s28  }
0x52f: {  	v48 =	vadd.s32 s29, v0  }
0x530: {  	v49 =	vand.u32 $0x3F, v48;
	[tilespmem:v47+s22+$0x0] =	vst.idx.msk $0xffff, v25  }
0x531: {  	v50 =	vadd.s32 v23, v49;
	v24 =	vor.u32 v15, v35;
	v26 =	vld.idx.msk [tilespmem:v26+s17+$0x0], $0xffff  }
0x532: {  	v27 =	vadd.s32 v1, v50;
	_ =	sdelay $0x3  }
0x533: {  	v51 =	vshll.u32 v49, $0x7;
	[tilespmem:v24+s22+$0x0] =	vst.idx.msk $0xffff, v26  }
0x534: {  	v52 =	vor.u32 v0, v51;
	v28 =	vadd.s32 v22, v49;
	v26 =	vld.idx.msk [tilespmem:v27+s17+$0x0], $0xffff  }
0x535: {  	v28 =	vadd.s32 v2, v28;
	_ =	sdelay $0x3  }
0x536: {  	[tilespmem:v52+s22+$0x0] =	vst.idx.msk $0xffff, v26  }
0x537: {  	v54 =	vadd.s32 v21, v49;
	v53 =	vor.u32 v3, v51;
	v26 =	vld.idx.msk [tilespmem:v28+s17+$0x0], $0xffff  }
0x538: {  	v28 =	vadd.s32 v4, v54;
	_ =	sdelay $0x3  }
0x539: {  	[tilespmem:v53+s22+$0x0] =	vst.idx.msk $0xffff, v26  }
0x53a: {  	v56 =	vadd.s32 v19, v49;
	v55 =	vor.u32 v5, v51;
	v26 =	vld.idx.msk [tilespmem:v28+s17+$0x0], $0xffff  }
0x53b: {  	v28 =	vadd.s32 v6, v56;
	_ =	sdelay $0x3  }
0x53c: {  	[tilespmem:v55+s22+$0x0] =	vst.idx.msk $0xffff, v26  }
0x53d: {  	v58 =	vadd.s32 v20, v49;
	v57 =	vor.u32 v7, v51;
	v26 =	vld.idx.msk [tilespmem:v28+s17+$0x0], $0xffff  }
0x53e: {  	v28 =	vadd.s32 v8, v58;
	_ =	sdelay $0x3  }
0x53f: {  	[tilespmem:v57+s22+$0x0] =	vst.idx.msk $0xffff, v26  }
0x540: {  	v60 =	vadd.s32 v18, v49;
	v59 =	vor.u32 v9, v51;
	v26 =	vld.idx.msk [tilespmem:v28+s17+$0x0], $0xffff  }
0x541: {  	v28 =	vadd.s32 v10, v60;
	_ =	sdelay $0x3  }
0x542: {  	[tilespmem:v59+s22+$0x0] =	vst.idx.msk $0xffff, v26  }
0x543: {  	v62 =	vadd.s32 v17, v49;
	v61 =	vor.u32 v11, v51;
	v26 =	vld.idx.msk [tilespmem:v28+s17+$0x0], $0xffff  }
0x544: {  	v28 =	vadd.s32 v12, v62;
	_ =	sdelay $0x3  }
0x545: {  	[tilespmem:v61+s22+$0x0] =	vst.idx.msk $0xffff, v26  }
0x546: {  	v63 =	vor.u32 v13, v51;
	v25 =	vadd.s32 v16, v49;
	v26 =	vld.idx.msk [tilespmem:v28+s17+$0x0], $0xffff  }
0x547: {  	v25 =	vadd.s32 v14, v25;
	_ =	sdelay $0x1  }
0x548: {  	s30 =	sadd.s32 $0x2, s28  }
0x549: {  	v32 =	vadd.s32 s30, v0  }
0x54a: {  	v33 =	vand.u32 $0x3F, v32;
	[tilespmem:v63+s22+$0x0] =	vst.idx.msk $0xffff, v26  }
0x54b: {  	v34 =	vadd.s32 v23, v33;
	v24 =	vor.u32 v15, v51;
	v25 =	vld.idx.msk [tilespmem:v25+s17+$0x0], $0xffff  }
0x54c: {  	v27 =	vadd.s32 v1, v34;
	_ =	sdelay $0x3  }
0x54d: {  	v35 =	vshll.u32 v33, $0x7;
	[tilespmem:v24+s22+$0x0] =	vst.idx.msk $0xffff, v25  }
0x54e: {  	v36 =	vor.u32 v0, v35;
	v28 =	vadd.s32 v22, v33;
	v25 =	vld.idx.msk [tilespmem:v27+s17+$0x0], $0xffff  }
0x54f: {  	v28 =	vadd.s32 v2, v28;
	_ =	sdelay $0x3  }
0x550: {  	[tilespmem:v36+s22+$0x0] =	vst.idx.msk $0xffff, v25  }
0x551: {  	v38 =	vadd.s32 v21, v33;
	v37 =	vor.u32 v3, v35;
	v25 =	vld.idx.msk [tilespmem:v28+s17+$0x0], $0xffff  }
0x552: {  	v28 =	vadd.s32 v4, v38;
	_ =	sdelay $0x3  }
0x553: {  	[tilespmem:v37+s22+$0x0] =	vst.idx.msk $0xffff, v25  }
0x554: {  	v40 =	vadd.s32 v19, v33;
	v39 =	vor.u32 v5, v35;
	v25 =	vld.idx.msk [tilespmem:v28+s17+$0x0], $0xffff  }
0x555: {  	v28 =	vadd.s32 v6, v40;
	_ =	sdelay $0x3  }
0x556: {  	[tilespmem:v39+s22+$0x0] =	vst.idx.msk $0xffff, v25  }
0x557: {  	v42 =	vadd.s32 v20, v33;
	v41 =	vor.u32 v7, v35;
	v25 =	vld.idx.msk [tilespmem:v28+s17+$0x0], $0xffff  }
0x558: {  	v28 =	vadd.s32 v8, v42;
	_ =	sdelay $0x3  }
0x559: {  	[tilespmem:v41+s22+$0x0] =	vst.idx.msk $0xffff, v25  }
0x55a: {  	v44 =	vadd.s32 v18, v33;
	v43 =	vor.u32 v9, v35;
	v25 =	vld.idx.msk [tilespmem:v28+s17+$0x0], $0xffff  }
0x55b: {  	v28 =	vadd.s32 v10, v44;
	_ =	sdelay $0x3  }
0x55c: {  	[tilespmem:v43+s22+$0x0] =	vst.idx.msk $0xffff, v25  }
0x55d: {  	v46 =	vadd.s32 v17, v33;
	v45 =	vor.u32 v11, v35;
	v25 =	vld.idx.msk [tilespmem:v28+s17+$0x0], $0xffff  }
0x55e: {  	v28 =	vadd.s32 v12, v46;
	_ =	sdelay $0x3  }
0x55f: {  	[tilespmem:v45+s22+$0x0] =	vst.idx.msk $0xffff, v25  }
0x560: {  	v47 =	vor.u32 v13, v35;
	v26 =	vadd.s32 v16, v33;
	v25 =	vld.idx.msk [tilespmem:v28+s17+$0x0], $0xffff  }
0x561: {  	v26 =	vadd.s32 v14, v26;
	_ =	sdelay $0x1  }
0x562: {  	s31 =	sadd.s32 $0x3, s28  }
0x563: {  	v48 =	vadd.s32 s31, v0  }
0x564: {  	v49 =	vand.u32 $0x3F, v48;
	[tilespmem:v47+s22+$0x0] =	vst.idx.msk $0xffff, v25  }
0x565: {  	v50 =	vadd.s32 v23, v49;
	v24 =	vor.u32 v15, v35;
	v26 =	vld.idx.msk [tilespmem:v26+s17+$0x0], $0xffff  }
0x566: {  	v27 =	vadd.s32 v1, v50;
	_ =	sdelay $0x3  }
0x567: {  	v51 =	vshll.u32 v49, $0x7;
	[tilespmem:v24+s22+$0x0] =	vst.idx.msk $0xffff, v26  }
0x568: {  	v52 =	vor.u32 v0, v51;
	v28 =	vadd.s32 v22, v49;
	v26 =	vld.idx.msk [tilespmem:v27+s17+$0x0], $0xffff  }
0x569: {  	v28 =	vadd.s32 v2, v28;
	_ =	sdelay $0x3  }
0x56a: {  	[tilespmem:v52+s22+$0x0] =	vst.idx.msk $0xffff, v26  }
0x56b: {  	v54 =	vadd.s32 v21, v49;
	v53 =	vor.u32 v3, v51;
	v26 =	vld.idx.msk [tilespmem:v28+s17+$0x0], $0xffff  }
0x56c: {  	v28 =	vadd.s32 v4, v54;
	_ =	sdelay $0x3  }
0x56d: {  	[tilespmem:v53+s22+$0x0] =	vst.idx.msk $0xffff, v26  }
0x56e: {  	v56 =	vadd.s32 v19, v49;
	v55 =	vor.u32 v5, v51;
	v26 =	vld.idx.msk [tilespmem:v28+s17+$0x0], $0xffff  }
0x56f: {  	v28 =	vadd.s32 v6, v56;
	_ =	sdelay $0x3  }
0x570: {  	[tilespmem:v55+s22+$0x0] =	vst.idx.msk $0xffff, v26  }
0x571: {  	v58 =	vadd.s32 v20, v49;
	v57 =	vor.u32 v7, v51;
	v26 =	vld.idx.msk [tilespmem:v28+s17+$0x0], $0xffff  }
0x572: {  	v28 =	vadd.s32 v8, v58;
	_ =	sdelay $0x3  }
0x573: {  	[tilespmem:v57+s22+$0x0] =	vst.idx.msk $0xffff, v26  }
0x574: {  	v60 =	vadd.s32 v18, v49;
	v59 =	vor.u32 v9, v51;
	v26 =	vld.idx.msk [tilespmem:v28+s17+$0x0], $0xffff  }
0x575: {  	v28 =	vadd.s32 v10, v60;
	_ =	sdelay $0x3  }
0x576: {  	[tilespmem:v59+s22+$0x0] =	vst.idx.msk $0xffff, v26  }
0x577: {  	v62 =	vadd.s32 v17, v49;
	v61 =	vor.u32 v11, v51;
	v26 =	vld.idx.msk [tilespmem:v28+s17+$0x0], $0xffff  }
0x578: {  	v28 =	vadd.s32 v12, v62;
	_ =	sdelay $0x3  }
0x579: {  	[tilespmem:v61+s22+$0x0] =	vst.idx.msk $0xffff, v26  }
0x57a: {  	v63 =	vor.u32 v13, v51;
	v25 =	vadd.s32 v16, v49;
	v26 =	vld.idx.msk [tilespmem:v28+s17+$0x0], $0xffff  }
0x57b: {  	v25 =	vadd.s32 v14, v25;
	_ =	sdelay $0x1  }
0x57c: {  	s30 =	sadd.s32 $0x4, s28  }
0x57d: {  	v32 =	vadd.s32 s30, v0  }
0x57e: {  	v33 =	vand.u32 $0x3F, v32;
	[tilespmem:v63+s22+$0x0] =	vst.idx.msk $0xffff, v26  }
0x57f: {  	v34 =	vadd.s32 v23, v33;
	v24 =	vor.u32 v15, v51;
	v25 =	vld.idx.msk [tilespmem:v25+s17+$0x0], $0xffff  }
0x580: {  	v27 =	vadd.s32 v1, v34;
	_ =	sdelay $0x3  }
0x581: {  	v35 =	vshll.u32 v33, $0x7;
	[tilespmem:v24+s22+$0x0] =	vst.idx.msk $0xffff, v25  }
0x582: {  	v36 =	vor.u32 v0, v35;
	v28 =	vadd.s32 v22, v33;
	v25 =	vld.idx.msk [tilespmem:v27+s17+$0x0], $0xffff  }
0x583: {  	v28 =	vadd.s32 v2, v28;
	_ =	sdelay $0x3  }
0x584: {  	[tilespmem:v36+s22+$0x0] =	vst.idx.msk $0xffff, v25  }
0x585: {  	v38 =	vadd.s32 v21, v33;
	v37 =	vor.u32 v3, v35;
	v25 =	vld.idx.msk [tilespmem:v28+s17+$0x0], $0xffff  }
0x586: {  	v28 =	vadd.s32 v4, v38;
	_ =	sdelay $0x3  }
0x587: {  	[tilespmem:v37+s22+$0x0] =	vst.idx.msk $0xffff, v25  }
0x588: {  	v40 =	vadd.s32 v19, v33;
	v39 =	vor.u32 v5, v35;
	v25 =	vld.idx.msk [tilespmem:v28+s17+$0x0], $0xffff  }
0x589: {  	v28 =	vadd.s32 v6, v40;
	_ =	sdelay $0x3  }
0x58a: {  	[tilespmem:v39+s22+$0x0] =	vst.idx.msk $0xffff, v25  }
0x58b: {  	v42 =	vadd.s32 v20, v33;
	v41 =	vor.u32 v7, v35;
	v25 =	vld.idx.msk [tilespmem:v28+s17+$0x0], $0xffff  }
0x58c: {  	v28 =	vadd.s32 v8, v42;
	_ =	sdelay $0x3  }
0x58d: {  	[tilespmem:v41+s22+$0x0] =	vst.idx.msk $0xffff, v25  }
0x58e: {  	v44 =	vadd.s32 v18, v33;
	v43 =	vor.u32 v9, v35;
	v25 =	vld.idx.msk [tilespmem:v28+s17+$0x0], $0xffff  }
0x58f: {  	v28 =	vadd.s32 v10, v44;
	_ =	sdelay $0x3  }
0x590: {  	[tilespmem:v43+s22+$0x0] =	vst.idx.msk $0xffff, v25  }
0x591: {  	v46 =	vadd.s32 v17, v33;
	v45 =	vor.u32 v11, v35;
	v25 =	vld.idx.msk [tilespmem:v28+s17+$0x0], $0xffff  }
0x592: {  	v28 =	vadd.s32 v12, v46;
	_ =	sdelay $0x3  }
0x593: {  	[tilespmem:v45+s22+$0x0] =	vst.idx.msk $0xffff, v25  }
0x594: {  	v47 =	vor.u32 v13, v35;
	v26 =	vadd.s32 v16, v33;
	v25 =	vld.idx.msk [tilespmem:v28+s17+$0x0], $0xffff  }
0x595: {  	v26 =	vadd.s32 v14, v26;
	_ =	sdelay $0x1  }
0x596: {  	s31 =	sadd.s32 $0x5, s28  }
0x597: {  	v48 =	vadd.s32 s31, v0  }
0x598: {  	v49 =	vand.u32 $0x3F, v48;
	[tilespmem:v47+s22+$0x0] =	vst.idx.msk $0xffff, v25  }
0x599: {  	v50 =	vadd.s32 v23, v49;
	v24 =	vor.u32 v15, v35;
	v26 =	vld.idx.msk [tilespmem:v26+s17+$0x0], $0xffff  }
0x59a: {  	v27 =	vadd.s32 v1, v50;
	_ =	sdelay $0x3  }
0x59b: {  	v51 =	vshll.u32 v49, $0x7;
	[tilespmem:v24+s22+$0x0] =	vst.idx.msk $0xffff, v26  }
0x59c: {  	v52 =	vor.u32 v0, v51;
	v28 =	vadd.s32 v22, v49;
	v26 =	vld.idx.msk [tilespmem:v27+s17+$0x0], $0xffff  }
0x59d: {  	v28 =	vadd.s32 v2, v28;
	_ =	sdelay $0x3  }
0x59e: {  	[tilespmem:v52+s22+$0x0] =	vst.idx.msk $0xffff, v26  }
0x59f: {  	v54 =	vadd.s32 v21, v49;
	v53 =	vor.u32 v3, v51;
	v26 =	vld.idx.msk [tilespmem:v28+s17+$0x0], $0xffff  }
0x5a0: {  	v28 =	vadd.s32 v4, v54;
	_ =	sdelay $0x3  }
0x5a1: {  	[tilespmem:v53+s22+$0x0] =	vst.idx.msk $0xffff, v26  }
0x5a2: {  	v56 =	vadd.s32 v19, v49;
	v55 =	vor.u32 v5, v51;
	v26 =	vld.idx.msk [tilespmem:v28+s17+$0x0], $0xffff  }
0x5a3: {  	v28 =	vadd.s32 v6, v56;
	_ =	sdelay $0x3  }
0x5a4: {  	[tilespmem:v55+s22+$0x0] =	vst.idx.msk $0xffff, v26  }
0x5a5: {  	v58 =	vadd.s32 v20, v49;
	v57 =	vor.u32 v7, v51;
	v26 =	vld.idx.msk [tilespmem:v28+s17+$0x0], $0xffff  }
0x5a6: {  	v28 =	vadd.s32 v8, v58;
	_ =	sdelay $0x3  }
0x5a7: {  	[tilespmem:v57+s22+$0x0] =	vst.idx.msk $0xffff, v26  }
0x5a8: {  	v60 =	vadd.s32 v18, v49;
	v59 =	vor.u32 v9, v51;
	v26 =	vld.idx.msk [tilespmem:v28+s17+$0x0], $0xffff  }
0x5a9: {  	v28 =	vadd.s32 v10, v60;
	_ =	sdelay $0x3  }
0x5aa: {  	[tilespmem:v59+s22+$0x0] =	vst.idx.msk $0xffff, v26  }
0x5ab: {  	v62 =	vadd.s32 v17, v49;
	v61 =	vor.u32 v11, v51;
	v26 =	vld.idx.msk [tilespmem:v28+s17+$0x0], $0xffff  }
0x5ac: {  	v28 =	vadd.s32 v12, v62;
	_ =	sdelay $0x3  }
0x5ad: {  	[tilespmem:v61+s22+$0x0] =	vst.idx.msk $0xffff, v26  }
0x5ae: {  	v63 =	vor.u32 v13, v51;
	v25 =	vadd.s32 v16, v49;
	v26 =	vld.idx.msk [tilespmem:v28+s17+$0x0], $0xffff  }
0x5af: {  	v25 =	vadd.s32 v14, v25;
	_ =	sdelay $0x1  }
0x5b0: {  	s30 =	sadd.s32 $0x6, s28  }
0x5b1: {  	v32 =	vadd.s32 s30, v0  }
0x5b2: {  	v33 =	vand.u32 $0x3F, v32;
	[tilespmem:v63+s22+$0x0] =	vst.idx.msk $0xffff, v26  }
0x5b3: {  	v34 =	vadd.s32 v23, v33;
	v24 =	vor.u32 v15, v51;
	v25 =	vld.idx.msk [tilespmem:v25+s17+$0x0], $0xffff  }
0x5b4: {  	v27 =	vadd.s32 v1, v34;
	_ =	sdelay $0x3  }
0x5b5: {  	v35 =	vshll.u32 v33, $0x7;
	[tilespmem:v24+s22+$0x0] =	vst.idx.msk $0xffff, v25  }
0x5b6: {  	v36 =	vor.u32 v0, v35;
	v28 =	vadd.s32 v22, v33;
	v25 =	vld.idx.msk [tilespmem:v27+s17+$0x0], $0xffff  }
0x5b7: {  	v28 =	vadd.s32 v2, v28;
	_ =	sdelay $0x3  }
0x5b8: {  	[tilespmem:v36+s22+$0x0] =	vst.idx.msk $0xffff, v25  }
0x5b9: {  	v38 =	vadd.s32 v21, v33;
	v37 =	vor.u32 v3, v35;
	v25 =	vld.idx.msk [tilespmem:v28+s17+$0x0], $0xffff  }
0x5ba: {  	v28 =	vadd.s32 v4, v38;
	_ =	sdelay $0x3  }
0x5bb: {  	[tilespmem:v37+s22+$0x0] =	vst.idx.msk $0xffff, v25  }
0x5bc: {  	v40 =	vadd.s32 v19, v33;
	v39 =	vor.u32 v5, v35;
	v25 =	vld.idx.msk [tilespmem:v28+s17+$0x0], $0xffff  }
0x5bd: {  	v28 =	vadd.s32 v6, v40;
	_ =	sdelay $0x3  }
0x5be: {  	[tilespmem:v39+s22+$0x0] =	vst.idx.msk $0xffff, v25  }
0x5bf: {  	v42 =	vadd.s32 v20, v33;
	v41 =	vor.u32 v7, v35;
	v25 =	vld.idx.msk [tilespmem:v28+s17+$0x0], $0xffff  }
0x5c0: {  	v28 =	vadd.s32 v8, v42;
	_ =	sdelay $0x3  }
0x5c1: {  	[tilespmem:v41+s22+$0x0] =	vst.idx.msk $0xffff, v25  }
0x5c2: {  	v44 =	vadd.s32 v18, v33;
	v43 =	vor.u32 v9, v35;
	v25 =	vld.idx.msk [tilespmem:v28+s17+$0x0], $0xffff  }
0x5c3: {  	v28 =	vadd.s32 v10, v44;
	_ =	sdelay $0x3  }
0x5c4: {  	[tilespmem:v43+s22+$0x0] =	vst.idx.msk $0xffff, v25  }
0x5c5: {  	v46 =	vadd.s32 v17, v33;
	v45 =	vor.u32 v11, v35;
	v25 =	vld.idx.msk [tilespmem:v28+s17+$0x0], $0xffff  }
0x5c6: {  	v28 =	vadd.s32 v12, v46;
	_ =	sdelay $0x3  }
0x5c7: {  	[tilespmem:v45+s22+$0x0] =	vst.idx.msk $0xffff, v25  }
0x5c8: {  	v47 =	vor.u32 v13, v35;
	v26 =	vadd.s32 v16, v33;
	v25 =	vld.idx.msk [tilespmem:v28+s17+$0x0], $0xffff  }
0x5c9: {  	v26 =	vadd.s32 v14, v26;
	_ =	sdelay $0x1  }
0x5ca: {  	s31 =	sadd.s32 $0x7, s28  }
0x5cb: {  	v48 =	vadd.s32 s31, v0  }
0x5cc: {  	v49 =	vand.u32 $0x3F, v48;
	[tilespmem:v47+s22+$0x0] =	vst.idx.msk $0xffff, v25  }
0x5cd: {  	v50 =	vadd.s32 v23, v49;
	v24 =	vor.u32 v15, v35;
	v26 =	vld.idx.msk [tilespmem:v26+s17+$0x0], $0xffff  }
0x5ce: {  	v23 =	vadd.s32 v1, v50;
	_ =	sdelay $0x3  }
0x5cf: {  	v51 =	vshll.u32 v49, $0x7;
	[tilespmem:v24+s22+$0x0] =	vst.idx.msk $0xffff, v26  }
0x5d0: {  	v52 =	vor.u32 v0, v51;
	v53 =	vadd.s32 v22, v49;
	v23 =	vld.idx.msk [tilespmem:v23+s17+$0x0], $0xffff  }
0x5d1: {  	v22 =	vadd.s32 v2, v53;
	_ =	sdelay $0x3  }
0x5d2: {  	[tilespmem:v52+s22+$0x0] =	vst.idx.msk $0xffff, v23  }
0x5d3: {  	v54 =	vor.u32 v3, v51;
	v55 =	vadd.s32 v21, v49;
	v22 =	vld.idx.msk [tilespmem:v22+s17+$0x0], $0xffff  }
0x5d4: {  	v21 =	vadd.s32 v4, v55;
	_ =	sdelay $0x3  }
0x5d5: {  	[tilespmem:v54+s22+$0x0] =	vst.idx.msk $0xffff, v22  }
0x5d6: {  	v56 =	vor.u32 v5, v51;
	v57 =	vadd.s32 v19, v49;
	v21 =	vld.idx.msk [tilespmem:v21+s17+$0x0], $0xffff  }
0x5d7: {  	v19 =	vadd.s32 v6, v57;
	_ =	sdelay $0x3  }
0x5d8: {  	[tilespmem:v56+s22+$0x0] =	vst.idx.msk $0xffff, v21  }
0x5d9: {  	v58 =	vor.u32 v7, v51;
	v59 =	vadd.s32 v20, v49;
	v19 =	vld.idx.msk [tilespmem:v19+s17+$0x0], $0xffff  }
0x5da: {  	v20 =	vadd.s32 v8, v59;
	_ =	sdelay $0x3  }
0x5db: {  	[tilespmem:v58+s22+$0x0] =	vst.idx.msk $0xffff, v19  }
0x5dc: {  	v60 =	vor.u32 v9, v51;
	v61 =	vadd.s32 v18, v49;
	v19 =	vld.idx.msk [tilespmem:v20+s17+$0x0], $0xffff  }
0x5dd: {  	v18 =	vadd.s32 v10, v61;
	_ =	sdelay $0x3  }
0x5de: {  	[tilespmem:v60+s22+$0x0] =	vst.idx.msk $0xffff, v19  }
0x5df: {  	v17 =	vadd.s32 v17, v49;
	v62 =	vor.u32 v11, v51;
	v18 =	vld.idx.msk [tilespmem:v18+s17+$0x0], $0xffff  }
0x5e0: {  	v17 =	vadd.s32 v12, v17;
	_ =	sdelay $0x3  }
0x5e1: {  	[tilespmem:v62+s22+$0x0] =	vst.idx.msk $0xffff, v18  }
0x5e2: {  	v63 =	vor.u32 v13, v51;
	v16 =	vadd.s32 v16, v49;
	v17 =	vld.idx.msk [tilespmem:v17+s17+$0x0], $0xffff  }
0x5e3: {  	v16 =	vadd.s32 v14, v16;
	_ =	sdelay $0x3  }
0x5e4: {  	[tilespmem:v63+s22+$0x0] =	vst.idx.msk $0xffff, v17  }
0x5e5: {  	s25 =	sadd.s32 $0x1, s25;
	v17 =	vor.u32 v15, v51;
	v16 =	vld.idx.msk [tilespmem:v16+s17+$0x0], $0xffff  }
0x5e6: {  	p0 =	sne.s32 s25, $0x19  }
.Ltmp5:
0x5e7: {  	s26 =	sshll.u32 s26, $0x12;
	(pc) =	sbr.rel @p0 .LBB2_2-.Ltmp5, $4  }
0x5e8: {  	s26 =	sor.u32 s4, s26  }
0x5e9: {  	s26 =	sshrl.u32 s26, $0x3  }
0x5ea: {  	s26 =	sadd.s32 s2, s26;
	[tilespmem:v17+s22+$0x0] =	vst.idx.msk $0xffff, v16  }
0x5eb: {  	[hbm4b:s26+s9] =	stream.strided.scatter [tilespmem:s22], [sflag:$0x4], $0x2000, s10, s9, $0x38;
	[tilespmem:$0xDE00] =	vst v63  }
0x5ec: {  	s24 =	sadd.s32 $0x1, s24  }
0x5ed: {  	_ =	swait.ge [sflag:s23], $0x2000;
	p0 =	sne.s32 s24, s8  }
.Ltmp6:
0x5ee: {  	[sflag:s23] =	ssyncset.done $0x0;
	(pc) =	sbr.rel @p0 .LBB2_1-.Ltmp6, $4  }
0x5ef: {  	[sflag:s23] =	ssyncadd.s32 $0xFFFFE000  }
0x5f0: {  	_ =	swait.ge [sflag:s21], $0x2000  }
0x5f1: {  	[sflag:s21] =	ssyncset.done $0x0  }
0x5f2: {  	[sflag:s21] =	ssyncadd.s32 $0xFFFFE000  }
0x5f3: {  	_ =	sfence.sel $0x180000  }
0x5f4: {  	[bflag:$0x0] =	sbarrier.arrive $0xFFFF  }
0x5f5: {  	p0 =	sne.s32 s1, $0x0;
	_ =	strace $0x90000047  }
0x5f6: {  	s0 =	sadd.s32 @!p0 $0x100000, s0;
	[bflag:$0x2] =	sbarrier.arrive $0xFFFF  }
0x5f7: {  	[sflag:s0] =	ssyncadd.tile.s32 @!p0 $0x1;
	_ =	shalt  }
.Lfunc_end2:
_tile_overlayer_lowered:
.L_overlay_start_2:
0x5f8: {  	(tag) =	ssettag $0x2  }
0x5f9: {  	s0 =	rddreg [dreg:$0x0];
	s2 =	stileid.u32  }
0x5fa: {  	s1 =	rddreg [dreg:$0x1];
	p0 =	sne.s32 s2, $0x0  }
0x5fb: {  	s3 =	rddreg [dreg:$0x2];
	[bflag:$0x3] =	sbarrier.arrive $0xFFFF;
	s2 =	simm.s32 @!p0 $0x1C05  }
0x5fc: {  	[timem:s3], [sflag:s2] =	dma.local @!p0 [hbm:s0], s1  }
0x5fd: {  	s0 =	simm.s32 @!p0 $0x5  }
0x5fe: {  	_ =	swait.ge @!p0 [sflag:s0], s1  }
0x5ff: {  	s1 =	ssub.s32 @!p0 $0x0, s1;
	[sflag:s0] =	ssyncset.done @!p0 $0x0  }
0x600: {  	[sflag:s0] =	ssyncadd.s32 @!p0 s1  }
0x601: {  	[bflag:$0x3] =	sbarrier.arrive $0xFFFF  }
0x602: {  	_ =	shalt  }

</sc_bundles>
